<compile_context>
chip_gen: v7x
topology: tpu7x:2x2x1
jax: 0.10.2.dev20260603
libtpu: 0.0.44.dev20260713+nightly
codegen_flags: <defaults>
</compile_context>

<pallas_src>
import functools

import jax
import jax.numpy as jnp
from jax import lax
from jax.experimental import pallas as pl
from jax.experimental.pallas import tpu as pltpu
from jax.experimental.pallas import tpu_sc as plsc

D = 64
H = 4
LANES = 16
NC = 2
NS = 16
NW = NC * NS
CHUNK = 128
BPC = CHUNK // H
VBLK = 8192
NBLK = 31
S2 = NBLK * VBLK
VOCAB = 1000000
LAST_BLK = VOCAB // VBLK


def _pack_pair(a, b):
    ua = lax.bitcast_convert_type(a, jnp.int32)
    ub = lax.bitcast_convert_type(b, jnp.int32)
    hi = (ua + 0x8000) & jnp.int32(-65536)
    lo = lax.shift_right_logical(ub + 0x8000, 16)
    return lax.bitcast_convert_type(hi | lo, jnp.float32)


def _tc_pack_body(t0_ref, t1_ref, t2_ref, t3_ref, wt_ref, o_ref):
    dn = (((0,), (0,)), ((), ()))
    wt = wt_ref[...]
    ys = [lax.dot_general(wt, t_ref[...], dn,
                          preferred_element_type=jnp.float32)
          for t_ref in (t0_ref, t1_ref, t2_ref, t3_ref)]
    p01 = jnp.transpose(_pack_pair(ys[0], ys[1]))
    p23 = jnp.transpose(_pack_pair(ys[2], ys[3]))
    o_ref[...] = jnp.concatenate([p01, p23], axis=1)


def _tc_pack(table_t, wt):
    def spec(q):
        return pl.BlockSpec(
            (D, VBLK),
            lambda i, q=q: (0, jnp.minimum(i + q * NBLK, LAST_BLK)))

    return pl.pallas_call(
        _tc_pack_body,
        grid=(NBLK,),
        in_specs=[spec(0), spec(1), spec(2), spec(3),
                  pl.BlockSpec((D, D), lambda i: (0, 0))],
        out_specs=pl.BlockSpec((VBLK, 2 * D), lambda i: (i, 0)),
        out_shape=jax.ShapeDtypeStruct((S2, 2 * D), jnp.float32),
    )(table_t, table_t, table_t, table_t, wt)


def _sc_pool_body(ids_hbm, p_hbm, bias_hbm, out_hbm, idx_v, off_v,
                  bias_v, rows_a, rows_b, out_v, sem_a, sem_b):
    c = lax.axis_index("c")
    s = lax.axis_index("s")
    wid = s * NC + c
    nchunk = ids_hbm.shape[1]
    batch_per_w = nchunk * BPC

    pltpu.sync_copy(ids_hbm.at[wid], idx_v)
    pltpu.sync_copy(bias_hbm, bias_v)

    def prep(ci, _):
        def grp(g, __):
            sl = pl.ds(g * LANES, LANES)
            v = idx_v[ci, sl]
            zero = jnp.zeros((LANES,), jnp.int32)
            q = (jnp.where(v >= S2, 1, zero) + jnp.where(v >= 2 * S2, 1, zero)
                 + jnp.where(v >= 3 * S2, 1, zero))
            idx_v[ci, sl] = v - q * S2
            off_v[ci, sl] = (jnp.where(q >= 2, D, zero)
                             + jnp.where((q & 1) > 0, 65536, 1 + zero))
            return __
        lax.fori_loop(0, CHUNK // LANES, grp, 0, unroll=False)
        return _

    lax.fori_loop(0, nchunk, prep, 0, unroll=False)

    bias_regs = [bias_v[pl.ds(cc * LANES, LANES)] for cc in range(D // LANES)]

    def fire(ci, buf, sem):
        pltpu.async_copy(p_hbm.at[idx_v.at[ci]], buf, sem)

    def drain(buf, sem):
        pltpu.make_async_copy(p_hbm.at[pl.ds(0, CHUNK)], buf, sem).wait()

    def pool(ci, buf):
        def grp(g, _):
            off_vec = off_v[ci, pl.ds(g * LANES, LANES)]
            for bb in range(LANES // H):
                b = g * (LANES // H) + bb
                codes = [off_vec[H * bb + j] for j in range(H)]
                offs = [cd & D for cd in codes]
                muls = [cd & 65537 for cd in codes]
                for cc in range(D // LANES):
                    v = bias_regs[cc]
                    for j in range(H):
                        w = lax.bitcast_convert_type(
                            buf[g * LANES + H * bb + j,
                                pl.ds(offs[j] + cc * LANES, LANES)], jnp.int32)
                        v = v + lax.bitcast_convert_type(
                            (w * muls[j]) & jnp.int32(-65536), jnp.float32)
                    out_v[ci * BPC + b, pl.ds(cc * LANES, LANES)] = (
                        jnp.maximum(v, 0.0))
            return _

        lax.fori_loop(0, CHUNK // LANES, grp, 0, unroll=False)

    fire(0, rows_a, sem_a)

    def pair_body(i, _):
        ca = 2 * i
        fire(ca + 1, rows_b, sem_b)
        drain(rows_a, sem_a)
        pool(ca, rows_a)

        @pl.when(i < nchunk // 2 - 1)
        def _fire_next():
            fire(ca + 2, rows_a, sem_a)

        drain(rows_b, sem_b)
        pool(ca + 1, rows_b)
        return _

    lax.fori_loop(0, nchunk // 2, pair_body, 0, unroll=False)
    pltpu.sync_copy(out_v, out_hbm.at[pl.ds(wid * batch_per_w, batch_per_w)])


def _sc_pool(ids_r, p_packed, bias):
    nw, nchunk, chunk = ids_r.shape
    batch_per_w = nchunk * BPC
    batch = nw * batch_per_w
    mesh = plsc.VectorSubcoreMesh(core_axis_name="c", subcore_axis_name="s")
    kern = pl.kernel(
        _sc_pool_body,
        mesh=mesh,
        out_type=jax.ShapeDtypeStruct((batch, D), jnp.float32),
        scratch_types=[
            pltpu.VMEM((nchunk, chunk), jnp.int32),
            pltpu.VMEM((nchunk, chunk), jnp.int32),
            pltpu.VMEM((D,), jnp.float32),
            pltpu.VMEM((chunk, 2 * D), jnp.float32),
            pltpu.VMEM((chunk, 2 * D), jnp.float32),
            pltpu.VMEM((batch_per_w, D), jnp.float32),
            pltpu.SemaphoreType.DMA,
            pltpu.SemaphoreType.DMA,
        ],
    )
    return kern(ids_r, p_packed, bias)


def kernel(ids, emb_table, proj_w, proj_b):
    batch = ids.shape[0]
    ids_per_w = batch * H // NW
    ids_r = ids.reshape(NW, ids_per_w // CHUNK, CHUNK)
    wt = proj_w.T * (1.0 / H)
    p_packed = _tc_pack(emb_table.T, wt)
    return _sc_pool(ids_r, p_packed, proj_b)

# --- scband reference (transcript-rebuilt; emitter-appended) ---
"""Pipeline reference for scband-text-encoder-23227183137135 (READ-ONLY COPY).

The authoritative reference and input builder live on the scoring server;
editing this copy changes nothing except your own understanding.
"""

import jax, jax.numpy as jnp
import numpy as np

VOCAB = 1000000
EMBED_DIM = 64
BATCH = 16384
NUM_HASH = 4


def setup_inputs(seed: int = 0) -> dict:
    key = jax.random.key(seed)
    k_ids, k_emb, k_w, k_b = jax.random.split(key, 4)
    ids = jax.random.randint(k_ids, (BATCH, NUM_HASH), 0, VOCAB, dtype=jnp.int64 if jax.config.jax_enable_x64 else jnp.int32).astype(jnp.int32)
    # nn.Embedding default init: N(0, 1)
    emb_table = jax.random.normal(k_emb, (VOCAB, EMBED_DIM), dtype=jnp.float32)
    # nn.Linear default init: U(-1/sqrt(fan_in), 1/sqrt(fan_in))
    bound = 1.0 / np.sqrt(EMBED_DIM)
    proj_w = jax.random.uniform(k_w, (EMBED_DIM, EMBED_DIM), dtype=jnp.float32, minval=-bound, maxval=bound)
    proj_b = jax.random.uniform(k_b, (EMBED_DIM,), dtype=jnp.float32, minval=-bound, maxval=bound)
    return {"ids": ids, "emb_table": emb_table, "proj_w": proj_w, "proj_b": proj_b}


def reference(ids, emb_table, proj_w, proj_b):
    # embedding lookup: [B, 4, D]
    embs = jnp.take(emb_table, ids, axis=0)
    # mean over the 4 hash positions: [B, D]
    embs = embs.mean(axis=1)
    # linear (torch stores weight as [out, in]; y = x @ W.T + b) then relu
    out = jnp.maximum(embs @ proj_w.T + proj_b, 0.0)
    return out

if __name__ == "__main__":
    import jax
    _d = setup_inputs()
    print(jax.jit(kernel)(*tuple(_d.values())))

</pallas_src>

<mosaic_0001>
#map = affine_map<(d0, d1) -> (0, 0, 0)>
#map1 = affine_map<(d0, d1) -> (0, 0)>
#map2 = affine_map<(d0, d1) -> (0)>
module attributes {stable_mosaic.version = 14 : i64} {
  func.func @_sc_pool_body(%arg0: i32, %arg1: i32, %arg2: memref<32x16x128xi32, #tpu.memory_space<hbm>>, %arg3: memref<253952x128xf32, #tpu.memory_space<hbm>>, %arg4: memref<64xf32, #tpu.memory_space<hbm>>, %arg5: memref<16384x64xf32, #tpu.memory_space<hbm>>, %arg6: memref<16x128xi32, #tpu.memory_space<vmem>>, %arg7: memref<16x128xi32, #tpu.memory_space<vmem>>, %arg8: memref<64xf32, #tpu.memory_space<vmem>>, %arg9: memref<128x128xf32, #tpu.memory_space<vmem>>, %arg10: memref<128x128xf32, #tpu.memory_space<vmem>>, %arg11: memref<512x64xf32, #tpu.memory_space<vmem>>, %arg12: memref<!tpu.dma_semaphore, #tpu.memory_space<semaphore_mem>>, %arg13: memref<!tpu.dma_semaphore, #tpu.memory_space<semaphore_mem>>) attributes {dimension_semantics = [#tpu.dimension_semantics<core_parallel>, #tpu.dimension_semantics<subcore_parallel>], iteration_bounds = array<i64: 2, 16>, scalar_prefetch = 0 : i64, scratch_operands = 8 : i64, tpu.core_type = #tpu.core_type<sc_vector_subcore>, window_params = [{transform_indices = #map}, {transform_indices = #map1}, {transform_indices = #map2}, {transform_indices = #map1}]} {
    %mul3A = arith.constant 2 : i32
    %mul3A_0 = arith.muli %arg1, %mul3A : i32
    %add3A = arith.addi %mul3A_0, %arg0 : i32
    "tpu.region"() ({
      %run_scoped3A = tpu.sem_alloc : memref<!tpu.dma_semaphore, #tpu.memory_space<semaphore_mem>>
      %dma_start3A_31 = arith.constant 0 : i32
      %dma_start3A_32 = arith.constant 0 : i32
      %dma_start3A_33 = tpu.memref_slice %arg2[%add3A, %dma_start3A_31, %dma_start3A_32] : memref<32x16x128xi32, #tpu.memory_space<hbm>> -> memref<1x16x128xi32, #tpu.memory_space<hbm>>
      %dma_start3A_34 = tpu.memref_squeeze %dma_start3A_33 : memref<1x16x128xi32, #tpu.memory_space<hbm>> -> memref<16x128xi32, #tpu.memory_space<hbm>>
      %dma_start3A_35 = arith.constant 0 : i32
      %dma_start3A_36 = arith.constant 0 : i32
      %dma_start3A_37 = tpu.memref_slice %arg2[%add3A, %dma_start3A_35, %dma_start3A_36] : memref<32x16x128xi32, #tpu.memory_space<hbm>> -> memref<1x16x128xi32, #tpu.memory_space<hbm>>
      %dma_start3A_38 = tpu.memref_squeeze %dma_start3A_37 : memref<1x16x128xi32, #tpu.memory_space<hbm>> -> memref<16x128xi32, #tpu.memory_space<hbm>>
      tpu.enqueue_dma source(%dma_start3A_38 : memref<16x128xi32, #tpu.memory_space<hbm>>) target(%arg6 : memref<16x128xi32, #tpu.memory_space<vmem>>) target_semaphore(%run_scoped3A : memref<!tpu.dma_semaphore, #tpu.memory_space<semaphore_mem>>)
      %dma_wait3A = arith.constant 0 : i32
      %dma_wait3A_39 = arith.constant 0 : i32
      %dma_wait3A_40 = tpu.memref_slice %arg2[%add3A, %dma_wait3A, %dma_wait3A_39] : memref<32x16x128xi32, #tpu.memory_space<hbm>> -> memref<1x16x128xi32, #tpu.memory_space<hbm>>
      %dma_wait3A_41 = tpu.memref_squeeze %dma_wait3A_40 : memref<1x16x128xi32, #tpu.memory_space<hbm>> -> memref<16x128xi32, #tpu.memory_space<hbm>>
      %dma_wait3A_42 = arith.constant 0 : i32
      %dma_wait3A_43 = arith.constant 0 : i32
      %dma_wait3A_44 = tpu.memref_slice %arg2[%add3A, %dma_wait3A_42, %dma_wait3A_43] : memref<32x16x128xi32, #tpu.memory_space<hbm>> -> memref<1x16x128xi32, #tpu.memory_space<hbm>>
      %dma_wait3A_45 = tpu.memref_squeeze %dma_wait3A_44 : memref<1x16x128xi32, #tpu.memory_space<hbm>> -> memref<16x128xi32, #tpu.memory_space<hbm>>
      tpu.wait_dma2 semaphore(%run_scoped3A : memref<!tpu.dma_semaphore, #tpu.memory_space<semaphore_mem>>) src(%dma_wait3A_45 : memref<16x128xi32, #tpu.memory_space<hbm>>) dst(%arg6 : memref<16x128xi32, #tpu.memory_space<vmem>>)
      tpu.yield
    }) : () -> ()
    "tpu.region"() ({
      %run_scoped3A = tpu.sem_alloc : memref<!tpu.dma_semaphore, #tpu.memory_space<semaphore_mem>>
      tpu.enqueue_dma source(%arg4 : memref<64xf32, #tpu.memory_space<hbm>>) target(%arg8 : memref<64xf32, #tpu.memory_space<vmem>>) target_semaphore(%run_scoped3A : memref<!tpu.dma_semaphore, #tpu.memory_space<semaphore_mem>>)
      tpu.wait_dma2 semaphore(%run_scoped3A : memref<!tpu.dma_semaphore, #tpu.memory_space<semaphore_mem>>) src(%arg4 : memref<64xf32, #tpu.memory_space<hbm>>) dst(%arg8 : memref<64xf32, #tpu.memory_space<vmem>>)
      tpu.yield
    }) : () -> ()
    %scan3A = arith.constant 0 : i32
    %scan3A_1 = arith.constant 0 : i32
    %scan3A_2 = arith.constant 16 : i32
    %scan3A_3 = arith.addi %scan3A_1, %scan3A_2 : i32
    %scan3A_4 = arith.constant 1 : i32
    scf.for %scan3A_31 = %scan3A_1 to %scan3A_3 step %scan3A_4  : i32 {
      %scan3A_32 = arith.constant 0 : i32
      %scan3A_33 = arith.constant 0 : i32
      %scan3A_34 = arith.constant 8 : i32
      %scan3A_35 = arith.addi %scan3A_33, %scan3A_34 : i32
      %scan3A_36 = arith.constant 1 : i32
      scf.for %scan3A_38 = %scan3A_33 to %scan3A_35 step %scan3A_36  : i32 {
        %mul3A_39 = arith.constant 16 : i32
        %mul3A_40 = arith.muli %scan3A_38, %mul3A_39 : i32
        %get3A_41 = arith.index_cast %scan3A_31 : i32 to index
        %get3A_42 = arith.index_cast %mul3A_40 : i32 to index
        %get3A_43 = tpu.vector_load %arg6[%get3A_41, %get3A_42] {strides = array<i32>} : memref<16x128xi32, #tpu.memory_space<vmem>>, vector<1x16xi32>,
        %get3A_44 = vector.shape_cast %get3A_43 : vector<1x16xi32> to vector<16xi32>
        %broadcast_in_dim3A = arith.constant 0 : i32
        %broadcast_in_dim3A_45 = vector.broadcast %broadcast_in_dim3A : i32 to vector<16xi32>
        %ge3A = arith.constant 253952 : i32
        %ge3A_46 = vector.broadcast %ge3A : i32 to vector<16xi32>
        %ge3A_47 = arith.cmpi sge, %get3A_44, %ge3A_46 : vector<16xi32>
        %jit3A = arith.constant 1 : i32
        %broadcast_in_dim3A_48 = vector.broadcast %jit3A : i32 to vector<16xi32>
        %select_n3A = arith.select %ge3A_47, %broadcast_in_dim3A_48, %broadcast_in_dim3A_45 : vector<16xi1>, vector<16xi32>
        %ge3A_49 = arith.constant 507904 : i32
        %ge3A_50 = vector.broadcast %ge3A_49 : i32 to vector<16xi32>
        %ge3A_51 = arith.cmpi sge, %get3A_44, %ge3A_50 : vector<16xi32>
        %jit3A_52 = arith.constant 1 : i32
        %broadcast_in_dim3A_53 = vector.broadcast %jit3A_52 : i32 to vector<16xi32>
        %select_n3A_54 = arith.select %ge3A_51, %broadcast_in_dim3A_53, %broadcast_in_dim3A_45 : vector<16xi1>, vector<16xi32>
        %add3A_55 = arith.addi %select_n3A, %select_n3A_54 : vector<16xi32>
        %ge3A_56 = arith.constant 761856 : i32
        %ge3A_57 = vector.broadcast %ge3A_56 : i32 to vector<16xi32>
        %ge3A_58 = arith.cmpi sge, %get3A_44, %ge3A_57 : vector<16xi32>
        %jit3A_59 = arith.constant 1 : i32
        %broadcast_in_dim3A_60 = vector.broadcast %jit3A_59 : i32 to vector<16xi32>
        %select_n3A_61 = arith.select %ge3A_58, %broadcast_in_dim3A_60, %broadcast_in_dim3A_45 : vector<16xi1>, vector<16xi32>
        %add3A_62 = arith.addi %add3A_55, %select_n3A_61 : vector<16xi32>
        %mul3A_63 = arith.constant 253952 : i32
        %mul3A_64 = vector.broadcast %mul3A_63 : i32 to vector<16xi32>
        %mul3A_65 = arith.muli %add3A_62, %mul3A_64 : vector<16xi32>
        %sub3A = arith.subi %get3A_44, %mul3A_65 : vector<16xi32>
        %swap3A = arith.index_cast %scan3A_31 : i32 to index
        %swap3A_66 = arith.index_cast %mul3A_40 : i32 to index
        %swap3A_67 = tpu.vector_load %arg6[%swap3A, %swap3A_66] {strides = array<i32>} : memref<16x128xi32, #tpu.memory_space<vmem>>, vector<1x16xi32>,
        %swap3A_68 = vector.shape_cast %swap3A_67 : vector<1x16xi32> to vector<16xi32>
        %swap3A_69 = vector.shape_cast %sub3A : vector<16xi32> to vector<1x16xi32>
        tpu.vector_store %arg6[%swap3A, %swap3A_66], %swap3A_69 {strides = array<i32>} : memref<16x128xi32, #tpu.memory_space<vmem>>, vector<1x16xi32>,
        %ge3A_70 = arith.constant 2 : i32
        %ge3A_71 = vector.broadcast %ge3A_70 : i32 to vector<16xi32>
        %ge3A_72 = arith.cmpi sge, %add3A_62, %ge3A_71 : vector<16xi32>
        %jit3A_73 = arith.constant 64 : i32
        %broadcast_in_dim3A_74 = vector.broadcast %jit3A_73 : i32 to vector<16xi32>
        %select_n3A_75 = arith.select %ge3A_72, %broadcast_in_dim3A_74, %broadcast_in_dim3A_45 : vector<16xi1>, vector<16xi32>
        %and3A = arith.constant 1 : i32
        %and3A_76 = vector.broadcast %and3A : i32 to vector<16xi32>
        %and3A_77 = arith.andi %add3A_62, %and3A_76 : vector<16xi32>
        %gt3A = arith.constant 0 : i32
        %gt3A_78 = vector.broadcast %gt3A : i32 to vector<16xi32>
        %gt3A_79 = arith.cmpi sgt, %and3A_77, %gt3A_78 : vector<16xi32>
        %add3A_80 = arith.constant 1 : i32
        %add3A_81 = vector.broadcast %add3A_80 : i32 to vector<16xi32>
        %add3A_82 = arith.addi %add3A_81, %broadcast_in_dim3A_45 : vector<16xi32>
        %jit3A_83 = arith.constant 65536 : i32
        %broadcast_in_dim3A_84 = vector.broadcast %jit3A_83 : i32 to vector<16xi32>
        %select_n3A_85 = arith.select %gt3A_79, %broadcast_in_dim3A_84, %add3A_82 : vector<16xi1>, vector<16xi32>
        %add3A_86 = arith.addi %select_n3A_75, %select_n3A_85 : vector<16xi32>
        %swap3A_87 = arith.index_cast %scan3A_31 : i32 to index
        %swap3A_88 = arith.index_cast %mul3A_40 : i32 to index
        %swap3A_89 = tpu.vector_load %arg7[%swap3A_87, %swap3A_88] {strides = array<i32>} : memref<16x128xi32, #tpu.memory_space<vmem>>, vector<1x16xi32>,
        %swap3A_90 = vector.shape_cast %swap3A_89 : vector<1x16xi32> to vector<16xi32>
        %swap3A_91 = vector.shape_cast %add3A_86 : vector<16xi32> to vector<1x16xi32>
        tpu.vector_store %arg7[%swap3A_87, %swap3A_88], %swap3A_91 {strides = array<i32>} : memref<16x128xi32, #tpu.memory_space<vmem>>, vector<1x16xi32>,
      }
      %scan3A_37 = arith.constant 8 : i32
    }
    %scan3A_5 = arith.constant 16 : i32
    %get3A = arith.constant 0 : index
    %get3A_6 = tpu.vector_load %arg8[%get3A] {strides = array<i32>} : memref<64xf32, #tpu.memory_space<vmem>>, vector<16xf32>,
    %get3A_7 = vector.shape_cast %get3A_6 : vector<16xf32> to vector<16xf32>
    %get3A_8 = arith.constant 16 : index
    %get3A_9 = tpu.vector_load %arg8[%get3A_8] {strides = array<i32>} : memref<64xf32, #tpu.memory_space<vmem>>, vector<16xf32>,
    %get3A_10 = vector.shape_cast %get3A_9 : vector<16xf32> to vector<16xf32>
    %get3A_11 = arith.constant 32 : index
    %get3A_12 = tpu.vector_load %arg8[%get3A_11] {strides = array<i32>} : memref<64xf32, #tpu.memory_space<vmem>>, vector<16xf32>,
    %get3A_13 = vector.shape_cast %get3A_12 : vector<16xf32> to vector<16xf32>
    %get3A_14 = arith.constant 48 : index
    %get3A_15 = tpu.vector_load %arg8[%get3A_14] {strides = array<i32>} : memref<64xf32, #tpu.memory_space<vmem>>, vector<16xf32>,
    %get3A_16 = vector.shape_cast %get3A_15 : vector<16xf32> to vector<16xf32>
    %dma_start3A = arith.constant 0 : i32
    %dma_start3A_17 = arith.constant 0 : i32
    %dma_start3A_18 = tpu.memref_slice %arg6[%dma_start3A, %dma_start3A_17] : memref<16x128xi32, #tpu.memory_space<vmem>> -> memref<1x128xi32, #tpu.memory_space<vmem>>
    %dma_start3A_19 = tpu.memref_squeeze %dma_start3A_18 : memref<1x128xi32, #tpu.memory_space<vmem>> -> memref<128xi32, #tpu.memory_space<vmem>>
    %dma_start3A_20 = arith.constant 0 : i32
    %dma_start3A_21 = arith.constant 0 : i32
    %dma_start3A_22 = tpu.memref_slice %arg3[%dma_start3A_20, %dma_start3A_21] : memref<253952x128xf32, #tpu.memory_space<hbm>> -> memref<253952x128xf32, #tpu.memory_space<hbm>>
    tpu.enqueue_indirect_dma source(%dma_start3A_22 : memref<253952x128xf32, #tpu.memory_space<hbm>>) target(%arg9 : memref<128x128xf32, #tpu.memory_space<vmem>>) offsets(%dma_start3A_19 : memref<128xi32, #tpu.memory_space<vmem>>) semaphore(%arg12 : memref<!tpu.dma_semaphore, #tpu.memory_space<semaphore_mem>>)
    %scan3A_23 = arith.constant 0 : i32
    %scan3A_24 = arith.constant 0 : i32
    %scan3A_25 = arith.constant 8 : i32
    %scan3A_26 = arith.addi %scan3A_24, %scan3A_25 : i32
    %scan3A_27 = arith.constant 1 : i32
    scf.for %scan3A_31 = %scan3A_24 to %scan3A_26 step %scan3A_27  : i32 {
      %mul3A_32 = arith.constant 2 : i32
      %mul3A_33 = arith.muli %mul3A_32, %scan3A_31 : i32
      %add3A_34 = arith.constant 1 : i32
      %add3A_35 = arith.addi %mul3A_33, %add3A_34 : i32
      %dma_start3A_36 = arith.constant 0 : i32
      %dma_start3A_37 = tpu.memref_slice %arg6[%add3A_35, %dma_start3A_36] : memref<16x128xi32, #tpu.memory_space<vmem>> -> memref<1x128xi32, #tpu.memory_space<vmem>>
      %dma_start3A_38 = tpu.memref_squeeze %dma_start3A_37 : memref<1x128xi32, #tpu.memory_space<vmem>> -> memref<128xi32, #tpu.memory_space<vmem>>
      %dma_start3A_39 = arith.constant 0 : i32
      %dma_start3A_40 = arith.constant 0 : i32
      %dma_start3A_41 = tpu.memref_slice %arg3[%dma_start3A_39, %dma_start3A_40] : memref<253952x128xf32, #tpu.memory_space<hbm>> -> memref<253952x128xf32, #tpu.memory_space<hbm>>
      tpu.enqueue_indirect_dma source(%dma_start3A_41 : memref<253952x128xf32, #tpu.memory_space<hbm>>) target(%arg10 : memref<128x128xf32, #tpu.memory_space<vmem>>) offsets(%dma_start3A_38 : memref<128xi32, #tpu.memory_space<vmem>>) semaphore(%arg13 : memref<!tpu.dma_semaphore, #tpu.memory_space<semaphore_mem>>)
      %dma_wait3A = arith.constant 0 : i32
      %dma_wait3A_42 = arith.constant 0 : i32
      %dma_wait3A_43 = tpu.memref_slice %arg3[%dma_wait3A, %dma_wait3A_42] : memref<253952x128xf32, #tpu.memory_space<hbm>> -> memref<128x128xf32, #tpu.memory_space<hbm>>
      %dma_wait3A_44 = arith.constant 0 : i32
      %dma_wait3A_45 = arith.constant 0 : i32
      %dma_wait3A_46 = tpu.memref_slice %arg3[%dma_wait3A_44, %dma_wait3A_45] : memref<253952x128xf32, #tpu.memory_space<hbm>> -> memref<128x128xf32, #tpu.memory_space<hbm>>
      tpu.wait_dma2 semaphore(%arg12 : memref<!tpu.dma_semaphore, #tpu.memory_space<semaphore_mem>>) src(%dma_wait3A_46 : memref<128x128xf32, #tpu.memory_space<hbm>>) dst(%arg9 : memref<128x128xf32, #tpu.memory_space<vmem>>)
      %scan3A_47 = arith.constant 0 : i32
      %scan3A_48 = arith.constant 0 : i32
      %scan3A_49 = arith.constant 8 : i32
      %scan3A_50 = arith.addi %scan3A_48, %scan3A_49 : i32
      %scan3A_51 = arith.constant 1 : i32
      scf.for %scan3A_69 = %scan3A_48 to %scan3A_50 step %scan3A_51  : i32 {
        %mul3A_70 = arith.constant 16 : i32
        %mul3A_71 = arith.muli %scan3A_69, %mul3A_70 : i32
        %get3A_72 = arith.index_cast %mul3A_33 : i32 to index
        %get3A_73 = arith.index_cast %mul3A_71 : i32 to index
        %get3A_74 = tpu.vector_load %arg7[%get3A_72, %get3A_73] {strides = array<i32>} : memref<16x128xi32, #tpu.memory_space<vmem>>, vector<1x16xi32>,
        %get3A_75 = vector.shape_cast %get3A_74 : vector<1x16xi32> to vector<16xi32>
        %mul3A_76 = arith.constant 4 : i32
        %mul3A_77 = arith.muli %scan3A_69, %mul3A_76 : i32
        %add3A_78 = arith.constant 0 : i32
        %add3A_79 = arith.addi %mul3A_77, %add3A_78 : i32
        %slice3A = vector.extract_strided_slice %get3A_75 {offsets = [0], sizes = [1], strides = [1]} : vector<16xi32> to vector<1xi32>
        %squeeze3A = vector.extract %slice3A[0] : i32 from vector<1xi32>
        %slice3A_80 = vector.extract_strided_slice %get3A_75 {offsets = [1], sizes = [1], strides = [1]} : vector<16xi32> to vector<1xi32>
        %squeeze3A_81 = vector.extract %slice3A_80[0] : i32 from vector<1xi32>
        %slice3A_82 = vector.extract_strided_slice %get3A_75 {offsets = [2], sizes = [1], strides = [1]} : vector<16xi32> to vector<1xi32>
        %squeeze3A_83 = vector.extract %slice3A_82[0] : i32 from vector<1xi32>
        %slice3A_84 = vector.extract_strided_slice %get3A_75 {offsets = [3], sizes = [1], strides = [1]} : vector<16xi32> to vector<1xi32>
        %squeeze3A_85 = vector.extract %slice3A_84[0] : i32 from vector<1xi32>
        %and3A = arith.constant 64 : i32
        %and3A_86 = arith.andi %squeeze3A, %and3A : i32
        %and3A_87 = arith.constant 64 : i32
        %and3A_88 = arith.andi %squeeze3A_81, %and3A_87 : i32
        %and3A_89 = arith.constant 64 : i32
        %and3A_90 = arith.andi %squeeze3A_83, %and3A_89 : i32
        %and3A_91 = arith.constant 64 : i32
        %and3A_92 = arith.andi %squeeze3A_85, %and3A_91 : i32
        %and3A_93 = arith.constant 65537 : i32
        %and3A_94 = arith.andi %squeeze3A, %and3A_93 : i32
        %and3A_95 = arith.constant 65537 : i32
        %and3A_96 = arith.andi %squeeze3A_81, %and3A_95 : i32
        %and3A_97 = arith.constant 65537 : i32
        %and3A_98 = arith.andi %squeeze3A_83, %and3A_97 : i32
        %and3A_99 = arith.constant 65537 : i32
        %and3A_100 = arith.andi %squeeze3A_85, %and3A_99 : i32
        %mul3A_101 = arith.constant 16 : i32
        %mul3A_102 = arith.muli %scan3A_69, %mul3A_101 : i32
        %add3A_103 = arith.constant 0 : i32
        %add3A_104 = arith.addi %mul3A_102, %add3A_103 : i32
        %add3A_105 = arith.constant 0 : i32
        %add3A_106 = arith.addi %add3A_104, %add3A_105 : i32
        %add3A_107 = arith.constant 0 : i32
        %add3A_108 = arith.addi %and3A_86, %add3A_107 : i32
        %get3A_109 = arith.index_cast %add3A_106 : i32 to index
        %get3A_110 = arith.index_cast %add3A_108 : i32 to index
        %get3A_111 = tpu.vector_load %arg9[%get3A_109, %get3A_110] {strides = array<i32>} : memref<128x128xf32, #tpu.memory_space<vmem>>, vector<1x16xf32>,
        %get3A_112 = vector.shape_cast %get3A_111 : vector<1x16xf32> to vector<16xf32>
        %bitcast_convert_type3A = tpu.bitcast %get3A_112 : vector<16xf32> -> vector<16xi32>
        %mul3A_113 = vector.broadcast %and3A_94 : i32 to vector<16xi32>
        %mul3A_114 = arith.muli %bitcast_convert_type3A, %mul3A_113 : vector<16xi32>
        %and3A_115 = arith.constant -65536 : i32
        %and3A_116 = vector.broadcast %and3A_115 : i32 to vector<16xi32>
        %and3A_117 = arith.andi %mul3A_114, %and3A_116 : vector<16xi32>
        %bitcast_convert_type3A_118 = tpu.bitcast %and3A_117 : vector<16xi32> -> vector<16xf32>
        %add3A_119 = arith.addf %get3A_7, %bitcast_convert_type3A_118 : vector<16xf32>
        %mul3A_120 = arith.constant 16 : i32
        %mul3A_121 = arith.muli %scan3A_69, %mul3A_120 : i32
        %add3A_122 = arith.constant 0 : i32
        %add3A_123 = arith.addi %mul3A_121, %add3A_122 : i32
        %add3A_124 = arith.constant 1 : i32
        %add3A_125 = arith.addi %add3A_123, %add3A_124 : i32
        %add3A_126 = arith.constant 0 : i32
        %add3A_127 = arith.addi %and3A_88, %add3A_126 : i32
        %get3A_128 = arith.index_cast %add3A_125 : i32 to index
        %get3A_129 = arith.index_cast %add3A_127 : i32 to index
        %get3A_130 = tpu.vector_load %arg9[%get3A_128, %get3A_129] {strides = array<i32>} : memref<128x128xf32, #tpu.memory_space<vmem>>, vector<1x16xf32>,
        %get3A_131 = vector.shape_cast %get3A_130 : vector<1x16xf32> to vector<16xf32>
        %bitcast_convert_type3A_132 = tpu.bitcast %get3A_131 : vector<16xf32> -> vector<16xi32>
        %mul3A_133 = vector.broadcast %and3A_96 : i32 to vector<16xi32>
        %mul3A_134 = arith.muli %bitcast_convert_type3A_132, %mul3A_133 : vector<16xi32>
        %and3A_135 = arith.constant -65536 : i32
        %and3A_136 = vector.broadcast %and3A_135 : i32 to vector<16xi32>
        %and3A_137 = arith.andi %mul3A_134, %and3A_136 : vector<16xi32>
        %bitcast_convert_type3A_138 = tpu.bitcast %and3A_137 : vector<16xi32> -> vector<16xf32>
        %add3A_139 = arith.addf %add3A_119, %bitcast_convert_type3A_138 : vector<16xf32>
        %mul3A_140 = arith.constant 16 : i32
        %mul3A_141 = arith.muli %scan3A_69, %mul3A_140 : i32
        %add3A_142 = arith.constant 0 : i32
        %add3A_143 = arith.addi %mul3A_141, %add3A_142 : i32
        %add3A_144 = arith.constant 2 : i32
        %add3A_145 = arith.addi %add3A_143, %add3A_144 : i32
        %add3A_146 = arith.constant 0 : i32
        %add3A_147 = arith.addi %and3A_90, %add3A_146 : i32
        %get3A_148 = arith.index_cast %add3A_145 : i32 to index
        %get3A_149 = arith.index_cast %add3A_147 : i32 to index
        %get3A_150 = tpu.vector_load %arg9[%get3A_148, %get3A_149] {strides = array<i32>} : memref<128x128xf32, #tpu.memory_space<vmem>>, vector<1x16xf32>,
        %get3A_151 = vector.shape_cast %get3A_150 : vector<1x16xf32> to vector<16xf32>
        %bitcast_convert_type3A_152 = tpu.bitcast %get3A_151 : vector<16xf32> -> vector<16xi32>
        %mul3A_153 = vector.broadcast %and3A_98 : i32 to vector<16xi32>
        %mul3A_154 = arith.muli %bitcast_convert_type3A_152, %mul3A_153 : vector<16xi32>
        %and3A_155 = arith.constant -65536 : i32
        %and3A_156 = vector.broadcast %and3A_155 : i32 to vector<16xi32>
        %and3A_157 = arith.andi %mul3A_154, %and3A_156 : vector<16xi32>
        %bitcast_convert_type3A_158 = tpu.bitcast %and3A_157 : vector<16xi32> -> vector<16xf32>
        %add3A_159 = arith.addf %add3A_139, %bitcast_convert_type3A_158 : vector<16xf32>
        %mul3A_160 = arith.constant 16 : i32
        %mul3A_161 = arith.muli %scan3A_69, %mul3A_160 : i32
        %add3A_162 = arith.constant 0 : i32
        %add3A_163 = arith.addi %mul3A_161, %add3A_162 : i32
        %add3A_164 = arith.constant 3 : i32
        %add3A_165 = arith.addi %add3A_163, %add3A_164 : i32
        %add3A_166 = arith.constant 0 : i32
        %add3A_167 = arith.addi %and3A_92, %add3A_166 : i32
        %get3A_168 = arith.index_cast %add3A_165 : i32 to index
        %get3A_169 = arith.index_cast %add3A_167 : i32 to index
        %get3A_170 = tpu.vector_load %arg9[%get3A_168, %get3A_169] {strides = array<i32>} : memref<128x128xf32, #tpu.memory_space<vmem>>, vector<1x16xf32>,
        %get3A_171 = vector.shape_cast %get3A_170 : vector<1x16xf32> to vector<16xf32>
        %bitcast_convert_type3A_172 = tpu.bitcast %get3A_171 : vector<16xf32> -> vector<16xi32>
        %mul3A_173 = vector.broadcast %and3A_100 : i32 to vector<16xi32>
        %mul3A_174 = arith.muli %bitcast_convert_type3A_172, %mul3A_173 : vector<16xi32>
        %and3A_175 = arith.constant -65536 : i32
        %and3A_176 = vector.broadcast %and3A_175 : i32 to vector<16xi32>
        %and3A_177 = arith.andi %mul3A_174, %and3A_176 : vector<16xi32>
        %bitcast_convert_type3A_178 = tpu.bitcast %and3A_177 : vector<16xi32> -> vector<16xf32>
        %add3A_179 = arith.addf %add3A_159, %bitcast_convert_type3A_178 : vector<16xf32>
        %max3A = arith.constant 0.000000e+00 : f32
        %max3A_180 = vector.broadcast %max3A : f32 to vector<16xf32>
        %max3A_181 = arith.maximumf %add3A_179, %max3A_180 : vector<16xf32>
        %mul3A_182 = arith.constant 32 : i32
        %mul3A_183 = arith.muli %mul3A_33, %mul3A_182 : i32
        %add3A_184 = arith.addi %mul3A_183, %add3A_79 : i32
        %swap3A = arith.index_cast %add3A_184 : i32 to index
        %swap3A_185 = arith.constant 0 : index
        %swap3A_186 = tpu.vector_load %arg11[%swap3A, %swap3A_185] {strides = array<i32>} : memref<512x64xf32, #tpu.memory_space<vmem>>, vector<1x16xf32>,
        %swap3A_187 = vector.shape_cast %swap3A_186 : vector<1x16xf32> to vector<16xf32>
        %swap3A_188 = vector.shape_cast %max3A_181 : vector<16xf32> to vector<1x16xf32>
        tpu.vector_store %arg11[%swap3A, %swap3A_185], %swap3A_188 {strides = array<i32>} : memref<512x64xf32, #tpu.memory_space<vmem>>, vector<1x16xf32>,
        %mul3A_189 = arith.constant 16 : i32
        %mul3A_190 = arith.muli %scan3A_69, %mul3A_189 : i32
        %add3A_191 = arith.constant 0 : i32
        %add3A_192 = arith.addi %mul3A_190, %add3A_191 : i32
        %add3A_193 = arith.constant 0 : i32
        %add3A_194 = arith.addi %add3A_192, %add3A_193 : i32
        %add3A_195 = arith.constant 16 : i32
        %add3A_196 = arith.addi %and3A_86, %add3A_195 : i32
        %get3A_197 = arith.index_cast %add3A_194 : i32 to index
        %get3A_198 = arith.index_cast %add3A_196 : i32 to index
        %get3A_199 = tpu.vector_load %arg9[%get3A_197, %get3A_198] {strides = array<i32>} : memref<128x128xf32, #tpu.memory_space<vmem>>, vector<1x16xf32>,
        %get3A_200 = vector.shape_cast %get3A_199 : vector<1x16xf32> to vector<16xf32>
        %bitcast_convert_type3A_201 = tpu.bitcast %get3A_200 : vector<16xf32> -> vector<16xi32>
        %mul3A_202 = vector.broadcast %and3A_94 : i32 to vector<16xi32>
        %mul3A_203 = arith.muli %bitcast_convert_type3A_201, %mul3A_202 : vector<16xi32>
        %and3A_204 = arith.constant -65536 : i32
        %and3A_205 = vector.broadcast %and3A_204 : i32 to vector<16xi32>
        %and3A_206 = arith.andi %mul3A_203, %and3A_205 : vector<16xi32>
        %bitcast_convert_type3A_207 = tpu.bitcast %and3A_206 : vector<16xi32> -> vector<16xf32>
        %add3A_208 = arith.addf %get3A_10, %bitcast_convert_type3A_207 : vector<16xf32>
        %mul3A_209 = arith.constant 16 : i32
        %mul3A_210 = arith.muli %scan3A_69, %mul3A_209 : i32
        %add3A_211 = arith.constant 0 : i32
        %add3A_212 = arith.addi %mul3A_210, %add3A_211 : i32
        %add3A_213 = arith.constant 1 : i32
        %add3A_214 = arith.addi %add3A_212, %add3A_213 : i32
        %add3A_215 = arith.constant 16 : i32
        %add3A_216 = arith.addi %and3A_88, %add3A_215 : i32
        %get3A_217 = arith.index_cast %add3A_214 : i32 to index
        %get3A_218 = arith.index_cast %add3A_216 : i32 to index
        %get3A_219 = tpu.vector_load %arg9[%get3A_217, %get3A_218] {strides = array<i32>} : memref<128x128xf32, #tpu.memory_space<vmem>>, vector<1x16xf32>,
        %get3A_220 = vector.shape_cast %get3A_219 : vector<1x16xf32> to vector<16xf32>
        %bitcast_convert_type3A_221 = tpu.bitcast %get3A_220 : vector<16xf32> -> vector<16xi32>
        %mul3A_222 = vector.broadcast %and3A_96 : i32 to vector<16xi32>
        %mul3A_223 = arith.muli %bitcast_convert_type3A_221, %mul3A_222 : vector<16xi32>
        %and3A_224 = arith.constant -65536 : i32
        %and3A_225 = vector.broadcast %and3A_224 : i32 to vector<16xi32>
        %and3A_226 = arith.andi %mul3A_223, %and3A_225 : vector<16xi32>
        %bitcast_convert_type3A_227 = tpu.bitcast %and3A_226 : vector<16xi32> -> vector<16xf32>
        %add3A_228 = arith.addf %add3A_208, %bitcast_convert_type3A_227 : vector<16xf32>
        %mul3A_229 = arith.constant 16 : i32
        %mul3A_230 = arith.muli %scan3A_69, %mul3A_229 : i32
        %add3A_231 = arith.constant 0 : i32
        %add3A_232 = arith.addi %mul3A_230, %add3A_231 : i32
        %add3A_233 = arith.constant 2 : i32
        %add3A_234 = arith.addi %add3A_232, %add3A_233 : i32
        %add3A_235 = arith.constant 16 : i32
        %add3A_236 = arith.addi %and3A_90, %add3A_235 : i32
        %get3A_237 = arith.index_cast %add3A_234 : i32 to index
        %get3A_238 = arith.index_cast %add3A_236 : i32 to index
        %get3A_239 = tpu.vector_load %arg9[%get3A_237, %get3A_238] {strides = array<i32>} : memref<128x128xf32, #tpu.memory_space<vmem>>, vector<1x16xf32>,
        %get3A_240 = vector.shape_cast %get3A_239 : vector<1x16xf32> to vector<16xf32>
        %bitcast_convert_type3A_241 = tpu.bitcast %get3A_240 : vector<16xf32> -> vector<16xi32>
        %mul3A_242 = vector.broadcast %and3A_98 : i32 to vector<16xi32>
        %mul3A_243 = arith.muli %bitcast_convert_type3A_241, %mul3A_242 : vector<16xi32>
        %and3A_244 = arith.constant -65536 : i32
        %and3A_245 = vector.broadcast %and3A_244 : i32 to vector<16xi32>
        %and3A_246 = arith.andi %mul3A_243, %and3A_245 : vector<16xi32>
        %bitcast_convert_type3A_247 = tpu.bitcast %and3A_246 : vector<16xi32> -> vector<16xf32>
        %add3A_248 = arith.addf %add3A_228, %bitcast_convert_type3A_247 : vector<16xf32>
        %mul3A_249 = arith.constant 16 : i32
        %mul3A_250 = arith.muli %scan3A_69, %mul3A_249 : i32
        %add3A_251 = arith.constant 0 : i32
        %add3A_252 = arith.addi %mul3A_250, %add3A_251 : i32
        %add3A_253 = arith.constant 3 : i32
        %add3A_254 = arith.addi %add3A_252, %add3A_253 : i32
        %add3A_255 = arith.constant 16 : i32
        %add3A_256 = arith.addi %and3A_92, %add3A_255 : i32
        %get3A_257 = arith.index_cast %add3A_254 : i32 to index
        %get3A_258 = arith.index_cast %add3A_256 : i32 to index
        %get3A_259 = tpu.vector_load %arg9[%get3A_257, %get3A_258] {strides = array<i32>} : memref<128x128xf32, #tpu.memory_space<vmem>>, vector<1x16xf32>,
        %get3A_260 = vector.shape_cast %get3A_259 : vector<1x16xf32> to vector<16xf32>
        %bitcast_convert_type3A_261 = tpu.bitcast %get3A_260 : vector<16xf32> -> vector<16xi32>
        %mul3A_262 = vector.broadcast %and3A_100 : i32 to vector<16xi32>
        %mul3A_263 = arith.muli %bitcast_convert_type3A_261, %mul3A_262 : vector<16xi32>
        %and3A_264 = arith.constant -65536 : i32
        %and3A_265 = vector.broadcast %and3A_264 : i32 to vector<16xi32>
        %and3A_266 = arith.andi %mul3A_263, %and3A_265 : vector<16xi32>
        %bitcast_convert_type3A_267 = tpu.bitcast %and3A_266 : vector<16xi32> -> vector<16xf32>
        %add3A_268 = arith.addf %add3A_248, %bitcast_convert_type3A_267 : vector<16xf32>
        %max3A_269 = arith.constant 0.000000e+00 : f32
        %max3A_270 = vector.broadcast %max3A_269 : f32 to vector<16xf32>
        %max3A_271 = arith.maximumf %add3A_268, %max3A_270 : vector<16xf32>
        %mul3A_272 = arith.constant 32 : i32
        %mul3A_273 = arith.muli %mul3A_33, %mul3A_272 : i32
        %add3A_274 = arith.addi %mul3A_273, %add3A_79 : i32
        %swap3A_275 = arith.index_cast %add3A_274 : i32 to index
        %swap3A_276 = arith.constant 16 : index
        %swap3A_277 = tpu.vector_load %arg11[%swap3A_275, %swap3A_276] {strides = array<i32>} : memref<512x64xf32, #tpu.memory_space<vmem>>, vector<1x16xf32>,
        %swap3A_278 = vector.shape_cast %swap3A_277 : vector<1x16xf32> to vector<16xf32>
        %swap3A_279 = vector.shape_cast %max3A_271 : vector<16xf32> to vector<1x16xf32>
        tpu.vector_store %arg11[%swap3A_275, %swap3A_276], %swap3A_279 {strides = array<i32>} : memref<512x64xf32, #tpu.memory_space<vmem>>, vector<1x16xf32>,
        %mul3A_280 = arith.constant 16 : i32
        %mul3A_281 = arith.muli %scan3A_69, %mul3A_280 : i32
        %add3A_282 = arith.constant 0 : i32
        %add3A_283 = arith.addi %mul3A_281, %add3A_282 : i32
        %add3A_284 = arith.constant 0 : i32
        %add3A_285 = arith.addi %add3A_283, %add3A_284 : i32
        %add3A_286 = arith.constant 32 : i32
        %add3A_287 = arith.addi %and3A_86, %add3A_286 : i32
        %get3A_288 = arith.index_cast %add3A_285 : i32 to index
        %get3A_289 = arith.index_cast %add3A_287 : i32 to index
        %get3A_290 = tpu.vector_load %arg9[%get3A_288, %get3A_289] {strides = array<i32>} : memref<128x128xf32, #tpu.memory_space<vmem>>, vector<1x16xf32>,
        %get3A_291 = vector.shape_cast %get3A_290 : vector<1x16xf32> to vector<16xf32>
        %bitcast_convert_type3A_292 = tpu.bitcast %get3A_291 : vector<16xf32> -> vector<16xi32>
        %mul3A_293 = vector.broadcast %and3A_94 : i32 to vector<16xi32>
        %mul3A_294 = arith.muli %bitcast_convert_type3A_292, %mul3A_293 : vector<16xi32>
        %and3A_295 = arith.constant -65536 : i32
        %and3A_296 = vector.broadcast %and3A_295 : i32 to vector<16xi32>
        %and3A_297 = arith.andi %mul3A_294, %and3A_296 : vector<16xi32>
        %bitcast_convert_type3A_298 = tpu.bitcast %and3A_297 : vector<16xi32> -> vector<16xf32>
        %add3A_299 = arith.addf %get3A_13, %bitcast_convert_type3A_298 : vector<16xf32>
        %mul3A_300 = arith.constant 16 : i32
        %mul3A_301 = arith.muli %scan3A_69, %mul3A_300 : i32
        %add3A_302 = arith.constant 0 : i32
        %add3A_303 = arith.addi %mul3A_301, %add3A_302 : i32
        %add3A_304 = arith.constant 1 : i32
        %add3A_305 = arith.addi %add3A_303, %add3A_304 : i32
        %add3A_306 = arith.constant 32 : i32
        %add3A_307 = arith.addi %and3A_88, %add3A_306 : i32
        %get3A_308 = arith.index_cast %add3A_305 : i32 to index
        %get3A_309 = arith.index_cast %add3A_307 : i32 to index
        %get3A_310 = tpu.vector_load %arg9[%get3A_308, %get3A_309] {strides = array<i32>} : memref<128x128xf32, #tpu.memory_space<vmem>>, vector<1x16xf32>,
        %get3A_311 = vector.shape_cast %get3A_310 : vector<1x16xf32> to vector<16xf32>
        %bitcast_convert_type3A_312 = tpu.bitcast %get3A_311 : vector<16xf32> -> vector<16xi32>
        %mul3A_313 = vector.broadcast %and3A_96 : i32 to vector<16xi32>
        %mul3A_314 = arith.muli %bitcast_convert_type3A_312, %mul3A_313 : vector<16xi32>
        %and3A_315 = arith.constant -65536 : i32
        %and3A_316 = vector.broadcast %and3A_315 : i32 to vector<16xi32>
        %and3A_317 = arith.andi %mul3A_314, %and3A_316 : vector<16xi32>
        %bitcast_convert_type3A_318 = tpu.bitcast %and3A_317 : vector<16xi32> -> vector<16xf32>
        %add3A_319 = arith.addf %add3A_299, %bitcast_convert_type3A_318 : vector<16xf32>
        %mul3A_320 = arith.constant 16 : i32
        %mul3A_321 = arith.muli %scan3A_69, %mul3A_320 : i32
        %add3A_322 = arith.constant 0 : i32
        %add3A_323 = arith.addi %mul3A_321, %add3A_322 : i32
        %add3A_324 = arith.constant 2 : i32
        %add3A_325 = arith.addi %add3A_323, %add3A_324 : i32
        %add3A_326 = arith.constant 32 : i32
        %add3A_327 = arith.addi %and3A_90, %add3A_326 : i32
        %get3A_328 = arith.index_cast %add3A_325 : i32 to index
        %get3A_329 = arith.index_cast %add3A_327 : i32 to index
        %get3A_330 = tpu.vector_load %arg9[%get3A_328, %get3A_329] {strides = array<i32>} : memref<128x128xf32, #tpu.memory_space<vmem>>, vector<1x16xf32>,
        %get3A_331 = vector.shape_cast %get3A_330 : vector<1x16xf32> to vector<16xf32>
        %bitcast_convert_type3A_332 = tpu.bitcast %get3A_331 : vector<16xf32> -> vector<16xi32>
        %mul3A_333 = vector.broadcast %and3A_98 : i32 to vector<16xi32>
        %mul3A_334 = arith.muli %bitcast_convert_type3A_332, %mul3A_333 : vector<16xi32>
        %and3A_335 = arith.constant -65536 : i32
        %and3A_336 = vector.broadcast %and3A_335 : i32 to vector<16xi32>
        %and3A_337 = arith.andi %mul3A_334, %and3A_336 : vector<16xi32>
        %bitcast_convert_type3A_338 = tpu.bitcast %and3A_337 : vector<16xi32> -> vector<16xf32>
        %add3A_339 = arith.addf %add3A_319, %bitcast_convert_type3A_338 : vector<16xf32>
        %mul3A_340 = arith.constant 16 : i32
        %mul3A_341 = arith.muli %scan3A_69, %mul3A_340 : i32
        %add3A_342 = arith.constant 0 : i32
        %add3A_343 = arith.addi %mul3A_341, %add3A_342 : i32
        %add3A_344 = arith.constant 3 : i32
        %add3A_345 = arith.addi %add3A_343, %add3A_344 : i32
        %add3A_346 = arith.constant 32 : i32
        %add3A_347 = arith.addi %and3A_92, %add3A_346 : i32
        %get3A_348 = arith.index_cast %add3A_345 : i32 to index
        %get3A_349 = arith.index_cast %add3A_347 : i32 to index
        %get3A_350 = tpu.vector_load %arg9[%get3A_348, %get3A_349] {strides = array<i32>} : memref<128x128xf32, #tpu.memory_space<vmem>>, vector<1x16xf32>,
        %get3A_351 = vector.shape_cast %get3A_350 : vector<1x16xf32> to vector<16xf32>
        %bitcast_convert_type3A_352 = tpu.bitcast %get3A_351 : vector<16xf32> -> vector<16xi32>
        %mul3A_353 = vector.broadcast %and3A_100 : i32 to vector<16xi32>
        %mul3A_354 = arith.muli %bitcast_convert_type3A_352, %mul3A_353 : vector<16xi32>
        %and3A_355 = arith.constant -65536 : i32
        %and3A_356 = vector.broadcast %and3A_355 : i32 to vector<16xi32>
        %and3A_357 = arith.andi %mul3A_354, %and3A_356 : vector<16xi32>
        %bitcast_convert_type3A_358 = tpu.bitcast %and3A_357 : vector<16xi32> -> vector<16xf32>
        %add3A_359 = arith.addf %add3A_339, %bitcast_convert_type3A_358 : vector<16xf32>
        %max3A_360 = arith.constant 0.000000e+00 : f32
        %max3A_361 = vector.broadcast %max3A_360 : f32 to vector<16xf32>
        %max3A_362 = arith.maximumf %add3A_359, %max3A_361 : vector<16xf32>
        %mul3A_363 = arith.constant 32 : i32
        %mul3A_364 = arith.muli %mul3A_33, %mul3A_363 : i32
        %add3A_365 = arith.addi %mul3A_364, %add3A_79 : i32
        %swap3A_366 = arith.index_cast %add3A_365 : i32 to index
        %swap3A_367 = arith.constant 32 : index
        %swap3A_368 = tpu.vector_load %arg11[%swap3A_366, %swap3A_367] {strides = array<i32>} : memref<512x64xf32, #tpu.memory_space<vmem>>, vector<1x16xf32>,
        %swap3A_369 = vector.shape_cast %swap3A_368 : vector<1x16xf32> to vector<16xf32>
        %swap3A_370 = vector.shape_cast %max3A_362 : vector<16xf32> to vector<1x16xf32>
        tpu.vector_store %arg11[%swap3A_366, %swap3A_367], %swap3A_370 {strides = array<i32>} : memref<512x64xf32, #tpu.memory_space<vmem>>, vector<1x16xf32>,
        %mul3A_371 = arith.constant 16 : i32
        %mul3A_372 = arith.muli %scan3A_69, %mul3A_371 : i32
        %add3A_373 = arith.constant 0 : i32
        %add3A_374 = arith.addi %mul3A_372, %add3A_373 : i32
        %add3A_375 = arith.constant 0 : i32
        %add3A_376 = arith.addi %add3A_374, %add3A_375 : i32
        %add3A_377 = arith.constant 48 : i32
        %add3A_378 = arith.addi %and3A_86, %add3A_377 : i32
        %get3A_379 = arith.index_cast %add3A_376 : i32 to index
        %get3A_380 = arith.index_cast %add3A_378 : i32 to index
        %get3A_381 = tpu.vector_load %arg9[%get3A_379, %get3A_380] {strides = array<i32>} : memref<128x128xf32, #tpu.memory_space<vmem>>, vector<1x16xf32>,
        %get3A_382 = vector.shape_cast %get3A_381 : vector<1x16xf32> to vector<16xf32>
        %bitcast_convert_type3A_383 = tpu.bitcast %get3A_382 : vector<16xf32> -> vector<16xi32>
        %mul3A_384 = vector.broadcast %and3A_94 : i32 to vector<16xi32>
        %mul3A_385 = arith.muli %bitcast_convert_type3A_383, %mul3A_384 : vector<16xi32>
        %and3A_386 = arith.constant -65536 : i32
        %and3A_387 = vector.broadcast %and3A_386 : i32 to vector<16xi32>
        %and3A_388 = arith.andi %mul3A_385, %and3A_387 : vector<16xi32>
        %bitcast_convert_type3A_389 = tpu.bitcast %and3A_388 : vector<16xi32> -> vector<16xf32>
        %add3A_390 = arith.addf %get3A_16, %bitcast_convert_type3A_389 : vector<16xf32>
        %mul3A_391 = arith.constant 16 : i32
        %mul3A_392 = arith.muli %scan3A_69, %mul3A_391 : i32
        %add3A_393 = arith.constant 0 : i32
        %add3A_394 = arith.addi %mul3A_392, %add3A_393 : i32
        %add3A_395 = arith.constant 1 : i32
        %add3A_396 = arith.addi %add3A_394, %add3A_395 : i32
        %add3A_397 = arith.constant 48 : i32
        %add3A_398 = arith.addi %and3A_88, %add3A_397 : i32
        %get3A_399 = arith.index_cast %add3A_396 : i32 to index
        %get3A_400 = arith.index_cast %add3A_398 : i32 to index
        %get3A_401 = tpu.vector_load %arg9[%get3A_399, %get3A_400] {strides = array<i32>} : memref<128x128xf32, #tpu.memory_space<vmem>>, vector<1x16xf32>,
        %get3A_402 = vector.shape_cast %get3A_401 : vector<1x16xf32> to vector<16xf32>
        %bitcast_convert_type3A_403 = tpu.bitcast %get3A_402 : vector<16xf32> -> vector<16xi32>
        %mul3A_404 = vector.broadcast %and3A_96 : i32 to vector<16xi32>
        %mul3A_405 = arith.muli %bitcast_convert_type3A_403, %mul3A_404 : vector<16xi32>
        %and3A_406 = arith.constant -65536 : i32
        %and3A_407 = vector.broadcast %and3A_406 : i32 to vector<16xi32>
        %and3A_408 = arith.andi %mul3A_405, %and3A_407 : vector<16xi32>
        %bitcast_convert_type3A_409 = tpu.bitcast %and3A_408 : vector<16xi32> -> vector<16xf32>
        %add3A_410 = arith.addf %add3A_390, %bitcast_convert_type3A_409 : vector<16xf32>
        %mul3A_411 = arith.constant 16 : i32
        %mul3A_412 = arith.muli %scan3A_69, %mul3A_411 : i32
        %add3A_413 = arith.constant 0 : i32
        %add3A_414 = arith.addi %mul3A_412, %add3A_413 : i32
        %add3A_415 = arith.constant 2 : i32
        %add3A_416 = arith.addi %add3A_414, %add3A_415 : i32
        %add3A_417 = arith.constant 48 : i32
        %add3A_418 = arith.addi %and3A_90, %add3A_417 : i32
        %get3A_419 = arith.index_cast %add3A_416 : i32 to index
        %get3A_420 = arith.index_cast %add3A_418 : i32 to index
        %get3A_421 = tpu.vector_load %arg9[%get3A_419, %get3A_420] {strides = array<i32>} : memref<128x128xf32, #tpu.memory_space<vmem>>, vector<1x16xf32>,
        %get3A_422 = vector.shape_cast %get3A_421 : vector<1x16xf32> to vector<16xf32>
        %bitcast_convert_type3A_423 = tpu.bitcast %get3A_422 : vector<16xf32> -> vector<16xi32>
        %mul3A_424 = vector.broadcast %and3A_98 : i32 to vector<16xi32>
        %mul3A_425 = arith.muli %bitcast_convert_type3A_423, %mul3A_424 : vector<16xi32>
        %and3A_426 = arith.constant -65536 : i32
        %and3A_427 = vector.broadcast %and3A_426 : i32 to vector<16xi32>
        %and3A_428 = arith.andi %mul3A_425, %and3A_427 : vector<16xi32>
        %bitcast_convert_type3A_429 = tpu.bitcast %and3A_428 : vector<16xi32> -> vector<16xf32>
        %add3A_430 = arith.addf %add3A_410, %bitcast_convert_type3A_429 : vector<16xf32>
        %mul3A_431 = arith.constant 16 : i32
        %mul3A_432 = arith.muli %scan3A_69, %mul3A_431 : i32
        %add3A_433 = arith.constant 0 : i32
        %add3A_434 = arith.addi %mul3A_432, %add3A_433 : i32
        %add3A_435 = arith.constant 3 : i32
        %add3A_436 = arith.addi %add3A_434, %add3A_435 : i32
        %add3A_437 = arith.constant 48 : i32
        %add3A_438 = arith.addi %and3A_92, %add3A_437 : i32
        %get3A_439 = arith.index_cast %add3A_436 : i32 to index
        %get3A_440 = arith.index_cast %add3A_438 : i32 to index
        %get3A_441 = tpu.vector_load %arg9[%get3A_439, %get3A_440] {strides = array<i32>} : memref<128x128xf32, #tpu.memory_space<vmem>>, vector<1x16xf32>,
        %get3A_442 = vector.shape_cast %get3A_441 : vector<1x16xf32> to vector<16xf32>
        %bitcast_convert_type3A_443 = tpu.bitcast %get3A_442 : vector<16xf32> -> vector<16xi32>
        %mul3A_444 = vector.broadcast %and3A_100 : i32 to vector<16xi32>
        %mul3A_445 = arith.muli %bitcast_convert_type3A_443, %mul3A_444 : vector<16xi32>
        %and3A_446 = arith.constant -65536 : i32
        %and3A_447 = vector.broadcast %and3A_446 : i32 to vector<16xi32>
        %and3A_448 = arith.andi %mul3A_445, %and3A_447 : vector<16xi32>
        %bitcast_convert_type3A_449 = tpu.bitcast %and3A_448 : vector<16xi32> -> vector<16xf32>
        %add3A_450 = arith.addf %add3A_430, %bitcast_convert_type3A_449 : vector<16xf32>
        %max3A_451 = arith.constant 0.000000e+00 : f32
        %max3A_452 = vector.broadcast %max3A_451 : f32 to vector<16xf32>
        %max3A_453 = arith.maximumf %add3A_450, %max3A_452 : vector<16xf32>
        %mul3A_454 = arith.constant 32 : i32
        %mul3A_455 = arith.muli %mul3A_33, %mul3A_454 : i32
        %add3A_456 = arith.addi %mul3A_455, %add3A_79 : i32
        %swap3A_457 = arith.index_cast %add3A_456 : i32 to index
        %swap3A_458 = arith.constant 48 : index
        %swap3A_459 = tpu.vector_load %arg11[%swap3A_457, %swap3A_458] {strides = array<i32>} : memref<512x64xf32, #tpu.memory_space<vmem>>, vector<1x16xf32>,
        %swap3A_460 = vector.shape_cast %swap3A_459 : vector<1x16xf32> to vector<16xf32>
        %swap3A_461 = vector.shape_cast %max3A_453 : vector<16xf32> to vector<1x16xf32>
        tpu.vector_store %arg11[%swap3A_457, %swap3A_458], %swap3A_461 {strides = array<i32>} : memref<512x64xf32, #tpu.memory_space<vmem>>, vector<1x16xf32>,
        %mul3A_462 = arith.constant 4 : i32
        %mul3A_463 = arith.muli %scan3A_69, %mul3A_462 : i32
        %add3A_464 = arith.constant 1 : i32
        %add3A_465 = arith.addi %mul3A_463, %add3A_464 : i32
        %slice3A_466 = vector.extract_strided_slice %get3A_75 {offsets = [4], sizes = [1], strides = [1]} : vector<16xi32> to vector<1xi32>
        %squeeze3A_467 = vector.extract %slice3A_466[0] : i32 from vector<1xi32>
        %slice3A_468 = vector.extract_strided_slice %get3A_75 {offsets = [5], sizes = [1], strides = [1]} : vector<16xi32> to vector<1xi32>
        %squeeze3A_469 = vector.extract %slice3A_468[0] : i32 from vector<1xi32>
        %slice3A_470 = vector.extract_strided_slice %get3A_75 {offsets = [6], sizes = [1], strides = [1]} : vector<16xi32> to vector<1xi32>
        %squeeze3A_471 = vector.extract %slice3A_470[0] : i32 from vector<1xi32>
        %slice3A_472 = vector.extract_strided_slice %get3A_75 {offsets = [7], sizes = [1], strides = [1]} : vector<16xi32> to vector<1xi32>
        %squeeze3A_473 = vector.extract %slice3A_472[0] : i32 from vector<1xi32>
        %and3A_474 = arith.constant 64 : i32
        %and3A_475 = arith.andi %squeeze3A_467, %and3A_474 : i32
        %and3A_476 = arith.constant 64 : i32
        %and3A_477 = arith.andi %squeeze3A_469, %and3A_476 : i32
        %and3A_478 = arith.constant 64 : i32
        %and3A_479 = arith.andi %squeeze3A_471, %and3A_478 : i32
        %and3A_480 = arith.constant 64 : i32
        %and3A_481 = arith.andi %squeeze3A_473, %and3A_480 : i32
        %and3A_482 = arith.constant 65537 : i32
        %and3A_483 = arith.andi %squeeze3A_467, %and3A_482 : i32
        %and3A_484 = arith.constant 65537 : i32
        %and3A_485 = arith.andi %squeeze3A_469, %and3A_484 : i32
        %and3A_486 = arith.constant 65537 : i32
        %and3A_487 = arith.andi %squeeze3A_471, %and3A_486 : i32
        %and3A_488 = arith.constant 65537 : i32
        %and3A_489 = arith.andi %squeeze3A_473, %and3A_488 : i32
        %mul3A_490 = arith.constant 16 : i32
        %mul3A_491 = arith.muli %scan3A_69, %mul3A_490 : i32
        %add3A_492 = arith.constant 4 : i32
        %add3A_493 = arith.addi %mul3A_491, %add3A_492 : i32
        %add3A_494 = arith.constant 0 : i32
        %add3A_495 = arith.addi %add3A_493, %add3A_494 : i32
        %add3A_496 = arith.constant 0 : i32
        %add3A_497 = arith.addi %and3A_475, %add3A_496 : i32
        %get3A_498 = arith.index_cast %add3A_495 : i32 to index
        %get3A_499 = arith.index_cast %add3A_497 : i32 to index
        %get3A_500 = tpu.vector_load %arg9[%get3A_498, %get3A_499] {strides = array<i32>} : memref<128x128xf32, #tpu.memory_space<vmem>>, vector<1x16xf32>,
        %get3A_501 = vector.shape_cast %get3A_500 : vector<1x16xf32> to vector<16xf32>
        %bitcast_convert_type3A_502 = tpu.bitcast %get3A_501 : vector<16xf32> -> vector<16xi32>
        %mul3A_503 = vector.broadcast %and3A_483 : i32 to vector<16xi32>
        %mul3A_504 = arith.muli %bitcast_convert_type3A_502, %mul3A_503 : vector<16xi32>
        %and3A_505 = arith.constant -65536 : i32
        %and3A_506 = vector.broadcast %and3A_505 : i32 to vector<16xi32>
        %and3A_507 = arith.andi %mul3A_504, %and3A_506 : vector<16xi32>
        %bitcast_convert_type3A_508 = tpu.bitcast %and3A_507 : vector<16xi32> -> vector<16xf32>
        %add3A_509 = arith.addf %get3A_7, %bitcast_convert_type3A_508 : vector<16xf32>
        %mul3A_510 = arith.constant 16 : i32
        %mul3A_511 = arith.muli %scan3A_69, %mul3A_510 : i32
        %add3A_512 = arith.constant 4 : i32
        %add3A_513 = arith.addi %mul3A_511, %add3A_512 : i32
        %add3A_514 = arith.constant 1 : i32
        %add3A_515 = arith.addi %add3A_513, %add3A_514 : i32
        %add3A_516 = arith.constant 0 : i32
        %add3A_517 = arith.addi %and3A_477, %add3A_516 : i32
        %get3A_518 = arith.index_cast %add3A_515 : i32 to index
        %get3A_519 = arith.index_cast %add3A_517 : i32 to index
        %get3A_520 = tpu.vector_load %arg9[%get3A_518, %get3A_519] {strides = array<i32>} : memref<128x128xf32, #tpu.memory_space<vmem>>, vector<1x16xf32>,
        %get3A_521 = vector.shape_cast %get3A_520 : vector<1x16xf32> to vector<16xf32>
        %bitcast_convert_type3A_522 = tpu.bitcast %get3A_521 : vector<16xf32> -> vector<16xi32>
        %mul3A_523 = vector.broadcast %and3A_485 : i32 to vector<16xi32>
        %mul3A_524 = arith.muli %bitcast_convert_type3A_522, %mul3A_523 : vector<16xi32>
        %and3A_525 = arith.constant -65536 : i32
        %and3A_526 = vector.broadcast %and3A_525 : i32 to vector<16xi32>
        %and3A_527 = arith.andi %mul3A_524, %and3A_526 : vector<16xi32>
        %bitcast_convert_type3A_528 = tpu.bitcast %and3A_527 : vector<16xi32> -> vector<16xf32>
        %add3A_529 = arith.addf %add3A_509, %bitcast_convert_type3A_528 : vector<16xf32>
        %mul3A_530 = arith.constant 16 : i32
        %mul3A_531 = arith.muli %scan3A_69, %mul3A_530 : i32
        %add3A_532 = arith.constant 4 : i32
        %add3A_533 = arith.addi %mul3A_531, %add3A_532 : i32
        %add3A_534 = arith.constant 2 : i32
        %add3A_535 = arith.addi %add3A_533, %add3A_534 : i32
        %add3A_536 = arith.constant 0 : i32
        %add3A_537 = arith.addi %and3A_479, %add3A_536 : i32
        %get3A_538 = arith.index_cast %add3A_535 : i32 to index
        %get3A_539 = arith.index_cast %add3A_537 : i32 to index
        %get3A_540 = tpu.vector_load %arg9[%get3A_538, %get3A_539] {strides = array<i32>} : memref<128x128xf32, #tpu.memory_space<vmem>>, vector<1x16xf32>,
        %get3A_541 = vector.shape_cast %get3A_540 : vector<1x16xf32> to vector<16xf32>
        %bitcast_convert_type3A_542 = tpu.bitcast %get3A_541 : vector<16xf32> -> vector<16xi32>
        %mul3A_543 = vector.broadcast %and3A_487 : i32 to vector<16xi32>
        %mul3A_544 = arith.muli %bitcast_convert_type3A_542, %mul3A_543 : vector<16xi32>
        %and3A_545 = arith.constant -65536 : i32
        %and3A_546 = vector.broadcast %and3A_545 : i32 to vector<16xi32>
        %and3A_547 = arith.andi %mul3A_544, %and3A_546 : vector<16xi32>
        %bitcast_convert_type3A_548 = tpu.bitcast %and3A_547 : vector<16xi32> -> vector<16xf32>
        %add3A_549 = arith.addf %add3A_529, %bitcast_convert_type3A_548 : vector<16xf32>
        %mul3A_550 = arith.constant 16 : i32
        %mul3A_551 = arith.muli %scan3A_69, %mul3A_550 : i32
        %add3A_552 = arith.constant 4 : i32
        %add3A_553 = arith.addi %mul3A_551, %add3A_552 : i32
        %add3A_554 = arith.constant 3 : i32
        %add3A_555 = arith.addi %add3A_553, %add3A_554 : i32
        %add3A_556 = arith.constant 0 : i32
        %add3A_557 = arith.addi %and3A_481, %add3A_556 : i32
        %get3A_558 = arith.index_cast %add3A_555 : i32 to index
        %get3A_559 = arith.index_cast %add3A_557 : i32 to index
        %get3A_560 = tpu.vector_load %arg9[%get3A_558, %get3A_559] {strides = array<i32>} : memref<128x128xf32, #tpu.memory_space<vmem>>, vector<1x16xf32>,
        %get3A_561 = vector.shape_cast %get3A_560 : vector<1x16xf32> to vector<16xf32>
        %bitcast_convert_type3A_562 = tpu.bitcast %get3A_561 : vector<16xf32> -> vector<16xi32>
        %mul3A_563 = vector.broadcast %and3A_489 : i32 to vector<16xi32>
        %mul3A_564 = arith.muli %bitcast_convert_type3A_562, %mul3A_563 : vector<16xi32>
        %and3A_565 = arith.constant -65536 : i32
        %and3A_566 = vector.broadcast %and3A_565 : i32 to vector<16xi32>
        %and3A_567 = arith.andi %mul3A_564, %and3A_566 : vector<16xi32>
        %bitcast_convert_type3A_568 = tpu.bitcast %and3A_567 : vector<16xi32> -> vector<16xf32>
        %add3A_569 = arith.addf %add3A_549, %bitcast_convert_type3A_568 : vector<16xf32>
        %max3A_570 = arith.constant 0.000000e+00 : f32
        %max3A_571 = vector.broadcast %max3A_570 : f32 to vector<16xf32>
        %max3A_572 = arith.maximumf %add3A_569, %max3A_571 : vector<16xf32>
        %mul3A_573 = arith.constant 32 : i32
        %mul3A_574 = arith.muli %mul3A_33, %mul3A_573 : i32
        %add3A_575 = arith.addi %mul3A_574, %add3A_465 : i32
        %swap3A_576 = arith.index_cast %add3A_575 : i32 to index
        %swap3A_577 = arith.constant 0 : index
        %swap3A_578 = tpu.vector_load %arg11[%swap3A_576, %swap3A_577] {strides = array<i32>} : memref<512x64xf32, #tpu.memory_space<vmem>>, vector<1x16xf32>,
        %swap3A_579 = vector.shape_cast %swap3A_578 : vector<1x16xf32> to vector<16xf32>
        %swap3A_580 = vector.shape_cast %max3A_572 : vector<16xf32> to vector<1x16xf32>
        tpu.vector_store %arg11[%swap3A_576, %swap3A_577], %swap3A_580 {strides = array<i32>} : memref<512x64xf32, #tpu.memory_space<vmem>>, vector<1x16xf32>,
        %mul3A_581 = arith.constant 16 : i32
        %mul3A_582 = arith.muli %scan3A_69, %mul3A_581 : i32
        %add3A_583 = arith.constant 4 : i32
        %add3A_584 = arith.addi %mul3A_582, %add3A_583 : i32
        %add3A_585 = arith.constant 0 : i32
        %add3A_586 = arith.addi %add3A_584, %add3A_585 : i32
        %add3A_587 = arith.constant 16 : i32
        %add3A_588 = arith.addi %and3A_475, %add3A_587 : i32
        %get3A_589 = arith.index_cast %add3A_586 : i32 to index
        %get3A_590 = arith.index_cast %add3A_588 : i32 to index
        %get3A_591 = tpu.vector_load %arg9[%get3A_589, %get3A_590] {strides = array<i32>} : memref<128x128xf32, #tpu.memory_space<vmem>>, vector<1x16xf32>,
        %get3A_592 = vector.shape_cast %get3A_591 : vector<1x16xf32> to vector<16xf32>
        %bitcast_convert_type3A_593 = tpu.bitcast %get3A_592 : vector<16xf32> -> vector<16xi32>
        %mul3A_594 = vector.broadcast %and3A_483 : i32 to vector<16xi32>
        %mul3A_595 = arith.muli %bitcast_convert_type3A_593, %mul3A_594 : vector<16xi32>
        %and3A_596 = arith.constant -65536 : i32
        %and3A_597 = vector.broadcast %and3A_596 : i32 to vector<16xi32>
        %and3A_598 = arith.andi %mul3A_595, %and3A_597 : vector<16xi32>
        %bitcast_convert_type3A_599 = tpu.bitcast %and3A_598 : vector<16xi32> -> vector<16xf32>
        %add3A_600 = arith.addf %get3A_10, %bitcast_convert_type3A_599 : vector<16xf32>
        %mul3A_601 = arith.constant 16 : i32
        %mul3A_602 = arith.muli %scan3A_69, %mul3A_601 : i32
        %add3A_603 = arith.constant 4 : i32
        %add3A_604 = arith.addi %mul3A_602, %add3A_603 : i32
        %add3A_605 = arith.constant 1 : i32
        %add3A_606 = arith.addi %add3A_604, %add3A_605 : i32
        %add3A_607 = arith.constant 16 : i32
        %add3A_608 = arith.addi %and3A_477, %add3A_607 : i32
        %get3A_609 = arith.index_cast %add3A_606 : i32 to index
        %get3A_610 = arith.index_cast %add3A_608 : i32 to index
        %get3A_611 = tpu.vector_load %arg9[%get3A_609, %get3A_610] {strides = array<i32>} : memref<128x128xf32, #tpu.memory_space<vmem>>, vector<1x16xf32>,
        %get3A_612 = vector.shape_cast %get3A_611 : vector<1x16xf32> to vector<16xf32>
        %bitcast_convert_type3A_613 = tpu.bitcast %get3A_612 : vector<16xf32> -> vector<16xi32>
        %mul3A_614 = vector.broadcast %and3A_485 : i32 to vector<16xi32>
        %mul3A_615 = arith.muli %bitcast_convert_type3A_613, %mul3A_614 : vector<16xi32>
        %and3A_616 = arith.constant -65536 : i32
        %and3A_617 = vector.broadcast %and3A_616 : i32 to vector<16xi32>
        %and3A_618 = arith.andi %mul3A_615, %and3A_617 : vector<16xi32>
        %bitcast_convert_type3A_619 = tpu.bitcast %and3A_618 : vector<16xi32> -> vector<16xf32>
        %add3A_620 = arith.addf %add3A_600, %bitcast_convert_type3A_619 : vector<16xf32>
        %mul3A_621 = arith.constant 16 : i32
        %mul3A_622 = arith.muli %scan3A_69, %mul3A_621 : i32
        %add3A_623 = arith.constant 4 : i32
        %add3A_624 = arith.addi %mul3A_622, %add3A_623 : i32
        %add3A_625 = arith.constant 2 : i32
        %add3A_626 = arith.addi %add3A_624, %add3A_625 : i32
        %add3A_627 = arith.constant 16 : i32
        %add3A_628 = arith.addi %and3A_479, %add3A_627 : i32
        %get3A_629 = arith.index_cast %add3A_626 : i32 to index
        %get3A_630 = arith.index_cast %add3A_628 : i32 to index
        %get3A_631 = tpu.vector_load %arg9[%get3A_629, %get3A_630] {strides = array<i32>} : memref<128x128xf32, #tpu.memory_space<vmem>>, vector<1x16xf32>,
        %get3A_632 = vector.shape_cast %get3A_631 : vector<1x16xf32> to vector<16xf32>
        %bitcast_convert_type3A_633 = tpu.bitcast %get3A_632 : vector<16xf32> -> vector<16xi32>
        %mul3A_634 = vector.broadcast %and3A_487 : i32 to vector<16xi32>
        %mul3A_635 = arith.muli %bitcast_convert_type3A_633, %mul3A_634 : vector<16xi32>
        %and3A_636 = arith.constant -65536 : i32
        %and3A_637 = vector.broadcast %and3A_636 : i32 to vector<16xi32>
        %and3A_638 = arith.andi %mul3A_635, %and3A_637 : vector<16xi32>
        %bitcast_convert_type3A_639 = tpu.bitcast %and3A_638 : vector<16xi32> -> vector<16xf32>
        %add3A_640 = arith.addf %add3A_620, %bitcast_convert_type3A_639 : vector<16xf32>
        %mul3A_641 = arith.constant 16 : i32
        %mul3A_642 = arith.muli %scan3A_69, %mul3A_641 : i32
        %add3A_643 = arith.constant 4 : i32
        %add3A_644 = arith.addi %mul3A_642, %add3A_643 : i32
        %add3A_645 = arith.constant 3 : i32
        %add3A_646 = arith.addi %add3A_644, %add3A_645 : i32
        %add3A_647 = arith.constant 16 : i32
        %add3A_648 = arith.addi %and3A_481, %add3A_647 : i32
        %get3A_649 = arith.index_cast %add3A_646 : i32 to index
        %get3A_650 = arith.index_cast %add3A_648 : i32 to index
        %get3A_651 = tpu.vector_load %arg9[%get3A_649, %get3A_650] {strides = array<i32>} : memref<128x128xf32, #tpu.memory_space<vmem>>, vector<1x16xf32>,
        %get3A_652 = vector.shape_cast %get3A_651 : vector<1x16xf32> to vector<16xf32>
        %bitcast_convert_type3A_653 = tpu.bitcast %get3A_652 : vector<16xf32> -> vector<16xi32>
        %mul3A_654 = vector.broadcast %and3A_489 : i32 to vector<16xi32>
        %mul3A_655 = arith.muli %bitcast_convert_type3A_653, %mul3A_654 : vector<16xi32>
        %and3A_656 = arith.constant -65536 : i32
        %and3A_657 = vector.broadcast %and3A_656 : i32 to vector<16xi32>
        %and3A_658 = arith.andi %mul3A_655, %and3A_657 : vector<16xi32>
        %bitcast_convert_type3A_659 = tpu.bitcast %and3A_658 : vector<16xi32> -> vector<16xf32>
        %add3A_660 = arith.addf %add3A_640, %bitcast_convert_type3A_659 : vector<16xf32>
        %max3A_661 = arith.constant 0.000000e+00 : f32
        %max3A_662 = vector.broadcast %max3A_661 : f32 to vector<16xf32>
        %max3A_663 = arith.maximumf %add3A_660, %max3A_662 : vector<16xf32>
        %mul3A_664 = arith.constant 32 : i32
        %mul3A_665 = arith.muli %mul3A_33, %mul3A_664 : i32
        %add3A_666 = arith.addi %mul3A_665, %add3A_465 : i32
        %swap3A_667 = arith.index_cast %add3A_666 : i32 to index
        %swap3A_668 = arith.constant 16 : index
        %swap3A_669 = tpu.vector_load %arg11[%swap3A_667, %swap3A_668] {strides = array<i32>} : memref<512x64xf32, #tpu.memory_space<vmem>>, vector<1x16xf32>,
        %swap3A_670 = vector.shape_cast %swap3A_669 : vector<1x16xf32> to vector<16xf32>
        %swap3A_671 = vector.shape_cast %max3A_663 : vector<16xf32> to vector<1x16xf32>
        tpu.vector_store %arg11[%swap3A_667, %swap3A_668], %swap3A_671 {strides = array<i32>} : memref<512x64xf32, #tpu.memory_space<vmem>>, vector<1x16xf32>,
        %mul3A_672 = arith.constant 16 : i32
        %mul3A_673 = arith.muli %scan3A_69, %mul3A_672 : i32
        %add3A_674 = arith.constant 4 : i32
        %add3A_675 = arith.addi %mul3A_673, %add3A_674 : i32
        %add3A_676 = arith.constant 0 : i32
        %add3A_677 = arith.addi %add3A_675, %add3A_676 : i32
        %add3A_678 = arith.constant 32 : i32
        %add3A_679 = arith.addi %and3A_475, %add3A_678 : i32
        %get3A_680 = arith.index_cast %add3A_677 : i32 to index
        %get3A_681 = arith.index_cast %add3A_679 : i32 to index
        %get3A_682 = tpu.vector_load %arg9[%get3A_680, %get3A_681] {strides = array<i32>} : memref<128x128xf32, #tpu.memory_space<vmem>>, vector<1x16xf32>,
        %get3A_683 = vector.shape_cast %get3A_682 : vector<1x16xf32> to vector<16xf32>
        %bitcast_convert_type3A_684 = tpu.bitcast %get3A_683 : vector<16xf32> -> vector<16xi32>
        %mul3A_685 = vector.broadcast %and3A_483 : i32 to vector<16xi32>
        %mul3A_686 = arith.muli %bitcast_convert_type3A_684, %mul3A_685 : vector<16xi32>
        %and3A_687 = arith.constant -65536 : i32
        %and3A_688 = vector.broadcast %and3A_687 : i32 to vector<16xi32>
        %and3A_689 = arith.andi %mul3A_686, %and3A_688 : vector<16xi32>
        %bitcast_convert_type3A_690 = tpu.bitcast %and3A_689 : vector<16xi32> -> vector<16xf32>
        %add3A_691 = arith.addf %get3A_13, %bitcast_convert_type3A_690 : vector<16xf32>
        %mul3A_692 = arith.constant 16 : i32
        %mul3A_693 = arith.muli %scan3A_69, %mul3A_692 : i32
        %add3A_694 = arith.constant 4 : i32
        %add3A_695 = arith.addi %mul3A_693, %add3A_694 : i32
        %add3A_696 = arith.constant 1 : i32
        %add3A_697 = arith.addi %add3A_695, %add3A_696 : i32
        %add3A_698 = arith.constant 32 : i32
        %add3A_699 = arith.addi %and3A_477, %add3A_698 : i32
        %get3A_700 = arith.index_cast %add3A_697 : i32 to index
        %get3A_701 = arith.index_cast %add3A_699 : i32 to index
        %get3A_702 = tpu.vector_load %arg9[%get3A_700, %get3A_701] {strides = array<i32>} : memref<128x128xf32, #tpu.memory_space<vmem>>, vector<1x16xf32>,
        %get3A_703 = vector.shape_cast %get3A_702 : vector<1x16xf32> to vector<16xf32>
        %bitcast_convert_type3A_704 = tpu.bitcast %get3A_703 : vector<16xf32> -> vector<16xi32>
        %mul3A_705 = vector.broadcast %and3A_485 : i32 to vector<16xi32>
        %mul3A_706 = arith.muli %bitcast_convert_type3A_704, %mul3A_705 : vector<16xi32>
        %and3A_707 = arith.constant -65536 : i32
        %and3A_708 = vector.broadcast %and3A_707 : i32 to vector<16xi32>
        %and3A_709 = arith.andi %mul3A_706, %and3A_708 : vector<16xi32>
        %bitcast_convert_type3A_710 = tpu.bitcast %and3A_709 : vector<16xi32> -> vector<16xf32>
        %add3A_711 = arith.addf %add3A_691, %bitcast_convert_type3A_710 : vector<16xf32>
        %mul3A_712 = arith.constant 16 : i32
        %mul3A_713 = arith.muli %scan3A_69, %mul3A_712 : i32
        %add3A_714 = arith.constant 4 : i32
        %add3A_715 = arith.addi %mul3A_713, %add3A_714 : i32
        %add3A_716 = arith.constant 2 : i32
        %add3A_717 = arith.addi %add3A_715, %add3A_716 : i32
        %add3A_718 = arith.constant 32 : i32
        %add3A_719 = arith.addi %and3A_479, %add3A_718 : i32
        %get3A_720 = arith.index_cast %add3A_717 : i32 to index
        %get3A_721 = arith.index_cast %add3A_719 : i32 to index
        %get3A_722 = tpu.vector_load %arg9[%get3A_720, %get3A_721] {strides = array<i32>} : memref<128x128xf32, #tpu.memory_space<vmem>>, vector<1x16xf32>,
        %get3A_723 = vector.shape_cast %get3A_722 : vector<1x16xf32> to vector<16xf32>
        %bitcast_convert_type3A_724 = tpu.bitcast %get3A_723 : vector<16xf32> -> vector<16xi32>
        %mul3A_725 = vector.broadcast %and3A_487 : i32 to vector<16xi32>
        %mul3A_726 = arith.muli %bitcast_convert_type3A_724, %mul3A_725 : vector<16xi32>
        %and3A_727 = arith.constant -65536 : i32
        %and3A_728 = vector.broadcast %and3A_727 : i32 to vector<16xi32>
        %and3A_729 = arith.andi %mul3A_726, %and3A_728 : vector<16xi32>
        %bitcast_convert_type3A_730 = tpu.bitcast %and3A_729 : vector<16xi32> -> vector<16xf32>
        %add3A_731 = arith.addf %add3A_711, %bitcast_convert_type3A_730 : vector<16xf32>
        %mul3A_732 = arith.constant 16 : i32
        %mul3A_733 = arith.muli %scan3A_69, %mul3A_732 : i32
        %add3A_734 = arith.constant 4 : i32
        %add3A_735 = arith.addi %mul3A_733, %add3A_734 : i32
        %add3A_736 = arith.constant 3 : i32
        %add3A_737 = arith.addi %add3A_735, %add3A_736 : i32
        %add3A_738 = arith.constant 32 : i32
        %add3A_739 = arith.addi %and3A_481, %add3A_738 : i32
        %get3A_740 = arith.index_cast %add3A_737 : i32 to index
        %get3A_741 = arith.index_cast %add3A_739 : i32 to index
        %get3A_742 = tpu.vector_load %arg9[%get3A_740, %get3A_741] {strides = array<i32>} : memref<128x128xf32, #tpu.memory_space<vmem>>, vector<1x16xf32>,
        %get3A_743 = vector.shape_cast %get3A_742 : vector<1x16xf32> to vector<16xf32>
        %bitcast_convert_type3A_744 = tpu.bitcast %get3A_743 : vector<16xf32> -> vector<16xi32>
        %mul3A_745 = vector.broadcast %and3A_489 : i32 to vector<16xi32>
        %mul3A_746 = arith.muli %bitcast_convert_type3A_744, %mul3A_745 : vector<16xi32>
        %and3A_747 = arith.constant -65536 : i32
        %and3A_748 = vector.broadcast %and3A_747 : i32 to vector<16xi32>
        %and3A_749 = arith.andi %mul3A_746, %and3A_748 : vector<16xi32>
        %bitcast_convert_type3A_750 = tpu.bitcast %and3A_749 : vector<16xi32> -> vector<16xf32>
        %add3A_751 = arith.addf %add3A_731, %bitcast_convert_type3A_750 : vector<16xf32>
        %max3A_752 = arith.constant 0.000000e+00 : f32
        %max3A_753 = vector.broadcast %max3A_752 : f32 to vector<16xf32>
        %max3A_754 = arith.maximumf %add3A_751, %max3A_753 : vector<16xf32>
        %mul3A_755 = arith.constant 32 : i32
        %mul3A_756 = arith.muli %mul3A_33, %mul3A_755 : i32
        %add3A_757 = arith.addi %mul3A_756, %add3A_465 : i32
        %swap3A_758 = arith.index_cast %add3A_757 : i32 to index
        %swap3A_759 = arith.constant 32 : index
        %swap3A_760 = tpu.vector_load %arg11[%swap3A_758, %swap3A_759] {strides = array<i32>} : memref<512x64xf32, #tpu.memory_space<vmem>>, vector<1x16xf32>,
        %swap3A_761 = vector.shape_cast %swap3A_760 : vector<1x16xf32> to vector<16xf32>
        %swap3A_762 = vector.shape_cast %max3A_754 : vector<16xf32> to vector<1x16xf32>
        tpu.vector_store %arg11[%swap3A_758, %swap3A_759], %swap3A_762 {strides = array<i32>} : memref<512x64xf32, #tpu.memory_space<vmem>>, vector<1x16xf32>,
        %mul3A_763 = arith.constant 16 : i32
        %mul3A_764 = arith.muli %scan3A_69, %mul3A_763 : i32
        %add3A_765 = arith.constant 4 : i32
        %add3A_766 = arith.addi %mul3A_764, %add3A_765 : i32
        %add3A_767 = arith.constant 0 : i32
        %add3A_768 = arith.addi %add3A_766, %add3A_767 : i32
        %add3A_769 = arith.constant 48 : i32
        %add3A_770 = arith.addi %and3A_475, %add3A_769 : i32
        %get3A_771 = arith.index_cast %add3A_768 : i32 to index
        %get3A_772 = arith.index_cast %add3A_770 : i32 to index
        %get3A_773 = tpu.vector_load %arg9[%get3A_771, %get3A_772] {strides = array<i32>} : memref<128x128xf32, #tpu.memory_space<vmem>>, vector<1x16xf32>,
        %get3A_774 = vector.shape_cast %get3A_773 : vector<1x16xf32> to vector<16xf32>
        %bitcast_convert_type3A_775 = tpu.bitcast %get3A_774 : vector<16xf32> -> vector<16xi32>
        %mul3A_776 = vector.broadcast %and3A_483 : i32 to vector<16xi32>
        %mul3A_777 = arith.muli %bitcast_convert_type3A_775, %mul3A_776 : vector<16xi32>
        %and3A_778 = arith.constant -65536 : i32
        %and3A_779 = vector.broadcast %and3A_778 : i32 to vector<16xi32>
        %and3A_780 = arith.andi %mul3A_777, %and3A_779 : vector<16xi32>
        %bitcast_convert_type3A_781 = tpu.bitcast %and3A_780 : vector<16xi32> -> vector<16xf32>
        %add3A_782 = arith.addf %get3A_16, %bitcast_convert_type3A_781 : vector<16xf32>
        %mul3A_783 = arith.constant 16 : i32
        %mul3A_784 = arith.muli %scan3A_69, %mul3A_783 : i32
        %add3A_785 = arith.constant 4 : i32
        %add3A_786 = arith.addi %mul3A_784, %add3A_785 : i32
        %add3A_787 = arith.constant 1 : i32
        %add3A_788 = arith.addi %add3A_786, %add3A_787 : i32
        %add3A_789 = arith.constant 48 : i32
        %add3A_790 = arith.addi %and3A_477, %add3A_789 : i32
        %get3A_791 = arith.index_cast %add3A_788 : i32 to index
        %get3A_792 = arith.index_cast %add3A_790 : i32 to index
        %get3A_793 = tpu.vector_load %arg9[%get3A_791, %get3A_792] {strides = array<i32>} : memref<128x128xf32, #tpu.memory_space<vmem>>, vector<1x16xf32>,
        %get3A_794 = vector.shape_cast %get3A_793 : vector<1x16xf32> to vector<16xf32>
        %bitcast_convert_type3A_795 = tpu.bitcast %get3A_794 : vector<16xf32> -> vector<16xi32>
        %mul3A_796 = vector.broadcast %and3A_485 : i32 to vector<16xi32>
        %mul3A_797 = arith.muli %bitcast_convert_type3A_795, %mul3A_796 : vector<16xi32>
        %and3A_798 = arith.constant -65536 : i32
        %and3A_799 = vector.broadcast %and3A_798 : i32 to vector<16xi32>
        %and3A_800 = arith.andi %mul3A_797, %and3A_799 : vector<16xi32>
        %bitcast_convert_type3A_801 = tpu.bitcast %and3A_800 : vector<16xi32> -> vector<16xf32>
        %add3A_802 = arith.addf %add3A_782, %bitcast_convert_type3A_801 : vector<16xf32>
        %mul3A_803 = arith.constant 16 : i32
        %mul3A_804 = arith.muli %scan3A_69, %mul3A_803 : i32
        %add3A_805 = arith.constant 4 : i32
        %add3A_806 = arith.addi %mul3A_804, %add3A_805 : i32
        %add3A_807 = arith.constant 2 : i32
        %add3A_808 = arith.addi %add3A_806, %add3A_807 : i32
        %add3A_809 = arith.constant 48 : i32
        %add3A_810 = arith.addi %and3A_479, %add3A_809 : i32
        %get3A_811 = arith.index_cast %add3A_808 : i32 to index
        %get3A_812 = arith.index_cast %add3A_810 : i32 to index
        %get3A_813 = tpu.vector_load %arg9[%get3A_811, %get3A_812] {strides = array<i32>} : memref<128x128xf32, #tpu.memory_space<vmem>>, vector<1x16xf32>,
        %get3A_814 = vector.shape_cast %get3A_813 : vector<1x16xf32> to vector<16xf32>
        %bitcast_convert_type3A_815 = tpu.bitcast %get3A_814 : vector<16xf32> -> vector<16xi32>
        %mul3A_816 = vector.broadcast %and3A_487 : i32 to vector<16xi32>
        %mul3A_817 = arith.muli %bitcast_convert_type3A_815, %mul3A_816 : vector<16xi32>
        %and3A_818 = arith.constant -65536 : i32
        %and3A_819 = vector.broadcast %and3A_818 : i32 to vector<16xi32>
        %and3A_820 = arith.andi %mul3A_817, %and3A_819 : vector<16xi32>
        %bitcast_convert_type3A_821 = tpu.bitcast %and3A_820 : vector<16xi32> -> vector<16xf32>
        %add3A_822 = arith.addf %add3A_802, %bitcast_convert_type3A_821 : vector<16xf32>
        %mul3A_823 = arith.constant 16 : i32
        %mul3A_824 = arith.muli %scan3A_69, %mul3A_823 : i32
        %add3A_825 = arith.constant 4 : i32
        %add3A_826 = arith.addi %mul3A_824, %add3A_825 : i32
        %add3A_827 = arith.constant 3 : i32
        %add3A_828 = arith.addi %add3A_826, %add3A_827 : i32
        %add3A_829 = arith.constant 48 : i32
        %add3A_830 = arith.addi %and3A_481, %add3A_829 : i32
        %get3A_831 = arith.index_cast %add3A_828 : i32 to index
        %get3A_832 = arith.index_cast %add3A_830 : i32 to index
        %get3A_833 = tpu.vector_load %arg9[%get3A_831, %get3A_832] {strides = array<i32>} : memref<128x128xf32, #tpu.memory_space<vmem>>, vector<1x16xf32>,
        %get3A_834 = vector.shape_cast %get3A_833 : vector<1x16xf32> to vector<16xf32>
        %bitcast_convert_type3A_835 = tpu.bitcast %get3A_834 : vector<16xf32> -> vector<16xi32>
        %mul3A_836 = vector.broadcast %and3A_489 : i32 to vector<16xi32>
        %mul3A_837 = arith.muli %bitcast_convert_type3A_835, %mul3A_836 : vector<16xi32>
        %and3A_838 = arith.constant -65536 : i32
        %and3A_839 = vector.broadcast %and3A_838 : i32 to vector<16xi32>
        %and3A_840 = arith.andi %mul3A_837, %and3A_839 : vector<16xi32>
        %bitcast_convert_type3A_841 = tpu.bitcast %and3A_840 : vector<16xi32> -> vector<16xf32>
        %add3A_842 = arith.addf %add3A_822, %bitcast_convert_type3A_841 : vector<16xf32>
        %max3A_843 = arith.constant 0.000000e+00 : f32
        %max3A_844 = vector.broadcast %max3A_843 : f32 to vector<16xf32>
        %max3A_845 = arith.maximumf %add3A_842, %max3A_844 : vector<16xf32>
        %mul3A_846 = arith.constant 32 : i32
        %mul3A_847 = arith.muli %mul3A_33, %mul3A_846 : i32
        %add3A_848 = arith.addi %mul3A_847, %add3A_465 : i32
        %swap3A_849 = arith.index_cast %add3A_848 : i32 to index
        %swap3A_850 = arith.constant 48 : index
        %swap3A_851 = tpu.vector_load %arg11[%swap3A_849, %swap3A_850] {strides = array<i32>} : memref<512x64xf32, #tpu.memory_space<vmem>>, vector<1x16xf32>,
        %swap3A_852 = vector.shape_cast %swap3A_851 : vector<1x16xf32> to vector<16xf32>
        %swap3A_853 = vector.shape_cast %max3A_845 : vector<16xf32> to vector<1x16xf32>
        tpu.vector_store %arg11[%swap3A_849, %swap3A_850], %swap3A_853 {strides = array<i32>} : memref<512x64xf32, #tpu.memory_space<vmem>>, vector<1x16xf32>,
        %mul3A_854 = arith.constant 4 : i32
        %mul3A_855 = arith.muli %scan3A_69, %mul3A_854 : i32
        %add3A_856 = arith.constant 2 : i32
        %add3A_857 = arith.addi %mul3A_855, %add3A_856 : i32
        %slice3A_858 = vector.extract_strided_slice %get3A_75 {offsets = [8], sizes = [1], strides = [1]} : vector<16xi32> to vector<1xi32>
        %squeeze3A_859 = vector.extract %slice3A_858[0] : i32 from vector<1xi32>
        %slice3A_860 = vector.extract_strided_slice %get3A_75 {offsets = [9], sizes = [1], strides = [1]} : vector<16xi32> to vector<1xi32>
        %squeeze3A_861 = vector.extract %slice3A_860[0] : i32 from vector<1xi32>
        %slice3A_862 = vector.extract_strided_slice %get3A_75 {offsets = [10], sizes = [1], strides = [1]} : vector<16xi32> to vector<1xi32>
        %squeeze3A_863 = vector.extract %slice3A_862[0] : i32 from vector<1xi32>
        %slice3A_864 = vector.extract_strided_slice %get3A_75 {offsets = [11], sizes = [1], strides = [1]} : vector<16xi32> to vector<1xi32>
        %squeeze3A_865 = vector.extract %slice3A_864[0] : i32 from vector<1xi32>
        %and3A_866 = arith.constant 64 : i32
        %and3A_867 = arith.andi %squeeze3A_859, %and3A_866 : i32
        %and3A_868 = arith.constant 64 : i32
        %and3A_869 = arith.andi %squeeze3A_861, %and3A_868 : i32
        %and3A_870 = arith.constant 64 : i32
        %and3A_871 = arith.andi %squeeze3A_863, %and3A_870 : i32
        %and3A_872 = arith.constant 64 : i32
        %and3A_873 = arith.andi %squeeze3A_865, %and3A_872 : i32
        %and3A_874 = arith.constant 65537 : i32
        %and3A_875 = arith.andi %squeeze3A_859, %and3A_874 : i32
        %and3A_876 = arith.constant 65537 : i32
        %and3A_877 = arith.andi %squeeze3A_861, %and3A_876 : i32
        %and3A_878 = arith.constant 65537 : i32
        %and3A_879 = arith.andi %squeeze3A_863, %and3A_878 : i32
        %and3A_880 = arith.constant 65537 : i32
        %and3A_881 = arith.andi %squeeze3A_865, %and3A_880 : i32
        %mul3A_882 = arith.constant 16 : i32
        %mul3A_883 = arith.muli %scan3A_69, %mul3A_882 : i32
        %add3A_884 = arith.constant 8 : i32
        %add3A_885 = arith.addi %mul3A_883, %add3A_884 : i32
        %add3A_886 = arith.constant 0 : i32
        %add3A_887 = arith.addi %add3A_885, %add3A_886 : i32
        %add3A_888 = arith.constant 0 : i32
        %add3A_889 = arith.addi %and3A_867, %add3A_888 : i32
        %get3A_890 = arith.index_cast %add3A_887 : i32 to index
        %get3A_891 = arith.index_cast %add3A_889 : i32 to index
        %get3A_892 = tpu.vector_load %arg9[%get3A_890, %get3A_891] {strides = array<i32>} : memref<128x128xf32, #tpu.memory_space<vmem>>, vector<1x16xf32>,
        %get3A_893 = vector.shape_cast %get3A_892 : vector<1x16xf32> to vector<16xf32>
        %bitcast_convert_type3A_894 = tpu.bitcast %get3A_893 : vector<16xf32> -> vector<16xi32>
        %mul3A_895 = vector.broadcast %and3A_875 : i32 to vector<16xi32>
        %mul3A_896 = arith.muli %bitcast_convert_type3A_894, %mul3A_895 : vector<16xi32>
        %and3A_897 = arith.constant -65536 : i32
        %and3A_898 = vector.broadcast %and3A_897 : i32 to vector<16xi32>
        %and3A_899 = arith.andi %mul3A_896, %and3A_898 : vector<16xi32>
        %bitcast_convert_type3A_900 = tpu.bitcast %and3A_899 : vector<16xi32> -> vector<16xf32>
        %add3A_901 = arith.addf %get3A_7, %bitcast_convert_type3A_900 : vector<16xf32>
        %mul3A_902 = arith.constant 16 : i32
        %mul3A_903 = arith.muli %scan3A_69, %mul3A_902 : i32
        %add3A_904 = arith.constant 8 : i32
        %add3A_905 = arith.addi %mul3A_903, %add3A_904 : i32
        %add3A_906 = arith.constant 1 : i32
        %add3A_907 = arith.addi %add3A_905, %add3A_906 : i32
        %add3A_908 = arith.constant 0 : i32
        %add3A_909 = arith.addi %and3A_869, %add3A_908 : i32
        %get3A_910 = arith.index_cast %add3A_907 : i32 to index
        %get3A_911 = arith.index_cast %add3A_909 : i32 to index
        %get3A_912 = tpu.vector_load %arg9[%get3A_910, %get3A_911] {strides = array<i32>} : memref<128x128xf32, #tpu.memory_space<vmem>>, vector<1x16xf32>,
        %get3A_913 = vector.shape_cast %get3A_912 : vector<1x16xf32> to vector<16xf32>
        %bitcast_convert_type3A_914 = tpu.bitcast %get3A_913 : vector<16xf32> -> vector<16xi32>
        %mul3A_915 = vector.broadcast %and3A_877 : i32 to vector<16xi32>
        %mul3A_916 = arith.muli %bitcast_convert_type3A_914, %mul3A_915 : vector<16xi32>
        %and3A_917 = arith.constant -65536 : i32
        %and3A_918 = vector.broadcast %and3A_917 : i32 to vector<16xi32>
        %and3A_919 = arith.andi %mul3A_916, %and3A_918 : vector<16xi32>
        %bitcast_convert_type3A_920 = tpu.bitcast %and3A_919 : vector<16xi32> -> vector<16xf32>
        %add3A_921 = arith.addf %add3A_901, %bitcast_convert_type3A_920 : vector<16xf32>
        %mul3A_922 = arith.constant 16 : i32
        %mul3A_923 = arith.muli %scan3A_69, %mul3A_922 : i32
        %add3A_924 = arith.constant 8 : i32
        %add3A_925 = arith.addi %mul3A_923, %add3A_924 : i32
        %add3A_926 = arith.constant 2 : i32
        %add3A_927 = arith.addi %add3A_925, %add3A_926 : i32
        %add3A_928 = arith.constant 0 : i32
        %add3A_929 = arith.addi %and3A_871, %add3A_928 : i32
        %get3A_930 = arith.index_cast %add3A_927 : i32 to index
        %get3A_931 = arith.index_cast %add3A_929 : i32 to index
        %get3A_932 = tpu.vector_load %arg9[%get3A_930, %get3A_931] {strides = array<i32>} : memref<128x128xf32, #tpu.memory_space<vmem>>, vector<1x16xf32>,
        %get3A_933 = vector.shape_cast %get3A_932 : vector<1x16xf32> to vector<16xf32>
        %bitcast_convert_type3A_934 = tpu.bitcast %get3A_933 : vector<16xf32> -> vector<16xi32>
        %mul3A_935 = vector.broadcast %and3A_879 : i32 to vector<16xi32>
        %mul3A_936 = arith.muli %bitcast_convert_type3A_934, %mul3A_935 : vector<16xi32>
        %and3A_937 = arith.constant -65536 : i32
        %and3A_938 = vector.broadcast %and3A_937 : i32 to vector<16xi32>
        %and3A_939 = arith.andi %mul3A_936, %and3A_938 : vector<16xi32>
        %bitcast_convert_type3A_940 = tpu.bitcast %and3A_939 : vector<16xi32> -> vector<16xf32>
        %add3A_941 = arith.addf %add3A_921, %bitcast_convert_type3A_940 : vector<16xf32>
        %mul3A_942 = arith.constant 16 : i32
        %mul3A_943 = arith.muli %scan3A_69, %mul3A_942 : i32
        %add3A_944 = arith.constant 8 : i32
        %add3A_945 = arith.addi %mul3A_943, %add3A_944 : i32
        %add3A_946 = arith.constant 3 : i32
        %add3A_947 = arith.addi %add3A_945, %add3A_946 : i32
        %add3A_948 = arith.constant 0 : i32
        %add3A_949 = arith.addi %and3A_873, %add3A_948 : i32
        %get3A_950 = arith.index_cast %add3A_947 : i32 to index
        %get3A_951 = arith.index_cast %add3A_949 : i32 to index
        %get3A_952 = tpu.vector_load %arg9[%get3A_950, %get3A_951] {strides = array<i32>} : memref<128x128xf32, #tpu.memory_space<vmem>>, vector<1x16xf32>,
        %get3A_953 = vector.shape_cast %get3A_952 : vector<1x16xf32> to vector<16xf32>
        %bitcast_convert_type3A_954 = tpu.bitcast %get3A_953 : vector<16xf32> -> vector<16xi32>
        %mul3A_955 = vector.broadcast %and3A_881 : i32 to vector<16xi32>
        %mul3A_956 = arith.muli %bitcast_convert_type3A_954, %mul3A_955 : vector<16xi32>
        %and3A_957 = arith.constant -65536 : i32
        %and3A_958 = vector.broadcast %and3A_957 : i32 to vector<16xi32>
        %and3A_959 = arith.andi %mul3A_956, %and3A_958 : vector<16xi32>
        %bitcast_convert_type3A_960 = tpu.bitcast %and3A_959 : vector<16xi32> -> vector<16xf32>
        %add3A_961 = arith.addf %add3A_941, %bitcast_convert_type3A_960 : vector<16xf32>
        %max3A_962 = arith.constant 0.000000e+00 : f32
        %max3A_963 = vector.broadcast %max3A_962 : f32 to vector<16xf32>
        %max3A_964 = arith.maximumf %add3A_961, %max3A_963 : vector<16xf32>
        %mul3A_965 = arith.constant 32 : i32
        %mul3A_966 = arith.muli %mul3A_33, %mul3A_965 : i32
        %add3A_967 = arith.addi %mul3A_966, %add3A_857 : i32
        %swap3A_968 = arith.index_cast %add3A_967 : i32 to index
        %swap3A_969 = arith.constant 0 : index
        %swap3A_970 = tpu.vector_load %arg11[%swap3A_968, %swap3A_969] {strides = array<i32>} : memref<512x64xf32, #tpu.memory_space<vmem>>, vector<1x16xf32>,
        %swap3A_971 = vector.shape_cast %swap3A_970 : vector<1x16xf32> to vector<16xf32>
        %swap3A_972 = vector.shape_cast %max3A_964 : vector<16xf32> to vector<1x16xf32>
        tpu.vector_store %arg11[%swap3A_968, %swap3A_969], %swap3A_972 {strides = array<i32>} : memref<512x64xf32, #tpu.memory_space<vmem>>, vector<1x16xf32>,
        %mul3A_973 = arith.constant 16 : i32
        %mul3A_974 = arith.muli %scan3A_69, %mul3A_973 : i32
        %add3A_975 = arith.constant 8 : i32
        %add3A_976 = arith.addi %mul3A_974, %add3A_975 : i32
        %add3A_977 = arith.constant 0 : i32
        %add3A_978 = arith.addi %add3A_976, %add3A_977 : i32
        %add3A_979 = arith.constant 16 : i32
        %add3A_980 = arith.addi %and3A_867, %add3A_979 : i32
        %get3A_981 = arith.index_cast %add3A_978 : i32 to index
        %get3A_982 = arith.index_cast %add3A_980 : i32 to index
        %get3A_983 = tpu.vector_load %arg9[%get3A_981, %get3A_982] {strides = array<i32>} : memref<128x128xf32, #tpu.memory_space<vmem>>, vector<1x16xf32>,
        %get3A_984 = vector.shape_cast %get3A_983 : vector<1x16xf32> to vector<16xf32>
        %bitcast_convert_type3A_985 = tpu.bitcast %get3A_984 : vector<16xf32> -> vector<16xi32>
        %mul3A_986 = vector.broadcast %and3A_875 : i32 to vector<16xi32>
        %mul3A_987 = arith.muli %bitcast_convert_type3A_985, %mul3A_986 : vector<16xi32>
        %and3A_988 = arith.constant -65536 : i32
        %and3A_989 = vector.broadcast %and3A_988 : i32 to vector<16xi32>
        %and3A_990 = arith.andi %mul3A_987, %and3A_989 : vector<16xi32>
        %bitcast_convert_type3A_991 = tpu.bitcast %and3A_990 : vector<16xi32> -> vector<16xf32>
        %add3A_992 = arith.addf %get3A_10, %bitcast_convert_type3A_991 : vector<16xf32>
        %mul3A_993 = arith.constant 16 : i32
        %mul3A_994 = arith.muli %scan3A_69, %mul3A_993 : i32
        %add3A_995 = arith.constant 8 : i32
        %add3A_996 = arith.addi %mul3A_994, %add3A_995 : i32
        %add3A_997 = arith.constant 1 : i32
        %add3A_998 = arith.addi %add3A_996, %add3A_997 : i32
        %add3A_999 = arith.constant 16 : i32
        %add3A_1000 = arith.addi %and3A_869, %add3A_999 : i32
        %get3A_1001 = arith.index_cast %add3A_998 : i32 to index
        %get3A_1002 = arith.index_cast %add3A_1000 : i32 to index
        %get3A_1003 = tpu.vector_load %arg9[%get3A_1001, %get3A_1002] {strides = array<i32>} : memref<128x128xf32, #tpu.memory_space<vmem>>, vector<1x16xf32>,
        %get3A_1004 = vector.shape_cast %get3A_1003 : vector<1x16xf32> to vector<16xf32>
        %bitcast_convert_type3A_1005 = tpu.bitcast %get3A_1004 : vector<16xf32> -> vector<16xi32>
        %mul3A_1006 = vector.broadcast %and3A_877 : i32 to vector<16xi32>
        %mul3A_1007 = arith.muli %bitcast_convert_type3A_1005, %mul3A_1006 : vector<16xi32>
        %and3A_1008 = arith.constant -65536 : i32
        %and3A_1009 = vector.broadcast %and3A_1008 : i32 to vector<16xi32>
        %and3A_1010 = arith.andi %mul3A_1007, %and3A_1009 : vector<16xi32>
        %bitcast_convert_type3A_1011 = tpu.bitcast %and3A_1010 : vector<16xi32> -> vector<16xf32>
        %add3A_1012 = arith.addf %add3A_992, %bitcast_convert_type3A_1011 : vector<16xf32>
        %mul3A_1013 = arith.constant 16 : i32
        %mul3A_1014 = arith.muli %scan3A_69, %mul3A_1013 : i32
        %add3A_1015 = arith.constant 8 : i32
        %add3A_1016 = arith.addi %mul3A_1014, %add3A_1015 : i32
        %add3A_1017 = arith.constant 2 : i32
        %add3A_1018 = arith.addi %add3A_1016, %add3A_1017 : i32
        %add3A_1019 = arith.constant 16 : i32
        %add3A_1020 = arith.addi %and3A_871, %add3A_1019 : i32
        %get3A_1021 = arith.index_cast %add3A_1018 : i32 to index
        %get3A_1022 = arith.index_cast %add3A_1020 : i32 to index
        %get3A_1023 = tpu.vector_load %arg9[%get3A_1021, %get3A_1022] {strides = array<i32>} : memref<128x128xf32, #tpu.memory_space<vmem>>, vector<1x16xf32>,
        %get3A_1024 = vector.shape_cast %get3A_1023 : vector<1x16xf32> to vector<16xf32>
        %bitcast_convert_type3A_1025 = tpu.bitcast %get3A_1024 : vector<16xf32> -> vector<16xi32>
        %mul3A_1026 = vector.broadcast %and3A_879 : i32 to vector<16xi32>
        %mul3A_1027 = arith.muli %bitcast_convert_type3A_1025, %mul3A_1026 : vector<16xi32>
        %and3A_1028 = arith.constant -65536 : i32
        %and3A_1029 = vector.broadcast %and3A_1028 : i32 to vector<16xi32>
        %and3A_1030 = arith.andi %mul3A_1027, %and3A_1029 : vector<16xi32>
        %bitcast_convert_type3A_1031 = tpu.bitcast %and3A_1030 : vector<16xi32> -> vector<16xf32>
        %add3A_1032 = arith.addf %add3A_1012, %bitcast_convert_type3A_1031 : vector<16xf32>
        %mul3A_1033 = arith.constant 16 : i32
        %mul3A_1034 = arith.muli %scan3A_69, %mul3A_1033 : i32
        %add3A_1035 = arith.constant 8 : i32
        %add3A_1036 = arith.addi %mul3A_1034, %add3A_1035 : i32
        %add3A_1037 = arith.constant 3 : i32
        %add3A_1038 = arith.addi %add3A_1036, %add3A_1037 : i32
        %add3A_1039 = arith.constant 16 : i32
        %add3A_1040 = arith.addi %and3A_873, %add3A_1039 : i32
        %get3A_1041 = arith.index_cast %add3A_1038 : i32 to index
        %get3A_1042 = arith.index_cast %add3A_1040 : i32 to index
        %get3A_1043 = tpu.vector_load %arg9[%get3A_1041, %get3A_1042] {strides = array<i32>} : memref<128x128xf32, #tpu.memory_space<vmem>>, vector<1x16xf32>,
        %get3A_1044 = vector.shape_cast %get3A_1043 : vector<1x16xf32> to vector<16xf32>
        %bitcast_convert_type3A_1045 = tpu.bitcast %get3A_1044 : vector<16xf32> -> vector<16xi32>
        %mul3A_1046 = vector.broadcast %and3A_881 : i32 to vector<16xi32>
        %mul3A_1047 = arith.muli %bitcast_convert_type3A_1045, %mul3A_1046 : vector<16xi32>
        %and3A_1048 = arith.constant -65536 : i32
        %and3A_1049 = vector.broadcast %and3A_1048 : i32 to vector<16xi32>
        %and3A_1050 = arith.andi %mul3A_1047, %and3A_1049 : vector<16xi32>
        %bitcast_convert_type3A_1051 = tpu.bitcast %and3A_1050 : vector<16xi32> -> vector<16xf32>
        %add3A_1052 = arith.addf %add3A_1032, %bitcast_convert_type3A_1051 : vector<16xf32>
        %max3A_1053 = arith.constant 0.000000e+00 : f32
        %max3A_1054 = vector.broadcast %max3A_1053 : f32 to vector<16xf32>
        %max3A_1055 = arith.maximumf %add3A_1052, %max3A_1054 : vector<16xf32>
        %mul3A_1056 = arith.constant 32 : i32
        %mul3A_1057 = arith.muli %mul3A_33, %mul3A_1056 : i32
        %add3A_1058 = arith.addi %mul3A_1057, %add3A_857 : i32
        %swap3A_1059 = arith.index_cast %add3A_1058 : i32 to index
        %swap3A_1060 = arith.constant 16 : index
        %swap3A_1061 = tpu.vector_load %arg11[%swap3A_1059, %swap3A_1060] {strides = array<i32>} : memref<512x64xf32, #tpu.memory_space<vmem>>, vector<1x16xf32>,
        %swap3A_1062 = vector.shape_cast %swap3A_1061 : vector<1x16xf32> to vector<16xf32>
        %swap3A_1063 = vector.shape_cast %max3A_1055 : vector<16xf32> to vector<1x16xf32>
        tpu.vector_store %arg11[%swap3A_1059, %swap3A_1060], %swap3A_1063 {strides = array<i32>} : memref<512x64xf32, #tpu.memory_space<vmem>>, vector<1x16xf32>,
        %mul3A_1064 = arith.constant 16 : i32
        %mul3A_1065 = arith.muli %scan3A_69, %mul3A_1064 : i32
        %add3A_1066 = arith.constant 8 : i32
        %add3A_1067 = arith.addi %mul3A_1065, %add3A_1066 : i32
        %add3A_1068 = arith.constant 0 : i32
        %add3A_1069 = arith.addi %add3A_1067, %add3A_1068 : i32
        %add3A_1070 = arith.constant 32 : i32
        %add3A_1071 = arith.addi %and3A_867, %add3A_1070 : i32
        %get3A_1072 = arith.index_cast %add3A_1069 : i32 to index
        %get3A_1073 = arith.index_cast %add3A_1071 : i32 to index
        %get3A_1074 = tpu.vector_load %arg9[%get3A_1072, %get3A_1073] {strides = array<i32>} : memref<128x128xf32, #tpu.memory_space<vmem>>, vector<1x16xf32>,
        %get3A_1075 = vector.shape_cast %get3A_1074 : vector<1x16xf32> to vector<16xf32>
        %bitcast_convert_type3A_1076 = tpu.bitcast %get3A_1075 : vector<16xf32> -> vector<16xi32>
        %mul3A_1077 = vector.broadcast %and3A_875 : i32 to vector<16xi32>
        %mul3A_1078 = arith.muli %bitcast_convert_type3A_1076, %mul3A_1077 : vector<16xi32>
        %and3A_1079 = arith.constant -65536 : i32
        %and3A_1080 = vector.broadcast %and3A_1079 : i32 to vector<16xi32>
        %and3A_1081 = arith.andi %mul3A_1078, %and3A_1080 : vector<16xi32>
        %bitcast_convert_type3A_1082 = tpu.bitcast %and3A_1081 : vector<16xi32> -> vector<16xf32>
        %add3A_1083 = arith.addf %get3A_13, %bitcast_convert_type3A_1082 : vector<16xf32>
        %mul3A_1084 = arith.constant 16 : i32
        %mul3A_1085 = arith.muli %scan3A_69, %mul3A_1084 : i32
        %add3A_1086 = arith.constant 8 : i32
        %add3A_1087 = arith.addi %mul3A_1085, %add3A_1086 : i32
        %add3A_1088 = arith.constant 1 : i32
        %add3A_1089 = arith.addi %add3A_1087, %add3A_1088 : i32
        %add3A_1090 = arith.constant 32 : i32
        %add3A_1091 = arith.addi %and3A_869, %add3A_1090 : i32
        %get3A_1092 = arith.index_cast %add3A_1089 : i32 to index
        %get3A_1093 = arith.index_cast %add3A_1091 : i32 to index
        %get3A_1094 = tpu.vector_load %arg9[%get3A_1092, %get3A_1093] {strides = array<i32>} : memref<128x128xf32, #tpu.memory_space<vmem>>, vector<1x16xf32>,
        %get3A_1095 = vector.shape_cast %get3A_1094 : vector<1x16xf32> to vector<16xf32>
        %bitcast_convert_type3A_1096 = tpu.bitcast %get3A_1095 : vector<16xf32> -> vector<16xi32>
        %mul3A_1097 = vector.broadcast %and3A_877 : i32 to vector<16xi32>
        %mul3A_1098 = arith.muli %bitcast_convert_type3A_1096, %mul3A_1097 : vector<16xi32>
        %and3A_1099 = arith.constant -65536 : i32
        %and3A_1100 = vector.broadcast %and3A_1099 : i32 to vector<16xi32>
        %and3A_1101 = arith.andi %mul3A_1098, %and3A_1100 : vector<16xi32>
        %bitcast_convert_type3A_1102 = tpu.bitcast %and3A_1101 : vector<16xi32> -> vector<16xf32>
        %add3A_1103 = arith.addf %add3A_1083, %bitcast_convert_type3A_1102 : vector<16xf32>
        %mul3A_1104 = arith.constant 16 : i32
        %mul3A_1105 = arith.muli %scan3A_69, %mul3A_1104 : i32
        %add3A_1106 = arith.constant 8 : i32
        %add3A_1107 = arith.addi %mul3A_1105, %add3A_1106 : i32
        %add3A_1108 = arith.constant 2 : i32
        %add3A_1109 = arith.addi %add3A_1107, %add3A_1108 : i32
        %add3A_1110 = arith.constant 32 : i32
        %add3A_1111 = arith.addi %and3A_871, %add3A_1110 : i32
        %get3A_1112 = arith.index_cast %add3A_1109 : i32 to index
        %get3A_1113 = arith.index_cast %add3A_1111 : i32 to index
        %get3A_1114 = tpu.vector_load %arg9[%get3A_1112, %get3A_1113] {strides = array<i32>} : memref<128x128xf32, #tpu.memory_space<vmem>>, vector<1x16xf32>,
        %get3A_1115 = vector.shape_cast %get3A_1114 : vector<1x16xf32> to vector<16xf32>
        %bitcast_convert_type3A_1116 = tpu.bitcast %get3A_1115 : vector<16xf32> -> vector<16xi32>
        %mul3A_1117 = vector.broadcast %and3A_879 : i32 to vector<16xi32>
        %mul3A_1118 = arith.muli %bitcast_convert_type3A_1116, %mul3A_1117 : vector<16xi32>
        %and3A_1119 = arith.constant -65536 : i32
        %and3A_1120 = vector.broadcast %and3A_1119 : i32 to vector<16xi32>
        %and3A_1121 = arith.andi %mul3A_1118, %and3A_1120 : vector<16xi32>
        %bitcast_convert_type3A_1122 = tpu.bitcast %and3A_1121 : vector<16xi32> -> vector<16xf32>
        %add3A_1123 = arith.addf %add3A_1103, %bitcast_convert_type3A_1122 : vector<16xf32>
        %mul3A_1124 = arith.constant 16 : i32
        %mul3A_1125 = arith.muli %scan3A_69, %mul3A_1124 : i32
        %add3A_1126 = arith.constant 8 : i32
        %add3A_1127 = arith.addi %mul3A_1125, %add3A_1126 : i32
        %add3A_1128 = arith.constant 3 : i32
        %add3A_1129 = arith.addi %add3A_1127, %add3A_1128 : i32
        %add3A_1130 = arith.constant 32 : i32
        %add3A_1131 = arith.addi %and3A_873, %add3A_1130 : i32
        %get3A_1132 = arith.index_cast %add3A_1129 : i32 to index
        %get3A_1133 = arith.index_cast %add3A_1131 : i32 to index
        %get3A_1134 = tpu.vector_load %arg9[%get3A_1132, %get3A_1133] {strides = array<i32>} : memref<128x128xf32, #tpu.memory_space<vmem>>, vector<1x16xf32>,
        %get3A_1135 = vector.shape_cast %get3A_1134 : vector<1x16xf32> to vector<16xf32>
        %bitcast_convert_type3A_1136 = tpu.bitcast %get3A_1135 : vector<16xf32> -> vector<16xi32>
        %mul3A_1137 = vector.broadcast %and3A_881 : i32 to vector<16xi32>
        %mul3A_1138 = arith.muli %bitcast_convert_type3A_1136, %mul3A_1137 : vector<16xi32>
        %and3A_1139 = arith.constant -65536 : i32
        %and3A_1140 = vector.broadcast %and3A_1139 : i32 to vector<16xi32>
        %and3A_1141 = arith.andi %mul3A_1138, %and3A_1140 : vector<16xi32>
        %bitcast_convert_type3A_1142 = tpu.bitcast %and3A_1141 : vector<16xi32> -> vector<16xf32>
        %add3A_1143 = arith.addf %add3A_1123, %bitcast_convert_type3A_1142 : vector<16xf32>
        %max3A_1144 = arith.constant 0.000000e+00 : f32
        %max3A_1145 = vector.broadcast %max3A_1144 : f32 to vector<16xf32>
        %max3A_1146 = arith.maximumf %add3A_1143, %max3A_1145 : vector<16xf32>
        %mul3A_1147 = arith.constant 32 : i32
        %mul3A_1148 = arith.muli %mul3A_33, %mul3A_1147 : i32
        %add3A_1149 = arith.addi %mul3A_1148, %add3A_857 : i32
        %swap3A_1150 = arith.index_cast %add3A_1149 : i32 to index
        %swap3A_1151 = arith.constant 32 : index
        %swap3A_1152 = tpu.vector_load %arg11[%swap3A_1150, %swap3A_1151] {strides = array<i32>} : memref<512x64xf32, #tpu.memory_space<vmem>>, vector<1x16xf32>,
        %swap3A_1153 = vector.shape_cast %swap3A_1152 : vector<1x16xf32> to vector<16xf32>
        %swap3A_1154 = vector.shape_cast %max3A_1146 : vector<16xf32> to vector<1x16xf32>
        tpu.vector_store %arg11[%swap3A_1150, %swap3A_1151], %swap3A_1154 {strides = array<i32>} : memref<512x64xf32, #tpu.memory_space<vmem>>, vector<1x16xf32>,
        %mul3A_1155 = arith.constant 16 : i32
        %mul3A_1156 = arith.muli %scan3A_69, %mul3A_1155 : i32
        %add3A_1157 = arith.constant 8 : i32
        %add3A_1158 = arith.addi %mul3A_1156, %add3A_1157 : i32
        %add3A_1159 = arith.constant 0 : i32
        %add3A_1160 = arith.addi %add3A_1158, %add3A_1159 : i32
        %add3A_1161 = arith.constant 48 : i32
        %add3A_1162 = arith.addi %and3A_867, %add3A_1161 : i32
        %get3A_1163 = arith.index_cast %add3A_1160 : i32 to index
        %get3A_1164 = arith.index_cast %add3A_1162 : i32 to index
        %get3A_1165 = tpu.vector_load %arg9[%get3A_1163, %get3A_1164] {strides = array<i32>} : memref<128x128xf32, #tpu.memory_space<vmem>>, vector<1x16xf32>,
        %get3A_1166 = vector.shape_cast %get3A_1165 : vector<1x16xf32> to vector<16xf32>
        %bitcast_convert_type3A_1167 = tpu.bitcast %get3A_1166 : vector<16xf32> -> vector<16xi32>
        %mul3A_1168 = vector.broadcast %and3A_875 : i32 to vector<16xi32>
        %mul3A_1169 = arith.muli %bitcast_convert_type3A_1167, %mul3A_1168 : vector<16xi32>
        %and3A_1170 = arith.constant -65536 : i32
        %and3A_1171 = vector.broadcast %and3A_1170 : i32 to vector<16xi32>
        %and3A_1172 = arith.andi %mul3A_1169, %and3A_1171 : vector<16xi32>
        %bitcast_convert_type3A_1173 = tpu.bitcast %and3A_1172 : vector<16xi32> -> vector<16xf32>
        %add3A_1174 = arith.addf %get3A_16, %bitcast_convert_type3A_1173 : vector<16xf32>
        %mul3A_1175 = arith.constant 16 : i32
        %mul3A_1176 = arith.muli %scan3A_69, %mul3A_1175 : i32
        %add3A_1177 = arith.constant 8 : i32
        %add3A_1178 = arith.addi %mul3A_1176, %add3A_1177 : i32
        %add3A_1179 = arith.constant 1 : i32
        %add3A_1180 = arith.addi %add3A_1178, %add3A_1179 : i32
        %add3A_1181 = arith.constant 48 : i32
        %add3A_1182 = arith.addi %and3A_869, %add3A_1181 : i32
        %get3A_1183 = arith.index_cast %add3A_1180 : i32 to index
        %get3A_1184 = arith.index_cast %add3A_1182 : i32 to index
        %get3A_1185 = tpu.vector_load %arg9[%get3A_1183, %get3A_1184] {strides = array<i32>} : memref<128x128xf32, #tpu.memory_space<vmem>>, vector<1x16xf32>,
        %get3A_1186 = vector.shape_cast %get3A_1185 : vector<1x16xf32> to vector<16xf32>
        %bitcast_convert_type3A_1187 = tpu.bitcast %get3A_1186 : vector<16xf32> -> vector<16xi32>
        %mul3A_1188 = vector.broadcast %and3A_877 : i32 to vector<16xi32>
        %mul3A_1189 = arith.muli %bitcast_convert_type3A_1187, %mul3A_1188 : vector<16xi32>
        %and3A_1190 = arith.constant -65536 : i32
        %and3A_1191 = vector.broadcast %and3A_1190 : i32 to vector<16xi32>
        %and3A_1192 = arith.andi %mul3A_1189, %and3A_1191 : vector<16xi32>
        %bitcast_convert_type3A_1193 = tpu.bitcast %and3A_1192 : vector<16xi32> -> vector<16xf32>
        %add3A_1194 = arith.addf %add3A_1174, %bitcast_convert_type3A_1193 : vector<16xf32>
        %mul3A_1195 = arith.constant 16 : i32
        %mul3A_1196 = arith.muli %scan3A_69, %mul3A_1195 : i32
        %add3A_1197 = arith.constant 8 : i32
        %add3A_1198 = arith.addi %mul3A_1196, %add3A_1197 : i32
        %add3A_1199 = arith.constant 2 : i32
        %add3A_1200 = arith.addi %add3A_1198, %add3A_1199 : i32
        %add3A_1201 = arith.constant 48 : i32
        %add3A_1202 = arith.addi %and3A_871, %add3A_1201 : i32
        %get3A_1203 = arith.index_cast %add3A_1200 : i32 to index
        %get3A_1204 = arith.index_cast %add3A_1202 : i32 to index
        %get3A_1205 = tpu.vector_load %arg9[%get3A_1203, %get3A_1204] {strides = array<i32>} : memref<128x128xf32, #tpu.memory_space<vmem>>, vector<1x16xf32>,
        %get3A_1206 = vector.shape_cast %get3A_1205 : vector<1x16xf32> to vector<16xf32>
        %bitcast_convert_type3A_1207 = tpu.bitcast %get3A_1206 : vector<16xf32> -> vector<16xi32>
        %mul3A_1208 = vector.broadcast %and3A_879 : i32 to vector<16xi32>
        %mul3A_1209 = arith.muli %bitcast_convert_type3A_1207, %mul3A_1208 : vector<16xi32>
        %and3A_1210 = arith.constant -65536 : i32
        %and3A_1211 = vector.broadcast %and3A_1210 : i32 to vector<16xi32>
        %and3A_1212 = arith.andi %mul3A_1209, %and3A_1211 : vector<16xi32>
        %bitcast_convert_type3A_1213 = tpu.bitcast %and3A_1212 : vector<16xi32> -> vector<16xf32>
        %add3A_1214 = arith.addf %add3A_1194, %bitcast_convert_type3A_1213 : vector<16xf32>
        %mul3A_1215 = arith.constant 16 : i32
        %mul3A_1216 = arith.muli %scan3A_69, %mul3A_1215 : i32
        %add3A_1217 = arith.constant 8 : i32
        %add3A_1218 = arith.addi %mul3A_1216, %add3A_1217 : i32
        %add3A_1219 = arith.constant 3 : i32
        %add3A_1220 = arith.addi %add3A_1218, %add3A_1219 : i32
        %add3A_1221 = arith.constant 48 : i32
        %add3A_1222 = arith.addi %and3A_873, %add3A_1221 : i32
        %get3A_1223 = arith.index_cast %add3A_1220 : i32 to index
        %get3A_1224 = arith.index_cast %add3A_1222 : i32 to index
        %get3A_1225 = tpu.vector_load %arg9[%get3A_1223, %get3A_1224] {strides = array<i32>} : memref<128x128xf32, #tpu.memory_space<vmem>>, vector<1x16xf32>,
        %get3A_1226 = vector.shape_cast %get3A_1225 : vector<1x16xf32> to vector<16xf32>
        %bitcast_convert_type3A_1227 = tpu.bitcast %get3A_1226 : vector<16xf32> -> vector<16xi32>
        %mul3A_1228 = vector.broadcast %and3A_881 : i32 to vector<16xi32>
        %mul3A_1229 = arith.muli %bitcast_convert_type3A_1227, %mul3A_1228 : vector<16xi32>
        %and3A_1230 = arith.constant -65536 : i32
        %and3A_1231 = vector.broadcast %and3A_1230 : i32 to vector<16xi32>
        %and3A_1232 = arith.andi %mul3A_1229, %and3A_1231 : vector<16xi32>
        %bitcast_convert_type3A_1233 = tpu.bitcast %and3A_1232 : vector<16xi32> -> vector<16xf32>
        %add3A_1234 = arith.addf %add3A_1214, %bitcast_convert_type3A_1233 : vector<16xf32>
        %max3A_1235 = arith.constant 0.000000e+00 : f32
        %max3A_1236 = vector.broadcast %max3A_1235 : f32 to vector<16xf32>
        %max3A_1237 = arith.maximumf %add3A_1234, %max3A_1236 : vector<16xf32>
        %mul3A_1238 = arith.constant 32 : i32
        %mul3A_1239 = arith.muli %mul3A_33, %mul3A_1238 : i32
        %add3A_1240 = arith.addi %mul3A_1239, %add3A_857 : i32
        %swap3A_1241 = arith.index_cast %add3A_1240 : i32 to index
        %swap3A_1242 = arith.constant 48 : index
        %swap3A_1243 = tpu.vector_load %arg11[%swap3A_1241, %swap3A_1242] {strides = array<i32>} : memref<512x64xf32, #tpu.memory_space<vmem>>, vector<1x16xf32>,
        %swap3A_1244 = vector.shape_cast %swap3A_1243 : vector<1x16xf32> to vector<16xf32>
        %swap3A_1245 = vector.shape_cast %max3A_1237 : vector<16xf32> to vector<1x16xf32>
        tpu.vector_store %arg11[%swap3A_1241, %swap3A_1242], %swap3A_1245 {strides = array<i32>} : memref<512x64xf32, #tpu.memory_space<vmem>>, vector<1x16xf32>,
        %mul3A_1246 = arith.constant 4 : i32
        %mul3A_1247 = arith.muli %scan3A_69, %mul3A_1246 : i32
        %add3A_1248 = arith.constant 3 : i32
        %add3A_1249 = arith.addi %mul3A_1247, %add3A_1248 : i32
        %slice3A_1250 = vector.extract_strided_slice %get3A_75 {offsets = [12], sizes = [1], strides = [1]} : vector<16xi32> to vector<1xi32>
        %squeeze3A_1251 = vector.extract %slice3A_1250[0] : i32 from vector<1xi32>
        %slice3A_1252 = vector.extract_strided_slice %get3A_75 {offsets = [13], sizes = [1], strides = [1]} : vector<16xi32> to vector<1xi32>
        %squeeze3A_1253 = vector.extract %slice3A_1252[0] : i32 from vector<1xi32>
        %slice3A_1254 = vector.extract_strided_slice %get3A_75 {offsets = [14], sizes = [1], strides = [1]} : vector<16xi32> to vector<1xi32>
        %squeeze3A_1255 = vector.extract %slice3A_1254[0] : i32 from vector<1xi32>
        %slice3A_1256 = vector.extract_strided_slice %get3A_75 {offsets = [15], sizes = [1], strides = [1]} : vector<16xi32> to vector<1xi32>
        %squeeze3A_1257 = vector.extract %slice3A_1256[0] : i32 from vector<1xi32>
        %and3A_1258 = arith.constant 64 : i32
        %and3A_1259 = arith.andi %squeeze3A_1251, %and3A_1258 : i32
        %and3A_1260 = arith.constant 64 : i32
        %and3A_1261 = arith.andi %squeeze3A_1253, %and3A_1260 : i32
        %and3A_1262 = arith.constant 64 : i32
        %and3A_1263 = arith.andi %squeeze3A_1255, %and3A_1262 : i32
        %and3A_1264 = arith.constant 64 : i32
        %and3A_1265 = arith.andi %squeeze3A_1257, %and3A_1264 : i32
        %and3A_1266 = arith.constant 65537 : i32
        %and3A_1267 = arith.andi %squeeze3A_1251, %and3A_1266 : i32
        %and3A_1268 = arith.constant 65537 : i32
        %and3A_1269 = arith.andi %squeeze3A_1253, %and3A_1268 : i32
        %and3A_1270 = arith.constant 65537 : i32
        %and3A_1271 = arith.andi %squeeze3A_1255, %and3A_1270 : i32
        %and3A_1272 = arith.constant 65537 : i32
        %and3A_1273 = arith.andi %squeeze3A_1257, %and3A_1272 : i32
        %mul3A_1274 = arith.constant 16 : i32
        %mul3A_1275 = arith.muli %scan3A_69, %mul3A_1274 : i32
        %add3A_1276 = arith.constant 12 : i32
        %add3A_1277 = arith.addi %mul3A_1275, %add3A_1276 : i32
        %add3A_1278 = arith.constant 0 : i32
        %add3A_1279 = arith.addi %add3A_1277, %add3A_1278 : i32
        %add3A_1280 = arith.constant 0 : i32
        %add3A_1281 = arith.addi %and3A_1259, %add3A_1280 : i32
        %get3A_1282 = arith.index_cast %add3A_1279 : i32 to index
        %get3A_1283 = arith.index_cast %add3A_1281 : i32 to index
        %get3A_1284 = tpu.vector_load %arg9[%get3A_1282, %get3A_1283] {strides = array<i32>} : memref<128x128xf32, #tpu.memory_space<vmem>>, vector<1x16xf32>,
        %get3A_1285 = vector.shape_cast %get3A_1284 : vector<1x16xf32> to vector<16xf32>
        %bitcast_convert_type3A_1286 = tpu.bitcast %get3A_1285 : vector<16xf32> -> vector<16xi32>
        %mul3A_1287 = vector.broadcast %and3A_1267 : i32 to vector<16xi32>
        %mul3A_1288 = arith.muli %bitcast_convert_type3A_1286, %mul3A_1287 : vector<16xi32>
        %and3A_1289 = arith.constant -65536 : i32
        %and3A_1290 = vector.broadcast %and3A_1289 : i32 to vector<16xi32>
        %and3A_1291 = arith.andi %mul3A_1288, %and3A_1290 : vector<16xi32>
        %bitcast_convert_type3A_1292 = tpu.bitcast %and3A_1291 : vector<16xi32> -> vector<16xf32>
        %add3A_1293 = arith.addf %get3A_7, %bitcast_convert_type3A_1292 : vector<16xf32>
        %mul3A_1294 = arith.constant 16 : i32
        %mul3A_1295 = arith.muli %scan3A_69, %mul3A_1294 : i32
        %add3A_1296 = arith.constant 12 : i32
        %add3A_1297 = arith.addi %mul3A_1295, %add3A_1296 : i32
        %add3A_1298 = arith.constant 1 : i32
        %add3A_1299 = arith.addi %add3A_1297, %add3A_1298 : i32
        %add3A_1300 = arith.constant 0 : i32
        %add3A_1301 = arith.addi %and3A_1261, %add3A_1300 : i32
        %get3A_1302 = arith.index_cast %add3A_1299 : i32 to index
        %get3A_1303 = arith.index_cast %add3A_1301 : i32 to index
        %get3A_1304 = tpu.vector_load %arg9[%get3A_1302, %get3A_1303] {strides = array<i32>} : memref<128x128xf32, #tpu.memory_space<vmem>>, vector<1x16xf32>,
        %get3A_1305 = vector.shape_cast %get3A_1304 : vector<1x16xf32> to vector<16xf32>
        %bitcast_convert_type3A_1306 = tpu.bitcast %get3A_1305 : vector<16xf32> -> vector<16xi32>
        %mul3A_1307 = vector.broadcast %and3A_1269 : i32 to vector<16xi32>
        %mul3A_1308 = arith.muli %bitcast_convert_type3A_1306, %mul3A_1307 : vector<16xi32>
        %and3A_1309 = arith.constant -65536 : i32
        %and3A_1310 = vector.broadcast %and3A_1309 : i32 to vector<16xi32>
        %and3A_1311 = arith.andi %mul3A_1308, %and3A_1310 : vector<16xi32>
        %bitcast_convert_type3A_1312 = tpu.bitcast %and3A_1311 : vector<16xi32> -> vector<16xf32>
        %add3A_1313 = arith.addf %add3A_1293, %bitcast_convert_type3A_1312 : vector<16xf32>
        %mul3A_1314 = arith.constant 16 : i32
        %mul3A_1315 = arith.muli %scan3A_69, %mul3A_1314 : i32
        %add3A_1316 = arith.constant 12 : i32
        %add3A_1317 = arith.addi %mul3A_1315, %add3A_1316 : i32
        %add3A_1318 = arith.constant 2 : i32
        %add3A_1319 = arith.addi %add3A_1317, %add3A_1318 : i32
        %add3A_1320 = arith.constant 0 : i32
        %add3A_1321 = arith.addi %and3A_1263, %add3A_1320 : i32
        %get3A_1322 = arith.index_cast %add3A_1319 : i32 to index
        %get3A_1323 = arith.index_cast %add3A_1321 : i32 to index
        %get3A_1324 = tpu.vector_load %arg9[%get3A_1322, %get3A_1323] {strides = array<i32>} : memref<128x128xf32, #tpu.memory_space<vmem>>, vector<1x16xf32>,
        %get3A_1325 = vector.shape_cast %get3A_1324 : vector<1x16xf32> to vector<16xf32>
        %bitcast_convert_type3A_1326 = tpu.bitcast %get3A_1325 : vector<16xf32> -> vector<16xi32>
        %mul3A_1327 = vector.broadcast %and3A_1271 : i32 to vector<16xi32>
        %mul3A_1328 = arith.muli %bitcast_convert_type3A_1326, %mul3A_1327 : vector<16xi32>
        %and3A_1329 = arith.constant -65536 : i32
        %and3A_1330 = vector.broadcast %and3A_1329 : i32 to vector<16xi32>
        %and3A_1331 = arith.andi %mul3A_1328, %and3A_1330 : vector<16xi32>
        %bitcast_convert_type3A_1332 = tpu.bitcast %and3A_1331 : vector<16xi32> -> vector<16xf32>
        %add3A_1333 = arith.addf %add3A_1313, %bitcast_convert_type3A_1332 : vector<16xf32>
        %mul3A_1334 = arith.constant 16 : i32
        %mul3A_1335 = arith.muli %scan3A_69, %mul3A_1334 : i32
        %add3A_1336 = arith.constant 12 : i32
        %add3A_1337 = arith.addi %mul3A_1335, %add3A_1336 : i32
        %add3A_1338 = arith.constant 3 : i32
        %add3A_1339 = arith.addi %add3A_1337, %add3A_1338 : i32
        %add3A_1340 = arith.constant 0 : i32
        %add3A_1341 = arith.addi %and3A_1265, %add3A_1340 : i32
        %get3A_1342 = arith.index_cast %add3A_1339 : i32 to index
        %get3A_1343 = arith.index_cast %add3A_1341 : i32 to index
        %get3A_1344 = tpu.vector_load %arg9[%get3A_1342, %get3A_1343] {strides = array<i32>} : memref<128x128xf32, #tpu.memory_space<vmem>>, vector<1x16xf32>,
        %get3A_1345 = vector.shape_cast %get3A_1344 : vector<1x16xf32> to vector<16xf32>
        %bitcast_convert_type3A_1346 = tpu.bitcast %get3A_1345 : vector<16xf32> -> vector<16xi32>
        %mul3A_1347 = vector.broadcast %and3A_1273 : i32 to vector<16xi32>
        %mul3A_1348 = arith.muli %bitcast_convert_type3A_1346, %mul3A_1347 : vector<16xi32>
        %and3A_1349 = arith.constant -65536 : i32
        %and3A_1350 = vector.broadcast %and3A_1349 : i32 to vector<16xi32>
        %and3A_1351 = arith.andi %mul3A_1348, %and3A_1350 : vector<16xi32>
        %bitcast_convert_type3A_1352 = tpu.bitcast %and3A_1351 : vector<16xi32> -> vector<16xf32>
        %add3A_1353 = arith.addf %add3A_1333, %bitcast_convert_type3A_1352 : vector<16xf32>
        %max3A_1354 = arith.constant 0.000000e+00 : f32
        %max3A_1355 = vector.broadcast %max3A_1354 : f32 to vector<16xf32>
        %max3A_1356 = arith.maximumf %add3A_1353, %max3A_1355 : vector<16xf32>
        %mul3A_1357 = arith.constant 32 : i32
        %mul3A_1358 = arith.muli %mul3A_33, %mul3A_1357 : i32
        %add3A_1359 = arith.addi %mul3A_1358, %add3A_1249 : i32
        %swap3A_1360 = arith.index_cast %add3A_1359 : i32 to index
        %swap3A_1361 = arith.constant 0 : index
        %swap3A_1362 = tpu.vector_load %arg11[%swap3A_1360, %swap3A_1361] {strides = array<i32>} : memref<512x64xf32, #tpu.memory_space<vmem>>, vector<1x16xf32>,
        %swap3A_1363 = vector.shape_cast %swap3A_1362 : vector<1x16xf32> to vector<16xf32>
        %swap3A_1364 = vector.shape_cast %max3A_1356 : vector<16xf32> to vector<1x16xf32>
        tpu.vector_store %arg11[%swap3A_1360, %swap3A_1361], %swap3A_1364 {strides = array<i32>} : memref<512x64xf32, #tpu.memory_space<vmem>>, vector<1x16xf32>,
        %mul3A_1365 = arith.constant 16 : i32
        %mul3A_1366 = arith.muli %scan3A_69, %mul3A_1365 : i32
        %add3A_1367 = arith.constant 12 : i32
        %add3A_1368 = arith.addi %mul3A_1366, %add3A_1367 : i32
        %add3A_1369 = arith.constant 0 : i32
        %add3A_1370 = arith.addi %add3A_1368, %add3A_1369 : i32
        %add3A_1371 = arith.constant 16 : i32
        %add3A_1372 = arith.addi %and3A_1259, %add3A_1371 : i32
        %get3A_1373 = arith.index_cast %add3A_1370 : i32 to index
        %get3A_1374 = arith.index_cast %add3A_1372 : i32 to index
        %get3A_1375 = tpu.vector_load %arg9[%get3A_1373, %get3A_1374] {strides = array<i32>} : memref<128x128xf32, #tpu.memory_space<vmem>>, vector<1x16xf32>,
        %get3A_1376 = vector.shape_cast %get3A_1375 : vector<1x16xf32> to vector<16xf32>
        %bitcast_convert_type3A_1377 = tpu.bitcast %get3A_1376 : vector<16xf32> -> vector<16xi32>
        %mul3A_1378 = vector.broadcast %and3A_1267 : i32 to vector<16xi32>
        %mul3A_1379 = arith.muli %bitcast_convert_type3A_1377, %mul3A_1378 : vector<16xi32>
        %and3A_1380 = arith.constant -65536 : i32
        %and3A_1381 = vector.broadcast %and3A_1380 : i32 to vector<16xi32>
        %and3A_1382 = arith.andi %mul3A_1379, %and3A_1381 : vector<16xi32>
        %bitcast_convert_type3A_1383 = tpu.bitcast %and3A_1382 : vector<16xi32> -> vector<16xf32>
        %add3A_1384 = arith.addf %get3A_10, %bitcast_convert_type3A_1383 : vector<16xf32>
        %mul3A_1385 = arith.constant 16 : i32
        %mul3A_1386 = arith.muli %scan3A_69, %mul3A_1385 : i32
        %add3A_1387 = arith.constant 12 : i32
        %add3A_1388 = arith.addi %mul3A_1386, %add3A_1387 : i32
        %add3A_1389 = arith.constant 1 : i32
        %add3A_1390 = arith.addi %add3A_1388, %add3A_1389 : i32
        %add3A_1391 = arith.constant 16 : i32
        %add3A_1392 = arith.addi %and3A_1261, %add3A_1391 : i32
        %get3A_1393 = arith.index_cast %add3A_1390 : i32 to index
        %get3A_1394 = arith.index_cast %add3A_1392 : i32 to index
        %get3A_1395 = tpu.vector_load %arg9[%get3A_1393, %get3A_1394] {strides = array<i32>} : memref<128x128xf32, #tpu.memory_space<vmem>>, vector<1x16xf32>,
        %get3A_1396 = vector.shape_cast %get3A_1395 : vector<1x16xf32> to vector<16xf32>
        %bitcast_convert_type3A_1397 = tpu.bitcast %get3A_1396 : vector<16xf32> -> vector<16xi32>
        %mul3A_1398 = vector.broadcast %and3A_1269 : i32 to vector<16xi32>
        %mul3A_1399 = arith.muli %bitcast_convert_type3A_1397, %mul3A_1398 : vector<16xi32>
        %and3A_1400 = arith.constant -65536 : i32
        %and3A_1401 = vector.broadcast %and3A_1400 : i32 to vector<16xi32>
        %and3A_1402 = arith.andi %mul3A_1399, %and3A_1401 : vector<16xi32>
        %bitcast_convert_type3A_1403 = tpu.bitcast %and3A_1402 : vector<16xi32> -> vector<16xf32>
        %add3A_1404 = arith.addf %add3A_1384, %bitcast_convert_type3A_1403 : vector<16xf32>
        %mul3A_1405 = arith.constant 16 : i32
        %mul3A_1406 = arith.muli %scan3A_69, %mul3A_1405 : i32
        %add3A_1407 = arith.constant 12 : i32
        %add3A_1408 = arith.addi %mul3A_1406, %add3A_1407 : i32
        %add3A_1409 = arith.constant 2 : i32
        %add3A_1410 = arith.addi %add3A_1408, %add3A_1409 : i32
        %add3A_1411 = arith.constant 16 : i32
        %add3A_1412 = arith.addi %and3A_1263, %add3A_1411 : i32
        %get3A_1413 = arith.index_cast %add3A_1410 : i32 to index
        %get3A_1414 = arith.index_cast %add3A_1412 : i32 to index
        %get3A_1415 = tpu.vector_load %arg9[%get3A_1413, %get3A_1414] {strides = array<i32>} : memref<128x128xf32, #tpu.memory_space<vmem>>, vector<1x16xf32>,
        %get3A_1416 = vector.shape_cast %get3A_1415 : vector<1x16xf32> to vector<16xf32>
        %bitcast_convert_type3A_1417 = tpu.bitcast %get3A_1416 : vector<16xf32> -> vector<16xi32>
        %mul3A_1418 = vector.broadcast %and3A_1271 : i32 to vector<16xi32>
        %mul3A_1419 = arith.muli %bitcast_convert_type3A_1417, %mul3A_1418 : vector<16xi32>
        %and3A_1420 = arith.constant -65536 : i32
        %and3A_1421 = vector.broadcast %and3A_1420 : i32 to vector<16xi32>
        %and3A_1422 = arith.andi %mul3A_1419, %and3A_1421 : vector<16xi32>
        %bitcast_convert_type3A_1423 = tpu.bitcast %and3A_1422 : vector<16xi32> -> vector<16xf32>
        %add3A_1424 = arith.addf %add3A_1404, %bitcast_convert_type3A_1423 : vector<16xf32>
        %mul3A_1425 = arith.constant 16 : i32
        %mul3A_1426 = arith.muli %scan3A_69, %mul3A_1425 : i32
        %add3A_1427 = arith.constant 12 : i32
        %add3A_1428 = arith.addi %mul3A_1426, %add3A_1427 : i32
        %add3A_1429 = arith.constant 3 : i32
        %add3A_1430 = arith.addi %add3A_1428, %add3A_1429 : i32
        %add3A_1431 = arith.constant 16 : i32
        %add3A_1432 = arith.addi %and3A_1265, %add3A_1431 : i32
        %get3A_1433 = arith.index_cast %add3A_1430 : i32 to index
        %get3A_1434 = arith.index_cast %add3A_1432 : i32 to index
        %get3A_1435 = tpu.vector_load %arg9[%get3A_1433, %get3A_1434] {strides = array<i32>} : memref<128x128xf32, #tpu.memory_space<vmem>>, vector<1x16xf32>,
        %get3A_1436 = vector.shape_cast %get3A_1435 : vector<1x16xf32> to vector<16xf32>
        %bitcast_convert_type3A_1437 = tpu.bitcast %get3A_1436 : vector<16xf32> -> vector<16xi32>
        %mul3A_1438 = vector.broadcast %and3A_1273 : i32 to vector<16xi32>
        %mul3A_1439 = arith.muli %bitcast_convert_type3A_1437, %mul3A_1438 : vector<16xi32>
        %and3A_1440 = arith.constant -65536 : i32
        %and3A_1441 = vector.broadcast %and3A_1440 : i32 to vector<16xi32>
        %and3A_1442 = arith.andi %mul3A_1439, %and3A_1441 : vector<16xi32>
        %bitcast_convert_type3A_1443 = tpu.bitcast %and3A_1442 : vector<16xi32> -> vector<16xf32>
        %add3A_1444 = arith.addf %add3A_1424, %bitcast_convert_type3A_1443 : vector<16xf32>
        %max3A_1445 = arith.constant 0.000000e+00 : f32
        %max3A_1446 = vector.broadcast %max3A_1445 : f32 to vector<16xf32>
        %max3A_1447 = arith.maximumf %add3A_1444, %max3A_1446 : vector<16xf32>
        %mul3A_1448 = arith.constant 32 : i32
        %mul3A_1449 = arith.muli %mul3A_33, %mul3A_1448 : i32
        %add3A_1450 = arith.addi %mul3A_1449, %add3A_1249 : i32
        %swap3A_1451 = arith.index_cast %add3A_1450 : i32 to index
        %swap3A_1452 = arith.constant 16 : index
        %swap3A_1453 = tpu.vector_load %arg11[%swap3A_1451, %swap3A_1452] {strides = array<i32>} : memref<512x64xf32, #tpu.memory_space<vmem>>, vector<1x16xf32>,
        %swap3A_1454 = vector.shape_cast %swap3A_1453 : vector<1x16xf32> to vector<16xf32>
        %swap3A_1455 = vector.shape_cast %max3A_1447 : vector<16xf32> to vector<1x16xf32>
        tpu.vector_store %arg11[%swap3A_1451, %swap3A_1452], %swap3A_1455 {strides = array<i32>} : memref<512x64xf32, #tpu.memory_space<vmem>>, vector<1x16xf32>,
        %mul3A_1456 = arith.constant 16 : i32
        %mul3A_1457 = arith.muli %scan3A_69, %mul3A_1456 : i32
        %add3A_1458 = arith.constant 12 : i32
        %add3A_1459 = arith.addi %mul3A_1457, %add3A_1458 : i32
        %add3A_1460 = arith.constant 0 : i32
        %add3A_1461 = arith.addi %add3A_1459, %add3A_1460 : i32
        %add3A_1462 = arith.constant 32 : i32
        %add3A_1463 = arith.addi %and3A_1259, %add3A_1462 : i32
        %get3A_1464 = arith.index_cast %add3A_1461 : i32 to index
        %get3A_1465 = arith.index_cast %add3A_1463 : i32 to index
        %get3A_1466 = tpu.vector_load %arg9[%get3A_1464, %get3A_1465] {strides = array<i32>} : memref<128x128xf32, #tpu.memory_space<vmem>>, vector<1x16xf32>,
        %get3A_1467 = vector.shape_cast %get3A_1466 : vector<1x16xf32> to vector<16xf32>
        %bitcast_convert_type3A_1468 = tpu.bitcast %get3A_1467 : vector<16xf32> -> vector<16xi32>
        %mul3A_1469 = vector.broadcast %and3A_1267 : i32 to vector<16xi32>
        %mul3A_1470 = arith.muli %bitcast_convert_type3A_1468, %mul3A_1469 : vector<16xi32>
        %and3A_1471 = arith.constant -65536 : i32
        %and3A_1472 = vector.broadcast %and3A_1471 : i32 to vector<16xi32>
        %and3A_1473 = arith.andi %mul3A_1470, %and3A_1472 : vector<16xi32>
        %bitcast_convert_type3A_1474 = tpu.bitcast %and3A_1473 : vector<16xi32> -> vector<16xf32>
        %add3A_1475 = arith.addf %get3A_13, %bitcast_convert_type3A_1474 : vector<16xf32>
        %mul3A_1476 = arith.constant 16 : i32
        %mul3A_1477 = arith.muli %scan3A_69, %mul3A_1476 : i32
        %add3A_1478 = arith.constant 12 : i32
        %add3A_1479 = arith.addi %mul3A_1477, %add3A_1478 : i32
        %add3A_1480 = arith.constant 1 : i32
        %add3A_1481 = arith.addi %add3A_1479, %add3A_1480 : i32
        %add3A_1482 = arith.constant 32 : i32
        %add3A_1483 = arith.addi %and3A_1261, %add3A_1482 : i32
        %get3A_1484 = arith.index_cast %add3A_1481 : i32 to index
        %get3A_1485 = arith.index_cast %add3A_1483 : i32 to index
        %get3A_1486 = tpu.vector_load %arg9[%get3A_1484, %get3A_1485] {strides = array<i32>} : memref<128x128xf32, #tpu.memory_space<vmem>>, vector<1x16xf32>,
        %get3A_1487 = vector.shape_cast %get3A_1486 : vector<1x16xf32> to vector<16xf32>
        %bitcast_convert_type3A_1488 = tpu.bitcast %get3A_1487 : vector<16xf32> -> vector<16xi32>
        %mul3A_1489 = vector.broadcast %and3A_1269 : i32 to vector<16xi32>
        %mul3A_1490 = arith.muli %bitcast_convert_type3A_1488, %mul3A_1489 : vector<16xi32>
        %and3A_1491 = arith.constant -65536 : i32
        %and3A_1492 = vector.broadcast %and3A_1491 : i32 to vector<16xi32>
        %and3A_1493 = arith.andi %mul3A_1490, %and3A_1492 : vector<16xi32>
        %bitcast_convert_type3A_1494 = tpu.bitcast %and3A_1493 : vector<16xi32> -> vector<16xf32>
        %add3A_1495 = arith.addf %add3A_1475, %bitcast_convert_type3A_1494 : vector<16xf32>
        %mul3A_1496 = arith.constant 16 : i32
        %mul3A_1497 = arith.muli %scan3A_69, %mul3A_1496 : i32
        %add3A_1498 = arith.constant 12 : i32
        %add3A_1499 = arith.addi %mul3A_1497, %add3A_1498 : i32
        %add3A_1500 = arith.constant 2 : i32
        %add3A_1501 = arith.addi %add3A_1499, %add3A_1500 : i32
        %add3A_1502 = arith.constant 32 : i32
        %add3A_1503 = arith.addi %and3A_1263, %add3A_1502 : i32
        %get3A_1504 = arith.index_cast %add3A_1501 : i32 to index
        %get3A_1505 = arith.index_cast %add3A_1503 : i32 to index
        %get3A_1506 = tpu.vector_load %arg9[%get3A_1504, %get3A_1505] {strides = array<i32>} : memref<128x128xf32, #tpu.memory_space<vmem>>, vector<1x16xf32>,
        %get3A_1507 = vector.shape_cast %get3A_1506 : vector<1x16xf32> to vector<16xf32>
        %bitcast_convert_type3A_1508 = tpu.bitcast %get3A_1507 : vector<16xf32> -> vector<16xi32>
        %mul3A_1509 = vector.broadcast %and3A_1271 : i32 to vector<16xi32>
        %mul3A_1510 = arith.muli %bitcast_convert_type3A_1508, %mul3A_1509 : vector<16xi32>
        %and3A_1511 = arith.constant -65536 : i32
        %and3A_1512 = vector.broadcast %and3A_1511 : i32 to vector<16xi32>
        %and3A_1513 = arith.andi %mul3A_1510, %and3A_1512 : vector<16xi32>
        %bitcast_convert_type3A_1514 = tpu.bitcast %and3A_1513 : vector<16xi32> -> vector<16xf32>
        %add3A_1515 = arith.addf %add3A_1495, %bitcast_convert_type3A_1514 : vector<16xf32>
        %mul3A_1516 = arith.constant 16 : i32
        %mul3A_1517 = arith.muli %scan3A_69, %mul3A_1516 : i32
        %add3A_1518 = arith.constant 12 : i32
        %add3A_1519 = arith.addi %mul3A_1517, %add3A_1518 : i32
        %add3A_1520 = arith.constant 3 : i32
        %add3A_1521 = arith.addi %add3A_1519, %add3A_1520 : i32
        %add3A_1522 = arith.constant 32 : i32
        %add3A_1523 = arith.addi %and3A_1265, %add3A_1522 : i32
        %get3A_1524 = arith.index_cast %add3A_1521 : i32 to index
        %get3A_1525 = arith.index_cast %add3A_1523 : i32 to index
        %get3A_1526 = tpu.vector_load %arg9[%get3A_1524, %get3A_1525] {strides = array<i32>} : memref<128x128xf32, #tpu.memory_space<vmem>>, vector<1x16xf32>,
        %get3A_1527 = vector.shape_cast %get3A_1526 : vector<1x16xf32> to vector<16xf32>
        %bitcast_convert_type3A_1528 = tpu.bitcast %get3A_1527 : vector<16xf32> -> vector<16xi32>
        %mul3A_1529 = vector.broadcast %and3A_1273 : i32 to vector<16xi32>
        %mul3A_1530 = arith.muli %bitcast_convert_type3A_1528, %mul3A_1529 : vector<16xi32>
        %and3A_1531 = arith.constant -65536 : i32
        %and3A_1532 = vector.broadcast %and3A_1531 : i32 to vector<16xi32>
        %and3A_1533 = arith.andi %mul3A_1530, %and3A_1532 : vector<16xi32>
        %bitcast_convert_type3A_1534 = tpu.bitcast %and3A_1533 : vector<16xi32> -> vector<16xf32>
        %add3A_1535 = arith.addf %add3A_1515, %bitcast_convert_type3A_1534 : vector<16xf32>
        %max3A_1536 = arith.constant 0.000000e+00 : f32
        %max3A_1537 = vector.broadcast %max3A_1536 : f32 to vector<16xf32>
        %max3A_1538 = arith.maximumf %add3A_1535, %max3A_1537 : vector<16xf32>
        %mul3A_1539 = arith.constant 32 : i32
        %mul3A_1540 = arith.muli %mul3A_33, %mul3A_1539 : i32
        %add3A_1541 = arith.addi %mul3A_1540, %add3A_1249 : i32
        %swap3A_1542 = arith.index_cast %add3A_1541 : i32 to index
        %swap3A_1543 = arith.constant 32 : index
        %swap3A_1544 = tpu.vector_load %arg11[%swap3A_1542, %swap3A_1543] {strides = array<i32>} : memref<512x64xf32, #tpu.memory_space<vmem>>, vector<1x16xf32>,
        %swap3A_1545 = vector.shape_cast %swap3A_1544 : vector<1x16xf32> to vector<16xf32>
        %swap3A_1546 = vector.shape_cast %max3A_1538 : vector<16xf32> to vector<1x16xf32>
        tpu.vector_store %arg11[%swap3A_1542, %swap3A_1543], %swap3A_1546 {strides = array<i32>} : memref<512x64xf32, #tpu.memory_space<vmem>>, vector<1x16xf32>,
        %mul3A_1547 = arith.constant 16 : i32
        %mul3A_1548 = arith.muli %scan3A_69, %mul3A_1547 : i32
        %add3A_1549 = arith.constant 12 : i32
        %add3A_1550 = arith.addi %mul3A_1548, %add3A_1549 : i32
        %add3A_1551 = arith.constant 0 : i32
        %add3A_1552 = arith.addi %add3A_1550, %add3A_1551 : i32
        %add3A_1553 = arith.constant 48 : i32
        %add3A_1554 = arith.addi %and3A_1259, %add3A_1553 : i32
        %get3A_1555 = arith.index_cast %add3A_1552 : i32 to index
        %get3A_1556 = arith.index_cast %add3A_1554 : i32 to index
        %get3A_1557 = tpu.vector_load %arg9[%get3A_1555, %get3A_1556] {strides = array<i32>} : memref<128x128xf32, #tpu.memory_space<vmem>>, vector<1x16xf32>,
        %get3A_1558 = vector.shape_cast %get3A_1557 : vector<1x16xf32> to vector<16xf32>
        %bitcast_convert_type3A_1559 = tpu.bitcast %get3A_1558 : vector<16xf32> -> vector<16xi32>
        %mul3A_1560 = vector.broadcast %and3A_1267 : i32 to vector<16xi32>
        %mul3A_1561 = arith.muli %bitcast_convert_type3A_1559, %mul3A_1560 : vector<16xi32>
        %and3A_1562 = arith.constant -65536 : i32
        %and3A_1563 = vector.broadcast %and3A_1562 : i32 to vector<16xi32>
        %and3A_1564 = arith.andi %mul3A_1561, %and3A_1563 : vector<16xi32>
        %bitcast_convert_type3A_1565 = tpu.bitcast %and3A_1564 : vector<16xi32> -> vector<16xf32>
        %add3A_1566 = arith.addf %get3A_16, %bitcast_convert_type3A_1565 : vector<16xf32>
        %mul3A_1567 = arith.constant 16 : i32
        %mul3A_1568 = arith.muli %scan3A_69, %mul3A_1567 : i32
        %add3A_1569 = arith.constant 12 : i32
        %add3A_1570 = arith.addi %mul3A_1568, %add3A_1569 : i32
        %add3A_1571 = arith.constant 1 : i32
        %add3A_1572 = arith.addi %add3A_1570, %add3A_1571 : i32
        %add3A_1573 = arith.constant 48 : i32
        %add3A_1574 = arith.addi %and3A_1261, %add3A_1573 : i32
        %get3A_1575 = arith.index_cast %add3A_1572 : i32 to index
        %get3A_1576 = arith.index_cast %add3A_1574 : i32 to index
        %get3A_1577 = tpu.vector_load %arg9[%get3A_1575, %get3A_1576] {strides = array<i32>} : memref<128x128xf32, #tpu.memory_space<vmem>>, vector<1x16xf32>,
        %get3A_1578 = vector.shape_cast %get3A_1577 : vector<1x16xf32> to vector<16xf32>
        %bitcast_convert_type3A_1579 = tpu.bitcast %get3A_1578 : vector<16xf32> -> vector<16xi32>
        %mul3A_1580 = vector.broadcast %and3A_1269 : i32 to vector<16xi32>
        %mul3A_1581 = arith.muli %bitcast_convert_type3A_1579, %mul3A_1580 : vector<16xi32>
        %and3A_1582 = arith.constant -65536 : i32
        %and3A_1583 = vector.broadcast %and3A_1582 : i32 to vector<16xi32>
        %and3A_1584 = arith.andi %mul3A_1581, %and3A_1583 : vector<16xi32>
        %bitcast_convert_type3A_1585 = tpu.bitcast %and3A_1584 : vector<16xi32> -> vector<16xf32>
        %add3A_1586 = arith.addf %add3A_1566, %bitcast_convert_type3A_1585 : vector<16xf32>
        %mul3A_1587 = arith.constant 16 : i32
        %mul3A_1588 = arith.muli %scan3A_69, %mul3A_1587 : i32
        %add3A_1589 = arith.constant 12 : i32
        %add3A_1590 = arith.addi %mul3A_1588, %add3A_1589 : i32
        %add3A_1591 = arith.constant 2 : i32
        %add3A_1592 = arith.addi %add3A_1590, %add3A_1591 : i32
        %add3A_1593 = arith.constant 48 : i32
        %add3A_1594 = arith.addi %and3A_1263, %add3A_1593 : i32
        %get3A_1595 = arith.index_cast %add3A_1592 : i32 to index
        %get3A_1596 = arith.index_cast %add3A_1594 : i32 to index
        %get3A_1597 = tpu.vector_load %arg9[%get3A_1595, %get3A_1596] {strides = array<i32>} : memref<128x128xf32, #tpu.memory_space<vmem>>, vector<1x16xf32>,
        %get3A_1598 = vector.shape_cast %get3A_1597 : vector<1x16xf32> to vector<16xf32>
        %bitcast_convert_type3A_1599 = tpu.bitcast %get3A_1598 : vector<16xf32> -> vector<16xi32>
        %mul3A_1600 = vector.broadcast %and3A_1271 : i32 to vector<16xi32>
        %mul3A_1601 = arith.muli %bitcast_convert_type3A_1599, %mul3A_1600 : vector<16xi32>
        %and3A_1602 = arith.constant -65536 : i32
        %and3A_1603 = vector.broadcast %and3A_1602 : i32 to vector<16xi32>
        %and3A_1604 = arith.andi %mul3A_1601, %and3A_1603 : vector<16xi32>
        %bitcast_convert_type3A_1605 = tpu.bitcast %and3A_1604 : vector<16xi32> -> vector<16xf32>
        %add3A_1606 = arith.addf %add3A_1586, %bitcast_convert_type3A_1605 : vector<16xf32>
        %mul3A_1607 = arith.constant 16 : i32
        %mul3A_1608 = arith.muli %scan3A_69, %mul3A_1607 : i32
        %add3A_1609 = arith.constant 12 : i32
        %add3A_1610 = arith.addi %mul3A_1608, %add3A_1609 : i32
        %add3A_1611 = arith.constant 3 : i32
        %add3A_1612 = arith.addi %add3A_1610, %add3A_1611 : i32
        %add3A_1613 = arith.constant 48 : i32
        %add3A_1614 = arith.addi %and3A_1265, %add3A_1613 : i32
        %get3A_1615 = arith.index_cast %add3A_1612 : i32 to index
        %get3A_1616 = arith.index_cast %add3A_1614 : i32 to index
        %get3A_1617 = tpu.vector_load %arg9[%get3A_1615, %get3A_1616] {strides = array<i32>} : memref<128x128xf32, #tpu.memory_space<vmem>>, vector<1x16xf32>,
        %get3A_1618 = vector.shape_cast %get3A_1617 : vector<1x16xf32> to vector<16xf32>
        %bitcast_convert_type3A_1619 = tpu.bitcast %get3A_1618 : vector<16xf32> -> vector<16xi32>
        %mul3A_1620 = vector.broadcast %and3A_1273 : i32 to vector<16xi32>
        %mul3A_1621 = arith.muli %bitcast_convert_type3A_1619, %mul3A_1620 : vector<16xi32>
        %and3A_1622 = arith.constant -65536 : i32
        %and3A_1623 = vector.broadcast %and3A_1622 : i32 to vector<16xi32>
        %and3A_1624 = arith.andi %mul3A_1621, %and3A_1623 : vector<16xi32>
        %bitcast_convert_type3A_1625 = tpu.bitcast %and3A_1624 : vector<16xi32> -> vector<16xf32>
        %add3A_1626 = arith.addf %add3A_1606, %bitcast_convert_type3A_1625 : vector<16xf32>
        %max3A_1627 = arith.constant 0.000000e+00 : f32
        %max3A_1628 = vector.broadcast %max3A_1627 : f32 to vector<16xf32>
        %max3A_1629 = arith.maximumf %add3A_1626, %max3A_1628 : vector<16xf32>
        %mul3A_1630 = arith.constant 32 : i32
        %mul3A_1631 = arith.muli %mul3A_33, %mul3A_1630 : i32
        %add3A_1632 = arith.addi %mul3A_1631, %add3A_1249 : i32
        %swap3A_1633 = arith.index_cast %add3A_1632 : i32 to index
        %swap3A_1634 = arith.constant 48 : index
        %swap3A_1635 = tpu.vector_load %arg11[%swap3A_1633, %swap3A_1634] {strides = array<i32>} : memref<512x64xf32, #tpu.memory_space<vmem>>, vector<1x16xf32>,
        %swap3A_1636 = vector.shape_cast %swap3A_1635 : vector<1x16xf32> to vector<16xf32>
        %swap3A_1637 = vector.shape_cast %max3A_1629 : vector<16xf32> to vector<1x16xf32>
        tpu.vector_store %arg11[%swap3A_1633, %swap3A_1634], %swap3A_1637 {strides = array<i32>} : memref<512x64xf32, #tpu.memory_space<vmem>>, vector<1x16xf32>,
      }
      %scan3A_52 = arith.constant 8 : i32
      %lt3A = arith.constant 7 : i32
      %lt3A_53 = arith.cmpi slt, %scan3A_31, %lt3A : i32
      %convert_element_type3A = arith.extui %lt3A_53 : i1 to i32
      %cond3A = arith.constant 0 : i32
      %cond3A_54 = arith.cmpi ne, %convert_element_type3A, %cond3A : i32
      scf.if %cond3A_54 {
        %add3A_69 = arith.constant 2 : i32
        %add3A_70 = arith.addi %mul3A_33, %add3A_69 : i32
        %dma_start3A_71 = arith.constant 0 : i32
        %dma_start3A_72 = tpu.memref_slice %arg6[%add3A_70, %dma_start3A_71] : memref<16x128xi32, #tpu.memory_space<vmem>> -> memref<1x128xi32, #tpu.memory_space<vmem>>
        %dma_start3A_73 = tpu.memref_squeeze %dma_start3A_72 : memref<1x128xi32, #tpu.memory_space<vmem>> -> memref<128xi32, #tpu.memory_space<vmem>>
        %dma_start3A_74 = arith.constant 0 : i32
        %dma_start3A_75 = arith.constant 0 : i32
        %dma_start3A_76 = tpu.memref_slice %arg3[%dma_start3A_74, %dma_start3A_75] : memref<253952x128xf32, #tpu.memory_space<hbm>> -> memref<253952x128xf32, #tpu.memory_space<hbm>>
        tpu.enqueue_indirect_dma source(%dma_start3A_76 : memref<253952x128xf32, #tpu.memory_space<hbm>>) target(%arg9 : memref<128x128xf32, #tpu.memory_space<vmem>>) offsets(%dma_start3A_73 : memref<128xi32, #tpu.memory_space<vmem>>) semaphore(%arg12 : memref<!tpu.dma_semaphore, #tpu.memory_space<semaphore_mem>>)
      } else {
      }
      %dma_wait3A_55 = arith.constant 0 : i32
      %dma_wait3A_56 = arith.constant 0 : i32
      %dma_wait3A_57 = tpu.memref_slice %arg3[%dma_wait3A_55, %dma_wait3A_56] : memref<253952x128xf32, #tpu.memory_space<hbm>> -> memref<128x128xf32, #tpu.memory_space<hbm>>
      %dma_wait3A_58 = arith.constant 0 : i32
      %dma_wait3A_59 = arith.constant 0 : i32
      %dma_wait3A_60 = tpu.memref_slice %arg3[%dma_wait3A_58, %dma_wait3A_59] : memref<253952x128xf32, #tpu.memory_space<hbm>> -> memref<128x128xf32, #tpu.memory_space<hbm>>
      tpu.wait_dma2 semaphore(%arg13 : memref<!tpu.dma_semaphore, #tpu.memory_space<semaphore_mem>>) src(%dma_wait3A_60 : memref<128x128xf32, #tpu.memory_space<hbm>>) dst(%arg10 : memref<128x128xf32, #tpu.memory_space<vmem>>)
      %add3A_61 = arith.constant 1 : i32
      %add3A_62 = arith.addi %mul3A_33, %add3A_61 : i32
      %scan3A_63 = arith.constant 0 : i32
      %scan3A_64 = arith.constant 0 : i32
      %scan3A_65 = arith.constant 8 : i32
      %scan3A_66 = arith.addi %scan3A_64, %scan3A_65 : i32
      %scan3A_67 = arith.constant 1 : i32
      scf.for %scan3A_69 = %scan3A_64 to %scan3A_66 step %scan3A_67  : i32 {
        %mul3A_70 = arith.constant 16 : i32
        %mul3A_71 = arith.muli %scan3A_69, %mul3A_70 : i32
        %get3A_72 = arith.index_cast %add3A_62 : i32 to index
        %get3A_73 = arith.index_cast %mul3A_71 : i32 to index
        %get3A_74 = tpu.vector_load %arg7[%get3A_72, %get3A_73] {strides = array<i32>} : memref<16x128xi32, #tpu.memory_space<vmem>>, vector<1x16xi32>,
        %get3A_75 = vector.shape_cast %get3A_74 : vector<1x16xi32> to vector<16xi32>
        %mul3A_76 = arith.constant 4 : i32
        %mul3A_77 = arith.muli %scan3A_69, %mul3A_76 : i32
        %add3A_78 = arith.constant 0 : i32
        %add3A_79 = arith.addi %mul3A_77, %add3A_78 : i32
        %slice3A = vector.extract_strided_slice %get3A_75 {offsets = [0], sizes = [1], strides = [1]} : vector<16xi32> to vector<1xi32>
        %squeeze3A = vector.extract %slice3A[0] : i32 from vector<1xi32>
        %slice3A_80 = vector.extract_strided_slice %get3A_75 {offsets = [1], sizes = [1], strides = [1]} : vector<16xi32> to vector<1xi32>
        %squeeze3A_81 = vector.extract %slice3A_80[0] : i32 from vector<1xi32>
        %slice3A_82 = vector.extract_strided_slice %get3A_75 {offsets = [2], sizes = [1], strides = [1]} : vector<16xi32> to vector<1xi32>
        %squeeze3A_83 = vector.extract %slice3A_82[0] : i32 from vector<1xi32>
        %slice3A_84 = vector.extract_strided_slice %get3A_75 {offsets = [3], sizes = [1], strides = [1]} : vector<16xi32> to vector<1xi32>
        %squeeze3A_85 = vector.extract %slice3A_84[0] : i32 from vector<1xi32>
        %and3A = arith.constant 64 : i32
        %and3A_86 = arith.andi %squeeze3A, %and3A : i32
        %and3A_87 = arith.constant 64 : i32
        %and3A_88 = arith.andi %squeeze3A_81, %and3A_87 : i32
        %and3A_89 = arith.constant 64 : i32
        %and3A_90 = arith.andi %squeeze3A_83, %and3A_89 : i32
        %and3A_91 = arith.constant 64 : i32
        %and3A_92 = arith.andi %squeeze3A_85, %and3A_91 : i32
        %and3A_93 = arith.constant 65537 : i32
        %and3A_94 = arith.andi %squeeze3A, %and3A_93 : i32
        %and3A_95 = arith.constant 65537 : i32
        %and3A_96 = arith.andi %squeeze3A_81, %and3A_95 : i32
        %and3A_97 = arith.constant 65537 : i32
        %and3A_98 = arith.andi %squeeze3A_83, %and3A_97 : i32
        %and3A_99 = arith.constant 65537 : i32
        %and3A_100 = arith.andi %squeeze3A_85, %and3A_99 : i32
        %mul3A_101 = arith.constant 16 : i32
        %mul3A_102 = arith.muli %scan3A_69, %mul3A_101 : i32
        %add3A_103 = arith.constant 0 : i32
        %add3A_104 = arith.addi %mul3A_102, %add3A_103 : i32
        %add3A_105 = arith.constant 0 : i32
        %add3A_106 = arith.addi %add3A_104, %add3A_105 : i32
        %add3A_107 = arith.constant 0 : i32
        %add3A_108 = arith.addi %and3A_86, %add3A_107 : i32
        %get3A_109 = arith.index_cast %add3A_106 : i32 to index
        %get3A_110 = arith.index_cast %add3A_108 : i32 to index
        %get3A_111 = tpu.vector_load %arg10[%get3A_109, %get3A_110] {strides = array<i32>} : memref<128x128xf32, #tpu.memory_space<vmem>>, vector<1x16xf32>,
        %get3A_112 = vector.shape_cast %get3A_111 : vector<1x16xf32> to vector<16xf32>
        %bitcast_convert_type3A = tpu.bitcast %get3A_112 : vector<16xf32> -> vector<16xi32>
        %mul3A_113 = vector.broadcast %and3A_94 : i32 to vector<16xi32>
        %mul3A_114 = arith.muli %bitcast_convert_type3A, %mul3A_113 : vector<16xi32>
        %and3A_115 = arith.constant -65536 : i32
        %and3A_116 = vector.broadcast %and3A_115 : i32 to vector<16xi32>
        %and3A_117 = arith.andi %mul3A_114, %and3A_116 : vector<16xi32>
        %bitcast_convert_type3A_118 = tpu.bitcast %and3A_117 : vector<16xi32> -> vector<16xf32>
        %add3A_119 = arith.addf %get3A_7, %bitcast_convert_type3A_118 : vector<16xf32>
        %mul3A_120 = arith.constant 16 : i32
        %mul3A_121 = arith.muli %scan3A_69, %mul3A_120 : i32
        %add3A_122 = arith.constant 0 : i32
        %add3A_123 = arith.addi %mul3A_121, %add3A_122 : i32
        %add3A_124 = arith.constant 1 : i32
        %add3A_125 = arith.addi %add3A_123, %add3A_124 : i32
        %add3A_126 = arith.constant 0 : i32
        %add3A_127 = arith.addi %and3A_88, %add3A_126 : i32
        %get3A_128 = arith.index_cast %add3A_125 : i32 to index
        %get3A_129 = arith.index_cast %add3A_127 : i32 to index
        %get3A_130 = tpu.vector_load %arg10[%get3A_128, %get3A_129] {strides = array<i32>} : memref<128x128xf32, #tpu.memory_space<vmem>>, vector<1x16xf32>,
        %get3A_131 = vector.shape_cast %get3A_130 : vector<1x16xf32> to vector<16xf32>
        %bitcast_convert_type3A_132 = tpu.bitcast %get3A_131 : vector<16xf32> -> vector<16xi32>
        %mul3A_133 = vector.broadcast %and3A_96 : i32 to vector<16xi32>
        %mul3A_134 = arith.muli %bitcast_convert_type3A_132, %mul3A_133 : vector<16xi32>
        %and3A_135 = arith.constant -65536 : i32
        %and3A_136 = vector.broadcast %and3A_135 : i32 to vector<16xi32>
        %and3A_137 = arith.andi %mul3A_134, %and3A_136 : vector<16xi32>
        %bitcast_convert_type3A_138 = tpu.bitcast %and3A_137 : vector<16xi32> -> vector<16xf32>
        %add3A_139 = arith.addf %add3A_119, %bitcast_convert_type3A_138 : vector<16xf32>
        %mul3A_140 = arith.constant 16 : i32
        %mul3A_141 = arith.muli %scan3A_69, %mul3A_140 : i32
        %add3A_142 = arith.constant 0 : i32
        %add3A_143 = arith.addi %mul3A_141, %add3A_142 : i32
        %add3A_144 = arith.constant 2 : i32
        %add3A_145 = arith.addi %add3A_143, %add3A_144 : i32
        %add3A_146 = arith.constant 0 : i32
        %add3A_147 = arith.addi %and3A_90, %add3A_146 : i32
        %get3A_148 = arith.index_cast %add3A_145 : i32 to index
        %get3A_149 = arith.index_cast %add3A_147 : i32 to index
        %get3A_150 = tpu.vector_load %arg10[%get3A_148, %get3A_149] {strides = array<i32>} : memref<128x128xf32, #tpu.memory_space<vmem>>, vector<1x16xf32>,
        %get3A_151 = vector.shape_cast %get3A_150 : vector<1x16xf32> to vector<16xf32>
        %bitcast_convert_type3A_152 = tpu.bitcast %get3A_151 : vector<16xf32> -> vector<16xi32>
        %mul3A_153 = vector.broadcast %and3A_98 : i32 to vector<16xi32>
        %mul3A_154 = arith.muli %bitcast_convert_type3A_152, %mul3A_153 : vector<16xi32>
        %and3A_155 = arith.constant -65536 : i32
        %and3A_156 = vector.broadcast %and3A_155 : i32 to vector<16xi32>
        %and3A_157 = arith.andi %mul3A_154, %and3A_156 : vector<16xi32>
        %bitcast_convert_type3A_158 = tpu.bitcast %and3A_157 : vector<16xi32> -> vector<16xf32>
        %add3A_159 = arith.addf %add3A_139, %bitcast_convert_type3A_158 : vector<16xf32>
        %mul3A_160 = arith.constant 16 : i32
        %mul3A_161 = arith.muli %scan3A_69, %mul3A_160 : i32
        %add3A_162 = arith.constant 0 : i32
        %add3A_163 = arith.addi %mul3A_161, %add3A_162 : i32
        %add3A_164 = arith.constant 3 : i32
        %add3A_165 = arith.addi %add3A_163, %add3A_164 : i32
        %add3A_166 = arith.constant 0 : i32
        %add3A_167 = arith.addi %and3A_92, %add3A_166 : i32
        %get3A_168 = arith.index_cast %add3A_165 : i32 to index
        %get3A_169 = arith.index_cast %add3A_167 : i32 to index
        %get3A_170 = tpu.vector_load %arg10[%get3A_168, %get3A_169] {strides = array<i32>} : memref<128x128xf32, #tpu.memory_space<vmem>>, vector<1x16xf32>,
        %get3A_171 = vector.shape_cast %get3A_170 : vector<1x16xf32> to vector<16xf32>
        %bitcast_convert_type3A_172 = tpu.bitcast %get3A_171 : vector<16xf32> -> vector<16xi32>
        %mul3A_173 = vector.broadcast %and3A_100 : i32 to vector<16xi32>
        %mul3A_174 = arith.muli %bitcast_convert_type3A_172, %mul3A_173 : vector<16xi32>
        %and3A_175 = arith.constant -65536 : i32
        %and3A_176 = vector.broadcast %and3A_175 : i32 to vector<16xi32>
        %and3A_177 = arith.andi %mul3A_174, %and3A_176 : vector<16xi32>
        %bitcast_convert_type3A_178 = tpu.bitcast %and3A_177 : vector<16xi32> -> vector<16xf32>
        %add3A_179 = arith.addf %add3A_159, %bitcast_convert_type3A_178 : vector<16xf32>
        %max3A = arith.constant 0.000000e+00 : f32
        %max3A_180 = vector.broadcast %max3A : f32 to vector<16xf32>
        %max3A_181 = arith.maximumf %add3A_179, %max3A_180 : vector<16xf32>
        %mul3A_182 = arith.constant 32 : i32
        %mul3A_183 = arith.muli %add3A_62, %mul3A_182 : i32
        %add3A_184 = arith.addi %mul3A_183, %add3A_79 : i32
        %swap3A = arith.index_cast %add3A_184 : i32 to index
        %swap3A_185 = arith.constant 0 : index
        %swap3A_186 = tpu.vector_load %arg11[%swap3A, %swap3A_185] {strides = array<i32>} : memref<512x64xf32, #tpu.memory_space<vmem>>, vector<1x16xf32>,
        %swap3A_187 = vector.shape_cast %swap3A_186 : vector<1x16xf32> to vector<16xf32>
        %swap3A_188 = vector.shape_cast %max3A_181 : vector<16xf32> to vector<1x16xf32>
        tpu.vector_store %arg11[%swap3A, %swap3A_185], %swap3A_188 {strides = array<i32>} : memref<512x64xf32, #tpu.memory_space<vmem>>, vector<1x16xf32>,
        %mul3A_189 = arith.constant 16 : i32
        %mul3A_190 = arith.muli %scan3A_69, %mul3A_189 : i32
        %add3A_191 = arith.constant 0 : i32
        %add3A_192 = arith.addi %mul3A_190, %add3A_191 : i32
        %add3A_193 = arith.constant 0 : i32
        %add3A_194 = arith.addi %add3A_192, %add3A_193 : i32
        %add3A_195 = arith.constant 16 : i32
        %add3A_196 = arith.addi %and3A_86, %add3A_195 : i32
        %get3A_197 = arith.index_cast %add3A_194 : i32 to index
        %get3A_198 = arith.index_cast %add3A_196 : i32 to index
        %get3A_199 = tpu.vector_load %arg10[%get3A_197, %get3A_198] {strides = array<i32>} : memref<128x128xf32, #tpu.memory_space<vmem>>, vector<1x16xf32>,
        %get3A_200 = vector.shape_cast %get3A_199 : vector<1x16xf32> to vector<16xf32>
        %bitcast_convert_type3A_201 = tpu.bitcast %get3A_200 : vector<16xf32> -> vector<16xi32>
        %mul3A_202 = vector.broadcast %and3A_94 : i32 to vector<16xi32>
        %mul3A_203 = arith.muli %bitcast_convert_type3A_201, %mul3A_202 : vector<16xi32>
        %and3A_204 = arith.constant -65536 : i32
        %and3A_205 = vector.broadcast %and3A_204 : i32 to vector<16xi32>
        %and3A_206 = arith.andi %mul3A_203, %and3A_205 : vector<16xi32>
        %bitcast_convert_type3A_207 = tpu.bitcast %and3A_206 : vector<16xi32> -> vector<16xf32>
        %add3A_208 = arith.addf %get3A_10, %bitcast_convert_type3A_207 : vector<16xf32>
        %mul3A_209 = arith.constant 16 : i32
        %mul3A_210 = arith.muli %scan3A_69, %mul3A_209 : i32
        %add3A_211 = arith.constant 0 : i32
        %add3A_212 = arith.addi %mul3A_210, %add3A_211 : i32
        %add3A_213 = arith.constant 1 : i32
        %add3A_214 = arith.addi %add3A_212, %add3A_213 : i32
        %add3A_215 = arith.constant 16 : i32
        %add3A_216 = arith.addi %and3A_88, %add3A_215 : i32
        %get3A_217 = arith.index_cast %add3A_214 : i32 to index
        %get3A_218 = arith.index_cast %add3A_216 : i32 to index
        %get3A_219 = tpu.vector_load %arg10[%get3A_217, %get3A_218] {strides = array<i32>} : memref<128x128xf32, #tpu.memory_space<vmem>>, vector<1x16xf32>,
        %get3A_220 = vector.shape_cast %get3A_219 : vector<1x16xf32> to vector<16xf32>
        %bitcast_convert_type3A_221 = tpu.bitcast %get3A_220 : vector<16xf32> -> vector<16xi32>
        %mul3A_222 = vector.broadcast %and3A_96 : i32 to vector<16xi32>
        %mul3A_223 = arith.muli %bitcast_convert_type3A_221, %mul3A_222 : vector<16xi32>
        %and3A_224 = arith.constant -65536 : i32
        %and3A_225 = vector.broadcast %and3A_224 : i32 to vector<16xi32>
        %and3A_226 = arith.andi %mul3A_223, %and3A_225 : vector<16xi32>
        %bitcast_convert_type3A_227 = tpu.bitcast %and3A_226 : vector<16xi32> -> vector<16xf32>
        %add3A_228 = arith.addf %add3A_208, %bitcast_convert_type3A_227 : vector<16xf32>
        %mul3A_229 = arith.constant 16 : i32
        %mul3A_230 = arith.muli %scan3A_69, %mul3A_229 : i32
        %add3A_231 = arith.constant 0 : i32
        %add3A_232 = arith.addi %mul3A_230, %add3A_231 : i32
        %add3A_233 = arith.constant 2 : i32
        %add3A_234 = arith.addi %add3A_232, %add3A_233 : i32
        %add3A_235 = arith.constant 16 : i32
        %add3A_236 = arith.addi %and3A_90, %add3A_235 : i32
        %get3A_237 = arith.index_cast %add3A_234 : i32 to index
        %get3A_238 = arith.index_cast %add3A_236 : i32 to index
        %get3A_239 = tpu.vector_load %arg10[%get3A_237, %get3A_238] {strides = array<i32>} : memref<128x128xf32, #tpu.memory_space<vmem>>, vector<1x16xf32>,
        %get3A_240 = vector.shape_cast %get3A_239 : vector<1x16xf32> to vector<16xf32>
        %bitcast_convert_type3A_241 = tpu.bitcast %get3A_240 : vector<16xf32> -> vector<16xi32>
        %mul3A_242 = vector.broadcast %and3A_98 : i32 to vector<16xi32>
        %mul3A_243 = arith.muli %bitcast_convert_type3A_241, %mul3A_242 : vector<16xi32>
        %and3A_244 = arith.constant -65536 : i32
        %and3A_245 = vector.broadcast %and3A_244 : i32 to vector<16xi32>
        %and3A_246 = arith.andi %mul3A_243, %and3A_245 : vector<16xi32>
        %bitcast_convert_type3A_247 = tpu.bitcast %and3A_246 : vector<16xi32> -> vector<16xf32>
        %add3A_248 = arith.addf %add3A_228, %bitcast_convert_type3A_247 : vector<16xf32>
        %mul3A_249 = arith.constant 16 : i32
        %mul3A_250 = arith.muli %scan3A_69, %mul3A_249 : i32
        %add3A_251 = arith.constant 0 : i32
        %add3A_252 = arith.addi %mul3A_250, %add3A_251 : i32
        %add3A_253 = arith.constant 3 : i32
        %add3A_254 = arith.addi %add3A_252, %add3A_253 : i32
        %add3A_255 = arith.constant 16 : i32
        %add3A_256 = arith.addi %and3A_92, %add3A_255 : i32
        %get3A_257 = arith.index_cast %add3A_254 : i32 to index
        %get3A_258 = arith.index_cast %add3A_256 : i32 to index
        %get3A_259 = tpu.vector_load %arg10[%get3A_257, %get3A_258] {strides = array<i32>} : memref<128x128xf32, #tpu.memory_space<vmem>>, vector<1x16xf32>,
        %get3A_260 = vector.shape_cast %get3A_259 : vector<1x16xf32> to vector<16xf32>
        %bitcast_convert_type3A_261 = tpu.bitcast %get3A_260 : vector<16xf32> -> vector<16xi32>
        %mul3A_262 = vector.broadcast %and3A_100 : i32 to vector<16xi32>
        %mul3A_263 = arith.muli %bitcast_convert_type3A_261, %mul3A_262 : vector<16xi32>
        %and3A_264 = arith.constant -65536 : i32
        %and3A_265 = vector.broadcast %and3A_264 : i32 to vector<16xi32>
        %and3A_266 = arith.andi %mul3A_263, %and3A_265 : vector<16xi32>
        %bitcast_convert_type3A_267 = tpu.bitcast %and3A_266 : vector<16xi32> -> vector<16xf32>
        %add3A_268 = arith.addf %add3A_248, %bitcast_convert_type3A_267 : vector<16xf32>
        %max3A_269 = arith.constant 0.000000e+00 : f32
        %max3A_270 = vector.broadcast %max3A_269 : f32 to vector<16xf32>
        %max3A_271 = arith.maximumf %add3A_268, %max3A_270 : vector<16xf32>
        %mul3A_272 = arith.constant 32 : i32
        %mul3A_273 = arith.muli %add3A_62, %mul3A_272 : i32
        %add3A_274 = arith.addi %mul3A_273, %add3A_79 : i32
        %swap3A_275 = arith.index_cast %add3A_274 : i32 to index
        %swap3A_276 = arith.constant 16 : index
        %swap3A_277 = tpu.vector_load %arg11[%swap3A_275, %swap3A_276] {strides = array<i32>} : memref<512x64xf32, #tpu.memory_space<vmem>>, vector<1x16xf32>,
        %swap3A_278 = vector.shape_cast %swap3A_277 : vector<1x16xf32> to vector<16xf32>
        %swap3A_279 = vector.shape_cast %max3A_271 : vector<16xf32> to vector<1x16xf32>
        tpu.vector_store %arg11[%swap3A_275, %swap3A_276], %swap3A_279 {strides = array<i32>} : memref<512x64xf32, #tpu.memory_space<vmem>>, vector<1x16xf32>,
        %mul3A_280 = arith.constant 16 : i32
        %mul3A_281 = arith.muli %scan3A_69, %mul3A_280 : i32
        %add3A_282 = arith.constant 0 : i32
        %add3A_283 = arith.addi %mul3A_281, %add3A_282 : i32
        %add3A_284 = arith.constant 0 : i32
        %add3A_285 = arith.addi %add3A_283, %add3A_284 : i32
        %add3A_286 = arith.constant 32 : i32
        %add3A_287 = arith.addi %and3A_86, %add3A_286 : i32
        %get3A_288 = arith.index_cast %add3A_285 : i32 to index
        %get3A_289 = arith.index_cast %add3A_287 : i32 to index
        %get3A_290 = tpu.vector_load %arg10[%get3A_288, %get3A_289] {strides = array<i32>} : memref<128x128xf32, #tpu.memory_space<vmem>>, vector<1x16xf32>,
        %get3A_291 = vector.shape_cast %get3A_290 : vector<1x16xf32> to vector<16xf32>
        %bitcast_convert_type3A_292 = tpu.bitcast %get3A_291 : vector<16xf32> -> vector<16xi32>
        %mul3A_293 = vector.broadcast %and3A_94 : i32 to vector<16xi32>
        %mul3A_294 = arith.muli %bitcast_convert_type3A_292, %mul3A_293 : vector<16xi32>
        %and3A_295 = arith.constant -65536 : i32
        %and3A_296 = vector.broadcast %and3A_295 : i32 to vector<16xi32>
        %and3A_297 = arith.andi %mul3A_294, %and3A_296 : vector<16xi32>
        %bitcast_convert_type3A_298 = tpu.bitcast %and3A_297 : vector<16xi32> -> vector<16xf32>
        %add3A_299 = arith.addf %get3A_13, %bitcast_convert_type3A_298 : vector<16xf32>
        %mul3A_300 = arith.constant 16 : i32
        %mul3A_301 = arith.muli %scan3A_69, %mul3A_300 : i32
        %add3A_302 = arith.constant 0 : i32
        %add3A_303 = arith.addi %mul3A_301, %add3A_302 : i32
        %add3A_304 = arith.constant 1 : i32
        %add3A_305 = arith.addi %add3A_303, %add3A_304 : i32
        %add3A_306 = arith.constant 32 : i32
        %add3A_307 = arith.addi %and3A_88, %add3A_306 : i32
        %get3A_308 = arith.index_cast %add3A_305 : i32 to index
        %get3A_309 = arith.index_cast %add3A_307 : i32 to index
        %get3A_310 = tpu.vector_load %arg10[%get3A_308, %get3A_309] {strides = array<i32>} : memref<128x128xf32, #tpu.memory_space<vmem>>, vector<1x16xf32>,
        %get3A_311 = vector.shape_cast %get3A_310 : vector<1x16xf32> to vector<16xf32>
        %bitcast_convert_type3A_312 = tpu.bitcast %get3A_311 : vector<16xf32> -> vector<16xi32>
        %mul3A_313 = vector.broadcast %and3A_96 : i32 to vector<16xi32>
        %mul3A_314 = arith.muli %bitcast_convert_type3A_312, %mul3A_313 : vector<16xi32>
        %and3A_315 = arith.constant -65536 : i32
        %and3A_316 = vector.broadcast %and3A_315 : i32 to vector<16xi32>
        %and3A_317 = arith.andi %mul3A_314, %and3A_316 : vector<16xi32>
        %bitcast_convert_type3A_318 = tpu.bitcast %and3A_317 : vector<16xi32> -> vector<16xf32>
        %add3A_319 = arith.addf %add3A_299, %bitcast_convert_type3A_318 : vector<16xf32>
        %mul3A_320 = arith.constant 16 : i32
        %mul3A_321 = arith.muli %scan3A_69, %mul3A_320 : i32
        %add3A_322 = arith.constant 0 : i32
        %add3A_323 = arith.addi %mul3A_321, %add3A_322 : i32
        %add3A_324 = arith.constant 2 : i32
        %add3A_325 = arith.addi %add3A_323, %add3A_324 : i32
        %add3A_326 = arith.constant 32 : i32
        %add3A_327 = arith.addi %and3A_90, %add3A_326 : i32
        %get3A_328 = arith.index_cast %add3A_325 : i32 to index
        %get3A_329 = arith.index_cast %add3A_327 : i32 to index
        %get3A_330 = tpu.vector_load %arg10[%get3A_328, %get3A_329] {strides = array<i32>} : memref<128x128xf32, #tpu.memory_space<vmem>>, vector<1x16xf32>,
        %get3A_331 = vector.shape_cast %get3A_330 : vector<1x16xf32> to vector<16xf32>
        %bitcast_convert_type3A_332 = tpu.bitcast %get3A_331 : vector<16xf32> -> vector<16xi32>
        %mul3A_333 = vector.broadcast %and3A_98 : i32 to vector<16xi32>
        %mul3A_334 = arith.muli %bitcast_convert_type3A_332, %mul3A_333 : vector<16xi32>
        %and3A_335 = arith.constant -65536 : i32
        %and3A_336 = vector.broadcast %and3A_335 : i32 to vector<16xi32>
        %and3A_337 = arith.andi %mul3A_334, %and3A_336 : vector<16xi32>
        %bitcast_convert_type3A_338 = tpu.bitcast %and3A_337 : vector<16xi32> -> vector<16xf32>
        %add3A_339 = arith.addf %add3A_319, %bitcast_convert_type3A_338 : vector<16xf32>
        %mul3A_340 = arith.constant 16 : i32
        %mul3A_341 = arith.muli %scan3A_69, %mul3A_340 : i32
        %add3A_342 = arith.constant 0 : i32
        %add3A_343 = arith.addi %mul3A_341, %add3A_342 : i32
        %add3A_344 = arith.constant 3 : i32
        %add3A_345 = arith.addi %add3A_343, %add3A_344 : i32
        %add3A_346 = arith.constant 32 : i32
        %add3A_347 = arith.addi %and3A_92, %add3A_346 : i32
        %get3A_348 = arith.index_cast %add3A_345 : i32 to index
        %get3A_349 = arith.index_cast %add3A_347 : i32 to index
        %get3A_350 = tpu.vector_load %arg10[%get3A_348, %get3A_349] {strides = array<i32>} : memref<128x128xf32, #tpu.memory_space<vmem>>, vector<1x16xf32>,
        %get3A_351 = vector.shape_cast %get3A_350 : vector<1x16xf32> to vector<16xf32>
        %bitcast_convert_type3A_352 = tpu.bitcast %get3A_351 : vector<16xf32> -> vector<16xi32>
        %mul3A_353 = vector.broadcast %and3A_100 : i32 to vector<16xi32>
        %mul3A_354 = arith.muli %bitcast_convert_type3A_352, %mul3A_353 : vector<16xi32>
        %and3A_355 = arith.constant -65536 : i32
        %and3A_356 = vector.broadcast %and3A_355 : i32 to vector<16xi32>
        %and3A_357 = arith.andi %mul3A_354, %and3A_356 : vector<16xi32>
        %bitcast_convert_type3A_358 = tpu.bitcast %and3A_357 : vector<16xi32> -> vector<16xf32>
        %add3A_359 = arith.addf %add3A_339, %bitcast_convert_type3A_358 : vector<16xf32>
        %max3A_360 = arith.constant 0.000000e+00 : f32
        %max3A_361 = vector.broadcast %max3A_360 : f32 to vector<16xf32>
        %max3A_362 = arith.maximumf %add3A_359, %max3A_361 : vector<16xf32>
        %mul3A_363 = arith.constant 32 : i32
        %mul3A_364 = arith.muli %add3A_62, %mul3A_363 : i32
        %add3A_365 = arith.addi %mul3A_364, %add3A_79 : i32
        %swap3A_366 = arith.index_cast %add3A_365 : i32 to index
        %swap3A_367 = arith.constant 32 : index
        %swap3A_368 = tpu.vector_load %arg11[%swap3A_366, %swap3A_367] {strides = array<i32>} : memref<512x64xf32, #tpu.memory_space<vmem>>, vector<1x16xf32>,
        %swap3A_369 = vector.shape_cast %swap3A_368 : vector<1x16xf32> to vector<16xf32>
        %swap3A_370 = vector.shape_cast %max3A_362 : vector<16xf32> to vector<1x16xf32>
        tpu.vector_store %arg11[%swap3A_366, %swap3A_367], %swap3A_370 {strides = array<i32>} : memref<512x64xf32, #tpu.memory_space<vmem>>, vector<1x16xf32>,
        %mul3A_371 = arith.constant 16 : i32
        %mul3A_372 = arith.muli %scan3A_69, %mul3A_371 : i32
        %add3A_373 = arith.constant 0 : i32
        %add3A_374 = arith.addi %mul3A_372, %add3A_373 : i32
        %add3A_375 = arith.constant 0 : i32
        %add3A_376 = arith.addi %add3A_374, %add3A_375 : i32
        %add3A_377 = arith.constant 48 : i32
        %add3A_378 = arith.addi %and3A_86, %add3A_377 : i32
        %get3A_379 = arith.index_cast %add3A_376 : i32 to index
        %get3A_380 = arith.index_cast %add3A_378 : i32 to index
        %get3A_381 = tpu.vector_load %arg10[%get3A_379, %get3A_380] {strides = array<i32>} : memref<128x128xf32, #tpu.memory_space<vmem>>, vector<1x16xf32>,
        %get3A_382 = vector.shape_cast %get3A_381 : vector<1x16xf32> to vector<16xf32>
        %bitcast_convert_type3A_383 = tpu.bitcast %get3A_382 : vector<16xf32> -> vector<16xi32>
        %mul3A_384 = vector.broadcast %and3A_94 : i32 to vector<16xi32>
        %mul3A_385 = arith.muli %bitcast_convert_type3A_383, %mul3A_384 : vector<16xi32>
        %and3A_386 = arith.constant -65536 : i32
        %and3A_387 = vector.broadcast %and3A_386 : i32 to vector<16xi32>
        %and3A_388 = arith.andi %mul3A_385, %and3A_387 : vector<16xi32>
        %bitcast_convert_type3A_389 = tpu.bitcast %and3A_388 : vector<16xi32> -> vector<16xf32>
        %add3A_390 = arith.addf %get3A_16, %bitcast_convert_type3A_389 : vector<16xf32>
        %mul3A_391 = arith.constant 16 : i32
        %mul3A_392 = arith.muli %scan3A_69, %mul3A_391 : i32
        %add3A_393 = arith.constant 0 : i32
        %add3A_394 = arith.addi %mul3A_392, %add3A_393 : i32
        %add3A_395 = arith.constant 1 : i32
        %add3A_396 = arith.addi %add3A_394, %add3A_395 : i32
        %add3A_397 = arith.constant 48 : i32
        %add3A_398 = arith.addi %and3A_88, %add3A_397 : i32
        %get3A_399 = arith.index_cast %add3A_396 : i32 to index
        %get3A_400 = arith.index_cast %add3A_398 : i32 to index
        %get3A_401 = tpu.vector_load %arg10[%get3A_399, %get3A_400] {strides = array<i32>} : memref<128x128xf32, #tpu.memory_space<vmem>>, vector<1x16xf32>,
        %get3A_402 = vector.shape_cast %get3A_401 : vector<1x16xf32> to vector<16xf32>
        %bitcast_convert_type3A_403 = tpu.bitcast %get3A_402 : vector<16xf32> -> vector<16xi32>
        %mul3A_404 = vector.broadcast %and3A_96 : i32 to vector<16xi32>
        %mul3A_405 = arith.muli %bitcast_convert_type3A_403, %mul3A_404 : vector<16xi32>
        %and3A_406 = arith.constant -65536 : i32
        %and3A_407 = vector.broadcast %and3A_406 : i32 to vector<16xi32>
        %and3A_408 = arith.andi %mul3A_405, %and3A_407 : vector<16xi32>
        %bitcast_convert_type3A_409 = tpu.bitcast %and3A_408 : vector<16xi32> -> vector<16xf32>
        %add3A_410 = arith.addf %add3A_390, %bitcast_convert_type3A_409 : vector<16xf32>
        %mul3A_411 = arith.constant 16 : i32
        %mul3A_412 = arith.muli %scan3A_69, %mul3A_411 : i32
        %add3A_413 = arith.constant 0 : i32
        %add3A_414 = arith.addi %mul3A_412, %add3A_413 : i32
        %add3A_415 = arith.constant 2 : i32
        %add3A_416 = arith.addi %add3A_414, %add3A_415 : i32
        %add3A_417 = arith.constant 48 : i32
        %add3A_418 = arith.addi %and3A_90, %add3A_417 : i32
        %get3A_419 = arith.index_cast %add3A_416 : i32 to index
        %get3A_420 = arith.index_cast %add3A_418 : i32 to index
        %get3A_421 = tpu.vector_load %arg10[%get3A_419, %get3A_420] {strides = array<i32>} : memref<128x128xf32, #tpu.memory_space<vmem>>, vector<1x16xf32>,
        %get3A_422 = vector.shape_cast %get3A_421 : vector<1x16xf32> to vector<16xf32>
        %bitcast_convert_type3A_423 = tpu.bitcast %get3A_422 : vector<16xf32> -> vector<16xi32>
        %mul3A_424 = vector.broadcast %and3A_98 : i32 to vector<16xi32>
        %mul3A_425 = arith.muli %bitcast_convert_type3A_423, %mul3A_424 : vector<16xi32>
        %and3A_426 = arith.constant -65536 : i32
        %and3A_427 = vector.broadcast %and3A_426 : i32 to vector<16xi32>
        %and3A_428 = arith.andi %mul3A_425, %and3A_427 : vector<16xi32>
        %bitcast_convert_type3A_429 = tpu.bitcast %and3A_428 : vector<16xi32> -> vector<16xf32>
        %add3A_430 = arith.addf %add3A_410, %bitcast_convert_type3A_429 : vector<16xf32>
        %mul3A_431 = arith.constant 16 : i32
        %mul3A_432 = arith.muli %scan3A_69, %mul3A_431 : i32
        %add3A_433 = arith.constant 0 : i32
        %add3A_434 = arith.addi %mul3A_432, %add3A_433 : i32
        %add3A_435 = arith.constant 3 : i32
        %add3A_436 = arith.addi %add3A_434, %add3A_435 : i32
        %add3A_437 = arith.constant 48 : i32
        %add3A_438 = arith.addi %and3A_92, %add3A_437 : i32
        %get3A_439 = arith.index_cast %add3A_436 : i32 to index
        %get3A_440 = arith.index_cast %add3A_438 : i32 to index
        %get3A_441 = tpu.vector_load %arg10[%get3A_439, %get3A_440] {strides = array<i32>} : memref<128x128xf32, #tpu.memory_space<vmem>>, vector<1x16xf32>,
        %get3A_442 = vector.shape_cast %get3A_441 : vector<1x16xf32> to vector<16xf32>
        %bitcast_convert_type3A_443 = tpu.bitcast %get3A_442 : vector<16xf32> -> vector<16xi32>
        %mul3A_444 = vector.broadcast %and3A_100 : i32 to vector<16xi32>
        %mul3A_445 = arith.muli %bitcast_convert_type3A_443, %mul3A_444 : vector<16xi32>
        %and3A_446 = arith.constant -65536 : i32
        %and3A_447 = vector.broadcast %and3A_446 : i32 to vector<16xi32>
        %and3A_448 = arith.andi %mul3A_445, %and3A_447 : vector<16xi32>
        %bitcast_convert_type3A_449 = tpu.bitcast %and3A_448 : vector<16xi32> -> vector<16xf32>
        %add3A_450 = arith.addf %add3A_430, %bitcast_convert_type3A_449 : vector<16xf32>
        %max3A_451 = arith.constant 0.000000e+00 : f32
        %max3A_452 = vector.broadcast %max3A_451 : f32 to vector<16xf32>
        %max3A_453 = arith.maximumf %add3A_450, %max3A_452 : vector<16xf32>
        %mul3A_454 = arith.constant 32 : i32
        %mul3A_455 = arith.muli %add3A_62, %mul3A_454 : i32
        %add3A_456 = arith.addi %mul3A_455, %add3A_79 : i32
        %swap3A_457 = arith.index_cast %add3A_456 : i32 to index
        %swap3A_458 = arith.constant 48 : index
        %swap3A_459 = tpu.vector_load %arg11[%swap3A_457, %swap3A_458] {strides = array<i32>} : memref<512x64xf32, #tpu.memory_space<vmem>>, vector<1x16xf32>,
        %swap3A_460 = vector.shape_cast %swap3A_459 : vector<1x16xf32> to vector<16xf32>
        %swap3A_461 = vector.shape_cast %max3A_453 : vector<16xf32> to vector<1x16xf32>
        tpu.vector_store %arg11[%swap3A_457, %swap3A_458], %swap3A_461 {strides = array<i32>} : memref<512x64xf32, #tpu.memory_space<vmem>>, vector<1x16xf32>,
        %mul3A_462 = arith.constant 4 : i32
        %mul3A_463 = arith.muli %scan3A_69, %mul3A_462 : i32
        %add3A_464 = arith.constant 1 : i32
        %add3A_465 = arith.addi %mul3A_463, %add3A_464 : i32
        %slice3A_466 = vector.extract_strided_slice %get3A_75 {offsets = [4], sizes = [1], strides = [1]} : vector<16xi32> to vector<1xi32>
        %squeeze3A_467 = vector.extract %slice3A_466[0] : i32 from vector<1xi32>
        %slice3A_468 = vector.extract_strided_slice %get3A_75 {offsets = [5], sizes = [1], strides = [1]} : vector<16xi32> to vector<1xi32>
        %squeeze3A_469 = vector.extract %slice3A_468[0] : i32 from vector<1xi32>
        %slice3A_470 = vector.extract_strided_slice %get3A_75 {offsets = [6], sizes = [1], strides = [1]} : vector<16xi32> to vector<1xi32>
        %squeeze3A_471 = vector.extract %slice3A_470[0] : i32 from vector<1xi32>
        %slice3A_472 = vector.extract_strided_slice %get3A_75 {offsets = [7], sizes = [1], strides = [1]} : vector<16xi32> to vector<1xi32>
        %squeeze3A_473 = vector.extract %slice3A_472[0] : i32 from vector<1xi32>
        %and3A_474 = arith.constant 64 : i32
        %and3A_475 = arith.andi %squeeze3A_467, %and3A_474 : i32
        %and3A_476 = arith.constant 64 : i32
        %and3A_477 = arith.andi %squeeze3A_469, %and3A_476 : i32
        %and3A_478 = arith.constant 64 : i32
        %and3A_479 = arith.andi %squeeze3A_471, %and3A_478 : i32
        %and3A_480 = arith.constant 64 : i32
        %and3A_481 = arith.andi %squeeze3A_473, %and3A_480 : i32
        %and3A_482 = arith.constant 65537 : i32
        %and3A_483 = arith.andi %squeeze3A_467, %and3A_482 : i32
        %and3A_484 = arith.constant 65537 : i32
        %and3A_485 = arith.andi %squeeze3A_469, %and3A_484 : i32
        %and3A_486 = arith.constant 65537 : i32
        %and3A_487 = arith.andi %squeeze3A_471, %and3A_486 : i32
        %and3A_488 = arith.constant 65537 : i32
        %and3A_489 = arith.andi %squeeze3A_473, %and3A_488 : i32
        %mul3A_490 = arith.constant 16 : i32
        %mul3A_491 = arith.muli %scan3A_69, %mul3A_490 : i32
        %add3A_492 = arith.constant 4 : i32
        %add3A_493 = arith.addi %mul3A_491, %add3A_492 : i32
        %add3A_494 = arith.constant 0 : i32
        %add3A_495 = arith.addi %add3A_493, %add3A_494 : i32
        %add3A_496 = arith.constant 0 : i32
        %add3A_497 = arith.addi %and3A_475, %add3A_496 : i32
        %get3A_498 = arith.index_cast %add3A_495 : i32 to index
        %get3A_499 = arith.index_cast %add3A_497 : i32 to index
        %get3A_500 = tpu.vector_load %arg10[%get3A_498, %get3A_499] {strides = array<i32>} : memref<128x128xf32, #tpu.memory_space<vmem>>, vector<1x16xf32>,
        %get3A_501 = vector.shape_cast %get3A_500 : vector<1x16xf32> to vector<16xf32>
        %bitcast_convert_type3A_502 = tpu.bitcast %get3A_501 : vector<16xf32> -> vector<16xi32>
        %mul3A_503 = vector.broadcast %and3A_483 : i32 to vector<16xi32>
        %mul3A_504 = arith.muli %bitcast_convert_type3A_502, %mul3A_503 : vector<16xi32>
        %and3A_505 = arith.constant -65536 : i32
        %and3A_506 = vector.broadcast %and3A_505 : i32 to vector<16xi32>
        %and3A_507 = arith.andi %mul3A_504, %and3A_506 : vector<16xi32>
        %bitcast_convert_type3A_508 = tpu.bitcast %and3A_507 : vector<16xi32> -> vector<16xf32>
        %add3A_509 = arith.addf %get3A_7, %bitcast_convert_type3A_508 : vector<16xf32>
        %mul3A_510 = arith.constant 16 : i32
        %mul3A_511 = arith.muli %scan3A_69, %mul3A_510 : i32
        %add3A_512 = arith.constant 4 : i32
        %add3A_513 = arith.addi %mul3A_511, %add3A_512 : i32
        %add3A_514 = arith.constant 1 : i32
        %add3A_515 = arith.addi %add3A_513, %add3A_514 : i32
        %add3A_516 = arith.constant 0 : i32
        %add3A_517 = arith.addi %and3A_477, %add3A_516 : i32
        %get3A_518 = arith.index_cast %add3A_515 : i32 to index
        %get3A_519 = arith.index_cast %add3A_517 : i32 to index
        %get3A_520 = tpu.vector_load %arg10[%get3A_518, %get3A_519] {strides = array<i32>} : memref<128x128xf32, #tpu.memory_space<vmem>>, vector<1x16xf32>,
        %get3A_521 = vector.shape_cast %get3A_520 : vector<1x16xf32> to vector<16xf32>
        %bitcast_convert_type3A_522 = tpu.bitcast %get3A_521 : vector<16xf32> -> vector<16xi32>
        %mul3A_523 = vector.broadcast %and3A_485 : i32 to vector<16xi32>
        %mul3A_524 = arith.muli %bitcast_convert_type3A_522, %mul3A_523 : vector<16xi32>
        %and3A_525 = arith.constant -65536 : i32
        %and3A_526 = vector.broadcast %and3A_525 : i32 to vector<16xi32>
        %and3A_527 = arith.andi %mul3A_524, %and3A_526 : vector<16xi32>
        %bitcast_convert_type3A_528 = tpu.bitcast %and3A_527 : vector<16xi32> -> vector<16xf32>
        %add3A_529 = arith.addf %add3A_509, %bitcast_convert_type3A_528 : vector<16xf32>
        %mul3A_530 = arith.constant 16 : i32
        %mul3A_531 = arith.muli %scan3A_69, %mul3A_530 : i32
        %add3A_532 = arith.constant 4 : i32
        %add3A_533 = arith.addi %mul3A_531, %add3A_532 : i32
        %add3A_534 = arith.constant 2 : i32
        %add3A_535 = arith.addi %add3A_533, %add3A_534 : i32
        %add3A_536 = arith.constant 0 : i32
        %add3A_537 = arith.addi %and3A_479, %add3A_536 : i32
        %get3A_538 = arith.index_cast %add3A_535 : i32 to index
        %get3A_539 = arith.index_cast %add3A_537 : i32 to index
        %get3A_540 = tpu.vector_load %arg10[%get3A_538, %get3A_539] {strides = array<i32>} : memref<128x128xf32, #tpu.memory_space<vmem>>, vector<1x16xf32>,
        %get3A_541 = vector.shape_cast %get3A_540 : vector<1x16xf32> to vector<16xf32>
        %bitcast_convert_type3A_542 = tpu.bitcast %get3A_541 : vector<16xf32> -> vector<16xi32>
        %mul3A_543 = vector.broadcast %and3A_487 : i32 to vector<16xi32>
        %mul3A_544 = arith.muli %bitcast_convert_type3A_542, %mul3A_543 : vector<16xi32>
        %and3A_545 = arith.constant -65536 : i32
        %and3A_546 = vector.broadcast %and3A_545 : i32 to vector<16xi32>
        %and3A_547 = arith.andi %mul3A_544, %and3A_546 : vector<16xi32>
        %bitcast_convert_type3A_548 = tpu.bitcast %and3A_547 : vector<16xi32> -> vector<16xf32>
        %add3A_549 = arith.addf %add3A_529, %bitcast_convert_type3A_548 : vector<16xf32>
        %mul3A_550 = arith.constant 16 : i32
        %mul3A_551 = arith.muli %scan3A_69, %mul3A_550 : i32
        %add3A_552 = arith.constant 4 : i32
        %add3A_553 = arith.addi %mul3A_551, %add3A_552 : i32
        %add3A_554 = arith.constant 3 : i32
        %add3A_555 = arith.addi %add3A_553, %add3A_554 : i32
        %add3A_556 = arith.constant 0 : i32
        %add3A_557 = arith.addi %and3A_481, %add3A_556 : i32
        %get3A_558 = arith.index_cast %add3A_555 : i32 to index
        %get3A_559 = arith.index_cast %add3A_557 : i32 to index
        %get3A_560 = tpu.vector_load %arg10[%get3A_558, %get3A_559] {strides = array<i32>} : memref<128x128xf32, #tpu.memory_space<vmem>>, vector<1x16xf32>,
        %get3A_561 = vector.shape_cast %get3A_560 : vector<1x16xf32> to vector<16xf32>
        %bitcast_convert_type3A_562 = tpu.bitcast %get3A_561 : vector<16xf32> -> vector<16xi32>
        %mul3A_563 = vector.broadcast %and3A_489 : i32 to vector<16xi32>
        %mul3A_564 = arith.muli %bitcast_convert_type3A_562, %mul3A_563 : vector<16xi32>
        %and3A_565 = arith.constant -65536 : i32
        %and3A_566 = vector.broadcast %and3A_565 : i32 to vector<16xi32>
        %and3A_567 = arith.andi %mul3A_564, %and3A_566 : vector<16xi32>
        %bitcast_convert_type3A_568 = tpu.bitcast %and3A_567 : vector<16xi32> -> vector<16xf32>
        %add3A_569 = arith.addf %add3A_549, %bitcast_convert_type3A_568 : vector<16xf32>
        %max3A_570 = arith.constant 0.000000e+00 : f32
        %max3A_571 = vector.broadcast %max3A_570 : f32 to vector<16xf32>
        %max3A_572 = arith.maximumf %add3A_569, %max3A_571 : vector<16xf32>
        %mul3A_573 = arith.constant 32 : i32
        %mul3A_574 = arith.muli %add3A_62, %mul3A_573 : i32
        %add3A_575 = arith.addi %mul3A_574, %add3A_465 : i32
        %swap3A_576 = arith.index_cast %add3A_575 : i32 to index
        %swap3A_577 = arith.constant 0 : index
        %swap3A_578 = tpu.vector_load %arg11[%swap3A_576, %swap3A_577] {strides = array<i32>} : memref<512x64xf32, #tpu.memory_space<vmem>>, vector<1x16xf32>,
        %swap3A_579 = vector.shape_cast %swap3A_578 : vector<1x16xf32> to vector<16xf32>
        %swap3A_580 = vector.shape_cast %max3A_572 : vector<16xf32> to vector<1x16xf32>
        tpu.vector_store %arg11[%swap3A_576, %swap3A_577], %swap3A_580 {strides = array<i32>} : memref<512x64xf32, #tpu.memory_space<vmem>>, vector<1x16xf32>,
        %mul3A_581 = arith.constant 16 : i32
        %mul3A_582 = arith.muli %scan3A_69, %mul3A_581 : i32
        %add3A_583 = arith.constant 4 : i32
        %add3A_584 = arith.addi %mul3A_582, %add3A_583 : i32
        %add3A_585 = arith.constant 0 : i32
        %add3A_586 = arith.addi %add3A_584, %add3A_585 : i32
        %add3A_587 = arith.constant 16 : i32
        %add3A_588 = arith.addi %and3A_475, %add3A_587 : i32
        %get3A_589 = arith.index_cast %add3A_586 : i32 to index
        %get3A_590 = arith.index_cast %add3A_588 : i32 to index
        %get3A_591 = tpu.vector_load %arg10[%get3A_589, %get3A_590] {strides = array<i32>} : memref<128x128xf32, #tpu.memory_space<vmem>>, vector<1x16xf32>,
        %get3A_592 = vector.shape_cast %get3A_591 : vector<1x16xf32> to vector<16xf32>
        %bitcast_convert_type3A_593 = tpu.bitcast %get3A_592 : vector<16xf32> -> vector<16xi32>
        %mul3A_594 = vector.broadcast %and3A_483 : i32 to vector<16xi32>
        %mul3A_595 = arith.muli %bitcast_convert_type3A_593, %mul3A_594 : vector<16xi32>
        %and3A_596 = arith.constant -65536 : i32
        %and3A_597 = vector.broadcast %and3A_596 : i32 to vector<16xi32>
        %and3A_598 = arith.andi %mul3A_595, %and3A_597 : vector<16xi32>
        %bitcast_convert_type3A_599 = tpu.bitcast %and3A_598 : vector<16xi32> -> vector<16xf32>
        %add3A_600 = arith.addf %get3A_10, %bitcast_convert_type3A_599 : vector<16xf32>
        %mul3A_601 = arith.constant 16 : i32
        %mul3A_602 = arith.muli %scan3A_69, %mul3A_601 : i32
        %add3A_603 = arith.constant 4 : i32
        %add3A_604 = arith.addi %mul3A_602, %add3A_603 : i32
        %add3A_605 = arith.constant 1 : i32
        %add3A_606 = arith.addi %add3A_604, %add3A_605 : i32
        %add3A_607 = arith.constant 16 : i32
        %add3A_608 = arith.addi %and3A_477, %add3A_607 : i32
        %get3A_609 = arith.index_cast %add3A_606 : i32 to index
        %get3A_610 = arith.index_cast %add3A_608 : i32 to index
        %get3A_611 = tpu.vector_load %arg10[%get3A_609, %get3A_610] {strides = array<i32>} : memref<128x128xf32, #tpu.memory_space<vmem>>, vector<1x16xf32>,
        %get3A_612 = vector.shape_cast %get3A_611 : vector<1x16xf32> to vector<16xf32>
        %bitcast_convert_type3A_613 = tpu.bitcast %get3A_612 : vector<16xf32> -> vector<16xi32>
        %mul3A_614 = vector.broadcast %and3A_485 : i32 to vector<16xi32>
        %mul3A_615 = arith.muli %bitcast_convert_type3A_613, %mul3A_614 : vector<16xi32>
        %and3A_616 = arith.constant -65536 : i32
        %and3A_617 = vector.broadcast %and3A_616 : i32 to vector<16xi32>
        %and3A_618 = arith.andi %mul3A_615, %and3A_617 : vector<16xi32>
        %bitcast_convert_type3A_619 = tpu.bitcast %and3A_618 : vector<16xi32> -> vector<16xf32>
        %add3A_620 = arith.addf %add3A_600, %bitcast_convert_type3A_619 : vector<16xf32>
        %mul3A_621 = arith.constant 16 : i32
        %mul3A_622 = arith.muli %scan3A_69, %mul3A_621 : i32
        %add3A_623 = arith.constant 4 : i32
        %add3A_624 = arith.addi %mul3A_622, %add3A_623 : i32
        %add3A_625 = arith.constant 2 : i32
        %add3A_626 = arith.addi %add3A_624, %add3A_625 : i32
        %add3A_627 = arith.constant 16 : i32
        %add3A_628 = arith.addi %and3A_479, %add3A_627 : i32
        %get3A_629 = arith.index_cast %add3A_626 : i32 to index
        %get3A_630 = arith.index_cast %add3A_628 : i32 to index
        %get3A_631 = tpu.vector_load %arg10[%get3A_629, %get3A_630] {strides = array<i32>} : memref<128x128xf32, #tpu.memory_space<vmem>>, vector<1x16xf32>,
        %get3A_632 = vector.shape_cast %get3A_631 : vector<1x16xf32> to vector<16xf32>
        %bitcast_convert_type3A_633 = tpu.bitcast %get3A_632 : vector<16xf32> -> vector<16xi32>
        %mul3A_634 = vector.broadcast %and3A_487 : i32 to vector<16xi32>
        %mul3A_635 = arith.muli %bitcast_convert_type3A_633, %mul3A_634 : vector<16xi32>
        %and3A_636 = arith.constant -65536 : i32
        %and3A_637 = vector.broadcast %and3A_636 : i32 to vector<16xi32>
        %and3A_638 = arith.andi %mul3A_635, %and3A_637 : vector<16xi32>
        %bitcast_convert_type3A_639 = tpu.bitcast %and3A_638 : vector<16xi32> -> vector<16xf32>
        %add3A_640 = arith.addf %add3A_620, %bitcast_convert_type3A_639 : vector<16xf32>
        %mul3A_641 = arith.constant 16 : i32
        %mul3A_642 = arith.muli %scan3A_69, %mul3A_641 : i32
        %add3A_643 = arith.constant 4 : i32
        %add3A_644 = arith.addi %mul3A_642, %add3A_643 : i32
        %add3A_645 = arith.constant 3 : i32
        %add3A_646 = arith.addi %add3A_644, %add3A_645 : i32
        %add3A_647 = arith.constant 16 : i32
        %add3A_648 = arith.addi %and3A_481, %add3A_647 : i32
        %get3A_649 = arith.index_cast %add3A_646 : i32 to index
        %get3A_650 = arith.index_cast %add3A_648 : i32 to index
        %get3A_651 = tpu.vector_load %arg10[%get3A_649, %get3A_650] {strides = array<i32>} : memref<128x128xf32, #tpu.memory_space<vmem>>, vector<1x16xf32>,
        %get3A_652 = vector.shape_cast %get3A_651 : vector<1x16xf32> to vector<16xf32>
        %bitcast_convert_type3A_653 = tpu.bitcast %get3A_652 : vector<16xf32> -> vector<16xi32>
        %mul3A_654 = vector.broadcast %and3A_489 : i32 to vector<16xi32>
        %mul3A_655 = arith.muli %bitcast_convert_type3A_653, %mul3A_654 : vector<16xi32>
        %and3A_656 = arith.constant -65536 : i32
        %and3A_657 = vector.broadcast %and3A_656 : i32 to vector<16xi32>
        %and3A_658 = arith.andi %mul3A_655, %and3A_657 : vector<16xi32>
        %bitcast_convert_type3A_659 = tpu.bitcast %and3A_658 : vector<16xi32> -> vector<16xf32>
        %add3A_660 = arith.addf %add3A_640, %bitcast_convert_type3A_659 : vector<16xf32>
        %max3A_661 = arith.constant 0.000000e+00 : f32
        %max3A_662 = vector.broadcast %max3A_661 : f32 to vector<16xf32>
        %max3A_663 = arith.maximumf %add3A_660, %max3A_662 : vector<16xf32>
        %mul3A_664 = arith.constant 32 : i32
        %mul3A_665 = arith.muli %add3A_62, %mul3A_664 : i32
        %add3A_666 = arith.addi %mul3A_665, %add3A_465 : i32
        %swap3A_667 = arith.index_cast %add3A_666 : i32 to index
        %swap3A_668 = arith.constant 16 : index
        %swap3A_669 = tpu.vector_load %arg11[%swap3A_667, %swap3A_668] {strides = array<i32>} : memref<512x64xf32, #tpu.memory_space<vmem>>, vector<1x16xf32>,
        %swap3A_670 = vector.shape_cast %swap3A_669 : vector<1x16xf32> to vector<16xf32>
        %swap3A_671 = vector.shape_cast %max3A_663 : vector<16xf32> to vector<1x16xf32>
        tpu.vector_store %arg11[%swap3A_667, %swap3A_668], %swap3A_671 {strides = array<i32>} : memref<512x64xf32, #tpu.memory_space<vmem>>, vector<1x16xf32>,
        %mul3A_672 = arith.constant 16 : i32
        %mul3A_673 = arith.muli %scan3A_69, %mul3A_672 : i32
        %add3A_674 = arith.constant 4 : i32
        %add3A_675 = arith.addi %mul3A_673, %add3A_674 : i32
        %add3A_676 = arith.constant 0 : i32
        %add3A_677 = arith.addi %add3A_675, %add3A_676 : i32
        %add3A_678 = arith.constant 32 : i32
        %add3A_679 = arith.addi %and3A_475, %add3A_678 : i32
        %get3A_680 = arith.index_cast %add3A_677 : i32 to index
        %get3A_681 = arith.index_cast %add3A_679 : i32 to index
        %get3A_682 = tpu.vector_load %arg10[%get3A_680, %get3A_681] {strides = array<i32>} : memref<128x128xf32, #tpu.memory_space<vmem>>, vector<1x16xf32>,
        %get3A_683 = vector.shape_cast %get3A_682 : vector<1x16xf32> to vector<16xf32>
        %bitcast_convert_type3A_684 = tpu.bitcast %get3A_683 : vector<16xf32> -> vector<16xi32>
        %mul3A_685 = vector.broadcast %and3A_483 : i32 to vector<16xi32>
        %mul3A_686 = arith.muli %bitcast_convert_type3A_684, %mul3A_685 : vector<16xi32>
        %and3A_687 = arith.constant -65536 : i32
        %and3A_688 = vector.broadcast %and3A_687 : i32 to vector<16xi32>
        %and3A_689 = arith.andi %mul3A_686, %and3A_688 : vector<16xi32>
        %bitcast_convert_type3A_690 = tpu.bitcast %and3A_689 : vector<16xi32> -> vector<16xf32>
        %add3A_691 = arith.addf %get3A_13, %bitcast_convert_type3A_690 : vector<16xf32>
        %mul3A_692 = arith.constant 16 : i32
        %mul3A_693 = arith.muli %scan3A_69, %mul3A_692 : i32
        %add3A_694 = arith.constant 4 : i32
        %add3A_695 = arith.addi %mul3A_693, %add3A_694 : i32
        %add3A_696 = arith.constant 1 : i32
        %add3A_697 = arith.addi %add3A_695, %add3A_696 : i32
        %add3A_698 = arith.constant 32 : i32
        %add3A_699 = arith.addi %and3A_477, %add3A_698 : i32
        %get3A_700 = arith.index_cast %add3A_697 : i32 to index
        %get3A_701 = arith.index_cast %add3A_699 : i32 to index
        %get3A_702 = tpu.vector_load %arg10[%get3A_700, %get3A_701] {strides = array<i32>} : memref<128x128xf32, #tpu.memory_space<vmem>>, vector<1x16xf32>,
        %get3A_703 = vector.shape_cast %get3A_702 : vector<1x16xf32> to vector<16xf32>
        %bitcast_convert_type3A_704 = tpu.bitcast %get3A_703 : vector<16xf32> -> vector<16xi32>
        %mul3A_705 = vector.broadcast %and3A_485 : i32 to vector<16xi32>
        %mul3A_706 = arith.muli %bitcast_convert_type3A_704, %mul3A_705 : vector<16xi32>
        %and3A_707 = arith.constant -65536 : i32
        %and3A_708 = vector.broadcast %and3A_707 : i32 to vector<16xi32>
        %and3A_709 = arith.andi %mul3A_706, %and3A_708 : vector<16xi32>
        %bitcast_convert_type3A_710 = tpu.bitcast %and3A_709 : vector<16xi32> -> vector<16xf32>
        %add3A_711 = arith.addf %add3A_691, %bitcast_convert_type3A_710 : vector<16xf32>
        %mul3A_712 = arith.constant 16 : i32
        %mul3A_713 = arith.muli %scan3A_69, %mul3A_712 : i32
        %add3A_714 = arith.constant 4 : i32
        %add3A_715 = arith.addi %mul3A_713, %add3A_714 : i32
        %add3A_716 = arith.constant 2 : i32
        %add3A_717 = arith.addi %add3A_715, %add3A_716 : i32
        %add3A_718 = arith.constant 32 : i32
        %add3A_719 = arith.addi %and3A_479, %add3A_718 : i32
        %get3A_720 = arith.index_cast %add3A_717 : i32 to index
        %get3A_721 = arith.index_cast %add3A_719 : i32 to index
        %get3A_722 = tpu.vector_load %arg10[%get3A_720, %get3A_721] {strides = array<i32>} : memref<128x128xf32, #tpu.memory_space<vmem>>, vector<1x16xf32>,
        %get3A_723 = vector.shape_cast %get3A_722 : vector<1x16xf32> to vector<16xf32>
        %bitcast_convert_type3A_724 = tpu.bitcast %get3A_723 : vector<16xf32> -> vector<16xi32>
        %mul3A_725 = vector.broadcast %and3A_487 : i32 to vector<16xi32>
        %mul3A_726 = arith.muli %bitcast_convert_type3A_724, %mul3A_725 : vector<16xi32>
        %and3A_727 = arith.constant -65536 : i32
        %and3A_728 = vector.broadcast %and3A_727 : i32 to vector<16xi32>
        %and3A_729 = arith.andi %mul3A_726, %and3A_728 : vector<16xi32>
        %bitcast_convert_type3A_730 = tpu.bitcast %and3A_729 : vector<16xi32> -> vector<16xf32>
        %add3A_731 = arith.addf %add3A_711, %bitcast_convert_type3A_730 : vector<16xf32>
        %mul3A_732 = arith.constant 16 : i32
        %mul3A_733 = arith.muli %scan3A_69, %mul3A_732 : i32
        %add3A_734 = arith.constant 4 : i32
        %add3A_735 = arith.addi %mul3A_733, %add3A_734 : i32
        %add3A_736 = arith.constant 3 : i32
        %add3A_737 = arith.addi %add3A_735, %add3A_736 : i32
        %add3A_738 = arith.constant 32 : i32
        %add3A_739 = arith.addi %and3A_481, %add3A_738 : i32
        %get3A_740 = arith.index_cast %add3A_737 : i32 to index
        %get3A_741 = arith.index_cast %add3A_739 : i32 to index
        %get3A_742 = tpu.vector_load %arg10[%get3A_740, %get3A_741] {strides = array<i32>} : memref<128x128xf32, #tpu.memory_space<vmem>>, vector<1x16xf32>,
        %get3A_743 = vector.shape_cast %get3A_742 : vector<1x16xf32> to vector<16xf32>
        %bitcast_convert_type3A_744 = tpu.bitcast %get3A_743 : vector<16xf32> -> vector<16xi32>
        %mul3A_745 = vector.broadcast %and3A_489 : i32 to vector<16xi32>
        %mul3A_746 = arith.muli %bitcast_convert_type3A_744, %mul3A_745 : vector<16xi32>
        %and3A_747 = arith.constant -65536 : i32
        %and3A_748 = vector.broadcast %and3A_747 : i32 to vector<16xi32>
        %and3A_749 = arith.andi %mul3A_746, %and3A_748 : vector<16xi32>
        %bitcast_convert_type3A_750 = tpu.bitcast %and3A_749 : vector<16xi32> -> vector<16xf32>
        %add3A_751 = arith.addf %add3A_731, %bitcast_convert_type3A_750 : vector<16xf32>
        %max3A_752 = arith.constant 0.000000e+00 : f32
        %max3A_753 = vector.broadcast %max3A_752 : f32 to vector<16xf32>
        %max3A_754 = arith.maximumf %add3A_751, %max3A_753 : vector<16xf32>
        %mul3A_755 = arith.constant 32 : i32
        %mul3A_756 = arith.muli %add3A_62, %mul3A_755 : i32
        %add3A_757 = arith.addi %mul3A_756, %add3A_465 : i32
        %swap3A_758 = arith.index_cast %add3A_757 : i32 to index
        %swap3A_759 = arith.constant 32 : index
        %swap3A_760 = tpu.vector_load %arg11[%swap3A_758, %swap3A_759] {strides = array<i32>} : memref<512x64xf32, #tpu.memory_space<vmem>>, vector<1x16xf32>,
        %swap3A_761 = vector.shape_cast %swap3A_760 : vector<1x16xf32> to vector<16xf32>
        %swap3A_762 = vector.shape_cast %max3A_754 : vector<16xf32> to vector<1x16xf32>
        tpu.vector_store %arg11[%swap3A_758, %swap3A_759], %swap3A_762 {strides = array<i32>} : memref<512x64xf32, #tpu.memory_space<vmem>>, vector<1x16xf32>,
        %mul3A_763 = arith.constant 16 : i32
        %mul3A_764 = arith.muli %scan3A_69, %mul3A_763 : i32
        %add3A_765 = arith.constant 4 : i32
        %add3A_766 = arith.addi %mul3A_764, %add3A_765 : i32
        %add3A_767 = arith.constant 0 : i32
        %add3A_768 = arith.addi %add3A_766, %add3A_767 : i32
        %add3A_769 = arith.constant 48 : i32
        %add3A_770 = arith.addi %and3A_475, %add3A_769 : i32
        %get3A_771 = arith.index_cast %add3A_768 : i32 to index
        %get3A_772 = arith.index_cast %add3A_770 : i32 to index
        %get3A_773 = tpu.vector_load %arg10[%get3A_771, %get3A_772] {strides = array<i32>} : memref<128x128xf32, #tpu.memory_space<vmem>>, vector<1x16xf32>,
        %get3A_774 = vector.shape_cast %get3A_773 : vector<1x16xf32> to vector<16xf32>
        %bitcast_convert_type3A_775 = tpu.bitcast %get3A_774 : vector<16xf32> -> vector<16xi32>
        %mul3A_776 = vector.broadcast %and3A_483 : i32 to vector<16xi32>
        %mul3A_777 = arith.muli %bitcast_convert_type3A_775, %mul3A_776 : vector<16xi32>
        %and3A_778 = arith.constant -65536 : i32
        %and3A_779 = vector.broadcast %and3A_778 : i32 to vector<16xi32>
        %and3A_780 = arith.andi %mul3A_777, %and3A_779 : vector<16xi32>
        %bitcast_convert_type3A_781 = tpu.bitcast %and3A_780 : vector<16xi32> -> vector<16xf32>
        %add3A_782 = arith.addf %get3A_16, %bitcast_convert_type3A_781 : vector<16xf32>
        %mul3A_783 = arith.constant 16 : i32
        %mul3A_784 = arith.muli %scan3A_69, %mul3A_783 : i32
        %add3A_785 = arith.constant 4 : i32
        %add3A_786 = arith.addi %mul3A_784, %add3A_785 : i32
        %add3A_787 = arith.constant 1 : i32
        %add3A_788 = arith.addi %add3A_786, %add3A_787 : i32
        %add3A_789 = arith.constant 48 : i32
        %add3A_790 = arith.addi %and3A_477, %add3A_789 : i32
        %get3A_791 = arith.index_cast %add3A_788 : i32 to index
        %get3A_792 = arith.index_cast %add3A_790 : i32 to index
        %get3A_793 = tpu.vector_load %arg10[%get3A_791, %get3A_792] {strides = array<i32>} : memref<128x128xf32, #tpu.memory_space<vmem>>, vector<1x16xf32>,
        %get3A_794 = vector.shape_cast %get3A_793 : vector<1x16xf32> to vector<16xf32>
        %bitcast_convert_type3A_795 = tpu.bitcast %get3A_794 : vector<16xf32> -> vector<16xi32>
        %mul3A_796 = vector.broadcast %and3A_485 : i32 to vector<16xi32>
        %mul3A_797 = arith.muli %bitcast_convert_type3A_795, %mul3A_796 : vector<16xi32>
        %and3A_798 = arith.constant -65536 : i32
        %and3A_799 = vector.broadcast %and3A_798 : i32 to vector<16xi32>
        %and3A_800 = arith.andi %mul3A_797, %and3A_799 : vector<16xi32>
        %bitcast_convert_type3A_801 = tpu.bitcast %and3A_800 : vector<16xi32> -> vector<16xf32>
        %add3A_802 = arith.addf %add3A_782, %bitcast_convert_type3A_801 : vector<16xf32>
        %mul3A_803 = arith.constant 16 : i32
        %mul3A_804 = arith.muli %scan3A_69, %mul3A_803 : i32
        %add3A_805 = arith.constant 4 : i32
        %add3A_806 = arith.addi %mul3A_804, %add3A_805 : i32
        %add3A_807 = arith.constant 2 : i32
        %add3A_808 = arith.addi %add3A_806, %add3A_807 : i32
        %add3A_809 = arith.constant 48 : i32
        %add3A_810 = arith.addi %and3A_479, %add3A_809 : i32
        %get3A_811 = arith.index_cast %add3A_808 : i32 to index
        %get3A_812 = arith.index_cast %add3A_810 : i32 to index
        %get3A_813 = tpu.vector_load %arg10[%get3A_811, %get3A_812] {strides = array<i32>} : memref<128x128xf32, #tpu.memory_space<vmem>>, vector<1x16xf32>,
        %get3A_814 = vector.shape_cast %get3A_813 : vector<1x16xf32> to vector<16xf32>
        %bitcast_convert_type3A_815 = tpu.bitcast %get3A_814 : vector<16xf32> -> vector<16xi32>
        %mul3A_816 = vector.broadcast %and3A_487 : i32 to vector<16xi32>
        %mul3A_817 = arith.muli %bitcast_convert_type3A_815, %mul3A_816 : vector<16xi32>
        %and3A_818 = arith.constant -65536 : i32
        %and3A_819 = vector.broadcast %and3A_818 : i32 to vector<16xi32>
        %and3A_820 = arith.andi %mul3A_817, %and3A_819 : vector<16xi32>
        %bitcast_convert_type3A_821 = tpu.bitcast %and3A_820 : vector<16xi32> -> vector<16xf32>
        %add3A_822 = arith.addf %add3A_802, %bitcast_convert_type3A_821 : vector<16xf32>
        %mul3A_823 = arith.constant 16 : i32
        %mul3A_824 = arith.muli %scan3A_69, %mul3A_823 : i32
        %add3A_825 = arith.constant 4 : i32
        %add3A_826 = arith.addi %mul3A_824, %add3A_825 : i32
        %add3A_827 = arith.constant 3 : i32
        %add3A_828 = arith.addi %add3A_826, %add3A_827 : i32
        %add3A_829 = arith.constant 48 : i32
        %add3A_830 = arith.addi %and3A_481, %add3A_829 : i32
        %get3A_831 = arith.index_cast %add3A_828 : i32 to index
        %get3A_832 = arith.index_cast %add3A_830 : i32 to index
        %get3A_833 = tpu.vector_load %arg10[%get3A_831, %get3A_832] {strides = array<i32>} : memref<128x128xf32, #tpu.memory_space<vmem>>, vector<1x16xf32>,
        %get3A_834 = vector.shape_cast %get3A_833 : vector<1x16xf32> to vector<16xf32>
        %bitcast_convert_type3A_835 = tpu.bitcast %get3A_834 : vector<16xf32> -> vector<16xi32>
        %mul3A_836 = vector.broadcast %and3A_489 : i32 to vector<16xi32>
        %mul3A_837 = arith.muli %bitcast_convert_type3A_835, %mul3A_836 : vector<16xi32>
        %and3A_838 = arith.constant -65536 : i32
        %and3A_839 = vector.broadcast %and3A_838 : i32 to vector<16xi32>
        %and3A_840 = arith.andi %mul3A_837, %and3A_839 : vector<16xi32>
        %bitcast_convert_type3A_841 = tpu.bitcast %and3A_840 : vector<16xi32> -> vector<16xf32>
        %add3A_842 = arith.addf %add3A_822, %bitcast_convert_type3A_841 : vector<16xf32>
        %max3A_843 = arith.constant 0.000000e+00 : f32
        %max3A_844 = vector.broadcast %max3A_843 : f32 to vector<16xf32>
        %max3A_845 = arith.maximumf %add3A_842, %max3A_844 : vector<16xf32>
        %mul3A_846 = arith.constant 32 : i32
        %mul3A_847 = arith.muli %add3A_62, %mul3A_846 : i32
        %add3A_848 = arith.addi %mul3A_847, %add3A_465 : i32
        %swap3A_849 = arith.index_cast %add3A_848 : i32 to index
        %swap3A_850 = arith.constant 48 : index
        %swap3A_851 = tpu.vector_load %arg11[%swap3A_849, %swap3A_850] {strides = array<i32>} : memref<512x64xf32, #tpu.memory_space<vmem>>, vector<1x16xf32>,
        %swap3A_852 = vector.shape_cast %swap3A_851 : vector<1x16xf32> to vector<16xf32>
        %swap3A_853 = vector.shape_cast %max3A_845 : vector<16xf32> to vector<1x16xf32>
        tpu.vector_store %arg11[%swap3A_849, %swap3A_850], %swap3A_853 {strides = array<i32>} : memref<512x64xf32, #tpu.memory_space<vmem>>, vector<1x16xf32>,
        %mul3A_854 = arith.constant 4 : i32
        %mul3A_855 = arith.muli %scan3A_69, %mul3A_854 : i32
        %add3A_856 = arith.constant 2 : i32
        %add3A_857 = arith.addi %mul3A_855, %add3A_856 : i32
        %slice3A_858 = vector.extract_strided_slice %get3A_75 {offsets = [8], sizes = [1], strides = [1]} : vector<16xi32> to vector<1xi32>
        %squeeze3A_859 = vector.extract %slice3A_858[0] : i32 from vector<1xi32>
        %slice3A_860 = vector.extract_strided_slice %get3A_75 {offsets = [9], sizes = [1], strides = [1]} : vector<16xi32> to vector<1xi32>
        %squeeze3A_861 = vector.extract %slice3A_860[0] : i32 from vector<1xi32>
        %slice3A_862 = vector.extract_strided_slice %get3A_75 {offsets = [10], sizes = [1], strides = [1]} : vector<16xi32> to vector<1xi32>
        %squeeze3A_863 = vector.extract %slice3A_862[0] : i32 from vector<1xi32>
        %slice3A_864 = vector.extract_strided_slice %get3A_75 {offsets = [11], sizes = [1], strides = [1]} : vector<16xi32> to vector<1xi32>
        %squeeze3A_865 = vector.extract %slice3A_864[0] : i32 from vector<1xi32>
        %and3A_866 = arith.constant 64 : i32
        %and3A_867 = arith.andi %squeeze3A_859, %and3A_866 : i32
        %and3A_868 = arith.constant 64 : i32
        %and3A_869 = arith.andi %squeeze3A_861, %and3A_868 : i32
        %and3A_870 = arith.constant 64 : i32
        %and3A_871 = arith.andi %squeeze3A_863, %and3A_870 : i32
        %and3A_872 = arith.constant 64 : i32
        %and3A_873 = arith.andi %squeeze3A_865, %and3A_872 : i32
        %and3A_874 = arith.constant 65537 : i32
        %and3A_875 = arith.andi %squeeze3A_859, %and3A_874 : i32
        %and3A_876 = arith.constant 65537 : i32
        %and3A_877 = arith.andi %squeeze3A_861, %and3A_876 : i32
        %and3A_878 = arith.constant 65537 : i32
        %and3A_879 = arith.andi %squeeze3A_863, %and3A_878 : i32
        %and3A_880 = arith.constant 65537 : i32
        %and3A_881 = arith.andi %squeeze3A_865, %and3A_880 : i32
        %mul3A_882 = arith.constant 16 : i32
        %mul3A_883 = arith.muli %scan3A_69, %mul3A_882 : i32
        %add3A_884 = arith.constant 8 : i32
        %add3A_885 = arith.addi %mul3A_883, %add3A_884 : i32
        %add3A_886 = arith.constant 0 : i32
        %add3A_887 = arith.addi %add3A_885, %add3A_886 : i32
        %add3A_888 = arith.constant 0 : i32
        %add3A_889 = arith.addi %and3A_867, %add3A_888 : i32
        %get3A_890 = arith.index_cast %add3A_887 : i32 to index
        %get3A_891 = arith.index_cast %add3A_889 : i32 to index
        %get3A_892 = tpu.vector_load %arg10[%get3A_890, %get3A_891] {strides = array<i32>} : memref<128x128xf32, #tpu.memory_space<vmem>>, vector<1x16xf32>,
        %get3A_893 = vector.shape_cast %get3A_892 : vector<1x16xf32> to vector<16xf32>
        %bitcast_convert_type3A_894 = tpu.bitcast %get3A_893 : vector<16xf32> -> vector<16xi32>
        %mul3A_895 = vector.broadcast %and3A_875 : i32 to vector<16xi32>
        %mul3A_896 = arith.muli %bitcast_convert_type3A_894, %mul3A_895 : vector<16xi32>
        %and3A_897 = arith.constant -65536 : i32
        %and3A_898 = vector.broadcast %and3A_897 : i32 to vector<16xi32>
        %and3A_899 = arith.andi %mul3A_896, %and3A_898 : vector<16xi32>
        %bitcast_convert_type3A_900 = tpu.bitcast %and3A_899 : vector<16xi32> -> vector<16xf32>
        %add3A_901 = arith.addf %get3A_7, %bitcast_convert_type3A_900 : vector<16xf32>
        %mul3A_902 = arith.constant 16 : i32
        %mul3A_903 = arith.muli %scan3A_69, %mul3A_902 : i32
        %add3A_904 = arith.constant 8 : i32
        %add3A_905 = arith.addi %mul3A_903, %add3A_904 : i32
        %add3A_906 = arith.constant 1 : i32
        %add3A_907 = arith.addi %add3A_905, %add3A_906 : i32
        %add3A_908 = arith.constant 0 : i32
        %add3A_909 = arith.addi %and3A_869, %add3A_908 : i32
        %get3A_910 = arith.index_cast %add3A_907 : i32 to index
        %get3A_911 = arith.index_cast %add3A_909 : i32 to index
        %get3A_912 = tpu.vector_load %arg10[%get3A_910, %get3A_911] {strides = array<i32>} : memref<128x128xf32, #tpu.memory_space<vmem>>, vector<1x16xf32>,
        %get3A_913 = vector.shape_cast %get3A_912 : vector<1x16xf32> to vector<16xf32>
        %bitcast_convert_type3A_914 = tpu.bitcast %get3A_913 : vector<16xf32> -> vector<16xi32>
        %mul3A_915 = vector.broadcast %and3A_877 : i32 to vector<16xi32>
        %mul3A_916 = arith.muli %bitcast_convert_type3A_914, %mul3A_915 : vector<16xi32>
        %and3A_917 = arith.constant -65536 : i32
        %and3A_918 = vector.broadcast %and3A_917 : i32 to vector<16xi32>
        %and3A_919 = arith.andi %mul3A_916, %and3A_918 : vector<16xi32>
        %bitcast_convert_type3A_920 = tpu.bitcast %and3A_919 : vector<16xi32> -> vector<16xf32>
        %add3A_921 = arith.addf %add3A_901, %bitcast_convert_type3A_920 : vector<16xf32>
        %mul3A_922 = arith.constant 16 : i32
        %mul3A_923 = arith.muli %scan3A_69, %mul3A_922 : i32
        %add3A_924 = arith.constant 8 : i32
        %add3A_925 = arith.addi %mul3A_923, %add3A_924 : i32
        %add3A_926 = arith.constant 2 : i32
        %add3A_927 = arith.addi %add3A_925, %add3A_926 : i32
        %add3A_928 = arith.constant 0 : i32
        %add3A_929 = arith.addi %and3A_871, %add3A_928 : i32
        %get3A_930 = arith.index_cast %add3A_927 : i32 to index
        %get3A_931 = arith.index_cast %add3A_929 : i32 to index
        %get3A_932 = tpu.vector_load %arg10[%get3A_930, %get3A_931] {strides = array<i32>} : memref<128x128xf32, #tpu.memory_space<vmem>>, vector<1x16xf32>,
        %get3A_933 = vector.shape_cast %get3A_932 : vector<1x16xf32> to vector<16xf32>
        %bitcast_convert_type3A_934 = tpu.bitcast %get3A_933 : vector<16xf32> -> vector<16xi32>
        %mul3A_935 = vector.broadcast %and3A_879 : i32 to vector<16xi32>
        %mul3A_936 = arith.muli %bitcast_convert_type3A_934, %mul3A_935 : vector<16xi32>
        %and3A_937 = arith.constant -65536 : i32
        %and3A_938 = vector.broadcast %and3A_937 : i32 to vector<16xi32>
        %and3A_939 = arith.andi %mul3A_936, %and3A_938 : vector<16xi32>
        %bitcast_convert_type3A_940 = tpu.bitcast %and3A_939 : vector<16xi32> -> vector<16xf32>
        %add3A_941 = arith.addf %add3A_921, %bitcast_convert_type3A_940 : vector<16xf32>
        %mul3A_942 = arith.constant 16 : i32
        %mul3A_943 = arith.muli %scan3A_69, %mul3A_942 : i32
        %add3A_944 = arith.constant 8 : i32
        %add3A_945 = arith.addi %mul3A_943, %add3A_944 : i32
        %add3A_946 = arith.constant 3 : i32
        %add3A_947 = arith.addi %add3A_945, %add3A_946 : i32
        %add3A_948 = arith.constant 0 : i32
        %add3A_949 = arith.addi %and3A_873, %add3A_948 : i32
        %get3A_950 = arith.index_cast %add3A_947 : i32 to index
        %get3A_951 = arith.index_cast %add3A_949 : i32 to index
        %get3A_952 = tpu.vector_load %arg10[%get3A_950, %get3A_951] {strides = array<i32>} : memref<128x128xf32, #tpu.memory_space<vmem>>, vector<1x16xf32>,
        %get3A_953 = vector.shape_cast %get3A_952 : vector<1x16xf32> to vector<16xf32>
        %bitcast_convert_type3A_954 = tpu.bitcast %get3A_953 : vector<16xf32> -> vector<16xi32>
        %mul3A_955 = vector.broadcast %and3A_881 : i32 to vector<16xi32>
        %mul3A_956 = arith.muli %bitcast_convert_type3A_954, %mul3A_955 : vector<16xi32>
        %and3A_957 = arith.constant -65536 : i32
        %and3A_958 = vector.broadcast %and3A_957 : i32 to vector<16xi32>
        %and3A_959 = arith.andi %mul3A_956, %and3A_958 : vector<16xi32>
        %bitcast_convert_type3A_960 = tpu.bitcast %and3A_959 : vector<16xi32> -> vector<16xf32>
        %add3A_961 = arith.addf %add3A_941, %bitcast_convert_type3A_960 : vector<16xf32>
        %max3A_962 = arith.constant 0.000000e+00 : f32
        %max3A_963 = vector.broadcast %max3A_962 : f32 to vector<16xf32>
        %max3A_964 = arith.maximumf %add3A_961, %max3A_963 : vector<16xf32>
        %mul3A_965 = arith.constant 32 : i32
        %mul3A_966 = arith.muli %add3A_62, %mul3A_965 : i32
        %add3A_967 = arith.addi %mul3A_966, %add3A_857 : i32
        %swap3A_968 = arith.index_cast %add3A_967 : i32 to index
        %swap3A_969 = arith.constant 0 : index
        %swap3A_970 = tpu.vector_load %arg11[%swap3A_968, %swap3A_969] {strides = array<i32>} : memref<512x64xf32, #tpu.memory_space<vmem>>, vector<1x16xf32>,
        %swap3A_971 = vector.shape_cast %swap3A_970 : vector<1x16xf32> to vector<16xf32>
        %swap3A_972 = vector.shape_cast %max3A_964 : vector<16xf32> to vector<1x16xf32>
        tpu.vector_store %arg11[%swap3A_968, %swap3A_969], %swap3A_972 {strides = array<i32>} : memref<512x64xf32, #tpu.memory_space<vmem>>, vector<1x16xf32>,
        %mul3A_973 = arith.constant 16 : i32
        %mul3A_974 = arith.muli %scan3A_69, %mul3A_973 : i32
        %add3A_975 = arith.constant 8 : i32
        %add3A_976 = arith.addi %mul3A_974, %add3A_975 : i32
        %add3A_977 = arith.constant 0 : i32
        %add3A_978 = arith.addi %add3A_976, %add3A_977 : i32
        %add3A_979 = arith.constant 16 : i32
        %add3A_980 = arith.addi %and3A_867, %add3A_979 : i32
        %get3A_981 = arith.index_cast %add3A_978 : i32 to index
        %get3A_982 = arith.index_cast %add3A_980 : i32 to index
        %get3A_983 = tpu.vector_load %arg10[%get3A_981, %get3A_982] {strides = array<i32>} : memref<128x128xf32, #tpu.memory_space<vmem>>, vector<1x16xf32>,
        %get3A_984 = vector.shape_cast %get3A_983 : vector<1x16xf32> to vector<16xf32>
        %bitcast_convert_type3A_985 = tpu.bitcast %get3A_984 : vector<16xf32> -> vector<16xi32>
        %mul3A_986 = vector.broadcast %and3A_875 : i32 to vector<16xi32>
        %mul3A_987 = arith.muli %bitcast_convert_type3A_985, %mul3A_986 : vector<16xi32>
        %and3A_988 = arith.constant -65536 : i32
        %and3A_989 = vector.broadcast %and3A_988 : i32 to vector<16xi32>
        %and3A_990 = arith.andi %mul3A_987, %and3A_989 : vector<16xi32>
        %bitcast_convert_type3A_991 = tpu.bitcast %and3A_990 : vector<16xi32> -> vector<16xf32>
        %add3A_992 = arith.addf %get3A_10, %bitcast_convert_type3A_991 : vector<16xf32>
        %mul3A_993 = arith.constant 16 : i32
        %mul3A_994 = arith.muli %scan3A_69, %mul3A_993 : i32
        %add3A_995 = arith.constant 8 : i32
        %add3A_996 = arith.addi %mul3A_994, %add3A_995 : i32
        %add3A_997 = arith.constant 1 : i32
        %add3A_998 = arith.addi %add3A_996, %add3A_997 : i32
        %add3A_999 = arith.constant 16 : i32
        %add3A_1000 = arith.addi %and3A_869, %add3A_999 : i32
        %get3A_1001 = arith.index_cast %add3A_998 : i32 to index
        %get3A_1002 = arith.index_cast %add3A_1000 : i32 to index
        %get3A_1003 = tpu.vector_load %arg10[%get3A_1001, %get3A_1002] {strides = array<i32>} : memref<128x128xf32, #tpu.memory_space<vmem>>, vector<1x16xf32>,
        %get3A_1004 = vector.shape_cast %get3A_1003 : vector<1x16xf32> to vector<16xf32>
        %bitcast_convert_type3A_1005 = tpu.bitcast %get3A_1004 : vector<16xf32> -> vector<16xi32>
        %mul3A_1006 = vector.broadcast %and3A_877 : i32 to vector<16xi32>
        %mul3A_1007 = arith.muli %bitcast_convert_type3A_1005, %mul3A_1006 : vector<16xi32>
        %and3A_1008 = arith.constant -65536 : i32
        %and3A_1009 = vector.broadcast %and3A_1008 : i32 to vector<16xi32>
        %and3A_1010 = arith.andi %mul3A_1007, %and3A_1009 : vector<16xi32>
        %bitcast_convert_type3A_1011 = tpu.bitcast %and3A_1010 : vector<16xi32> -> vector<16xf32>
        %add3A_1012 = arith.addf %add3A_992, %bitcast_convert_type3A_1011 : vector<16xf32>
        %mul3A_1013 = arith.constant 16 : i32
        %mul3A_1014 = arith.muli %scan3A_69, %mul3A_1013 : i32
        %add3A_1015 = arith.constant 8 : i32
        %add3A_1016 = arith.addi %mul3A_1014, %add3A_1015 : i32
        %add3A_1017 = arith.constant 2 : i32
        %add3A_1018 = arith.addi %add3A_1016, %add3A_1017 : i32
        %add3A_1019 = arith.constant 16 : i32
        %add3A_1020 = arith.addi %and3A_871, %add3A_1019 : i32
        %get3A_1021 = arith.index_cast %add3A_1018 : i32 to index
        %get3A_1022 = arith.index_cast %add3A_1020 : i32 to index
        %get3A_1023 = tpu.vector_load %arg10[%get3A_1021, %get3A_1022] {strides = array<i32>} : memref<128x128xf32, #tpu.memory_space<vmem>>, vector<1x16xf32>,
        %get3A_1024 = vector.shape_cast %get3A_1023 : vector<1x16xf32> to vector<16xf32>
        %bitcast_convert_type3A_1025 = tpu.bitcast %get3A_1024 : vector<16xf32> -> vector<16xi32>
        %mul3A_1026 = vector.broadcast %and3A_879 : i32 to vector<16xi32>
        %mul3A_1027 = arith.muli %bitcast_convert_type3A_1025, %mul3A_1026 : vector<16xi32>
        %and3A_1028 = arith.constant -65536 : i32
        %and3A_1029 = vector.broadcast %and3A_1028 : i32 to vector<16xi32>
        %and3A_1030 = arith.andi %mul3A_1027, %and3A_1029 : vector<16xi32>
        %bitcast_convert_type3A_1031 = tpu.bitcast %and3A_1030 : vector<16xi32> -> vector<16xf32>
        %add3A_1032 = arith.addf %add3A_1012, %bitcast_convert_type3A_1031 : vector<16xf32>
        %mul3A_1033 = arith.constant 16 : i32
        %mul3A_1034 = arith.muli %scan3A_69, %mul3A_1033 : i32
        %add3A_1035 = arith.constant 8 : i32
        %add3A_1036 = arith.addi %mul3A_1034, %add3A_1035 : i32
        %add3A_1037 = arith.constant 3 : i32
        %add3A_1038 = arith.addi %add3A_1036, %add3A_1037 : i32
        %add3A_1039 = arith.constant 16 : i32
        %add3A_1040 = arith.addi %and3A_873, %add3A_1039 : i32
        %get3A_1041 = arith.index_cast %add3A_1038 : i32 to index
        %get3A_1042 = arith.index_cast %add3A_1040 : i32 to index
        %get3A_1043 = tpu.vector_load %arg10[%get3A_1041, %get3A_1042] {strides = array<i32>} : memref<128x128xf32, #tpu.memory_space<vmem>>, vector<1x16xf32>,
        %get3A_1044 = vector.shape_cast %get3A_1043 : vector<1x16xf32> to vector<16xf32>
        %bitcast_convert_type3A_1045 = tpu.bitcast %get3A_1044 : vector<16xf32> -> vector<16xi32>
        %mul3A_1046 = vector.broadcast %and3A_881 : i32 to vector<16xi32>
        %mul3A_1047 = arith.muli %bitcast_convert_type3A_1045, %mul3A_1046 : vector<16xi32>
        %and3A_1048 = arith.constant -65536 : i32
        %and3A_1049 = vector.broadcast %and3A_1048 : i32 to vector<16xi32>
        %and3A_1050 = arith.andi %mul3A_1047, %and3A_1049 : vector<16xi32>
        %bitcast_convert_type3A_1051 = tpu.bitcast %and3A_1050 : vector<16xi32> -> vector<16xf32>
        %add3A_1052 = arith.addf %add3A_1032, %bitcast_convert_type3A_1051 : vector<16xf32>
        %max3A_1053 = arith.constant 0.000000e+00 : f32
        %max3A_1054 = vector.broadcast %max3A_1053 : f32 to vector<16xf32>
        %max3A_1055 = arith.maximumf %add3A_1052, %max3A_1054 : vector<16xf32>
        %mul3A_1056 = arith.constant 32 : i32
        %mul3A_1057 = arith.muli %add3A_62, %mul3A_1056 : i32
        %add3A_1058 = arith.addi %mul3A_1057, %add3A_857 : i32
        %swap3A_1059 = arith.index_cast %add3A_1058 : i32 to index
        %swap3A_1060 = arith.constant 16 : index
        %swap3A_1061 = tpu.vector_load %arg11[%swap3A_1059, %swap3A_1060] {strides = array<i32>} : memref<512x64xf32, #tpu.memory_space<vmem>>, vector<1x16xf32>,
        %swap3A_1062 = vector.shape_cast %swap3A_1061 : vector<1x16xf32> to vector<16xf32>
        %swap3A_1063 = vector.shape_cast %max3A_1055 : vector<16xf32> to vector<1x16xf32>
        tpu.vector_store %arg11[%swap3A_1059, %swap3A_1060], %swap3A_1063 {strides = array<i32>} : memref<512x64xf32, #tpu.memory_space<vmem>>, vector<1x16xf32>,
        %mul3A_1064 = arith.constant 16 : i32
        %mul3A_1065 = arith.muli %scan3A_69, %mul3A_1064 : i32
        %add3A_1066 = arith.constant 8 : i32
        %add3A_1067 = arith.addi %mul3A_1065, %add3A_1066 : i32
        %add3A_1068 = arith.constant 0 : i32
        %add3A_1069 = arith.addi %add3A_1067, %add3A_1068 : i32
        %add3A_1070 = arith.constant 32 : i32
        %add3A_1071 = arith.addi %and3A_867, %add3A_1070 : i32
        %get3A_1072 = arith.index_cast %add3A_1069 : i32 to index
        %get3A_1073 = arith.index_cast %add3A_1071 : i32 to index
        %get3A_1074 = tpu.vector_load %arg10[%get3A_1072, %get3A_1073] {strides = array<i32>} : memref<128x128xf32, #tpu.memory_space<vmem>>, vector<1x16xf32>,
        %get3A_1075 = vector.shape_cast %get3A_1074 : vector<1x16xf32> to vector<16xf32>
        %bitcast_convert_type3A_1076 = tpu.bitcast %get3A_1075 : vector<16xf32> -> vector<16xi32>
        %mul3A_1077 = vector.broadcast %and3A_875 : i32 to vector<16xi32>
        %mul3A_1078 = arith.muli %bitcast_convert_type3A_1076, %mul3A_1077 : vector<16xi32>
        %and3A_1079 = arith.constant -65536 : i32
        %and3A_1080 = vector.broadcast %and3A_1079 : i32 to vector<16xi32>
        %and3A_1081 = arith.andi %mul3A_1078, %and3A_1080 : vector<16xi32>
        %bitcast_convert_type3A_1082 = tpu.bitcast %and3A_1081 : vector<16xi32> -> vector<16xf32>
        %add3A_1083 = arith.addf %get3A_13, %bitcast_convert_type3A_1082 : vector<16xf32>
        %mul3A_1084 = arith.constant 16 : i32
        %mul3A_1085 = arith.muli %scan3A_69, %mul3A_1084 : i32
        %add3A_1086 = arith.constant 8 : i32
        %add3A_1087 = arith.addi %mul3A_1085, %add3A_1086 : i32
        %add3A_1088 = arith.constant 1 : i32
        %add3A_1089 = arith.addi %add3A_1087, %add3A_1088 : i32
        %add3A_1090 = arith.constant 32 : i32
        %add3A_1091 = arith.addi %and3A_869, %add3A_1090 : i32
        %get3A_1092 = arith.index_cast %add3A_1089 : i32 to index
        %get3A_1093 = arith.index_cast %add3A_1091 : i32 to index
        %get3A_1094 = tpu.vector_load %arg10[%get3A_1092, %get3A_1093] {strides = array<i32>} : memref<128x128xf32, #tpu.memory_space<vmem>>, vector<1x16xf32>,
        %get3A_1095 = vector.shape_cast %get3A_1094 : vector<1x16xf32> to vector<16xf32>
        %bitcast_convert_type3A_1096 = tpu.bitcast %get3A_1095 : vector<16xf32> -> vector<16xi32>
        %mul3A_1097 = vector.broadcast %and3A_877 : i32 to vector<16xi32>
        %mul3A_1098 = arith.muli %bitcast_convert_type3A_1096, %mul3A_1097 : vector<16xi32>
        %and3A_1099 = arith.constant -65536 : i32
        %and3A_1100 = vector.broadcast %and3A_1099 : i32 to vector<16xi32>
        %and3A_1101 = arith.andi %mul3A_1098, %and3A_1100 : vector<16xi32>
        %bitcast_convert_type3A_1102 = tpu.bitcast %and3A_1101 : vector<16xi32> -> vector<16xf32>
        %add3A_1103 = arith.addf %add3A_1083, %bitcast_convert_type3A_1102 : vector<16xf32>
        %mul3A_1104 = arith.constant 16 : i32
        %mul3A_1105 = arith.muli %scan3A_69, %mul3A_1104 : i32
        %add3A_1106 = arith.constant 8 : i32
        %add3A_1107 = arith.addi %mul3A_1105, %add3A_1106 : i32
        %add3A_1108 = arith.constant 2 : i32
        %add3A_1109 = arith.addi %add3A_1107, %add3A_1108 : i32
        %add3A_1110 = arith.constant 32 : i32
        %add3A_1111 = arith.addi %and3A_871, %add3A_1110 : i32
        %get3A_1112 = arith.index_cast %add3A_1109 : i32 to index
        %get3A_1113 = arith.index_cast %add3A_1111 : i32 to index
        %get3A_1114 = tpu.vector_load %arg10[%get3A_1112, %get3A_1113] {strides = array<i32>} : memref<128x128xf32, #tpu.memory_space<vmem>>, vector<1x16xf32>,
        %get3A_1115 = vector.shape_cast %get3A_1114 : vector<1x16xf32> to vector<16xf32>
        %bitcast_convert_type3A_1116 = tpu.bitcast %get3A_1115 : vector<16xf32> -> vector<16xi32>
        %mul3A_1117 = vector.broadcast %and3A_879 : i32 to vector<16xi32>
        %mul3A_1118 = arith.muli %bitcast_convert_type3A_1116, %mul3A_1117 : vector<16xi32>
        %and3A_1119 = arith.constant -65536 : i32
        %and3A_1120 = vector.broadcast %and3A_1119 : i32 to vector<16xi32>
        %and3A_1121 = arith.andi %mul3A_1118, %and3A_1120 : vector<16xi32>
        %bitcast_convert_type3A_1122 = tpu.bitcast %and3A_1121 : vector<16xi32> -> vector<16xf32>
        %add3A_1123 = arith.addf %add3A_1103, %bitcast_convert_type3A_1122 : vector<16xf32>
        %mul3A_1124 = arith.constant 16 : i32
        %mul3A_1125 = arith.muli %scan3A_69, %mul3A_1124 : i32
        %add3A_1126 = arith.constant 8 : i32
        %add3A_1127 = arith.addi %mul3A_1125, %add3A_1126 : i32
        %add3A_1128 = arith.constant 3 : i32
        %add3A_1129 = arith.addi %add3A_1127, %add3A_1128 : i32
        %add3A_1130 = arith.constant 32 : i32
        %add3A_1131 = arith.addi %and3A_873, %add3A_1130 : i32
        %get3A_1132 = arith.index_cast %add3A_1129 : i32 to index
        %get3A_1133 = arith.index_cast %add3A_1131 : i32 to index
        %get3A_1134 = tpu.vector_load %arg10[%get3A_1132, %get3A_1133] {strides = array<i32>} : memref<128x128xf32, #tpu.memory_space<vmem>>, vector<1x16xf32>,
        %get3A_1135 = vector.shape_cast %get3A_1134 : vector<1x16xf32> to vector<16xf32>
        %bitcast_convert_type3A_1136 = tpu.bitcast %get3A_1135 : vector<16xf32> -> vector<16xi32>
        %mul3A_1137 = vector.broadcast %and3A_881 : i32 to vector<16xi32>
        %mul3A_1138 = arith.muli %bitcast_convert_type3A_1136, %mul3A_1137 : vector<16xi32>
        %and3A_1139 = arith.constant -65536 : i32
        %and3A_1140 = vector.broadcast %and3A_1139 : i32 to vector<16xi32>
        %and3A_1141 = arith.andi %mul3A_1138, %and3A_1140 : vector<16xi32>
        %bitcast_convert_type3A_1142 = tpu.bitcast %and3A_1141 : vector<16xi32> -> vector<16xf32>
        %add3A_1143 = arith.addf %add3A_1123, %bitcast_convert_type3A_1142 : vector<16xf32>
        %max3A_1144 = arith.constant 0.000000e+00 : f32
        %max3A_1145 = vector.broadcast %max3A_1144 : f32 to vector<16xf32>
        %max3A_1146 = arith.maximumf %add3A_1143, %max3A_1145 : vector<16xf32>
        %mul3A_1147 = arith.constant 32 : i32
        %mul3A_1148 = arith.muli %add3A_62, %mul3A_1147 : i32
        %add3A_1149 = arith.addi %mul3A_1148, %add3A_857 : i32
        %swap3A_1150 = arith.index_cast %add3A_1149 : i32 to index
        %swap3A_1151 = arith.constant 32 : index
        %swap3A_1152 = tpu.vector_load %arg11[%swap3A_1150, %swap3A_1151] {strides = array<i32>} : memref<512x64xf32, #tpu.memory_space<vmem>>, vector<1x16xf32>,
        %swap3A_1153 = vector.shape_cast %swap3A_1152 : vector<1x16xf32> to vector<16xf32>
        %swap3A_1154 = vector.shape_cast %max3A_1146 : vector<16xf32> to vector<1x16xf32>
        tpu.vector_store %arg11[%swap3A_1150, %swap3A_1151], %swap3A_1154 {strides = array<i32>} : memref<512x64xf32, #tpu.memory_space<vmem>>, vector<1x16xf32>,
        %mul3A_1155 = arith.constant 16 : i32
        %mul3A_1156 = arith.muli %scan3A_69, %mul3A_1155 : i32
        %add3A_1157 = arith.constant 8 : i32
        %add3A_1158 = arith.addi %mul3A_1156, %add3A_1157 : i32
        %add3A_1159 = arith.constant 0 : i32
        %add3A_1160 = arith.addi %add3A_1158, %add3A_1159 : i32
        %add3A_1161 = arith.constant 48 : i32
        %add3A_1162 = arith.addi %and3A_867, %add3A_1161 : i32
        %get3A_1163 = arith.index_cast %add3A_1160 : i32 to index
        %get3A_1164 = arith.index_cast %add3A_1162 : i32 to index
        %get3A_1165 = tpu.vector_load %arg10[%get3A_1163, %get3A_1164] {strides = array<i32>} : memref<128x128xf32, #tpu.memory_space<vmem>>, vector<1x16xf32>,
        %get3A_1166 = vector.shape_cast %get3A_1165 : vector<1x16xf32> to vector<16xf32>
        %bitcast_convert_type3A_1167 = tpu.bitcast %get3A_1166 : vector<16xf32> -> vector<16xi32>
        %mul3A_1168 = vector.broadcast %and3A_875 : i32 to vector<16xi32>
        %mul3A_1169 = arith.muli %bitcast_convert_type3A_1167, %mul3A_1168 : vector<16xi32>
        %and3A_1170 = arith.constant -65536 : i32
        %and3A_1171 = vector.broadcast %and3A_1170 : i32 to vector<16xi32>
        %and3A_1172 = arith.andi %mul3A_1169, %and3A_1171 : vector<16xi32>
        %bitcast_convert_type3A_1173 = tpu.bitcast %and3A_1172 : vector<16xi32> -> vector<16xf32>
        %add3A_1174 = arith.addf %get3A_16, %bitcast_convert_type3A_1173 : vector<16xf32>
        %mul3A_1175 = arith.constant 16 : i32
        %mul3A_1176 = arith.muli %scan3A_69, %mul3A_1175 : i32
        %add3A_1177 = arith.constant 8 : i32
        %add3A_1178 = arith.addi %mul3A_1176, %add3A_1177 : i32
        %add3A_1179 = arith.constant 1 : i32
        %add3A_1180 = arith.addi %add3A_1178, %add3A_1179 : i32
        %add3A_1181 = arith.constant 48 : i32
        %add3A_1182 = arith.addi %and3A_869, %add3A_1181 : i32
        %get3A_1183 = arith.index_cast %add3A_1180 : i32 to index
        %get3A_1184 = arith.index_cast %add3A_1182 : i32 to index
        %get3A_1185 = tpu.vector_load %arg10[%get3A_1183, %get3A_1184] {strides = array<i32>} : memref<128x128xf32, #tpu.memory_space<vmem>>, vector<1x16xf32>,
        %get3A_1186 = vector.shape_cast %get3A_1185 : vector<1x16xf32> to vector<16xf32>
        %bitcast_convert_type3A_1187 = tpu.bitcast %get3A_1186 : vector<16xf32> -> vector<16xi32>
        %mul3A_1188 = vector.broadcast %and3A_877 : i32 to vector<16xi32>
        %mul3A_1189 = arith.muli %bitcast_convert_type3A_1187, %mul3A_1188 : vector<16xi32>
        %and3A_1190 = arith.constant -65536 : i32
        %and3A_1191 = vector.broadcast %and3A_1190 : i32 to vector<16xi32>
        %and3A_1192 = arith.andi %mul3A_1189, %and3A_1191 : vector<16xi32>
        %bitcast_convert_type3A_1193 = tpu.bitcast %and3A_1192 : vector<16xi32> -> vector<16xf32>
        %add3A_1194 = arith.addf %add3A_1174, %bitcast_convert_type3A_1193 : vector<16xf32>
        %mul3A_1195 = arith.constant 16 : i32
        %mul3A_1196 = arith.muli %scan3A_69, %mul3A_1195 : i32
        %add3A_1197 = arith.constant 8 : i32
        %add3A_1198 = arith.addi %mul3A_1196, %add3A_1197 : i32
        %add3A_1199 = arith.constant 2 : i32
        %add3A_1200 = arith.addi %add3A_1198, %add3A_1199 : i32
        %add3A_1201 = arith.constant 48 : i32
        %add3A_1202 = arith.addi %and3A_871, %add3A_1201 : i32
        %get3A_1203 = arith.index_cast %add3A_1200 : i32 to index
        %get3A_1204 = arith.index_cast %add3A_1202 : i32 to index
        %get3A_1205 = tpu.vector_load %arg10[%get3A_1203, %get3A_1204] {strides = array<i32>} : memref<128x128xf32, #tpu.memory_space<vmem>>, vector<1x16xf32>,
        %get3A_1206 = vector.shape_cast %get3A_1205 : vector<1x16xf32> to vector<16xf32>
        %bitcast_convert_type3A_1207 = tpu.bitcast %get3A_1206 : vector<16xf32> -> vector<16xi32>
        %mul3A_1208 = vector.broadcast %and3A_879 : i32 to vector<16xi32>
        %mul3A_1209 = arith.muli %bitcast_convert_type3A_1207, %mul3A_1208 : vector<16xi32>
        %and3A_1210 = arith.constant -65536 : i32
        %and3A_1211 = vector.broadcast %and3A_1210 : i32 to vector<16xi32>
        %and3A_1212 = arith.andi %mul3A_1209, %and3A_1211 : vector<16xi32>
        %bitcast_convert_type3A_1213 = tpu.bitcast %and3A_1212 : vector<16xi32> -> vector<16xf32>
        %add3A_1214 = arith.addf %add3A_1194, %bitcast_convert_type3A_1213 : vector<16xf32>
        %mul3A_1215 = arith.constant 16 : i32
        %mul3A_1216 = arith.muli %scan3A_69, %mul3A_1215 : i32
        %add3A_1217 = arith.constant 8 : i32
        %add3A_1218 = arith.addi %mul3A_1216, %add3A_1217 : i32
        %add3A_1219 = arith.constant 3 : i32
        %add3A_1220 = arith.addi %add3A_1218, %add3A_1219 : i32
        %add3A_1221 = arith.constant 48 : i32
        %add3A_1222 = arith.addi %and3A_873, %add3A_1221 : i32
        %get3A_1223 = arith.index_cast %add3A_1220 : i32 to index
        %get3A_1224 = arith.index_cast %add3A_1222 : i32 to index
        %get3A_1225 = tpu.vector_load %arg10[%get3A_1223, %get3A_1224] {strides = array<i32>} : memref<128x128xf32, #tpu.memory_space<vmem>>, vector<1x16xf32>,
        %get3A_1226 = vector.shape_cast %get3A_1225 : vector<1x16xf32> to vector<16xf32>
        %bitcast_convert_type3A_1227 = tpu.bitcast %get3A_1226 : vector<16xf32> -> vector<16xi32>
        %mul3A_1228 = vector.broadcast %and3A_881 : i32 to vector<16xi32>
        %mul3A_1229 = arith.muli %bitcast_convert_type3A_1227, %mul3A_1228 : vector<16xi32>
        %and3A_1230 = arith.constant -65536 : i32
        %and3A_1231 = vector.broadcast %and3A_1230 : i32 to vector<16xi32>
        %and3A_1232 = arith.andi %mul3A_1229, %and3A_1231 : vector<16xi32>
        %bitcast_convert_type3A_1233 = tpu.bitcast %and3A_1232 : vector<16xi32> -> vector<16xf32>
        %add3A_1234 = arith.addf %add3A_1214, %bitcast_convert_type3A_1233 : vector<16xf32>
        %max3A_1235 = arith.constant 0.000000e+00 : f32
        %max3A_1236 = vector.broadcast %max3A_1235 : f32 to vector<16xf32>
        %max3A_1237 = arith.maximumf %add3A_1234, %max3A_1236 : vector<16xf32>
        %mul3A_1238 = arith.constant 32 : i32
        %mul3A_1239 = arith.muli %add3A_62, %mul3A_1238 : i32
        %add3A_1240 = arith.addi %mul3A_1239, %add3A_857 : i32
        %swap3A_1241 = arith.index_cast %add3A_1240 : i32 to index
        %swap3A_1242 = arith.constant 48 : index
        %swap3A_1243 = tpu.vector_load %arg11[%swap3A_1241, %swap3A_1242] {strides = array<i32>} : memref<512x64xf32, #tpu.memory_space<vmem>>, vector<1x16xf32>,
        %swap3A_1244 = vector.shape_cast %swap3A_1243 : vector<1x16xf32> to vector<16xf32>
        %swap3A_1245 = vector.shape_cast %max3A_1237 : vector<16xf32> to vector<1x16xf32>
        tpu.vector_store %arg11[%swap3A_1241, %swap3A_1242], %swap3A_1245 {strides = array<i32>} : memref<512x64xf32, #tpu.memory_space<vmem>>, vector<1x16xf32>,
        %mul3A_1246 = arith.constant 4 : i32
        %mul3A_1247 = arith.muli %scan3A_69, %mul3A_1246 : i32
        %add3A_1248 = arith.constant 3 : i32
        %add3A_1249 = arith.addi %mul3A_1247, %add3A_1248 : i32
        %slice3A_1250 = vector.extract_strided_slice %get3A_75 {offsets = [12], sizes = [1], strides = [1]} : vector<16xi32> to vector<1xi32>
        %squeeze3A_1251 = vector.extract %slice3A_1250[0] : i32 from vector<1xi32>
        %slice3A_1252 = vector.extract_strided_slice %get3A_75 {offsets = [13], sizes = [1], strides = [1]} : vector<16xi32> to vector<1xi32>
        %squeeze3A_1253 = vector.extract %slice3A_1252[0] : i32 from vector<1xi32>
        %slice3A_1254 = vector.extract_strided_slice %get3A_75 {offsets = [14], sizes = [1], strides = [1]} : vector<16xi32> to vector<1xi32>
        %squeeze3A_1255 = vector.extract %slice3A_1254[0] : i32 from vector<1xi32>
        %slice3A_1256 = vector.extract_strided_slice %get3A_75 {offsets = [15], sizes = [1], strides = [1]} : vector<16xi32> to vector<1xi32>
        %squeeze3A_1257 = vector.extract %slice3A_1256[0] : i32 from vector<1xi32>
        %and3A_1258 = arith.constant 64 : i32
        %and3A_1259 = arith.andi %squeeze3A_1251, %and3A_1258 : i32
        %and3A_1260 = arith.constant 64 : i32
        %and3A_1261 = arith.andi %squeeze3A_1253, %and3A_1260 : i32
        %and3A_1262 = arith.constant 64 : i32
        %and3A_1263 = arith.andi %squeeze3A_1255, %and3A_1262 : i32
        %and3A_1264 = arith.constant 64 : i32
        %and3A_1265 = arith.andi %squeeze3A_1257, %and3A_1264 : i32
        %and3A_1266 = arith.constant 65537 : i32
        %and3A_1267 = arith.andi %squeeze3A_1251, %and3A_1266 : i32
        %and3A_1268 = arith.constant 65537 : i32
        %and3A_1269 = arith.andi %squeeze3A_1253, %and3A_1268 : i32
        %and3A_1270 = arith.constant 65537 : i32
        %and3A_1271 = arith.andi %squeeze3A_1255, %and3A_1270 : i32
        %and3A_1272 = arith.constant 65537 : i32
        %and3A_1273 = arith.andi %squeeze3A_1257, %and3A_1272 : i32
        %mul3A_1274 = arith.constant 16 : i32
        %mul3A_1275 = arith.muli %scan3A_69, %mul3A_1274 : i32
        %add3A_1276 = arith.constant 12 : i32
        %add3A_1277 = arith.addi %mul3A_1275, %add3A_1276 : i32
        %add3A_1278 = arith.constant 0 : i32
        %add3A_1279 = arith.addi %add3A_1277, %add3A_1278 : i32
        %add3A_1280 = arith.constant 0 : i32
        %add3A_1281 = arith.addi %and3A_1259, %add3A_1280 : i32
        %get3A_1282 = arith.index_cast %add3A_1279 : i32 to index
        %get3A_1283 = arith.index_cast %add3A_1281 : i32 to index
        %get3A_1284 = tpu.vector_load %arg10[%get3A_1282, %get3A_1283] {strides = array<i32>} : memref<128x128xf32, #tpu.memory_space<vmem>>, vector<1x16xf32>,
        %get3A_1285 = vector.shape_cast %get3A_1284 : vector<1x16xf32> to vector<16xf32>
        %bitcast_convert_type3A_1286 = tpu.bitcast %get3A_1285 : vector<16xf32> -> vector<16xi32>
        %mul3A_1287 = vector.broadcast %and3A_1267 : i32 to vector<16xi32>
        %mul3A_1288 = arith.muli %bitcast_convert_type3A_1286, %mul3A_1287 : vector<16xi32>
        %and3A_1289 = arith.constant -65536 : i32
        %and3A_1290 = vector.broadcast %and3A_1289 : i32 to vector<16xi32>
        %and3A_1291 = arith.andi %mul3A_1288, %and3A_1290 : vector<16xi32>
        %bitcast_convert_type3A_1292 = tpu.bitcast %and3A_1291 : vector<16xi32> -> vector<16xf32>
        %add3A_1293 = arith.addf %get3A_7, %bitcast_convert_type3A_1292 : vector<16xf32>
        %mul3A_1294 = arith.constant 16 : i32
        %mul3A_1295 = arith.muli %scan3A_69, %mul3A_1294 : i32
        %add3A_1296 = arith.constant 12 : i32
        %add3A_1297 = arith.addi %mul3A_1295, %add3A_1296 : i32
        %add3A_1298 = arith.constant 1 : i32
        %add3A_1299 = arith.addi %add3A_1297, %add3A_1298 : i32
        %add3A_1300 = arith.constant 0 : i32
        %add3A_1301 = arith.addi %and3A_1261, %add3A_1300 : i32
        %get3A_1302 = arith.index_cast %add3A_1299 : i32 to index
        %get3A_1303 = arith.index_cast %add3A_1301 : i32 to index
        %get3A_1304 = tpu.vector_load %arg10[%get3A_1302, %get3A_1303] {strides = array<i32>} : memref<128x128xf32, #tpu.memory_space<vmem>>, vector<1x16xf32>,
        %get3A_1305 = vector.shape_cast %get3A_1304 : vector<1x16xf32> to vector<16xf32>
        %bitcast_convert_type3A_1306 = tpu.bitcast %get3A_1305 : vector<16xf32> -> vector<16xi32>
        %mul3A_1307 = vector.broadcast %and3A_1269 : i32 to vector<16xi32>
        %mul3A_1308 = arith.muli %bitcast_convert_type3A_1306, %mul3A_1307 : vector<16xi32>
        %and3A_1309 = arith.constant -65536 : i32
        %and3A_1310 = vector.broadcast %and3A_1309 : i32 to vector<16xi32>
        %and3A_1311 = arith.andi %mul3A_1308, %and3A_1310 : vector<16xi32>
        %bitcast_convert_type3A_1312 = tpu.bitcast %and3A_1311 : vector<16xi32> -> vector<16xf32>
        %add3A_1313 = arith.addf %add3A_1293, %bitcast_convert_type3A_1312 : vector<16xf32>
        %mul3A_1314 = arith.constant 16 : i32
        %mul3A_1315 = arith.muli %scan3A_69, %mul3A_1314 : i32
        %add3A_1316 = arith.constant 12 : i32
        %add3A_1317 = arith.addi %mul3A_1315, %add3A_1316 : i32
        %add3A_1318 = arith.constant 2 : i32
        %add3A_1319 = arith.addi %add3A_1317, %add3A_1318 : i32
        %add3A_1320 = arith.constant 0 : i32
        %add3A_1321 = arith.addi %and3A_1263, %add3A_1320 : i32
        %get3A_1322 = arith.index_cast %add3A_1319 : i32 to index
        %get3A_1323 = arith.index_cast %add3A_1321 : i32 to index
        %get3A_1324 = tpu.vector_load %arg10[%get3A_1322, %get3A_1323] {strides = array<i32>} : memref<128x128xf32, #tpu.memory_space<vmem>>, vector<1x16xf32>,
        %get3A_1325 = vector.shape_cast %get3A_1324 : vector<1x16xf32> to vector<16xf32>
        %bitcast_convert_type3A_1326 = tpu.bitcast %get3A_1325 : vector<16xf32> -> vector<16xi32>
        %mul3A_1327 = vector.broadcast %and3A_1271 : i32 to vector<16xi32>
        %mul3A_1328 = arith.muli %bitcast_convert_type3A_1326, %mul3A_1327 : vector<16xi32>
        %and3A_1329 = arith.constant -65536 : i32
        %and3A_1330 = vector.broadcast %and3A_1329 : i32 to vector<16xi32>
        %and3A_1331 = arith.andi %mul3A_1328, %and3A_1330 : vector<16xi32>
        %bitcast_convert_type3A_1332 = tpu.bitcast %and3A_1331 : vector<16xi32> -> vector<16xf32>
        %add3A_1333 = arith.addf %add3A_1313, %bitcast_convert_type3A_1332 : vector<16xf32>
        %mul3A_1334 = arith.constant 16 : i32
        %mul3A_1335 = arith.muli %scan3A_69, %mul3A_1334 : i32
        %add3A_1336 = arith.constant 12 : i32
        %add3A_1337 = arith.addi %mul3A_1335, %add3A_1336 : i32
        %add3A_1338 = arith.constant 3 : i32
        %add3A_1339 = arith.addi %add3A_1337, %add3A_1338 : i32
        %add3A_1340 = arith.constant 0 : i32
        %add3A_1341 = arith.addi %and3A_1265, %add3A_1340 : i32
        %get3A_1342 = arith.index_cast %add3A_1339 : i32 to index
        %get3A_1343 = arith.index_cast %add3A_1341 : i32 to index
        %get3A_1344 = tpu.vector_load %arg10[%get3A_1342, %get3A_1343] {strides = array<i32>} : memref<128x128xf32, #tpu.memory_space<vmem>>, vector<1x16xf32>,
        %get3A_1345 = vector.shape_cast %get3A_1344 : vector<1x16xf32> to vector<16xf32>
        %bitcast_convert_type3A_1346 = tpu.bitcast %get3A_1345 : vector<16xf32> -> vector<16xi32>
        %mul3A_1347 = vector.broadcast %and3A_1273 : i32 to vector<16xi32>
        %mul3A_1348 = arith.muli %bitcast_convert_type3A_1346, %mul3A_1347 : vector<16xi32>
        %and3A_1349 = arith.constant -65536 : i32
        %and3A_1350 = vector.broadcast %and3A_1349 : i32 to vector<16xi32>
        %and3A_1351 = arith.andi %mul3A_1348, %and3A_1350 : vector<16xi32>
        %bitcast_convert_type3A_1352 = tpu.bitcast %and3A_1351 : vector<16xi32> -> vector<16xf32>
        %add3A_1353 = arith.addf %add3A_1333, %bitcast_convert_type3A_1352 : vector<16xf32>
        %max3A_1354 = arith.constant 0.000000e+00 : f32
        %max3A_1355 = vector.broadcast %max3A_1354 : f32 to vector<16xf32>
        %max3A_1356 = arith.maximumf %add3A_1353, %max3A_1355 : vector<16xf32>
        %mul3A_1357 = arith.constant 32 : i32
        %mul3A_1358 = arith.muli %add3A_62, %mul3A_1357 : i32
        %add3A_1359 = arith.addi %mul3A_1358, %add3A_1249 : i32
        %swap3A_1360 = arith.index_cast %add3A_1359 : i32 to index
        %swap3A_1361 = arith.constant 0 : index
        %swap3A_1362 = tpu.vector_load %arg11[%swap3A_1360, %swap3A_1361] {strides = array<i32>} : memref<512x64xf32, #tpu.memory_space<vmem>>, vector<1x16xf32>,
        %swap3A_1363 = vector.shape_cast %swap3A_1362 : vector<1x16xf32> to vector<16xf32>
        %swap3A_1364 = vector.shape_cast %max3A_1356 : vector<16xf32> to vector<1x16xf32>
        tpu.vector_store %arg11[%swap3A_1360, %swap3A_1361], %swap3A_1364 {strides = array<i32>} : memref<512x64xf32, #tpu.memory_space<vmem>>, vector<1x16xf32>,
        %mul3A_1365 = arith.constant 16 : i32
        %mul3A_1366 = arith.muli %scan3A_69, %mul3A_1365 : i32
        %add3A_1367 = arith.constant 12 : i32
        %add3A_1368 = arith.addi %mul3A_1366, %add3A_1367 : i32
        %add3A_1369 = arith.constant 0 : i32
        %add3A_1370 = arith.addi %add3A_1368, %add3A_1369 : i32
        %add3A_1371 = arith.constant 16 : i32
        %add3A_1372 = arith.addi %and3A_1259, %add3A_1371 : i32
        %get3A_1373 = arith.index_cast %add3A_1370 : i32 to index
        %get3A_1374 = arith.index_cast %add3A_1372 : i32 to index
        %get3A_1375 = tpu.vector_load %arg10[%get3A_1373, %get3A_1374] {strides = array<i32>} : memref<128x128xf32, #tpu.memory_space<vmem>>, vector<1x16xf32>,
        %get3A_1376 = vector.shape_cast %get3A_1375 : vector<1x16xf32> to vector<16xf32>
        %bitcast_convert_type3A_1377 = tpu.bitcast %get3A_1376 : vector<16xf32> -> vector<16xi32>
        %mul3A_1378 = vector.broadcast %and3A_1267 : i32 to vector<16xi32>
        %mul3A_1379 = arith.muli %bitcast_convert_type3A_1377, %mul3A_1378 : vector<16xi32>
        %and3A_1380 = arith.constant -65536 : i32
        %and3A_1381 = vector.broadcast %and3A_1380 : i32 to vector<16xi32>
        %and3A_1382 = arith.andi %mul3A_1379, %and3A_1381 : vector<16xi32>
        %bitcast_convert_type3A_1383 = tpu.bitcast %and3A_1382 : vector<16xi32> -> vector<16xf32>
        %add3A_1384 = arith.addf %get3A_10, %bitcast_convert_type3A_1383 : vector<16xf32>
        %mul3A_1385 = arith.constant 16 : i32
        %mul3A_1386 = arith.muli %scan3A_69, %mul3A_1385 : i32
        %add3A_1387 = arith.constant 12 : i32
        %add3A_1388 = arith.addi %mul3A_1386, %add3A_1387 : i32
        %add3A_1389 = arith.constant 1 : i32
        %add3A_1390 = arith.addi %add3A_1388, %add3A_1389 : i32
        %add3A_1391 = arith.constant 16 : i32
        %add3A_1392 = arith.addi %and3A_1261, %add3A_1391 : i32
        %get3A_1393 = arith.index_cast %add3A_1390 : i32 to index
        %get3A_1394 = arith.index_cast %add3A_1392 : i32 to index
        %get3A_1395 = tpu.vector_load %arg10[%get3A_1393, %get3A_1394] {strides = array<i32>} : memref<128x128xf32, #tpu.memory_space<vmem>>, vector<1x16xf32>,
        %get3A_1396 = vector.shape_cast %get3A_1395 : vector<1x16xf32> to vector<16xf32>
        %bitcast_convert_type3A_1397 = tpu.bitcast %get3A_1396 : vector<16xf32> -> vector<16xi32>
        %mul3A_1398 = vector.broadcast %and3A_1269 : i32 to vector<16xi32>
        %mul3A_1399 = arith.muli %bitcast_convert_type3A_1397, %mul3A_1398 : vector<16xi32>
        %and3A_1400 = arith.constant -65536 : i32
        %and3A_1401 = vector.broadcast %and3A_1400 : i32 to vector<16xi32>
        %and3A_1402 = arith.andi %mul3A_1399, %and3A_1401 : vector<16xi32>
        %bitcast_convert_type3A_1403 = tpu.bitcast %and3A_1402 : vector<16xi32> -> vector<16xf32>
        %add3A_1404 = arith.addf %add3A_1384, %bitcast_convert_type3A_1403 : vector<16xf32>
        %mul3A_1405 = arith.constant 16 : i32
        %mul3A_1406 = arith.muli %scan3A_69, %mul3A_1405 : i32
        %add3A_1407 = arith.constant 12 : i32
        %add3A_1408 = arith.addi %mul3A_1406, %add3A_1407 : i32
        %add3A_1409 = arith.constant 2 : i32
        %add3A_1410 = arith.addi %add3A_1408, %add3A_1409 : i32
        %add3A_1411 = arith.constant 16 : i32
        %add3A_1412 = arith.addi %and3A_1263, %add3A_1411 : i32
        %get3A_1413 = arith.index_cast %add3A_1410 : i32 to index
        %get3A_1414 = arith.index_cast %add3A_1412 : i32 to index
        %get3A_1415 = tpu.vector_load %arg10[%get3A_1413, %get3A_1414] {strides = array<i32>} : memref<128x128xf32, #tpu.memory_space<vmem>>, vector<1x16xf32>,
        %get3A_1416 = vector.shape_cast %get3A_1415 : vector<1x16xf32> to vector<16xf32>
        %bitcast_convert_type3A_1417 = tpu.bitcast %get3A_1416 : vector<16xf32> -> vector<16xi32>
        %mul3A_1418 = vector.broadcast %and3A_1271 : i32 to vector<16xi32>
        %mul3A_1419 = arith.muli %bitcast_convert_type3A_1417, %mul3A_1418 : vector<16xi32>
        %and3A_1420 = arith.constant -65536 : i32
        %and3A_1421 = vector.broadcast %and3A_1420 : i32 to vector<16xi32>
        %and3A_1422 = arith.andi %mul3A_1419, %and3A_1421 : vector<16xi32>
        %bitcast_convert_type3A_1423 = tpu.bitcast %and3A_1422 : vector<16xi32> -> vector<16xf32>
        %add3A_1424 = arith.addf %add3A_1404, %bitcast_convert_type3A_1423 : vector<16xf32>
        %mul3A_1425 = arith.constant 16 : i32
        %mul3A_1426 = arith.muli %scan3A_69, %mul3A_1425 : i32
        %add3A_1427 = arith.constant 12 : i32
        %add3A_1428 = arith.addi %mul3A_1426, %add3A_1427 : i32
        %add3A_1429 = arith.constant 3 : i32
        %add3A_1430 = arith.addi %add3A_1428, %add3A_1429 : i32
        %add3A_1431 = arith.constant 16 : i32
        %add3A_1432 = arith.addi %and3A_1265, %add3A_1431 : i32
        %get3A_1433 = arith.index_cast %add3A_1430 : i32 to index
        %get3A_1434 = arith.index_cast %add3A_1432 : i32 to index
        %get3A_1435 = tpu.vector_load %arg10[%get3A_1433, %get3A_1434] {strides = array<i32>} : memref<128x128xf32, #tpu.memory_space<vmem>>, vector<1x16xf32>,
        %get3A_1436 = vector.shape_cast %get3A_1435 : vector<1x16xf32> to vector<16xf32>
        %bitcast_convert_type3A_1437 = tpu.bitcast %get3A_1436 : vector<16xf32> -> vector<16xi32>
        %mul3A_1438 = vector.broadcast %and3A_1273 : i32 to vector<16xi32>
        %mul3A_1439 = arith.muli %bitcast_convert_type3A_1437, %mul3A_1438 : vector<16xi32>
        %and3A_1440 = arith.constant -65536 : i32
        %and3A_1441 = vector.broadcast %and3A_1440 : i32 to vector<16xi32>
        %and3A_1442 = arith.andi %mul3A_1439, %and3A_1441 : vector<16xi32>
        %bitcast_convert_type3A_1443 = tpu.bitcast %and3A_1442 : vector<16xi32> -> vector<16xf32>
        %add3A_1444 = arith.addf %add3A_1424, %bitcast_convert_type3A_1443 : vector<16xf32>
        %max3A_1445 = arith.constant 0.000000e+00 : f32
        %max3A_1446 = vector.broadcast %max3A_1445 : f32 to vector<16xf32>
        %max3A_1447 = arith.maximumf %add3A_1444, %max3A_1446 : vector<16xf32>
        %mul3A_1448 = arith.constant 32 : i32
        %mul3A_1449 = arith.muli %add3A_62, %mul3A_1448 : i32
        %add3A_1450 = arith.addi %mul3A_1449, %add3A_1249 : i32
        %swap3A_1451 = arith.index_cast %add3A_1450 : i32 to index
        %swap3A_1452 = arith.constant 16 : index
        %swap3A_1453 = tpu.vector_load %arg11[%swap3A_1451, %swap3A_1452] {strides = array<i32>} : memref<512x64xf32, #tpu.memory_space<vmem>>, vector<1x16xf32>,
        %swap3A_1454 = vector.shape_cast %swap3A_1453 : vector<1x16xf32> to vector<16xf32>
        %swap3A_1455 = vector.shape_cast %max3A_1447 : vector<16xf32> to vector<1x16xf32>
        tpu.vector_store %arg11[%swap3A_1451, %swap3A_1452], %swap3A_1455 {strides = array<i32>} : memref<512x64xf32, #tpu.memory_space<vmem>>, vector<1x16xf32>,
        %mul3A_1456 = arith.constant 16 : i32
        %mul3A_1457 = arith.muli %scan3A_69, %mul3A_1456 : i32
        %add3A_1458 = arith.constant 12 : i32
        %add3A_1459 = arith.addi %mul3A_1457, %add3A_1458 : i32
        %add3A_1460 = arith.constant 0 : i32
        %add3A_1461 = arith.addi %add3A_1459, %add3A_1460 : i32
        %add3A_1462 = arith.constant 32 : i32
        %add3A_1463 = arith.addi %and3A_1259, %add3A_1462 : i32
        %get3A_1464 = arith.index_cast %add3A_1461 : i32 to index
        %get3A_1465 = arith.index_cast %add3A_1463 : i32 to index
        %get3A_1466 = tpu.vector_load %arg10[%get3A_1464, %get3A_1465] {strides = array<i32>} : memref<128x128xf32, #tpu.memory_space<vmem>>, vector<1x16xf32>,
        %get3A_1467 = vector.shape_cast %get3A_1466 : vector<1x16xf32> to vector<16xf32>
        %bitcast_convert_type3A_1468 = tpu.bitcast %get3A_1467 : vector<16xf32> -> vector<16xi32>
        %mul3A_1469 = vector.broadcast %and3A_1267 : i32 to vector<16xi32>
        %mul3A_1470 = arith.muli %bitcast_convert_type3A_1468, %mul3A_1469 : vector<16xi32>
        %and3A_1471 = arith.constant -65536 : i32
        %and3A_1472 = vector.broadcast %and3A_1471 : i32 to vector<16xi32>
        %and3A_1473 = arith.andi %mul3A_1470, %and3A_1472 : vector<16xi32>
        %bitcast_convert_type3A_1474 = tpu.bitcast %and3A_1473 : vector<16xi32> -> vector<16xf32>
        %add3A_1475 = arith.addf %get3A_13, %bitcast_convert_type3A_1474 : vector<16xf32>
        %mul3A_1476 = arith.constant 16 : i32
        %mul3A_1477 = arith.muli %scan3A_69, %mul3A_1476 : i32
        %add3A_1478 = arith.constant 12 : i32
        %add3A_1479 = arith.addi %mul3A_1477, %add3A_1478 : i32
        %add3A_1480 = arith.constant 1 : i32
        %add3A_1481 = arith.addi %add3A_1479, %add3A_1480 : i32
        %add3A_1482 = arith.constant 32 : i32
        %add3A_1483 = arith.addi %and3A_1261, %add3A_1482 : i32
        %get3A_1484 = arith.index_cast %add3A_1481 : i32 to index
        %get3A_1485 = arith.index_cast %add3A_1483 : i32 to index
        %get3A_1486 = tpu.vector_load %arg10[%get3A_1484, %get3A_1485] {strides = array<i32>} : memref<128x128xf32, #tpu.memory_space<vmem>>, vector<1x16xf32>,
        %get3A_1487 = vector.shape_cast %get3A_1486 : vector<1x16xf32> to vector<16xf32>
        %bitcast_convert_type3A_1488 = tpu.bitcast %get3A_1487 : vector<16xf32> -> vector<16xi32>
        %mul3A_1489 = vector.broadcast %and3A_1269 : i32 to vector<16xi32>
        %mul3A_1490 = arith.muli %bitcast_convert_type3A_1488, %mul3A_1489 : vector<16xi32>
        %and3A_1491 = arith.constant -65536 : i32
        %and3A_1492 = vector.broadcast %and3A_1491 : i32 to vector<16xi32>
        %and3A_1493 = arith.andi %mul3A_1490, %and3A_1492 : vector<16xi32>
        %bitcast_convert_type3A_1494 = tpu.bitcast %and3A_1493 : vector<16xi32> -> vector<16xf32>
        %add3A_1495 = arith.addf %add3A_1475, %bitcast_convert_type3A_1494 : vector<16xf32>
        %mul3A_1496 = arith.constant 16 : i32
        %mul3A_1497 = arith.muli %scan3A_69, %mul3A_1496 : i32
        %add3A_1498 = arith.constant 12 : i32
        %add3A_1499 = arith.addi %mul3A_1497, %add3A_1498 : i32
        %add3A_1500 = arith.constant 2 : i32
        %add3A_1501 = arith.addi %add3A_1499, %add3A_1500 : i32
        %add3A_1502 = arith.constant 32 : i32
        %add3A_1503 = arith.addi %and3A_1263, %add3A_1502 : i32
        %get3A_1504 = arith.index_cast %add3A_1501 : i32 to index
        %get3A_1505 = arith.index_cast %add3A_1503 : i32 to index
        %get3A_1506 = tpu.vector_load %arg10[%get3A_1504, %get3A_1505] {strides = array<i32>} : memref<128x128xf32, #tpu.memory_space<vmem>>, vector<1x16xf32>,
        %get3A_1507 = vector.shape_cast %get3A_1506 : vector<1x16xf32> to vector<16xf32>
        %bitcast_convert_type3A_1508 = tpu.bitcast %get3A_1507 : vector<16xf32> -> vector<16xi32>
        %mul3A_1509 = vector.broadcast %and3A_1271 : i32 to vector<16xi32>
        %mul3A_1510 = arith.muli %bitcast_convert_type3A_1508, %mul3A_1509 : vector<16xi32>
        %and3A_1511 = arith.constant -65536 : i32
        %and3A_1512 = vector.broadcast %and3A_1511 : i32 to vector<16xi32>
        %and3A_1513 = arith.andi %mul3A_1510, %and3A_1512 : vector<16xi32>
        %bitcast_convert_type3A_1514 = tpu.bitcast %and3A_1513 : vector<16xi32> -> vector<16xf32>
        %add3A_1515 = arith.addf %add3A_1495, %bitcast_convert_type3A_1514 : vector<16xf32>
        %mul3A_1516 = arith.constant 16 : i32
        %mul3A_1517 = arith.muli %scan3A_69, %mul3A_1516 : i32
        %add3A_1518 = arith.constant 12 : i32
        %add3A_1519 = arith.addi %mul3A_1517, %add3A_1518 : i32
        %add3A_1520 = arith.constant 3 : i32
        %add3A_1521 = arith.addi %add3A_1519, %add3A_1520 : i32
        %add3A_1522 = arith.constant 32 : i32
        %add3A_1523 = arith.addi %and3A_1265, %add3A_1522 : i32
        %get3A_1524 = arith.index_cast %add3A_1521 : i32 to index
        %get3A_1525 = arith.index_cast %add3A_1523 : i32 to index
        %get3A_1526 = tpu.vector_load %arg10[%get3A_1524, %get3A_1525] {strides = array<i32>} : memref<128x128xf32, #tpu.memory_space<vmem>>, vector<1x16xf32>,
        %get3A_1527 = vector.shape_cast %get3A_1526 : vector<1x16xf32> to vector<16xf32>
        %bitcast_convert_type3A_1528 = tpu.bitcast %get3A_1527 : vector<16xf32> -> vector<16xi32>
        %mul3A_1529 = vector.broadcast %and3A_1273 : i32 to vector<16xi32>
        %mul3A_1530 = arith.muli %bitcast_convert_type3A_1528, %mul3A_1529 : vector<16xi32>
        %and3A_1531 = arith.constant -65536 : i32
        %and3A_1532 = vector.broadcast %and3A_1531 : i32 to vector<16xi32>
        %and3A_1533 = arith.andi %mul3A_1530, %and3A_1532 : vector<16xi32>
        %bitcast_convert_type3A_1534 = tpu.bitcast %and3A_1533 : vector<16xi32> -> vector<16xf32>
        %add3A_1535 = arith.addf %add3A_1515, %bitcast_convert_type3A_1534 : vector<16xf32>
        %max3A_1536 = arith.constant 0.000000e+00 : f32
        %max3A_1537 = vector.broadcast %max3A_1536 : f32 to vector<16xf32>
        %max3A_1538 = arith.maximumf %add3A_1535, %max3A_1537 : vector<16xf32>
        %mul3A_1539 = arith.constant 32 : i32
        %mul3A_1540 = arith.muli %add3A_62, %mul3A_1539 : i32
        %add3A_1541 = arith.addi %mul3A_1540, %add3A_1249 : i32
        %swap3A_1542 = arith.index_cast %add3A_1541 : i32 to index
        %swap3A_1543 = arith.constant 32 : index
        %swap3A_1544 = tpu.vector_load %arg11[%swap3A_1542, %swap3A_1543] {strides = array<i32>} : memref<512x64xf32, #tpu.memory_space<vmem>>, vector<1x16xf32>,
        %swap3A_1545 = vector.shape_cast %swap3A_1544 : vector<1x16xf32> to vector<16xf32>
        %swap3A_1546 = vector.shape_cast %max3A_1538 : vector<16xf32> to vector<1x16xf32>
        tpu.vector_store %arg11[%swap3A_1542, %swap3A_1543], %swap3A_1546 {strides = array<i32>} : memref<512x64xf32, #tpu.memory_space<vmem>>, vector<1x16xf32>,
        %mul3A_1547 = arith.constant 16 : i32
        %mul3A_1548 = arith.muli %scan3A_69, %mul3A_1547 : i32
        %add3A_1549 = arith.constant 12 : i32
        %add3A_1550 = arith.addi %mul3A_1548, %add3A_1549 : i32
        %add3A_1551 = arith.constant 0 : i32
        %add3A_1552 = arith.addi %add3A_1550, %add3A_1551 : i32
        %add3A_1553 = arith.constant 48 : i32
        %add3A_1554 = arith.addi %and3A_1259, %add3A_1553 : i32
        %get3A_1555 = arith.index_cast %add3A_1552 : i32 to index
        %get3A_1556 = arith.index_cast %add3A_1554 : i32 to index
        %get3A_1557 = tpu.vector_load %arg10[%get3A_1555, %get3A_1556] {strides = array<i32>} : memref<128x128xf32, #tpu.memory_space<vmem>>, vector<1x16xf32>,
        %get3A_1558 = vector.shape_cast %get3A_1557 : vector<1x16xf32> to vector<16xf32>
        %bitcast_convert_type3A_1559 = tpu.bitcast %get3A_1558 : vector<16xf32> -> vector<16xi32>
        %mul3A_1560 = vector.broadcast %and3A_1267 : i32 to vector<16xi32>
        %mul3A_1561 = arith.muli %bitcast_convert_type3A_1559, %mul3A_1560 : vector<16xi32>
        %and3A_1562 = arith.constant -65536 : i32
        %and3A_1563 = vector.broadcast %and3A_1562 : i32 to vector<16xi32>
        %and3A_1564 = arith.andi %mul3A_1561, %and3A_1563 : vector<16xi32>
        %bitcast_convert_type3A_1565 = tpu.bitcast %and3A_1564 : vector<16xi32> -> vector<16xf32>
        %add3A_1566 = arith.addf %get3A_16, %bitcast_convert_type3A_1565 : vector<16xf32>
        %mul3A_1567 = arith.constant 16 : i32
        %mul3A_1568 = arith.muli %scan3A_69, %mul3A_1567 : i32
        %add3A_1569 = arith.constant 12 : i32
        %add3A_1570 = arith.addi %mul3A_1568, %add3A_1569 : i32
        %add3A_1571 = arith.constant 1 : i32
        %add3A_1572 = arith.addi %add3A_1570, %add3A_1571 : i32
        %add3A_1573 = arith.constant 48 : i32
        %add3A_1574 = arith.addi %and3A_1261, %add3A_1573 : i32
        %get3A_1575 = arith.index_cast %add3A_1572 : i32 to index
        %get3A_1576 = arith.index_cast %add3A_1574 : i32 to index
        %get3A_1577 = tpu.vector_load %arg10[%get3A_1575, %get3A_1576] {strides = array<i32>} : memref<128x128xf32, #tpu.memory_space<vmem>>, vector<1x16xf32>,
        %get3A_1578 = vector.shape_cast %get3A_1577 : vector<1x16xf32> to vector<16xf32>
        %bitcast_convert_type3A_1579 = tpu.bitcast %get3A_1578 : vector<16xf32> -> vector<16xi32>
        %mul3A_1580 = vector.broadcast %and3A_1269 : i32 to vector<16xi32>
        %mul3A_1581 = arith.muli %bitcast_convert_type3A_1579, %mul3A_1580 : vector<16xi32>
        %and3A_1582 = arith.constant -65536 : i32
        %and3A_1583 = vector.broadcast %and3A_1582 : i32 to vector<16xi32>
        %and3A_1584 = arith.andi %mul3A_1581, %and3A_1583 : vector<16xi32>
        %bitcast_convert_type3A_1585 = tpu.bitcast %and3A_1584 : vector<16xi32> -> vector<16xf32>
        %add3A_1586 = arith.addf %add3A_1566, %bitcast_convert_type3A_1585 : vector<16xf32>
        %mul3A_1587 = arith.constant 16 : i32
        %mul3A_1588 = arith.muli %scan3A_69, %mul3A_1587 : i32
        %add3A_1589 = arith.constant 12 : i32
        %add3A_1590 = arith.addi %mul3A_1588, %add3A_1589 : i32
        %add3A_1591 = arith.constant 2 : i32
        %add3A_1592 = arith.addi %add3A_1590, %add3A_1591 : i32
        %add3A_1593 = arith.constant 48 : i32
        %add3A_1594 = arith.addi %and3A_1263, %add3A_1593 : i32
        %get3A_1595 = arith.index_cast %add3A_1592 : i32 to index
        %get3A_1596 = arith.index_cast %add3A_1594 : i32 to index
        %get3A_1597 = tpu.vector_load %arg10[%get3A_1595, %get3A_1596] {strides = array<i32>} : memref<128x128xf32, #tpu.memory_space<vmem>>, vector<1x16xf32>,
        %get3A_1598 = vector.shape_cast %get3A_1597 : vector<1x16xf32> to vector<16xf32>
        %bitcast_convert_type3A_1599 = tpu.bitcast %get3A_1598 : vector<16xf32> -> vector<16xi32>
        %mul3A_1600 = vector.broadcast %and3A_1271 : i32 to vector<16xi32>
        %mul3A_1601 = arith.muli %bitcast_convert_type3A_1599, %mul3A_1600 : vector<16xi32>
        %and3A_1602 = arith.constant -65536 : i32
        %and3A_1603 = vector.broadcast %and3A_1602 : i32 to vector<16xi32>
        %and3A_1604 = arith.andi %mul3A_1601, %and3A_1603 : vector<16xi32>
        %bitcast_convert_type3A_1605 = tpu.bitcast %and3A_1604 : vector<16xi32> -> vector<16xf32>
        %add3A_1606 = arith.addf %add3A_1586, %bitcast_convert_type3A_1605 : vector<16xf32>
        %mul3A_1607 = arith.constant 16 : i32
        %mul3A_1608 = arith.muli %scan3A_69, %mul3A_1607 : i32
        %add3A_1609 = arith.constant 12 : i32
        %add3A_1610 = arith.addi %mul3A_1608, %add3A_1609 : i32
        %add3A_1611 = arith.constant 3 : i32
        %add3A_1612 = arith.addi %add3A_1610, %add3A_1611 : i32
        %add3A_1613 = arith.constant 48 : i32
        %add3A_1614 = arith.addi %and3A_1265, %add3A_1613 : i32
        %get3A_1615 = arith.index_cast %add3A_1612 : i32 to index
        %get3A_1616 = arith.index_cast %add3A_1614 : i32 to index
        %get3A_1617 = tpu.vector_load %arg10[%get3A_1615, %get3A_1616] {strides = array<i32>} : memref<128x128xf32, #tpu.memory_space<vmem>>, vector<1x16xf32>,
        %get3A_1618 = vector.shape_cast %get3A_1617 : vector<1x16xf32> to vector<16xf32>
        %bitcast_convert_type3A_1619 = tpu.bitcast %get3A_1618 : vector<16xf32> -> vector<16xi32>
        %mul3A_1620 = vector.broadcast %and3A_1273 : i32 to vector<16xi32>
        %mul3A_1621 = arith.muli %bitcast_convert_type3A_1619, %mul3A_1620 : vector<16xi32>
        %and3A_1622 = arith.constant -65536 : i32
        %and3A_1623 = vector.broadcast %and3A_1622 : i32 to vector<16xi32>
        %and3A_1624 = arith.andi %mul3A_1621, %and3A_1623 : vector<16xi32>
        %bitcast_convert_type3A_1625 = tpu.bitcast %and3A_1624 : vector<16xi32> -> vector<16xf32>
        %add3A_1626 = arith.addf %add3A_1606, %bitcast_convert_type3A_1625 : vector<16xf32>
        %max3A_1627 = arith.constant 0.000000e+00 : f32
        %max3A_1628 = vector.broadcast %max3A_1627 : f32 to vector<16xf32>
        %max3A_1629 = arith.maximumf %add3A_1626, %max3A_1628 : vector<16xf32>
        %mul3A_1630 = arith.constant 32 : i32
        %mul3A_1631 = arith.muli %add3A_62, %mul3A_1630 : i32
        %add3A_1632 = arith.addi %mul3A_1631, %add3A_1249 : i32
        %swap3A_1633 = arith.index_cast %add3A_1632 : i32 to index
        %swap3A_1634 = arith.constant 48 : index
        %swap3A_1635 = tpu.vector_load %arg11[%swap3A_1633, %swap3A_1634] {strides = array<i32>} : memref<512x64xf32, #tpu.memory_space<vmem>>, vector<1x16xf32>,
        %swap3A_1636 = vector.shape_cast %swap3A_1635 : vector<1x16xf32> to vector<16xf32>
        %swap3A_1637 = vector.shape_cast %max3A_1629 : vector<16xf32> to vector<1x16xf32>
        tpu.vector_store %arg11[%swap3A_1633, %swap3A_1634], %swap3A_1637 {strides = array<i32>} : memref<512x64xf32, #tpu.memory_space<vmem>>, vector<1x16xf32>,
      }
      %scan3A_68 = arith.constant 8 : i32
    }
    %scan3A_28 = arith.constant 8 : i32
    %mul3A_29 = arith.constant 512 : i32
    %mul3A_30 = arith.muli %add3A, %mul3A_29 : i32
    "tpu.region"() ({
      %run_scoped3A = tpu.sem_alloc : memref<!tpu.dma_semaphore, #tpu.memory_space<semaphore_mem>>
      %dma_start3A_31 = arith.constant 0 : i32
      %dma_start3A_32 = tpu.memref_slice %arg5[%mul3A_30, %dma_start3A_31] : memref<16384x64xf32, #tpu.memory_space<hbm>> -> memref<512x64xf32, #tpu.memory_space<hbm>>
      %dma_start3A_33 = arith.constant 0 : i32
      %dma_start3A_34 = tpu.memref_slice %arg5[%mul3A_30, %dma_start3A_33] : memref<16384x64xf32, #tpu.memory_space<hbm>> -> memref<512x64xf32, #tpu.memory_space<hbm>>
      tpu.enqueue_dma source(%arg11 : memref<512x64xf32, #tpu.memory_space<vmem>>) target(%dma_start3A_34 : memref<512x64xf32, #tpu.memory_space<hbm>>) target_semaphore(%run_scoped3A : memref<!tpu.dma_semaphore, #tpu.memory_space<semaphore_mem>>)
      %dma_wait3A = arith.constant 0 : i32
      %dma_wait3A_35 = tpu.memref_slice %arg5[%mul3A_30, %dma_wait3A] : memref<16384x64xf32, #tpu.memory_space<hbm>> -> memref<512x64xf32, #tpu.memory_space<hbm>>
      %dma_wait3A_36 = arith.constant 0 : i32
      %dma_wait3A_37 = tpu.memref_slice %arg5[%mul3A_30, %dma_wait3A_36] : memref<16384x64xf32, #tpu.memory_space<hbm>> -> memref<512x64xf32, #tpu.memory_space<hbm>>
      tpu.wait_dma2 semaphore(%run_scoped3A : memref<!tpu.dma_semaphore, #tpu.memory_space<semaphore_mem>>) src(%arg11 : memref<512x64xf32, #tpu.memory_space<vmem>>) dst(%dma_wait3A_37 : memref<512x64xf32, #tpu.memory_space<hbm>>)
      tpu.yield
    }) : () -> ()
    return
  }
}

module attributes {stable_mosaic.version = 14 : i64} {
  func.func @_tc_pack_body(%arg0: i32, %arg1: memref<64x8192xf32, #tpu.memory_space<vmem>>, %arg2: memref<64x8192xf32, #tpu.memory_space<vmem>>, %arg3: memref<64x8192xf32, #tpu.memory_space<vmem>>, %arg4: memref<64x8192xf32, #tpu.memory_space<vmem>>, %arg5: memref<64x64xf32, #tpu.memory_space<vmem>>, %arg6: memref<8192x128xf32, #tpu.memory_space<vmem>>) attributes {dimension_semantics = [#tpu.dimension_semantics<arbitrary>], iteration_bounds = array<i64: 31>, scalar_prefetch = 0 : i64, scratch_operands = 0 : i64, tpu.core_type = #tpu.core_type<tc>, window_params = [{transform_indices = @transform_0, window_bounds = array<i64: 64, 8192>}, {transform_indices = @transform_1, window_bounds = array<i64: 64, 8192>}, {transform_indices = @transform_2, window_bounds = array<i64: 64, 8192>}, {transform_indices = @transform_3, window_bounds = array<i64: 64, 8192>}, {pipeline_mode = #tpu.pipeline_mode<synchronous>, transform_indices = @transform_4, window_bounds = array<i64: 64, 64>}, {transform_indices = @transform_5, window_bounds = array<i64: 8192, 128>}]} {
    %get3A = arith.constant 0 : index
    %get3A_0 = arith.constant 0 : index
    %get3A_1 = vector.load %arg5[%get3A, %get3A_0] : memref<64x64xf32, #tpu.memory_space<vmem>>, vector<64x64xf32>
    %get3A_2 = arith.constant 0 : index
    %get3A_3 = arith.constant 0 : index
    %get3A_4 = vector.load %arg1[%get3A_2, %get3A_3] : memref<64x8192xf32, #tpu.memory_space<vmem>>, vector<64x8192xf32>
    %dot_general3A = arith.constant dense<0.000000e+00> : vector<64x8192xf32>
    %dot_general3A_5 = tpu.matmul %get3A_1, %get3A_4, %dot_general3A {dimension_numbers = #tpu.dot_dimension_numbers<[0], [0], [1], [1], [0, 1, 1, 1], [], []>, transpose_lhs_hint = false} : vector<64x64xf32>, vector<64x8192xf32>, vector<64x8192xf32> -> vector<64x8192xf32>
    %get3A_6 = arith.constant 0 : index
    %get3A_7 = arith.constant 0 : index
    %get3A_8 = vector.load %arg2[%get3A_6, %get3A_7] : memref<64x8192xf32, #tpu.memory_space<vmem>>, vector<64x8192xf32>
    %dot_general3A_9 = arith.constant dense<0.000000e+00> : vector<64x8192xf32>
    %dot_general3A_10 = tpu.matmul %get3A_1, %get3A_8, %dot_general3A_9 {dimension_numbers = #tpu.dot_dimension_numbers<[0], [0], [1], [1], [0, 1, 1, 1], [], []>, transpose_lhs_hint = false} : vector<64x64xf32>, vector<64x8192xf32>, vector<64x8192xf32> -> vector<64x8192xf32>
    %get3A_11 = arith.constant 0 : index
    %get3A_12 = arith.constant 0 : index
    %get3A_13 = vector.load %arg3[%get3A_11, %get3A_12] : memref<64x8192xf32, #tpu.memory_space<vmem>>, vector<64x8192xf32>
    %dot_general3A_14 = arith.constant dense<0.000000e+00> : vector<64x8192xf32>
    %dot_general3A_15 = tpu.matmul %get3A_1, %get3A_13, %dot_general3A_14 {dimension_numbers = #tpu.dot_dimension_numbers<[0], [0], [1], [1], [0, 1, 1, 1], [], []>, transpose_lhs_hint = false} : vector<64x64xf32>, vector<64x8192xf32>, vector<64x8192xf32> -> vector<64x8192xf32>
    %get3A_16 = arith.constant 0 : index
    %get3A_17 = arith.constant 0 : index
    %get3A_18 = vector.load %arg4[%get3A_16, %get3A_17] : memref<64x8192xf32, #tpu.memory_space<vmem>>, vector<64x8192xf32>
    %dot_general3A_19 = arith.constant dense<0.000000e+00> : vector<64x8192xf32>
    %dot_general3A_20 = tpu.matmul %get3A_1, %get3A_18, %dot_general3A_19 {dimension_numbers = #tpu.dot_dimension_numbers<[0], [0], [1], [1], [0, 1, 1, 1], [], []>, transpose_lhs_hint = false} : vector<64x64xf32>, vector<64x8192xf32>, vector<64x8192xf32> -> vector<64x8192xf32>
    %bitcast_convert_type3A = tpu.bitcast %dot_general3A_5 : vector<64x8192xf32> -> vector<64x8192xi32>
    %bitcast_convert_type3A_21 = tpu.bitcast %dot_general3A_10 : vector<64x8192xf32> -> vector<64x8192xi32>
    %add3A = arith.constant 32768 : i32
    %add3A_22 = vector.broadcast %add3A : i32 to vector<64x8192xi32>
    %add3A_23 = arith.addi %bitcast_convert_type3A, %add3A_22 : vector<64x8192xi32>
    %and3A = arith.constant -65536 : i32
    %and3A_24 = vector.broadcast %and3A : i32 to vector<64x8192xi32>
    %and3A_25 = arith.andi %add3A_23, %and3A_24 : vector<64x8192xi32>
    %add3A_26 = arith.constant 32768 : i32
    %add3A_27 = vector.broadcast %add3A_26 : i32 to vector<64x8192xi32>
    %add3A_28 = arith.addi %bitcast_convert_type3A_21, %add3A_27 : vector<64x8192xi32>
    %shift_right_logical3A = arith.constant 16 : i32
    %shift_right_logical3A_29 = vector.broadcast %shift_right_logical3A : i32 to vector<64x8192xi32>
    %shift_right_logical3A_30 = arith.shrui %add3A_28, %shift_right_logical3A_29 : vector<64x8192xi32>
    %or3A = arith.ori %and3A_25, %shift_right_logical3A_30 : vector<64x8192xi32>
    %bitcast_convert_type3A_31 = tpu.bitcast %or3A : vector<64x8192xi32> -> vector<64x8192xf32>
    %transpose3A = tpu.transpose %bitcast_convert_type3A_31, [1, 0] : vector<64x8192xf32> -> vector<8192x64xf32>
    %bitcast_convert_type3A_32 = tpu.bitcast %dot_general3A_15 : vector<64x8192xf32> -> vector<64x8192xi32>
    %bitcast_convert_type3A_33 = tpu.bitcast %dot_general3A_20 : vector<64x8192xf32> -> vector<64x8192xi32>
    %add3A_34 = arith.constant 32768 : i32
    %add3A_35 = vector.broadcast %add3A_34 : i32 to vector<64x8192xi32>
    %add3A_36 = arith.addi %bitcast_convert_type3A_32, %add3A_35 : vector<64x8192xi32>
    %and3A_37 = arith.constant -65536 : i32
    %and3A_38 = vector.broadcast %and3A_37 : i32 to vector<64x8192xi32>
    %and3A_39 = arith.andi %add3A_36, %and3A_38 : vector<64x8192xi32>
    %add3A_40 = arith.constant 32768 : i32
    %add3A_41 = vector.broadcast %add3A_40 : i32 to vector<64x8192xi32>
    %add3A_42 = arith.addi %bitcast_convert_type3A_33, %add3A_41 : vector<64x8192xi32>
    %shift_right_logical3A_43 = arith.constant 16 : i32
    %shift_right_logical3A_44 = vector.broadcast %shift_right_logical3A_43 : i32 to vector<64x8192xi32>
    %shift_right_logical3A_45 = arith.shrui %add3A_42, %shift_right_logical3A_44 : vector<64x8192xi32>
    %or3A_46 = arith.ori %and3A_39, %shift_right_logical3A_45 : vector<64x8192xi32>
    %bitcast_convert_type3A_47 = tpu.bitcast %or3A_46 : vector<64x8192xi32> -> vector<64x8192xf32>
    %transpose3A_48 = tpu.transpose %bitcast_convert_type3A_47, [1, 0] : vector<64x8192xf32> -> vector<8192x64xf32>
    %concatenate3A = tpu.concatenate %transpose3A, %transpose3A_48 in 1 : vector<8192x64xf32>, vector<8192x64xf32> -> vector<8192x128xf32>
    %swap3A = arith.constant 0 : index
    %swap3A_49 = arith.constant 0 : index
    %swap3A_50 = vector.load %arg6[%swap3A, %swap3A_49] : memref<8192x128xf32, #tpu.memory_space<vmem>>, vector<8192x128xf32>
    tpu.vector_store %arg6[%swap3A, %swap3A_49], %concatenate3A {strides = array<i32>} : memref<8192x128xf32, #tpu.memory_space<vmem>>, vector<8192x128xf32>,
    return
  }
  func.func @transform_0(%arg0: i32) -> (i32, i32) {
    %add3A = arith.constant 0 : i32
    %add3A_0 = arith.addi %arg0, %add3A : i32
    %min3A = arith.constant 122 : i32
    %min3A_1 = arith.minsi %add3A_0, %min3A : i32
    %c0_i32 = arith.constant 0 : i32
    %c0_i32_2 = arith.constant 0 : i32
    return %c0_i32, %min3A_1 : i32, i32
  }
  func.func @transform_1(%arg0: i32) -> (i32, i32) {
    %add3A = arith.constant 31 : i32
    %add3A_0 = arith.addi %arg0, %add3A : i32
    %min3A = arith.constant 122 : i32
    %min3A_1 = arith.minsi %add3A_0, %min3A : i32
    %c0_i32 = arith.constant 0 : i32
    %c0_i32_2 = arith.constant 0 : i32
    return %c0_i32, %min3A_1 : i32, i32
  }
  func.func @transform_2(%arg0: i32) -> (i32, i32) {
    %add3A = arith.constant 62 : i32
    %add3A_0 = arith.addi %arg0, %add3A : i32
    %min3A = arith.constant 122 : i32
    %min3A_1 = arith.minsi %add3A_0, %min3A : i32
    %c0_i32 = arith.constant 0 : i32
    %c0_i32_2 = arith.constant 0 : i32
    return %c0_i32, %min3A_1 : i32, i32
  }
  func.func @transform_3(%arg0: i32) -> (i32, i32) {
    %add3A = arith.constant 93 : i32
    %add3A_0 = arith.addi %arg0, %add3A : i32
    %min3A = arith.constant 122 : i32
    %min3A_1 = arith.minsi %add3A_0, %min3A : i32
    %c0_i32 = arith.constant 0 : i32
    %c0_i32_2 = arith.constant 0 : i32
    return %c0_i32, %min3A_1 : i32, i32
  }
  func.func @transform_4(%arg0: i32) -> (i32, i32) {
    %c0_i32 = arith.constant 0 : i32
    %c0_i32_0 = arith.constant 0 : i32
    %c0_i32_1 = arith.constant 0 : i32
    return %c0_i32, %c0_i32_0 : i32, i32
  }
  func.func @transform_5(%arg0: i32) -> (i32, i32) {
    %c0_i32 = arith.constant 0 : i32
    %c0_i32_0 = arith.constant 0 : i32
    return %arg0, %c0_i32 : i32, i32
  }
}

</mosaic_0001>

<sc_bundles>
// kernel: kernel.4.cloned.1.call-start
scs
__scs_entry_jumppad:
0x0: {  	(pc) =	sbr.rel $0x88, $3  }
0x1: {  	(tag) =	ssettag $0x0;
	lr =	simm.s32 $0x1  }
0x2: {  	[smem:$0x3F9D] =	sst lr;
	_ =	strace $0xD0000000  }
0x3: {  	_ = 	snop  }
0x4: {  	_ = 	snop  }
0x5: {  	_ = 	snop  }
0x6: {  	_ = 	snop  }
0x7: {  	_ = 	snop  }
__scs_overlays_trampoline_lowered:
0x8: {  	[smem:$0x3FAC] =	sst s0  }
0x9: {  	[smem:$0x3FAD] =	sst s1  }
0xa: {  	[smem:$0x3FAE] =	sst s2  }
0xb: {  	[smem:$0x3FAF] =	sst s3  }
0xc: {  	[smem:$0x3FB0] =	sst s4  }
0xd: {  	[smem:$0x3FB1] =	sst s5  }
0xe: {  	[smem:$0x3FB2] =	sst s6  }
0xf: {  	[smem:$0x3FB3] =	sst s7  }
0x10: {  	[smem:$0x3FB4] =	sst s8  }
0x11: {  	[smem:$0x3FB5] =	sst s9;
	s0 =	simm.s32 @!p0 $0x0  }
0x12: {  	s1 =	sld [smem:$0x3F9B];
	s0 =	simm.s32 @p0 $0x1  }
0x13: {  	[smem:$0x3FB6] =	sst s0;
	s0 =	simm.s32 @!p1 $0x0  }
0x14: {  	s2 =	sld [smem:$0x3F9A];
	s0 =	simm.s32 @p1 $0x1  }
0x15: {  	[smem:$0x3FB7] =	sst s0;
	s0 =	simm.s32 @!p2 $0x0  }
0x16: {  	s3 =	sld [smem:$0x3FDB];
	s0 =	simm.s32 @p2 $0x1  }
0x17: {  	s4 =	simm.s32 $0x1BF5;
	[smem:$0x3FB9] =	sst s0  }
0x18: {  	s0 =	sld [smem:$0x3F9C];
	_ =	swait.ge [sflag:s4], $0x0  }
0x19: {  	s7 =	sld [smem:$0x3F9D]  }
0x1a: {  	s8 =	sadd.s32 $0xFFFFE003, lr  }
0x1b: {  	s9 =	sadd.s32 $0xFFFFFEF7, lr;
	s5 =	simm.s32 $0xFFFFFFFF;
	p2 =	slt.u32 s8, $0xFFFFF086  }
0x1c: {  	p1 =	slt.u32 s9, $0xF7A;
	s5 =	simm.s32 @!p2 $0x0  }
0x1d: {  	s5 =	simm.s32 @p1 $0x1;
	p0 =	seq.s32 s7, s2  }
0x1e: {  	s7 =	smul.u32 @!p0 $0xF7A, s2;
	p2 =	seq.s32 @!p0 s5, $0x0  }
0x1f: {  	s9 =	smul.u32 $0xF7A, s1;
	s8 =	simm.s32 @!p0 $0x1BF5;
	p2 =	por !p2, p0  }
0x20: {  	[sflag:s8] =	ssyncset.s32 @!p0 $0xFFFFF086;
	s6 =	sadd.s32 @!p0 s3, s7;
	s7 =	simm.s32 @!p0 $0x108  }
0x21: {  	s3 =	sadd.s32 s3, s9;
	s6 =	sadd.s32 @!p0 $0x88, s6;
	s7 =	simm.s32 @p2 $0x1082  }
0x22: {  	[simem:s7], [sflag:s8] =	dma.local @!p0 [hbm:s6], $0xF7A  }
0x23: {  	s9 =	sor.u32 $0xD0000000, s2;
	s6 =	simm.s32 $0x108;
	_ =	swait.ge @!p0 [sflag:s8], $0x0  }
0x24: {  	s3 =	sadd.s32 $0x88, s3;
	s6 =	simm.s32 @!p1 $0x1082;
	[sflag:s4] =	ssyncset.s32 $0xFFFFF086  }
0x25: {  	[simem:s6], [sflag:s4] =	dma.local [hbm:s3], $0xF7A  }
0x26: {  	[smem:$0x3F9D] =	sst s1;
	(tag) =	ssettag s2;
	_ =	strace s9  }
0x27: {  	s1 =	sld [smem:$0x3FAD]  }
0x28: {  	s2 =	sld [smem:$0x3FAE]  }
0x29: {  	s4 =	sld [smem:$0x3FB0]  }
0x2a: {  	p0 =	seq.s32 s5, $0x0;
	s5 =	sld [smem:$0x3FB1]  }
0x2b: {  	s6 =	sld [smem:$0x3FB2]  }
0x2c: {  	s7 =	sld [smem:$0x3FB3]  }
0x2d: {  	s3 =	simm.s32 $0x108;
	s8 =	sld [smem:$0x3FB4]  }
0x2e: {  	s3 =	simm.s32 @!p0 $0x1082;
	s9 =	sld [smem:$0x3FB5]  }
0x2f: {  	lr =	sadd.s32 s0, s3;
	s0 =	sld [smem:$0x3FAC]  }
0x30: {  	s3 =	sld [smem:$0x3FAF]  }
0x31: {  	[smem:$0x3FB8] =	sst s10  }
0x32: {  	s10 =	sld [smem:$0x3FB6];
	_ =	sdelay $0x3  }
0x33: {  	p0 =	seq.s32 s10, $0x1;
	s10 =	sld [smem:$0x3FB8];
	_ =	sdelay $0x3  }
0x34: {  	[smem:$0x3FB8] =	sst s10  }
0x35: {  	s10 =	sld [smem:$0x3FB7];
	_ =	sdelay $0x3  }
0x36: {  	p1 =	seq.s32 s10, $0x1;
	s10 =	sld [smem:$0x3FB8];
	_ =	sdelay $0x3  }
0x37: {  	[smem:$0x3FB8] =	sst s10  }
0x38: {  	s10 =	sld [smem:$0x3FB9]  }
0x39: {  	_ = 	snop;
	(pc) =	sbr.ind lr, $3  }
0x3a: {  	_ = 	snop  }
0x3b: {  	_ = 	snop  }
0x3c: {  	p2 =	seq.s32 s10, $0x1;
	s10 =	sld [smem:$0x3FB8]  }
0x3d: {  	_ =	shalt  }
0x3e: {  	_ =	shalt  }
0x3f: {  	_ =	shalt  }
0x40: {  	_ =	shalt  }
0x41: {  	_ =	shalt  }
0x42: {  	_ =	shalt  }
0x43: {  	_ =	shalt  }
0x44: {  	_ =	shalt  }
0x45: {  	_ =	shalt  }
0x46: {  	_ =	shalt  }
0x47: {  	_ =	shalt  }
0x48: {  	_ =	shalt  }
0x49: {  	_ =	shalt  }
0x4a: {  	_ =	shalt  }
0x4b: {  	_ =	shalt  }
0x4c: {  	_ =	shalt  }
0x4d: {  	_ =	shalt  }
0x4e: {  	_ =	shalt  }
0x4f: {  	_ =	shalt  }
0x50: {  	_ =	shalt  }
0x51: {  	_ =	shalt  }
0x52: {  	_ =	shalt  }
0x53: {  	_ =	shalt  }
0x54: {  	_ =	shalt  }
0x55: {  	_ =	shalt  }
0x56: {  	_ =	shalt  }
0x57: {  	_ =	shalt  }
0x58: {  	_ =	shalt  }
0x59: {  	_ =	shalt  }
0x5a: {  	_ =	shalt  }
0x5b: {  	_ =	shalt  }
0x5c: {  	_ =	shalt  }
0x5d: {  	_ =	shalt  }
0x5e: {  	_ =	shalt  }
0x5f: {  	_ =	shalt  }
0x60: {  	_ =	shalt  }
0x61: {  	_ =	shalt  }
0x62: {  	_ =	shalt  }
0x63: {  	_ =	shalt  }
0x64: {  	_ =	shalt  }
0x65: {  	_ =	shalt  }
0x66: {  	_ =	shalt  }
0x67: {  	_ =	shalt  }
0x68: {  	_ =	shalt  }
0x69: {  	_ =	shalt  }
0x6a: {  	_ =	shalt  }
0x6b: {  	_ =	shalt  }
0x6c: {  	_ =	shalt  }
0x6d: {  	_ =	shalt  }
0x6e: {  	_ =	shalt  }
0x6f: {  	_ =	shalt  }
0x70: {  	_ =	shalt  }
0x71: {  	_ =	shalt  }
0x72: {  	_ =	shalt  }
0x73: {  	_ =	shalt  }
0x74: {  	_ =	shalt  }
0x75: {  	_ =	shalt  }
0x76: {  	_ =	shalt  }
0x77: {  	_ =	shalt  }
0x78: {  	_ =	shalt  }
0x79: {  	_ =	shalt  }
0x7a: {  	_ =	shalt  }
0x7b: {  	_ =	shalt  }
0x7c: {  	_ =	shalt  }
0x7d: {  	_ =	shalt  }
0x7e: {  	_ =	shalt  }
0x7f: {  	_ =	shalt  }
0x80: {  	_ =	shalt  }
0x81: {  	_ =	shalt  }
0x82: {  	_ =	shalt  }
0x83: {  	_ =	shalt  }
0x84: {  	_ =	shalt  }
0x85: {  	_ =	shalt  }
0x86: {  	_ =	shalt  }
0x87: {  	_ =	shalt  }
.Lfunc_end0:
.L_simem_size_0:
called_computation_lowered:
.L_overlay_start_0:
0x88: {  	s2 =	sld [smem:$0x3FD9]  }
0x89: {  	s3 =	sld [smem:$0x3FFE];
	_ =	sdelay $0x1  }
0x8a: {  	s1 =	srdreg.scid  }
0x8b: {  	s0 =	sand.u32 $0x1, s1  }
0x8c: {  	s17 =	sshll.u32 s0, $0xA;
	s2 =	sadd.s32 s3, s2  }
0x8d: {  	s2 =	sadd.s32 s2, s17  }
0x8e: {  	[smem:$0x3FC4] =	sst s2  }
0x8f: {  	_ = 	snop  }
0x90: {  	s2 =	sld [smem:$0x3FC6]  }
0x91: {  	s18 =	sld [smem:$0x3FD0];
	(tm) =	ssettm $0x1  }
0x92: {  	s4 =	sld [smem:$0x3FFB];
	_ =	sdelay $0x3  }
0x93: {  	_ =	strace s4  }
0x94: {  	s4 =	sld [smem:$0x3FFC];
	_ =	sdelay $0x3  }
0x95: {  	_ =	strace s4  }
0x96: {  	s4 =	sld [smem:$0x3FFD];
	_ =	sdelay $0x3  }
0x97: {  	_ =	strace s4  }
0x98: {  	_ =	strace $0x8FFFFFFF  }
0x99: {  	s19 =	sld [smem:$0x3FDB];
	_ =	sdelay $0x1  }
0x9a: {  	s5 =	simm.s32 $_scs_section_size  }
0x9b: {  	s6 =	simm.s32 $_size__tile_overlayer_lowered;
	s7 =	simm.s32 $_tile_overlayer_lowered  }
0x9c: {  	s22 =	simm.s32 $0x1BFF;
	s21 =	sshll.u32 s7, $0x1;
	s4 =	sadd.s32 s5, s19  }
0x9d: {  	s8 =	simm.s32 $0x0;
	s20 =	sshll.u32 s6, $0x1;
	s6 =	sadd.s32 s21, s4  }
0x9e: {  	[timem:s8], [sflag:s22] =	dma.local [hbm:s6], s20  }
0x9f: {  	_ =	swait.ge [sflag:s22], s20  }
0xa0: {  	s5 =	ssub.s32 $0x0, s20;
	[sflag:s22] =	ssyncset.done $0x0  }
0xa1: {  	[sflag:s22] =	ssyncadd.s32 s5;
	_ =	sdelay $0x1  }
0xa2: {  	s23 =	simm.s32 $0x1B8B  }
0xa3: {  	_ =	swait.ge [sflag:s23], $0x1  }
0xa4: {  	[sflag:s23] =	ssyncset.done $0x0  }
0xa5: {  	s25 =	simm.s32 $0x1B8E;
	s24 =	sld [smem:$0x3FFE];
	[sflag:s23] =	ssyncadd.s32 $0xFFFFFFFF  }
0xa6: {  	s26 =	simm.s32 $execute0_lowered;
	[smem:$0x3FD2] =	sst s25  }
0xa7: {  	s6 =	sshll.u32 s26, $0x1;
	_ =	strace $0x80000046;
	[dreg:$0x1] =	wrdreg $0xFFFFFFFF  }
0xa8: {  	s28 =	simm.s32 $_size_execute0_lowered;
	s4 =	sadd.s32 s4, s6;
	[dreg:$0x0] =	wrdreg $0x0  }
0xa9: {  	s6 =	sshll.u32 s28, $0x1;
	[dreg:$0x2] =	wrdreg s4  }
0xaa: {  	[dreg:$0x3] =	wrdreg s6  }
0xab: {  	[dreg:$0x4] =	wrdreg $0xC0  }
0xac: {  	_ =	task [dreg:s8], $0x5FFFF  }
0xad: {  	[dreg:$0x1] =	wrdreg $0xFFFFFFFF  }
0xae: {  	[dreg:$0x0] =	wrdreg $0x60  }
0xaf: {  	[dreg:$0x2] =	wrdreg s18  }
0xb0: {  	[dreg:$0x3] =	wrdreg s24  }
0xb1: {  	[dreg:$0x4] =	wrdreg s2  }
0xb2: {  	[dreg:$0x5] =	wrdreg $0x9  }
0xb3: {  	_ =	task.clear_ibuf [dreg:s8], $0x6FFFF;
	_ =	strace $0x90000046  }
0xb4: {  	s29 =	simm.s32 $0x9;
	_ =	strace $0x80000048  }
0xb5: {  	_ =	swait.ge [sflag:s29], $0x1  }
0xb6: {  	[sflag:s29] =	ssyncadd.s32 $0xFFFFFFFF  }
0xb7: {  	_ =	strace $0x90000048  }
0xb8: {  	_ =	sfence  }
0xb9: {  	s30 =	sld [smem:$0x0];
	_ =	sdelay $0x2  }
0xba: {  	s31 =	sshll.u32 s1, $0xD;
	s1 =	sshrl.u32 s1, $0x2  }
0xbb: {  	s3 =	sand.u32 $0x4000, s31;
	s1 =	sadd.s32 s1, s30  }
0xbc: {  	s0 =	sor.u32 s3, s0;
	s1 =	sshll.u32 s1, $0x11  }
0xbd: {  	s0 =	sor.u32 s1, s0  }
0xbe: {  	s0 =	sadd.s32 $0x8F2B, s0  }
0xbf: {  	[sflag:s0] =	ssyncadd.remote.s32 $0x1  }
0xc0: {  	_ =	sfence.sel $0xFFFF  }
0xc1: {  	[dreg:$0x0] =	wrdreg $0xFFFFFFFF;
	(pc) =	sbr.abs _section_cstart, $3  }
0xc2: {  	[dreg:$0x1] =	wrdreg $0xFFFFFFFF  }
0xc3: {  	_ =	task.clear_ibuf [dreg:s8], $0x2FFFF;
	_ =	strace $0x9FFFFFFF  }
0xc4: {  	(tm) =	ssettm $0x7FFFFFFF  }
0xc5: {  	_ =	shalt  }
tec
execute0_lowered:
.L_overlay_start_1:
0x0: {  	(tag) =	ssettag $0x1  }
0x1: {  	s0 =	rddreg [dreg:$0x0]  }
0x2: {  	s1 =	rddreg [dreg:$0x1];
	s6 =	simm.s32 $0x0;
	s2 =	srdreg.scid  }
0x3: {  	s3 =	stileid.u32;
	[smem:$0x7FF] =	sst s6  }
0x4: {  	s2 =	sand.u32 $0x1, s2;
	s3 =	sshll.u32 s3, $0x1;
	s4 =	sadd.s32 $0x400, s1  }
0x5: {  	_ =	strace $0x80000047;
	s3 =	sor.u32 s2, s3;
	s2 =	ssub.s32 $0x2, s2  }
0x6: {  	[dreg:$0x10] =	wrdreg s4;
	s29 =	sshll.u32 s3, $0xD;
	s3 =	sshll.u32 s3, $0x8  }
0x7: {  	s5 =	sshrl.u32 s2, $0x1;
	s1 =	sadd.s32 s29, s1;
	s0 =	sadd.s32 s0, s3  }
0x8: {  	s2 =	ssub.s32 s2, s5;
	[dreg:$0x11] =	wrdreg s0;
	s30 =	sadd.s32 $0x3E0400, s1  }
0x9: {  	s31 =	smax.u32 s2, $0x1;
	[dreg:$0x12] =	wrdreg s30  }
0xa: {  	v0 =	vimm.s32 $0x0;
	v1 =	vimm.s32 $0x10000;
	s1 =	simm.s32 $0x3;
	s2 =	simm.s32 $0x0;
	[dreg:$0x13] =	wrdreg s31  }
.LBB2_1:
0xb: {  	[dreg:$0x14] =	wrdreg s2  }
0xc: {  	s0 =	rddreg [dreg:$0x11]  }
0xd: {  	[tilespmem:s6], [sflag:$0x3] =	stream.linear.gather [hbm4b:s0+s6], $0x800, $0x38;
	[tilespmem:$0x19080] =	vst v63  }
0xe: {  	_ =	swait.ge [sflag:s1], $0x800  }
0xf: {  	[sflag:s1] =	ssyncset.done $0x0  }
0x10: {  	[sflag:s1] =	ssyncadd.s32 $0xFFFFF800  }
0x11: {  	s31 =	simm.s32 $0x1000;
	s30 =	rddreg [dreg:$0x2]  }
0x12: {  	[tilespmem:s31], [sflag:$0x3] =	stream.linear.gather [hbm4b:s30+s6], $0x80, $0x38;
	[tilespmem:$0x19080] =	vst v63  }
0x13: {  	_ =	swait.ge [sflag:s1], $0x80  }
0x14: {  	[sflag:s1] =	ssyncset.done $0x0  }
0x15: {  	s0 =	simm.s32 $0x0;
	[sflag:s1] =	ssyncadd.s32 $0xFFFFFF80  }
0x16: {  	v4 =	vld [tilespmem:s0+$0x0]  }
0x17: {  	v9 =	vld [tilespmem:s0+$0x20];
	_ =	sdelay $0x1  }
0x18: {  	v6 =	vld [tilespmem:s0+$0x10]  }
0x19: {  	v11 =	vld [tilespmem:s0+$0x30]  }
0x1a: {  	vm0 =	vgt.s32 v4, $0x3DFFF  }
0x1b: {  	vm1 =	vgt.s32 v4, $0x7BFFF;
	vm2 =	vgt.s32 v9, $0x7BFFF;
	vm3 =	vgt.s32 v9, $0xB9FFF  }
0x1c: {  	v2 =	vsel vm0, $0x1, v0;
	v3 =	vsel vm1, $0x1, v0;
	vm0 =	vgt.s32 v4, $0xB9FFF  }
0x1d: {  	vm1 =	vgt.s32 v6, $0x7BFFF;
	v10 =	vsel vm2, $0x1, v0;
	v13 =	vsel vm3, $0x1, v0  }
0x1e: {  	vm2 =	vgt.s32 v11, $0x7BFFF;
	v2 =	vadd.s32 v3, v2;
	v3 =	vsel vm0, $0x1, v0  }
0x1f: {  	vm0 =	vgt.s32 v6, $0x3DFFF;
	v5 =	vsel vm1, $0x1, v0;
	vm1 =	vgt.s32 v9, $0x3DFFF  }
0x20: {  	v15 =	vsel vm2, $0x1, v0;
	v2 =	vadd.s32 v3, v2;
	v3 =	vsel vm0, $0x1, v0  }
0x21: {  	vm0 =	vgt.s32 v6, $0xB9FFF;
	v7 =	vmul.u32 $0xFFFC2000, v2;
	v5 =	vadd.s32 v5, v3  }
0x22: {  	v8 =	vsel vm0, $0x1, v0;
	vm0 =	vgt.u32 v2, $0x1;
	v3 =	vand.u32 $0x1, v2  }
0x23: {  	v2 =	vadd.s32 v8, v5;
	v5 =	vsel vm1, $0x1, v0;
	v8 =	vld [tilespmem:s0+$0x40];
	vm1 =	vgt.s32 v11, $0x3DFFF  }
0x24: {  	v7 =	vadd.s32 v4, v7;
	v12 =	vmul.u32 $0xFFFC2000, v2;
	v4 =	vand.u32 $0x1, v2  }
0x25: {  	v5 =	vadd.s32 v10, v5;
	v14 =	vsel vm1, $0x1, v0;
	vm1 =	vgt.s32 v11, $0xB9FFF;
	v10 =	vld [tilespmem:s0+$0x50]  }
0x26: {  	v5 =	vadd.s32 v13, v5;
	v13 =	vadd.s32 v15, v14;
	v14 =	vsel vm1, $0x1, v0  }
0x27: {  	v12 =	vadd.s32 v6, v12;
	v15 =	vmul.u32 $0xFFFC2000, v5;
	v6 =	vadd.s32 v14, v13  }
0x28: {  	v14 =	vmul.u32 $0xFFFC2000, v6;
	vm1 =	vgt.s32 v8, $0x3DFFF;
	vm2 =	vgt.s32 v8, $0xB9FFF  }
0x29: {  	v17 =	vsel vm1, $0x1, v0;
	vm1 =	vgt.s32 v8, $0x7BFFF;
	v16 =	vsel vm2, $0x1, v0  }
0x2a: {  	s1 =	simm.s32 $0x200;
	v13 =	vld [tilespmem:s0+$0x60];
	vm2 =	vgt.s32 v10, $0x7BFFF;
	v18 =	vsel vm1, $0x1, v0;
	vm1 =	vgt.s32 v10, $0x3DFFF  }
.LBB2_2:
0x2b: {  	p0 =	sne.s32 s1, $0x1E00;
	v19 =	vsel vm1, $0x1, v0;
	v20 =	vsel vm2, $0x1, v0;
	vm1 =	vgt.s32 v10, $0xB9FFF  }
0x2c: {  	v17 =	vadd.s32 v18, v17;
	v18 =	vadd.s32 v20, v19;
	v19 =	vsel vm1, $0x1, v0;
	v20 =	vld [tilespmem:s0+$0x70]  }
0x2d: {  	v9 =	vadd.s32 v9, v15;
	v15 =	vadd.s32 v16, v17;
	v16 =	vadd.s32 v19, v18  }
0x2e: {  	v11 =	vadd.s32 v11, v14;
	v14 =	vmul.u32 $0xFFFC2000, v15;
	v17 =	vmul.u32 $0xFFFC2000, v16  }
0x2f: {  	vm1 =	vgt.s32 v13, $0x3DFFF;
	vm2 =	vgt.s32 v13, $0x7BFFF;
	vm3 =	vgt.s32 v13, $0xB9FFF  }
0x30: {  	v18 =	vsel vm1, $0x1, v0;
	v19 =	vsel vm2, $0x1, v0;
	v21 =	vsel vm3, $0x1, v0  }
0x31: {  	[tilespmem:s0+$0x0] =	vst v7;
	v7 =	vadd.s32 v19, v18;
	vm1 =	vgt.s32 v20, $0x3DFFF;
	vm2 =	vgt.s32 v20, $0x7BFFF  }
0x32: {  	[tilespmem:s0+$0x10] =	vst v12;
	v12 =	vsel vm1, $0x1, v0;
	v18 =	vsel vm2, $0x1, v0;
	vm1 =	vgt.s32 v20, $0xB9FFF  }
0x33: {  	v7 =	vadd.s32 v21, v7;
	[tilespmem:s0+$0x20] =	vst v9;
	v9 =	vadd.s32 v18, v12;
	v12 =	vsel vm1, $0x1, v0  }
0x34: {  	v8 =	vadd.s32 v8, v14;
	[tilespmem:s0+$0x30] =	vst v11;
	v11 =	vmul.u32 $0xFFFC2000, v7;
	v9 =	vadd.s32 v12, v9  }
0x35: {  	v12 =	vand.u32 $0x1, v5;
	[tilespmem:s0+$0x40] =	vst v8;
	v8 =	vadd.s32 v10, v17;
	v10 =	vmul.u32 $0xFFFC2000, v9  }
0x36: {  	v14 =	vand.u32 $0x1, v6;
	v17 =	vand.u32 $0x1, v15;
	[tilespmem:s0+$0x50] =	vst v8;
	v8 =	vadd.s32 v13, v11  }
0x37: {  	v11 =	vand.u32 $0x1, v16;
	[tilespmem:s0+$0x60] =	vst v8;
	v8 =	vand.u32 $0x1, v7;
	v10 =	vadd.s32 v20, v10  }
0x38: {  	vm2 =	veq.s32 v4, $0x0;
	vm1 =	veq.s32 v3, $0x0;
	v3 =	vand.u32 $0x1, v9;
	[tilespmem:s0+$0x70] =	vst v10  }
0x39: {  	vm4 =	veq.s32 v14, $0x0;
	vm3 =	veq.s32 v12, $0x0;
	vm5 =	veq.s32 v17, $0x0  }
0x3a: {  	vm8 =	veq.s32 v3, $0x0;
	vm6 =	veq.s32 v11, $0x0;
	vm7 =	veq.s32 v8, $0x0  }
0x3b: {  	vm9 =	vgt.u32 v2, $0x1;
	vm10 =	vgt.u32 v5, $0x1;
	vm11 =	vgt.u32 v6, $0x1  }
0x3c: {  	vm12 =	vgt.u32 v15, $0x1;
	vm13 =	vgt.u32 v16, $0x1;
	vm14 =	vgt.u32 v7, $0x1  }
0x3d: {  	v2 =	vsel vm1, $0x1, v1;
	vm1 =	vgt.u32 v9, $0x1;
	v3 =	vsel vm2, $0x1, v1  }
0x3e: {  	v5 =	vsel vm4, $0x1, v1;
	v4 =	vsel vm3, $0x1, v1;
	v6 =	vsel vm5, $0x1, v1  }
0x3f: {  	s2 =	sshra.s32 s1, $0x2;
	v9 =	vsel vm8, $0x1, v1;
	v7 =	vsel vm6, $0x1, v1;
	v8 =	vsel vm7, $0x1, v1  }
0x40: {  	v12 =	vsel vm9, $0x40, v0;
	v13 =	vsel vm10, $0x40, v0;
	v11 =	vsel vm0, $0x40, v0;
	v10 =	vld [tilespmem:s2+$0x0]  }
0x41: {  	v14 =	vsel vm11, $0x40, v0;
	v15 =	vsel vm12, $0x40, v0;
	v16 =	vsel vm13, $0x40, v0  }
0x42: {  	v17 =	vsel vm1, $0x40, v0;
	v2 =	vor.u32 v11, v2;
	v11 =	vsel vm14, $0x40, v0  }
0x43: {  	v18 =	vld [tilespmem:s2+$0x10];
	[tilespmem:s0+$0x800] =	vst v2;
	v2 =	vor.u32 v12, v3;
	v3 =	vor.u32 v13, v4;
	v4 =	vor.u32 v14, v5  }
0x44: {  	v5 =	vor.u32 v16, v7;
	[tilespmem:s0+$0x810] =	vst v2;
	v2 =	vor.u32 v15, v6;
	v6 =	vor.u32 v11, v8  }
0x45: {  	vm0 =	vgt.s32 v10, $0x3DFFF;
	vm1 =	vgt.s32 v10, $0x7BFFF;
	[tilespmem:s0+$0x820] =	vst v3;
	v3 =	vor.u32 v17, v9  }
0x46: {  	v7 =	vsel vm0, $0x1, v0;
	v8 =	vsel vm1, $0x1, v0;
	vm0 =	vgt.s32 v10, $0xB9FFF;
	[tilespmem:s0+$0x830] =	vst v4  }
0x47: {  	v4 =	vadd.s32 v8, v7;
	v7 =	vsel vm0, $0x1, v0;
	[tilespmem:s0+$0x840] =	vst v2  }
0x48: {  	v2 =	vadd.s32 v7, v4;
	vm0 =	vgt.s32 v18, $0x3DFFF;
	vm1 =	vgt.s32 v18, $0x7BFFF;
	v9 =	vld [tilespmem:s2+$0x20];
	[tilespmem:s0+$0x850] =	vst v5  }
0x49: {  	v4 =	vsel vm0, $0x1, v0;
	v5 =	vsel vm1, $0x1, v0;
	vm0 =	vgt.s32 v18, $0xB9FFF;
	[tilespmem:s0+$0x860] =	vst v6  }
0x4a: {  	v6 =	vmul.u32 $0xFFFC2000, v2;
	v4 =	vadd.s32 v5, v4;
	v5 =	vsel vm0, $0x1, v0;
	v11 =	vld [tilespmem:s2+$0x30];
	[tilespmem:s0+$0x870] =	vst v3;
	s0 =	smov.u32 s2  }
0x4b: {  	vm0 =	vgt.u32 v2, $0x1;
	v3 =	vand.u32 $0x1, v2;
	v2 =	vadd.s32 v5, v4  }
0x4c: {  	v7 =	vadd.s32 v10, v6;
	v6 =	vmul.u32 $0xFFFC2000, v2;
	v4 =	vand.u32 $0x1, v2  }
0x4d: {  	vm1 =	vgt.s32 v9, $0x3DFFF;
	vm2 =	vgt.s32 v9, $0x7BFFF;
	vm3 =	vgt.s32 v9, $0xB9FFF  }
0x4e: {  	v5 =	vsel vm1, $0x1, v0;
	v10 =	vsel vm2, $0x1, v0;
	v12 =	vsel vm3, $0x1, v0;
	v8 =	vld [tilespmem:s0+$0x40]  }
0x4f: {  	v5 =	vadd.s32 v10, v5;
	vm1 =	vgt.s32 v11, $0x3DFFF;
	vm2 =	vgt.s32 v11, $0x7BFFF  }
0x50: {  	v13 =	vsel vm1, $0x1, v0;
	v14 =	vsel vm2, $0x1, v0;
	vm1 =	vgt.s32 v11, $0xB9FFF;
	v10 =	vld [tilespmem:s0+$0x50]  }
.Ltmp0:
0x51: {  	v5 =	vadd.s32 v12, v5;
	v13 =	vadd.s32 v14, v13;
	v14 =	vsel vm1, $0x1, v0;
	(pc) =	sbr.rel @p0 .LBB2_2-.Ltmp0, $4  }
0x52: {  	v12 =	vadd.s32 v18, v6;
	v15 =	vmul.u32 $0xFFFC2000, v5;
	v6 =	vadd.s32 v14, v13  }
0x53: {  	v14 =	vmul.u32 $0xFFFC2000, v6;
	vm1 =	vgt.s32 v8, $0x3DFFF;
	vm2 =	vgt.s32 v8, $0xB9FFF  }
0x54: {  	v17 =	vsel vm1, $0x1, v0;
	vm1 =	vgt.s32 v8, $0x7BFFF;
	v16 =	vsel vm2, $0x1, v0  }
0x55: {  	s1 =	sadd.s32 $0x200, s1;
	v18 =	vsel vm1, $0x1, v0;
	vm1 =	vgt.s32 v10, $0x3DFFF;
	vm2 =	vgt.s32 v10, $0x7BFFF;
	v13 =	vld [tilespmem:s0+$0x60]  }
0x56: {  	v19 =	vsel vm1, $0x1, v0;
	v20 =	vsel vm2, $0x1, v0;
	vm9 =	vgt.s32 v10, $0xB9FFF  }
0x57: {  	v17 =	vadd.s32 v18, v17;
	v9 =	vadd.s32 v9, v15;
	v11 =	vadd.s32 v11, v14  }
0x58: {  	v58 =	vand.u32 $0x1, v5;
	v22 =	vand.u32 $0x1, v6;
	vm4 =	veq.s32 v4, $0x0  }
0x59: {  	v4 =	vsel vm0, $0x40, v0;
	v45 =	vadd.s32 v20, v19;
	v46 =	vsel vm9, $0x1, v0  }
0x5a: {  	v47 =	vadd.s32 v16, v17;
	vm5 =	veq.s32 v58, $0x0;
	vm6 =	veq.s32 v22, $0x0  }
0x5b: {  	v21 =	vld [tilespmem:s0+$0x70];
	vm9 =	vgt.u32 v2, $0x1;
	v48 =	vadd.s32 v46, v45;
	v49 =	vmul.u32 $0xFFFC2000, v47  }
0x5c: {  	[tilespmem:s0+$0x0] =	vst v7;
	v62 =	vand.u32 $0x1, v47;
	v55 =	vmul.u32 $0xFFFC2000, v48;
	v7 =	vand.u32 $0x1, v48  }
0x5d: {  	vm7 =	veq.s32 v62, $0x0;
	vm10 =	vgt.s32 v13, $0x3DFFF;
	vm11 =	vgt.s32 v13, $0x7BFFF  }
0x5e: {  	vm3 =	vgt.s32 v13, $0xB9FFF;
	v8 =	vadd.s32 v8, v49;
	vm8 =	veq.s32 v7, $0x0  }
0x5f: {  	v50 =	vsel vm10, $0x1, v0;
	v51 =	vsel vm11, $0x1, v0;
	v52 =	vsel vm3, $0x1, v0  }
0x60: {  	vm12 =	vgt.s32 v21, $0x3DFFF;
	vm13 =	vgt.s32 v21, $0x7BFFF;
	vm14 =	vgt.s32 v21, $0xB9FFF  }
0x61: {  	v59 =	vadd.s32 v10, v55;
	vm3 =	veq.s32 v3, $0x0;
	vm10 =	vgt.u32 v5, $0x1  }
0x62: {  	vm11 =	vgt.u32 v6, $0x1;
	v5 =	vsel vm9, $0x40, v0;
	v17 =	vadd.s32 v51, v50  }
0x63: {  	[tilespmem:s0+$0x10] =	vst v12;
	v53 =	vsel vm12, $0x1, v0;
	v54 =	vsel vm13, $0x1, v0;
	v56 =	vsel vm14, $0x1, v0  }
0x64: {  	[tilespmem:s0+$0x20] =	vst v9;
	vm12 =	vgt.u32 v47, $0x1;
	vm13 =	vgt.u32 v48, $0x1;
	v2 =	vsel vm3, $0x1, v1  }
0x65: {  	[tilespmem:s0+$0x30] =	vst v11;
	v6 =	vsel vm10, $0x40, v0;
	v17 =	vadd.s32 v52, v17;
	v18 =	vadd.s32 v54, v53  }
0x66: {  	[tilespmem:s0+$0x40] =	vst v8;
	v2 =	vor.u32 v4, v2;
	v4 =	vsel vm5, $0x1, v1;
	v57 =	vmul.u32 $0xFFFC2000, v17  }
0x67: {  	[tilespmem:s0+$0x50] =	vst v59;
	v18 =	vadd.s32 v56, v18;
	v63 =	vand.u32 $0x1, v17;
	vm14 =	vgt.u32 v17, $0x1  }
0x68: {  	[tilespmem:s0+$0x800] =	vst v2;
	v4 =	vor.u32 v6, v4;
	v6 =	vsel vm12, $0x40, v0;
	v60 =	vmul.u32 $0xFFFC2000, v18  }
0x69: {  	v3 =	vand.u32 $0x1, v18;
	vm2 =	veq.s32 v63, $0x0;
	[tilespmem:s0+$0x820] =	vst v4;
	v61 =	vadd.s32 v13, v57  }
0x6a: {  	vm1 =	veq.s32 v3, $0x0;
	v3 =	vsel vm4, $0x1, v1;
	v19 =	vadd.s32 v21, v60;
	[tilespmem:s0+$0x60] =	vst v61  }
0x6b: {  	v2 =	vor.u32 v5, v3;
	v3 =	vsel vm6, $0x1, v1;
	v5 =	vsel vm11, $0x40, v0;
	[tilespmem:s0+$0x70] =	vst v19  }
0x6c: {  	vm15 =	vgt.u32 v18, $0x1;
	[tilespmem:s0+$0x810] =	vst v2;
	v2 =	vsel vm7, $0x1, v1;
	v3 =	vor.u32 v5, v3  }
0x6d: {  	v4 =	vsel vm8, $0x1, v1;
	v5 =	vsel vm13, $0x40, v0;
	v2 =	vor.u32 v6, v2;
	[tilespmem:s0+$0x830] =	vst v3  }
0x6e: {  	v3 =	vsel vm2, $0x1, v1;
	v6 =	vsel vm14, $0x40, v0;
	v4 =	vor.u32 v5, v4;
	[tilespmem:s0+$0x840] =	vst v2  }
0x6f: {  	v5 =	vsel vm15, $0x40, v0;
	v2 =	vsel vm1, $0x1, v1;
	v3 =	vor.u32 v6, v3;
	[tilespmem:s0+$0x850] =	vst v4  }
0x70: {  	v2 =	vor.u32 v5, v2;
	[tilespmem:s0+$0x860] =	vst v3  }
0x71: {  	s9 =	simm.s32 $0x0;
	[tilespmem:s0+$0x870] =	vst v2  }
0x72: {  	s29 =	rddreg [dreg:$0x10];
	s1 =	simm.s32 $0x80;
	s30 =	simm.s32 $0x880;
	v2 =	vld [tilespmem:$0x1000]  }
0x73: {  	s2 =	simm.s32 $0x1080;
	s31 =	simm.s32 $0xA230;
	[dreg:$0x18] =	wrdreg s30;
	v3 =	vld [tilespmem:$0x1010]  }
0x74: {  	s10 =	simm.s32 $0x800;
	s23 =	simm.s32 $0x9180;
	[dreg:$0x19] =	wrdreg s31;
	v4 =	vld [tilespmem:$0x1020]  }
0x75: {  	v5 =	vld [tilespmem:$0x1030];
	[tilespmem:s2], [sflag:$0x1] =	stream.indirect.gather [hbm4b:s29+s1], $0x80, s9, s1, $0xb8  }
.LBB2_4:
0x76: {  	s0 =	sshll.u32 s9, $0x8;
	s1 =	rddreg [dreg:$0x10];
	s2 =	simm.s32 $0x80  }
0x77: {  	s3 =	simm.s32 $0x5080;
	s21 =	simm.s32 $0x1;
	s0 =	sor.u32 $0x80, s0  }
0x78: {  	[tilespmem:s3], [sflag:$0x2] =	stream.indirect.gather [hbm4b:s1+s2], $0x80, s0, s2, $0xb8;
	[tilespmem:$0x19080] =	vst v63  }
0x79: {  	_ =	swait.ge [sflag:s21], $0x4000  }
0x7a: {  	[sflag:s21] =	ssyncset.done $0x0  }
0x7b: {  	[sflag:s21] =	ssyncadd.s32 $0xFFFFC000  }
0x7c: {  	v6 =	vld [tilespmem:s10+$0x0];
	_ =	sdelay $0x4  }
0x7d: {  	(v2sf) =	vpush v6, $0x0;
	_ =	sdelay $0x1  }
0x7e: {  	(v2sf) =	vpush v6, $0x1;
	_ =	sdelay $0x1  }
0x7f: {  	(v2sf) =	vpush v6, $0x2;
	_ =	sdelay $0x1  }
0x80: {  	(v2sf) =	vpush v6, $0x3;
	_ =	sdelay $0x8  }
0x81: {  	s22 =	spop (v2sf)  }
0x82: {  	s24 =	sand.u32 $0x40, s22  }
0x83: {  	s5 =	spop (v2sf);
	s0 =	sadd.s32 $0x0, s24  }
0x84: {  	s25 =	sand.u32 $0x40, s5;
	v7 =	vld [tilespmem:s0+$0x1080]  }
0x85: {  	s6 =	spop (v2sf);
	s1 =	sadd.s32 $0x0, s25  }
0x86: {  	s26 =	sand.u32 $0x40, s6;
	v8 =	vld [tilespmem:s1+$0x1100]  }
0x87: {  	s7 =	spop (v2sf);
	s2 =	sadd.s32 $0x0, s26  }
0x88: {  	s4 =	sand.u32 $0x10001, s22;
	s8 =	sand.u32 $0x40, s7;
	v9 =	vld [tilespmem:s2+$0x1180]  }
0x89: {  	s28 =	sadd.s32 $0x0, s8;
	v7 =	vmul.u32 s4, v7  }
0x8a: {  	s5 =	sand.u32 $0x10001, s5;
	v10 =	vld [tilespmem:s28+$0x1200]  }
0x8b: {  	v8 =	vmul.u32 s5, v8;
	v7 =	vand.u32 $0xFFFF0000, v7  }
0x8c: {  	s6 =	sand.u32 $0x10001, s6;
	v7 =	vadd.f32 v7, v2  }
0x8d: {  	v9 =	vmul.u32 s6, v9;
	v8 =	vand.u32 $0xFFFF0000, v8  }
0x8e: {  	s7 =	sand.u32 $0x10001, s7;
	v7 =	vadd.f32 v8, v7  }
0x8f: {  	v30 =	vmul.u32 s7, v10;
	v8 =	vand.u32 $0xFFFF0000, v9  }
0x90: {  	v7 =	vadd.f32 v8, v7  }
0x91: {  	v8 =	vand.u32 $0xFFFF0000, v30  }
0x92: {  	v7 =	vadd.f32 v8, v7;
	_ =	sdelay $0x1  }
0x93: {  	v7 =	vmax.f32 v7, $0.0e+00  }
0x94: {  	[tilespmem:s23+$0xFFFFFF00] =	vst v7  }
0x95: {  	v7 =	vld [tilespmem:s0+$0x1090];
	_ =	sdelay $0x1  }
0x96: {  	v8 =	vld [tilespmem:s1+$0x1110];
	_ =	sdelay $0x1  }
0x97: {  	v31 =	vld [tilespmem:s2+$0x1190]  }
0x98: {  	v7 =	vmul.u32 s4, v7  }
0x99: {  	v32 =	vld [tilespmem:s28+$0x1210]  }
0x9a: {  	v8 =	vmul.u32 s5, v8;
	v7 =	vand.u32 $0xFFFF0000, v7  }
0x9b: {  	v7 =	vadd.f32 v7, v3  }
0x9c: {  	v9 =	vmul.u32 s6, v31;
	v8 =	vand.u32 $0xFFFF0000, v8  }
0x9d: {  	v7 =	vadd.f32 v8, v7  }
0x9e: {  	v33 =	vmul.u32 s7, v32;
	v8 =	vand.u32 $0xFFFF0000, v9  }
0x9f: {  	v7 =	vadd.f32 v8, v7  }
0xa0: {  	v8 =	vand.u32 $0xFFFF0000, v33  }
0xa1: {  	v7 =	vadd.f32 v8, v7;
	_ =	sdelay $0x1  }
0xa2: {  	v7 =	vmax.f32 v7, $0.0e+00  }
0xa3: {  	[tilespmem:s23+$0xFFFFFF10] =	vst v7  }
0xa4: {  	v7 =	vld [tilespmem:s0+$0x10A0];
	_ =	sdelay $0x1  }
0xa5: {  	v8 =	vld [tilespmem:s1+$0x1120];
	_ =	sdelay $0x1  }
0xa6: {  	v34 =	vld [tilespmem:s2+$0x11A0]  }
0xa7: {  	v7 =	vmul.u32 s4, v7  }
0xa8: {  	v35 =	vld [tilespmem:s28+$0x1220]  }
0xa9: {  	v8 =	vmul.u32 s5, v8;
	v7 =	vand.u32 $0xFFFF0000, v7  }
0xaa: {  	v7 =	vadd.f32 v7, v4  }
0xab: {  	v9 =	vmul.u32 s6, v34;
	v8 =	vand.u32 $0xFFFF0000, v8  }
0xac: {  	v7 =	vadd.f32 v8, v7  }
0xad: {  	v36 =	vmul.u32 s7, v35;
	v8 =	vand.u32 $0xFFFF0000, v9  }
0xae: {  	v7 =	vadd.f32 v8, v7  }
0xaf: {  	v8 =	vand.u32 $0xFFFF0000, v36  }
0xb0: {  	v7 =	vadd.f32 v8, v7;
	_ =	sdelay $0x1  }
0xb1: {  	v7 =	vmax.f32 v7, $0.0e+00  }
0xb2: {  	[tilespmem:s23+$0xFFFFFF20] =	vst v7  }
0xb3: {  	(v2sf) =	vpush v6, $0x4;
	v7 =	vld [tilespmem:s0+$0x10B0];
	_ =	sdelay $0x1  }
0xb4: {  	(v2sf) =	vpush v6, $0x5;
	v8 =	vld [tilespmem:s1+$0x1130];
	_ =	sdelay $0x1  }
0xb5: {  	(v2sf) =	vpush v6, $0x6;
	v37 =	vld [tilespmem:s2+$0x11B0]  }
0xb6: {  	v7 =	vmul.u32 s4, v7  }
0xb7: {  	(v2sf) =	vpush v6, $0x7;
	v38 =	vld [tilespmem:s28+$0x1230]  }
0xb8: {  	v8 =	vmul.u32 s5, v8;
	v7 =	vand.u32 $0xFFFF0000, v7  }
0xb9: {  	v7 =	vadd.f32 v7, v5  }
0xba: {  	v9 =	vmul.u32 s6, v37;
	v8 =	vand.u32 $0xFFFF0000, v8  }
0xbb: {  	v7 =	vadd.f32 v8, v7  }
0xbc: {  	v39 =	vmul.u32 s7, v38;
	v8 =	vand.u32 $0xFFFF0000, v9  }
0xbd: {  	v7 =	vadd.f32 v8, v7  }
0xbe: {  	v8 =	vand.u32 $0xFFFF0000, v39  }
0xbf: {  	v7 =	vadd.f32 v8, v7  }
0xc0: {  	s29 =	spop (v2sf)  }
0xc1: {  	s30 =	sand.u32 $0x40, s29;
	v7 =	vmax.f32 v7, $0.0e+00  }
0xc2: {  	s31 =	spop (v2sf);
	s0 =	sadd.s32 $0x0, s30;
	[tilespmem:s23+$0xFFFFFF30] =	vst v7  }
0xc3: {  	s5 =	sand.u32 $0x40, s31;
	v7 =	vld [tilespmem:s0+$0x1280]  }
0xc4: {  	s6 =	spop (v2sf);
	s1 =	sadd.s32 $0x0, s5  }
0xc5: {  	s8 =	sand.u32 $0x40, s6;
	v8 =	vld [tilespmem:s1+$0x1300]  }
0xc6: {  	s11 =	spop (v2sf);
	s2 =	sadd.s32 $0x0, s8  }
0xc7: {  	s3 =	sand.u32 $0x10001, s29;
	s12 =	sand.u32 $0x40, s11;
	v40 =	vld [tilespmem:s2+$0x1380]  }
0xc8: {  	s7 =	sadd.s32 $0x0, s12;
	v7 =	vmul.u32 s3, v7  }
0xc9: {  	s4 =	sand.u32 $0x10001, s31;
	v41 =	vld [tilespmem:s7+$0x1400]  }
0xca: {  	v8 =	vmul.u32 s4, v8;
	v7 =	vand.u32 $0xFFFF0000, v7  }
0xcb: {  	s5 =	sand.u32 $0x10001, s6;
	v7 =	vadd.f32 v7, v2  }
0xcc: {  	v9 =	vmul.u32 s5, v40;
	v8 =	vand.u32 $0xFFFF0000, v8  }
0xcd: {  	s6 =	sand.u32 $0x10001, s11;
	v7 =	vadd.f32 v8, v7  }
0xce: {  	v42 =	vmul.u32 s6, v41;
	v8 =	vand.u32 $0xFFFF0000, v9  }
0xcf: {  	v7 =	vadd.f32 v8, v7  }
0xd0: {  	v8 =	vand.u32 $0xFFFF0000, v42  }
0xd1: {  	v7 =	vadd.f32 v8, v7;
	_ =	sdelay $0x1  }
0xd2: {  	v7 =	vmax.f32 v7, $0.0e+00  }
0xd3: {  	[tilespmem:s23+$0xFFFFFF80] =	vst v7  }
0xd4: {  	v7 =	vld [tilespmem:s0+$0x1290];
	_ =	sdelay $0x1  }
0xd5: {  	v8 =	vld [tilespmem:s1+$0x1310];
	_ =	sdelay $0x1  }
0xd6: {  	v43 =	vld [tilespmem:s2+$0x1390]  }
0xd7: {  	v7 =	vmul.u32 s3, v7  }
0xd8: {  	v44 =	vld [tilespmem:s7+$0x1410]  }
0xd9: {  	v8 =	vmul.u32 s4, v8;
	v7 =	vand.u32 $0xFFFF0000, v7  }
0xda: {  	v7 =	vadd.f32 v7, v3  }
0xdb: {  	v9 =	vmul.u32 s5, v43;
	v8 =	vand.u32 $0xFFFF0000, v8  }
0xdc: {  	v7 =	vadd.f32 v8, v7  }
0xdd: {  	v45 =	vmul.u32 s6, v44;
	v8 =	vand.u32 $0xFFFF0000, v9  }
0xde: {  	v7 =	vadd.f32 v8, v7  }
0xdf: {  	v8 =	vand.u32 $0xFFFF0000, v45  }
0xe0: {  	v7 =	vadd.f32 v8, v7;
	_ =	sdelay $0x1  }
0xe1: {  	v7 =	vmax.f32 v7, $0.0e+00  }
0xe2: {  	[tilespmem:s23+$0xFFFFFF90] =	vst v7  }
0xe3: {  	v7 =	vld [tilespmem:s0+$0x12A0];
	_ =	sdelay $0x1  }
0xe4: {  	v8 =	vld [tilespmem:s1+$0x1320];
	_ =	sdelay $0x1  }
0xe5: {  	v46 =	vld [tilespmem:s2+$0x13A0]  }
0xe6: {  	v7 =	vmul.u32 s3, v7  }
0xe7: {  	v47 =	vld [tilespmem:s7+$0x1420]  }
0xe8: {  	v8 =	vmul.u32 s4, v8;
	v7 =	vand.u32 $0xFFFF0000, v7  }
0xe9: {  	v7 =	vadd.f32 v7, v4  }
0xea: {  	v9 =	vmul.u32 s5, v46;
	v8 =	vand.u32 $0xFFFF0000, v8  }
0xeb: {  	v7 =	vadd.f32 v8, v7  }
0xec: {  	v48 =	vmul.u32 s6, v47;
	v8 =	vand.u32 $0xFFFF0000, v9  }
0xed: {  	v7 =	vadd.f32 v8, v7  }
0xee: {  	v8 =	vand.u32 $0xFFFF0000, v48  }
0xef: {  	v7 =	vadd.f32 v8, v7;
	_ =	sdelay $0x1  }
0xf0: {  	v7 =	vmax.f32 v7, $0.0e+00  }
0xf1: {  	[tilespmem:s23+$0xFFFFFFA0] =	vst v7  }
0xf2: {  	(v2sf) =	vpush v6, $0x8;
	v7 =	vld [tilespmem:s0+$0x12B0];
	_ =	sdelay $0x1  }
0xf3: {  	(v2sf) =	vpush v6, $0x9;
	v8 =	vld [tilespmem:s1+$0x1330];
	_ =	sdelay $0x1  }
0xf4: {  	(v2sf) =	vpush v6, $0xA;
	v49 =	vld [tilespmem:s2+$0x13B0]  }
0xf5: {  	v7 =	vmul.u32 s3, v7  }
0xf6: {  	(v2sf) =	vpush v6, $0xB;
	v50 =	vld [tilespmem:s7+$0x1430]  }
0xf7: {  	v8 =	vmul.u32 s4, v8;
	v7 =	vand.u32 $0xFFFF0000, v7  }
0xf8: {  	v7 =	vadd.f32 v7, v5  }
0xf9: {  	v9 =	vmul.u32 s5, v49;
	v8 =	vand.u32 $0xFFFF0000, v8  }
0xfa: {  	v7 =	vadd.f32 v8, v7  }
0xfb: {  	v51 =	vmul.u32 s6, v50;
	v8 =	vand.u32 $0xFFFF0000, v9  }
0xfc: {  	v7 =	vadd.f32 v8, v7  }
0xfd: {  	v8 =	vand.u32 $0xFFFF0000, v51  }
0xfe: {  	v7 =	vadd.f32 v8, v7  }
0xff: {  	s13 =	spop (v2sf)  }
0x100: {  	s14 =	sand.u32 $0x40, s13;
	v7 =	vmax.f32 v7, $0.0e+00  }
0x101: {  	s15 =	spop (v2sf);
	s0 =	sadd.s32 $0x0, s14;
	[tilespmem:s23+$0xFFFFFFB0] =	vst v7  }
0x102: {  	s16 =	sand.u32 $0x40, s15;
	v7 =	vld [tilespmem:s0+$0x1480]  }
0x103: {  	s17 =	spop (v2sf);
	s1 =	sadd.s32 $0x0, s16  }
0x104: {  	s18 =	sand.u32 $0x40, s17;
	v8 =	vld [tilespmem:s1+$0x1500]  }
0x105: {  	s19 =	spop (v2sf);
	s2 =	sadd.s32 $0x0, s18  }
0x106: {  	s20 =	sand.u32 $0x40, s19;
	s3 =	sand.u32 $0x10001, s13;
	v52 =	vld [tilespmem:s2+$0x1580]  }
0x107: {  	s7 =	sadd.s32 $0x0, s20;
	v7 =	vmul.u32 s3, v7  }
0x108: {  	s4 =	sand.u32 $0x10001, s15;
	v53 =	vld [tilespmem:s7+$0x1600]  }
0x109: {  	v8 =	vmul.u32 s4, v8;
	v7 =	vand.u32 $0xFFFF0000, v7  }
0x10a: {  	s5 =	sand.u32 $0x10001, s17;
	v7 =	vadd.f32 v7, v2  }
0x10b: {  	v9 =	vmul.u32 s5, v52;
	v8 =	vand.u32 $0xFFFF0000, v8  }
0x10c: {  	s6 =	sand.u32 $0x10001, s19;
	v7 =	vadd.f32 v8, v7  }
0x10d: {  	v54 =	vmul.u32 s6, v53;
	v8 =	vand.u32 $0xFFFF0000, v9  }
0x10e: {  	v7 =	vadd.f32 v8, v7  }
0x10f: {  	v8 =	vand.u32 $0xFFFF0000, v54  }
0x110: {  	v7 =	vadd.f32 v8, v7;
	_ =	sdelay $0x1  }
0x111: {  	v7 =	vmax.f32 v7, $0.0e+00  }
0x112: {  	[tilespmem:s23+$0x0] =	vst v7  }
0x113: {  	v7 =	vld [tilespmem:s0+$0x1490];
	_ =	sdelay $0x1  }
0x114: {  	v8 =	vld [tilespmem:s1+$0x1510];
	_ =	sdelay $0x1  }
0x115: {  	v55 =	vld [tilespmem:s2+$0x1590]  }
0x116: {  	v7 =	vmul.u32 s3, v7  }
0x117: {  	v56 =	vld [tilespmem:s7+$0x1610]  }
0x118: {  	v8 =	vmul.u32 s4, v8;
	v7 =	vand.u32 $0xFFFF0000, v7  }
0x119: {  	v7 =	vadd.f32 v7, v3  }
0x11a: {  	v9 =	vmul.u32 s5, v55;
	v8 =	vand.u32 $0xFFFF0000, v8  }
0x11b: {  	v7 =	vadd.f32 v8, v7  }
0x11c: {  	v9 =	vand.u32 $0xFFFF0000, v9;
	v8 =	vmul.u32 s6, v56  }
0x11d: {  	v7 =	vadd.f32 v9, v7  }
0x11e: {  	v8 =	vand.u32 $0xFFFF0000, v8  }
0x11f: {  	v7 =	vadd.f32 v8, v7;
	_ =	sdelay $0x1  }
0x120: {  	v7 =	vmax.f32 v7, $0.0e+00  }
0x121: {  	[tilespmem:s23+$0x10] =	vst v7  }
0x122: {  	v7 =	vld [tilespmem:s0+$0x14A0];
	_ =	sdelay $0x1  }
0x123: {  	v8 =	vld [tilespmem:s1+$0x1520];
	_ =	sdelay $0x1  }
0x124: {  	v57 =	vld [tilespmem:s2+$0x15A0]  }
0x125: {  	v7 =	vmul.u32 s3, v7  }
0x126: {  	v58 =	vld [tilespmem:s7+$0x1620]  }
0x127: {  	v8 =	vmul.u32 s4, v8;
	v7 =	vand.u32 $0xFFFF0000, v7  }
0x128: {  	v7 =	vadd.f32 v7, v4  }
0x129: {  	v9 =	vmul.u32 s5, v57;
	v8 =	vand.u32 $0xFFFF0000, v8  }
0x12a: {  	v7 =	vadd.f32 v8, v7  }
0x12b: {  	v9 =	vand.u32 $0xFFFF0000, v9;
	v8 =	vmul.u32 s6, v58  }
0x12c: {  	v7 =	vadd.f32 v9, v7  }
0x12d: {  	v8 =	vand.u32 $0xFFFF0000, v8  }
0x12e: {  	v7 =	vadd.f32 v8, v7;
	_ =	sdelay $0x1  }
0x12f: {  	v7 =	vmax.f32 v7, $0.0e+00  }
0x130: {  	[tilespmem:s23+$0x20] =	vst v7  }
0x131: {  	(v2sf) =	vpush v6, $0xC;
	v7 =	vld [tilespmem:s0+$0x14B0];
	_ =	sdelay $0x1  }
0x132: {  	(v2sf) =	vpush v6, $0xD;
	v8 =	vld [tilespmem:s1+$0x1530];
	_ =	sdelay $0x1  }
0x133: {  	(v2sf) =	vpush v6, $0xE;
	v59 =	vld [tilespmem:s2+$0x15B0]  }
0x134: {  	v7 =	vmul.u32 s3, v7  }
0x135: {  	(v2sf) =	vpush v6, $0xF;
	v6 =	vld [tilespmem:s7+$0x1630]  }
0x136: {  	v8 =	vmul.u32 s4, v8;
	v7 =	vand.u32 $0xFFFF0000, v7  }
0x137: {  	v7 =	vadd.f32 v7, v5  }
0x138: {  	v9 =	vmul.u32 s5, v59;
	v8 =	vand.u32 $0xFFFF0000, v8  }
0x139: {  	v7 =	vadd.f32 v8, v7  }
0x13a: {  	v6 =	vmul.u32 s6, v6;
	v8 =	vand.u32 $0xFFFF0000, v9  }
0x13b: {  	v7 =	vadd.f32 v8, v7  }
0x13c: {  	v6 =	vand.u32 $0xFFFF0000, v6  }
0x13d: {  	v6 =	vadd.f32 v6, v7  }
0x13e: {  	s21 =	spop (v2sf)  }
0x13f: {  	s22 =	sand.u32 $0x40, s21;
	v6 =	vmax.f32 v6, $0.0e+00  }
0x140: {  	s24 =	spop (v2sf);
	s0 =	sadd.s32 $0x0, s22;
	[tilespmem:s23+$0x30] =	vst v6  }
0x141: {  	s25 =	sand.u32 $0x40, s24;
	v6 =	vld [tilespmem:s0+$0x1680]  }
0x142: {  	s26 =	spop (v2sf);
	s1 =	sadd.s32 $0x0, s25  }
0x143: {  	s28 =	sand.u32 $0x40, s26;
	v7 =	vld [tilespmem:s1+$0x1700]  }
0x144: {  	s29 =	spop (v2sf);
	s5 =	sadd.s32 $0x0, s28  }
0x145: {  	s30 =	sand.u32 $0x40, s29;
	s2 =	sand.u32 $0x10001, s21;
	v8 =	vld [tilespmem:s5+$0x1780]  }
0x146: {  	s7 =	sadd.s32 $0x0, s30;
	v6 =	vmul.u32 s2, v6  }
0x147: {  	s3 =	sand.u32 $0x10001, s24;
	v60 =	vld [tilespmem:s7+$0x1800]  }
0x148: {  	v7 =	vmul.u32 s3, v7;
	v6 =	vand.u32 $0xFFFF0000, v6  }
0x149: {  	s4 =	sand.u32 $0x10001, s26;
	v6 =	vadd.f32 v6, v2  }
0x14a: {  	v8 =	vmul.u32 s4, v8;
	v7 =	vand.u32 $0xFFFF0000, v7  }
0x14b: {  	s6 =	sand.u32 $0x10001, s29;
	v6 =	vadd.f32 v7, v6  }
0x14c: {  	v8 =	vand.u32 $0xFFFF0000, v8;
	v7 =	vmul.u32 s6, v60  }
0x14d: {  	v6 =	vadd.f32 v8, v6  }
0x14e: {  	v7 =	vand.u32 $0xFFFF0000, v7  }
0x14f: {  	v6 =	vadd.f32 v7, v6;
	_ =	sdelay $0x1  }
0x150: {  	v6 =	vmax.f32 v6, $0.0e+00  }
0x151: {  	[tilespmem:s23+$0x80] =	vst v6  }
0x152: {  	v6 =	vld [tilespmem:s0+$0x1690];
	_ =	sdelay $0x1  }
0x153: {  	v7 =	vld [tilespmem:s1+$0x1710];
	_ =	sdelay $0x1  }
0x154: {  	v8 =	vld [tilespmem:s5+$0x1790]  }
0x155: {  	v6 =	vmul.u32 s2, v6  }
0x156: {  	v61 =	vld [tilespmem:s7+$0x1810]  }
0x157: {  	v7 =	vmul.u32 s3, v7;
	v6 =	vand.u32 $0xFFFF0000, v6  }
0x158: {  	v6 =	vadd.f32 v6, v3  }
0x159: {  	v8 =	vmul.u32 s4, v8;
	v7 =	vand.u32 $0xFFFF0000, v7  }
0x15a: {  	v6 =	vadd.f32 v7, v6  }
0x15b: {  	v8 =	vand.u32 $0xFFFF0000, v8;
	v7 =	vmul.u32 s6, v61  }
0x15c: {  	v6 =	vadd.f32 v8, v6  }
0x15d: {  	v7 =	vand.u32 $0xFFFF0000, v7  }
0x15e: {  	v6 =	vadd.f32 v7, v6;
	_ =	sdelay $0x1  }
0x15f: {  	v6 =	vmax.f32 v6, $0.0e+00  }
0x160: {  	[tilespmem:s23+$0x90] =	vst v6  }
0x161: {  	v6 =	vld [tilespmem:s0+$0x16A0];
	_ =	sdelay $0x1  }
0x162: {  	v7 =	vld [tilespmem:s1+$0x1720];
	_ =	sdelay $0x1  }
0x163: {  	v8 =	vld [tilespmem:s5+$0x17A0]  }
0x164: {  	v6 =	vmul.u32 s2, v6  }
0x165: {  	v62 =	vld [tilespmem:s7+$0x1820]  }
0x166: {  	v7 =	vmul.u32 s3, v7;
	v6 =	vand.u32 $0xFFFF0000, v6  }
0x167: {  	v6 =	vadd.f32 v6, v4  }
0x168: {  	v8 =	vmul.u32 s4, v8;
	v7 =	vand.u32 $0xFFFF0000, v7  }
0x169: {  	v6 =	vadd.f32 v7, v6  }
0x16a: {  	v8 =	vand.u32 $0xFFFF0000, v8;
	v7 =	vmul.u32 s6, v62  }
0x16b: {  	v6 =	vadd.f32 v8, v6  }
0x16c: {  	v7 =	vand.u32 $0xFFFF0000, v7  }
0x16d: {  	v6 =	vadd.f32 v7, v6;
	_ =	sdelay $0x1  }
0x16e: {  	v6 =	vmax.f32 v6, $0.0e+00  }
0x16f: {  	[tilespmem:s23+$0xA0] =	vst v6  }
0x170: {  	v6 =	vld [tilespmem:s0+$0x16B0];
	_ =	sdelay $0x1  }
0x171: {  	v7 =	vld [tilespmem:s1+$0x1730];
	_ =	sdelay $0x1  }
0x172: {  	v8 =	vld [tilespmem:s5+$0x17B0]  }
0x173: {  	v6 =	vmul.u32 s2, v6  }
0x174: {  	v63 =	vld [tilespmem:s7+$0x1830]  }
0x175: {  	v7 =	vmul.u32 s3, v7;
	v6 =	vand.u32 $0xFFFF0000, v6  }
0x176: {  	v6 =	vadd.f32 v6, v5  }
0x177: {  	v8 =	vmul.u32 s4, v8;
	v7 =	vand.u32 $0xFFFF0000, v7  }
0x178: {  	v6 =	vadd.f32 v7, v6  }
0x179: {  	v8 =	vand.u32 $0xFFFF0000, v8;
	v7 =	vmul.u32 s6, v63  }
0x17a: {  	v6 =	vadd.f32 v8, v6  }
0x17b: {  	[dreg:$0x15] =	wrdreg s9;
	v7 =	vand.u32 $0xFFFF0000, v7  }
0x17c: {  	[dreg:$0x17] =	wrdreg s23;
	v6 =	vadd.f32 v7, v6  }
0x17d: {  	[dreg:$0x16] =	wrdreg s10;
	s31 =	sshll.u32 s9, $0xA  }
0x17e: {  	[dreg:$0x1a] =	wrdreg s31;
	s24 =	simm.s32 $0x2000;
	s7 =	smov.u32 s10;
	v6 =	vmax.f32 v6, $0.0e+00  }
.LBB2_5:
0x17f: {  	[tilespmem:s23+$0xB0] =	vst v6;
	s7 =	sadd.s32 $0x10, s7  }
0x180: {  	v6 =	vld [tilespmem:s7+$0x0];
	_ =	sdelay $0x4  }
0x181: {  	(v2sf) =	vpush v6, $0x0;
	_ =	sdelay $0x1  }
0x182: {  	(v2sf) =	vpush v6, $0x1;
	_ =	sdelay $0x1  }
0x183: {  	(v2sf) =	vpush v6, $0x2;
	_ =	sdelay $0x1  }
0x184: {  	(v2sf) =	vpush v6, $0x3  }
0x185: {  	(v2sf) =	vpush v6, $0x4  }
0x186: {  	(v2sf) =	vpush v6, $0x5  }
0x187: {  	(v2sf) =	vpush v6, $0x6  }
0x188: {  	(v2sf) =	vpush v6, $0x7  }
0x189: {  	(v2sf) =	vpush v6, $0x8  }
0x18a: {  	(v2sf) =	vpush v6, $0x9  }
0x18b: {  	(v2sf) =	vpush v6, $0xA  }
0x18c: {  	(v2sf) =	vpush v6, $0xB  }
0x18d: {  	s0 =	smov.u32 s24;
	(v2sf) =	vpush v6, $0xC;
	s1 =	spop (v2sf)  }
0x18e: {  	s26 =	sshra.s32 s0, $0x2;
	(v2sf) =	vpush v6, $0xD;
	s2 =	sand.u32 $0x40, s1  }
0x18f: {  	(v2sf) =	vpush v6, $0xE;
	s3 =	spop (v2sf);
	s17 =	sadd.s32 s26, s2  }
0x190: {  	(v2sf) =	vpush v6, $0xF;
	s10 =	sand.u32 $0x40, s3;
	v6 =	vld [tilespmem:s17+$0x1080]  }
0x191: {  	s11 =	spop (v2sf);
	s19 =	sadd.s32 s26, s10  }
0x192: {  	s12 =	sand.u32 $0x40, s11;
	v7 =	vld [tilespmem:s19+$0x1100]  }
0x193: {  	s9 =	spop (v2sf);
	s21 =	sadd.s32 s26, s12  }
0x194: {  	s25 =	sand.u32 $0x10001, s1;
	s13 =	sand.u32 $0x40, s9;
	v8 =	vld [tilespmem:s21+$0x1180]  }
0x195: {  	s0 =	sadd.s32 s26, s13;
	v6 =	vmul.u32 s25, v6  }
0x196: {  	s1 =	sand.u32 $0x10001, s3;
	v9 =	vld [tilespmem:s0+$0x1200]  }
0x197: {  	v7 =	vmul.u32 s1, v7;
	v6 =	vand.u32 $0xFFFF0000, v6  }
0x198: {  	s2 =	sand.u32 $0x10001, s11;
	v6 =	vadd.f32 v6, v2  }
0x199: {  	v8 =	vmul.u32 s2, v8;
	v7 =	vand.u32 $0xFFFF0000, v7  }
0x19a: {  	s9 =	sand.u32 $0x10001, s9;
	v6 =	vadd.f32 v7, v6  }
0x19b: {  	v7 =	vand.u32 $0xFFFF0000, v8;
	v8 =	vmul.u32 s9, v9  }
0x19c: {  	v6 =	vadd.f32 v7, v6  }
0x19d: {  	v7 =	vand.u32 $0xFFFF0000, v8  }
0x19e: {  	v6 =	vadd.f32 v7, v6;
	_ =	sdelay $0x1  }
0x19f: {  	s23 =	sadd.s32 $0x200, s23;
	v6 =	vmax.f32 v6, $0.0e+00  }
0x1a0: {  	[tilespmem:s23+$0xFFFFFF00] =	vst v6  }
0x1a1: {  	v6 =	vld [tilespmem:s17+$0x1090];
	_ =	sdelay $0x1  }
0x1a2: {  	v7 =	vld [tilespmem:s19+$0x1110];
	_ =	sdelay $0x1  }
0x1a3: {  	v8 =	vld [tilespmem:s21+$0x1190]  }
0x1a4: {  	v6 =	vmul.u32 s25, v6  }
0x1a5: {  	v49 =	vld [tilespmem:s0+$0x1210]  }
0x1a6: {  	v7 =	vmul.u32 s1, v7;
	v6 =	vand.u32 $0xFFFF0000, v6  }
0x1a7: {  	v6 =	vadd.f32 v6, v3  }
0x1a8: {  	v8 =	vmul.u32 s2, v8;
	v7 =	vand.u32 $0xFFFF0000, v7  }
0x1a9: {  	v6 =	vadd.f32 v7, v6  }
0x1aa: {  	v7 =	vand.u32 $0xFFFF0000, v8;
	v8 =	vmul.u32 s9, v49  }
0x1ab: {  	v6 =	vadd.f32 v7, v6  }
0x1ac: {  	v7 =	vand.u32 $0xFFFF0000, v8  }
0x1ad: {  	v6 =	vadd.f32 v7, v6;
	_ =	sdelay $0x1  }
0x1ae: {  	v6 =	vmax.f32 v6, $0.0e+00  }
0x1af: {  	[tilespmem:s23+$0xFFFFFF10] =	vst v6  }
0x1b0: {  	v6 =	vld [tilespmem:s17+$0x10A0];
	_ =	sdelay $0x1  }
0x1b1: {  	v7 =	vld [tilespmem:s19+$0x1120];
	_ =	sdelay $0x1  }
0x1b2: {  	v8 =	vld [tilespmem:s21+$0x11A0]  }
0x1b3: {  	v6 =	vmul.u32 s25, v6  }
0x1b4: {  	v50 =	vld [tilespmem:s0+$0x1220]  }
0x1b5: {  	v7 =	vmul.u32 s1, v7;
	v6 =	vand.u32 $0xFFFF0000, v6  }
0x1b6: {  	v6 =	vadd.f32 v6, v4  }
0x1b7: {  	v8 =	vmul.u32 s2, v8;
	v7 =	vand.u32 $0xFFFF0000, v7  }
0x1b8: {  	v6 =	vadd.f32 v7, v6  }
0x1b9: {  	v7 =	vand.u32 $0xFFFF0000, v8;
	v8 =	vmul.u32 s9, v50  }
0x1ba: {  	v6 =	vadd.f32 v7, v6  }
0x1bb: {  	v7 =	vand.u32 $0xFFFF0000, v8  }
0x1bc: {  	v6 =	vadd.f32 v7, v6;
	_ =	sdelay $0x1  }
0x1bd: {  	v6 =	vmax.f32 v6, $0.0e+00  }
0x1be: {  	[tilespmem:s23+$0xFFFFFF20] =	vst v6  }
0x1bf: {  	v6 =	vld [tilespmem:s17+$0x10B0];
	_ =	sdelay $0x1  }
0x1c0: {  	v7 =	vld [tilespmem:s19+$0x1130];
	_ =	sdelay $0x1  }
0x1c1: {  	v8 =	vld [tilespmem:s21+$0x11B0]  }
0x1c2: {  	v6 =	vmul.u32 s25, v6  }
0x1c3: {  	v51 =	vld [tilespmem:s0+$0x1230]  }
0x1c4: {  	v7 =	vmul.u32 s1, v7;
	v6 =	vand.u32 $0xFFFF0000, v6  }
0x1c5: {  	s14 =	spop (v2sf);
	v6 =	vadd.f32 v6, v5  }
0x1c6: {  	s13 =	spop (v2sf);
	v8 =	vmul.u32 s2, v8;
	v7 =	vand.u32 $0xFFFF0000, v7  }
0x1c7: {  	s10 =	spop (v2sf);
	v6 =	vadd.f32 v7, v6  }
0x1c8: {  	s12 =	spop (v2sf);
	v7 =	vand.u32 $0xFFFF0000, v8;
	v8 =	vmul.u32 s9, v51  }
0x1c9: {  	s6 =	spop (v2sf);
	v6 =	vadd.f32 v7, v6  }
0x1ca: {  	s15 =	sand.u32 $0x40, s6;
	s5 =	spop (v2sf);
	v7 =	vand.u32 $0xFFFF0000, v8  }
0x1cb: {  	[dreg:$0xc] =	wrdreg s15;
	s15 =	spop (v2sf);
	v6 =	vadd.f32 v7, v6  }
0x1cc: {  	s11 =	spop (v2sf)  }
0x1cd: {  	s18 =	sand.u32 $0x40, s14;
	s28 =	spop (v2sf);
	v6 =	vmax.f32 v6, $0.0e+00  }
0x1ce: {  	s18 =	sadd.s32 s26, s18;
	s29 =	sand.u32 $0x40, s28;
	[tilespmem:s23+$0xFFFFFF30] =	vst v6  }
0x1cf: {  	s22 =	sand.u32 $0x40, s13;
	[dreg:$0x4] =	wrdreg s29;
	s29 =	spop (v2sf);
	v6 =	vld [tilespmem:s18+$0x1280]  }
0x1d0: {  	s30 =	sand.u32 $0x40, s29;
	s19 =	sadd.s32 s26, s22  }
0x1d1: {  	s20 =	sand.u32 $0x40, s10;
	[dreg:$0x6] =	wrdreg s30;
	s30 =	spop (v2sf);
	v7 =	vld [tilespmem:s19+$0x1300]  }
0x1d2: {  	s4 =	sand.u32 $0x40, s12;
	s31 =	sand.u32 $0x40, s30;
	s21 =	sadd.s32 s26, s20  }
0x1d3: {  	[dreg:$0x8] =	wrdreg s31;
	s31 =	spop (v2sf);
	s22 =	sand.u32 $0x10001, s14;
	v8 =	vld [tilespmem:s21+$0x1380]  }
0x1d4: {  	s3 =	sand.u32 $0x40, s31;
	s25 =	sadd.s32 s26, s4;
	v6 =	vmul.u32 s22, v6  }
0x1d5: {  	[dreg:$0xa] =	wrdreg s3;
	s3 =	sand.u32 $0x10001, s13;
	v52 =	vld [tilespmem:s25+$0x1400]  }
0x1d6: {  	v7 =	vmul.u32 s3, v7;
	v6 =	vand.u32 $0xFFFF0000, v6  }
0x1d7: {  	s10 =	sand.u32 $0x10001, s10;
	v6 =	vadd.f32 v6, v2  }
0x1d8: {  	v8 =	vmul.u32 s10, v8;
	v7 =	vand.u32 $0xFFFF0000, v7  }
0x1d9: {  	s12 =	sand.u32 $0x10001, s12;
	v6 =	vadd.f32 v7, v6  }
0x1da: {  	v7 =	vand.u32 $0xFFFF0000, v8;
	v8 =	vmul.u32 s12, v52  }
0x1db: {  	v6 =	vadd.f32 v7, v6  }
0x1dc: {  	v7 =	vand.u32 $0xFFFF0000, v8  }
0x1dd: {  	v6 =	vadd.f32 v7, v6;
	_ =	sdelay $0x1  }
0x1de: {  	v6 =	vmax.f32 v6, $0.0e+00  }
0x1df: {  	[tilespmem:s23+$0xFFFFFF80] =	vst v6  }
0x1e0: {  	v6 =	vld [tilespmem:s18+$0x1290];
	_ =	sdelay $0x1  }
0x1e1: {  	v7 =	vld [tilespmem:s19+$0x1310];
	_ =	sdelay $0x1  }
0x1e2: {  	v8 =	vld [tilespmem:s21+$0x1390]  }
0x1e3: {  	v6 =	vmul.u32 s22, v6  }
0x1e4: {  	v53 =	vld [tilespmem:s25+$0x1410]  }
0x1e5: {  	v7 =	vmul.u32 s3, v7;
	v6 =	vand.u32 $0xFFFF0000, v6  }
0x1e6: {  	v6 =	vadd.f32 v6, v3  }
0x1e7: {  	v8 =	vmul.u32 s10, v8;
	v7 =	vand.u32 $0xFFFF0000, v7  }
0x1e8: {  	v6 =	vadd.f32 v7, v6  }
0x1e9: {  	v7 =	vand.u32 $0xFFFF0000, v8;
	v8 =	vmul.u32 s12, v53  }
0x1ea: {  	v6 =	vadd.f32 v7, v6  }
0x1eb: {  	v7 =	vand.u32 $0xFFFF0000, v8  }
0x1ec: {  	v6 =	vadd.f32 v7, v6;
	_ =	sdelay $0x1  }
0x1ed: {  	v6 =	vmax.f32 v6, $0.0e+00  }
0x1ee: {  	[tilespmem:s23+$0xFFFFFF90] =	vst v6  }
0x1ef: {  	v6 =	vld [tilespmem:s18+$0x12A0];
	_ =	sdelay $0x1  }
0x1f0: {  	v7 =	vld [tilespmem:s19+$0x1320];
	_ =	sdelay $0x1  }
0x1f1: {  	v8 =	vld [tilespmem:s21+$0x13A0]  }
0x1f2: {  	v6 =	vmul.u32 s22, v6  }
0x1f3: {  	v54 =	vld [tilespmem:s25+$0x1420]  }
0x1f4: {  	v7 =	vmul.u32 s3, v7;
	v6 =	vand.u32 $0xFFFF0000, v6  }
0x1f5: {  	v6 =	vadd.f32 v6, v4  }
0x1f6: {  	v8 =	vmul.u32 s10, v8;
	v7 =	vand.u32 $0xFFFF0000, v7  }
0x1f7: {  	v6 =	vadd.f32 v7, v6  }
0x1f8: {  	v7 =	vand.u32 $0xFFFF0000, v8;
	v8 =	vmul.u32 s12, v54  }
0x1f9: {  	v6 =	vadd.f32 v7, v6  }
0x1fa: {  	v7 =	vand.u32 $0xFFFF0000, v8  }
0x1fb: {  	v6 =	vadd.f32 v7, v6;
	_ =	sdelay $0x1  }
0x1fc: {  	v6 =	vmax.f32 v6, $0.0e+00  }
0x1fd: {  	[tilespmem:s23+$0xFFFFFFA0] =	vst v6  }
0x1fe: {  	v6 =	vld [tilespmem:s18+$0x12B0];
	_ =	sdelay $0x1  }
0x1ff: {  	v7 =	vld [tilespmem:s19+$0x1330];
	_ =	sdelay $0x1  }
0x200: {  	v8 =	vld [tilespmem:s21+$0x13B0]  }
0x201: {  	v6 =	vmul.u32 s22, v6  }
0x202: {  	v55 =	vld [tilespmem:s25+$0x1430]  }
0x203: {  	v7 =	vmul.u32 s3, v7;
	v6 =	vand.u32 $0xFFFF0000, v6  }
0x204: {  	v6 =	vadd.f32 v6, v5  }
0x205: {  	v8 =	vmul.u32 s10, v8;
	v7 =	vand.u32 $0xFFFF0000, v7  }
0x206: {  	v6 =	vadd.f32 v7, v6  }
0x207: {  	v7 =	vand.u32 $0xFFFF0000, v8;
	v8 =	vmul.u32 s12, v55  }
0x208: {  	v6 =	vadd.f32 v7, v6  }
0x209: {  	v7 =	vand.u32 $0xFFFF0000, v8  }
0x20a: {  	v6 =	vadd.f32 v7, v6;
	_ =	sdelay $0x1  }
0x20b: {  	s16 =	sand.u32 $0x40, s5;
	s9 =	rddreg [dreg:$0xc];
	v6 =	vmax.f32 v6, $0.0e+00  }
0x20c: {  	[dreg:$0xe] =	wrdreg s16;
	s0 =	sadd.s32 s26, s9;
	[tilespmem:s23+$0xFFFFFFB0] =	vst v6  }
0x20d: {  	s10 =	rddreg [dreg:$0xe];
	v6 =	vld [tilespmem:s0+$0x1480]  }
0x20e: {  	s12 =	sadd.s32 s26, s10  }
0x20f: {  	s16 =	sand.u32 $0x40, s15;
	v7 =	vld [tilespmem:s12+$0x1500]  }
0x210: {  	s13 =	sadd.s32 s26, s16  }
0x211: {  	s8 =	sand.u32 $0x40, s11;
	s14 =	sand.u32 $0x10001, s6;
	v8 =	vld [tilespmem:s13+$0x1580]  }
0x212: {  	s16 =	sadd.s32 s26, s8;
	v6 =	vmul.u32 s14, v6  }
0x213: {  	s17 =	sand.u32 $0x10001, s5;
	v56 =	vld [tilespmem:s16+$0x1600]  }
0x214: {  	v7 =	vmul.u32 s17, v7;
	v6 =	vand.u32 $0xFFFF0000, v6  }
0x215: {  	s18 =	sand.u32 $0x10001, s15;
	v6 =	vadd.f32 v6, v2  }
0x216: {  	v8 =	vmul.u32 s18, v8;
	v7 =	vand.u32 $0xFFFF0000, v7  }
0x217: {  	s19 =	sand.u32 $0x10001, s11;
	v6 =	vadd.f32 v7, v6  }
0x218: {  	v7 =	vand.u32 $0xFFFF0000, v8;
	v8 =	vmul.u32 s19, v56  }
0x219: {  	v6 =	vadd.f32 v7, v6  }
0x21a: {  	v7 =	vand.u32 $0xFFFF0000, v8  }
0x21b: {  	v6 =	vadd.f32 v7, v6;
	_ =	sdelay $0x1  }
0x21c: {  	v6 =	vmax.f32 v6, $0.0e+00  }
0x21d: {  	[tilespmem:s23+$0x0] =	vst v6  }
0x21e: {  	v6 =	vld [tilespmem:s0+$0x1490];
	_ =	sdelay $0x1  }
0x21f: {  	v7 =	vld [tilespmem:s12+$0x1510];
	_ =	sdelay $0x1  }
0x220: {  	v8 =	vld [tilespmem:s13+$0x1590]  }
0x221: {  	v6 =	vmul.u32 s14, v6  }
0x222: {  	v57 =	vld [tilespmem:s16+$0x1610]  }
0x223: {  	v7 =	vmul.u32 s17, v7;
	v6 =	vand.u32 $0xFFFF0000, v6  }
0x224: {  	v6 =	vadd.f32 v6, v3  }
0x225: {  	v8 =	vmul.u32 s18, v8;
	v7 =	vand.u32 $0xFFFF0000, v7  }
0x226: {  	v6 =	vadd.f32 v7, v6  }
0x227: {  	v9 =	vmul.u32 s19, v57;
	v7 =	vand.u32 $0xFFFF0000, v8  }
0x228: {  	v6 =	vadd.f32 v7, v6  }
0x229: {  	v7 =	vand.u32 $0xFFFF0000, v9  }
0x22a: {  	v6 =	vadd.f32 v7, v6;
	_ =	sdelay $0x1  }
0x22b: {  	v6 =	vmax.f32 v6, $0.0e+00  }
0x22c: {  	[tilespmem:s23+$0x10] =	vst v6  }
0x22d: {  	v6 =	vld [tilespmem:s0+$0x14A0];
	_ =	sdelay $0x1  }
0x22e: {  	v7 =	vld [tilespmem:s12+$0x1520];
	_ =	sdelay $0x1  }
0x22f: {  	v8 =	vld [tilespmem:s13+$0x15A0]  }
0x230: {  	v6 =	vmul.u32 s14, v6  }
0x231: {  	v58 =	vld [tilespmem:s16+$0x1620]  }
0x232: {  	v7 =	vmul.u32 s17, v7;
	v6 =	vand.u32 $0xFFFF0000, v6  }
0x233: {  	v6 =	vadd.f32 v6, v4  }
0x234: {  	v8 =	vmul.u32 s18, v8;
	v7 =	vand.u32 $0xFFFF0000, v7  }
0x235: {  	v6 =	vadd.f32 v7, v6  }
0x236: {  	v9 =	vmul.u32 s19, v58;
	v7 =	vand.u32 $0xFFFF0000, v8  }
0x237: {  	v6 =	vadd.f32 v7, v6  }
0x238: {  	v7 =	vand.u32 $0xFFFF0000, v9  }
0x239: {  	v6 =	vadd.f32 v7, v6;
	_ =	sdelay $0x1  }
0x23a: {  	v6 =	vmax.f32 v6, $0.0e+00  }
0x23b: {  	[tilespmem:s23+$0x20] =	vst v6  }
0x23c: {  	v6 =	vld [tilespmem:s0+$0x14B0];
	_ =	sdelay $0x1  }
0x23d: {  	v7 =	vld [tilespmem:s12+$0x1530];
	_ =	sdelay $0x1  }
0x23e: {  	v8 =	vld [tilespmem:s13+$0x15B0]  }
0x23f: {  	v6 =	vmul.u32 s14, v6  }
0x240: {  	v59 =	vld [tilespmem:s16+$0x1630]  }
0x241: {  	v7 =	vmul.u32 s17, v7;
	v6 =	vand.u32 $0xFFFF0000, v6  }
0x242: {  	v6 =	vadd.f32 v6, v5  }
0x243: {  	v8 =	vmul.u32 s18, v8;
	v7 =	vand.u32 $0xFFFF0000, v7  }
0x244: {  	v6 =	vadd.f32 v7, v6  }
0x245: {  	v9 =	vmul.u32 s19, v59;
	v7 =	vand.u32 $0xFFFF0000, v8  }
0x246: {  	v6 =	vadd.f32 v7, v6  }
0x247: {  	v7 =	vand.u32 $0xFFFF0000, v9  }
0x248: {  	v6 =	vadd.f32 v7, v6;
	_ =	sdelay $0x1  }
0x249: {  	s20 =	rddreg [dreg:$0x4];
	v6 =	vmax.f32 v6, $0.0e+00  }
0x24a: {  	s0 =	sadd.s32 s26, s20;
	[tilespmem:s23+$0x30] =	vst v6  }
0x24b: {  	s21 =	rddreg [dreg:$0x6];
	v6 =	vld [tilespmem:s0+$0x1680]  }
0x24c: {  	s1 =	sadd.s32 s26, s21  }
0x24d: {  	s22 =	rddreg [dreg:$0x8];
	v7 =	vld [tilespmem:s1+$0x1700]  }
0x24e: {  	s2 =	sadd.s32 s26, s22  }
0x24f: {  	s28 =	sand.u32 $0x10001, s28;
	s25 =	rddreg [dreg:$0xa];
	v8 =	vld [tilespmem:s2+$0x1780]  }
0x250: {  	s3 =	sadd.s32 s26, s25;
	v6 =	vmul.u32 s28, v6  }
0x251: {  	s29 =	sand.u32 $0x10001, s29;
	v60 =	vld [tilespmem:s3+$0x1800]  }
0x252: {  	v7 =	vmul.u32 s29, v7;
	v6 =	vand.u32 $0xFFFF0000, v6  }
0x253: {  	s30 =	sand.u32 $0x10001, s30;
	v6 =	vadd.f32 v6, v2  }
0x254: {  	v8 =	vmul.u32 s30, v8;
	v7 =	vand.u32 $0xFFFF0000, v7  }
0x255: {  	s31 =	sand.u32 $0x10001, s31;
	v6 =	vadd.f32 v7, v6  }
0x256: {  	v9 =	vmul.u32 s31, v60;
	v7 =	vand.u32 $0xFFFF0000, v8  }
0x257: {  	v6 =	vadd.f32 v7, v6  }
0x258: {  	v7 =	vand.u32 $0xFFFF0000, v9  }
0x259: {  	v6 =	vadd.f32 v7, v6;
	_ =	sdelay $0x1  }
0x25a: {  	v6 =	vmax.f32 v6, $0.0e+00  }
0x25b: {  	[tilespmem:s23+$0x80] =	vst v6  }
0x25c: {  	v6 =	vld [tilespmem:s0+$0x1690];
	_ =	sdelay $0x1  }
0x25d: {  	v7 =	vld [tilespmem:s1+$0x1710];
	_ =	sdelay $0x1  }
0x25e: {  	v8 =	vld [tilespmem:s2+$0x1790]  }
0x25f: {  	v6 =	vmul.u32 s28, v6  }
0x260: {  	v61 =	vld [tilespmem:s3+$0x1810]  }
0x261: {  	v7 =	vmul.u32 s29, v7;
	v6 =	vand.u32 $0xFFFF0000, v6  }
0x262: {  	v6 =	vadd.f32 v6, v3  }
0x263: {  	v8 =	vmul.u32 s30, v8;
	v7 =	vand.u32 $0xFFFF0000, v7  }
0x264: {  	v6 =	vadd.f32 v7, v6  }
0x265: {  	v9 =	vmul.u32 s31, v61;
	v7 =	vand.u32 $0xFFFF0000, v8  }
0x266: {  	v6 =	vadd.f32 v7, v6  }
0x267: {  	v7 =	vand.u32 $0xFFFF0000, v9  }
0x268: {  	v6 =	vadd.f32 v7, v6;
	_ =	sdelay $0x1  }
0x269: {  	v6 =	vmax.f32 v6, $0.0e+00  }
0x26a: {  	[tilespmem:s23+$0x90] =	vst v6  }
0x26b: {  	v6 =	vld [tilespmem:s0+$0x16A0];
	_ =	sdelay $0x1  }
0x26c: {  	v7 =	vld [tilespmem:s1+$0x1720];
	_ =	sdelay $0x1  }
0x26d: {  	v8 =	vld [tilespmem:s2+$0x17A0]  }
0x26e: {  	v6 =	vmul.u32 s28, v6  }
0x26f: {  	v62 =	vld [tilespmem:s3+$0x1820]  }
0x270: {  	v7 =	vmul.u32 s29, v7;
	v6 =	vand.u32 $0xFFFF0000, v6  }
0x271: {  	v6 =	vadd.f32 v6, v4  }
0x272: {  	v8 =	vmul.u32 s30, v8;
	v7 =	vand.u32 $0xFFFF0000, v7  }
0x273: {  	v6 =	vadd.f32 v7, v6  }
0x274: {  	v9 =	vmul.u32 s31, v62;
	v7 =	vand.u32 $0xFFFF0000, v8  }
0x275: {  	v6 =	vadd.f32 v7, v6  }
0x276: {  	v7 =	vand.u32 $0xFFFF0000, v9  }
0x277: {  	v6 =	vadd.f32 v7, v6;
	_ =	sdelay $0x1  }
0x278: {  	v6 =	vmax.f32 v6, $0.0e+00  }
0x279: {  	[tilespmem:s23+$0xA0] =	vst v6  }
0x27a: {  	v6 =	vld [tilespmem:s0+$0x16B0];
	_ =	sdelay $0x1  }
0x27b: {  	v7 =	vld [tilespmem:s1+$0x1730];
	_ =	sdelay $0x1  }
0x27c: {  	v8 =	vld [tilespmem:s2+$0x17B0]  }
0x27d: {  	v6 =	vmul.u32 s28, v6  }
0x27e: {  	v63 =	vld [tilespmem:s3+$0x1830]  }
0x27f: {  	v7 =	vmul.u32 s29, v7;
	v6 =	vand.u32 $0xFFFF0000, v6  }
0x280: {  	v6 =	vadd.f32 v6, v5  }
0x281: {  	v8 =	vmul.u32 s30, v8;
	v7 =	vand.u32 $0xFFFF0000, v7  }
0x282: {  	v6 =	vadd.f32 v7, v6  }
0x283: {  	p0 =	sne.s32 s24, $0xE000;
	v9 =	vmul.u32 s31, v63;
	v7 =	vand.u32 $0xFFFF0000, v8  }
.Ltmp1:
0x284: {  	v6 =	vadd.f32 v7, v6;
	(pc) =	sbr.rel @p0 .LBB2_5-.Ltmp1, $3  }
0x285: {  	v7 =	vand.u32 $0xFFFF0000, v9  }
0x286: {  	v6 =	vadd.f32 v7, v6;
	_ =	sdelay $0x1  }
0x287: {  	s24 =	sadd.s32 $0x2000, s24;
	v6 =	vmax.f32 v6, $0.0e+00  }
0x288: {  	s0 =	rddreg [dreg:$0x15]  }
0x289: {  	p0 =	seq.s32 s0, $0x7;
	s0 =	rddreg [dreg:$0x1a]  }
0x28a: {  	s3 =	rddreg [dreg:$0x10];
	s25 =	simm.s32 $0x2;
	s0 =	sshrl.u32 @!p0 s0, $0x2  }
0x28b: {  	[tilespmem:s23+$0xB0] =	vst v6;
	s1 =	simm.s32 @!p0 $0x80;
	s2 =	simm.s32 @!p0 $0x1080;
	s0 =	sadd.s32 @!p0 $0x100, s0  }
0x28c: {  	[tilespmem:s2], [sflag:$0x1] =	stream.indirect.gather @!p0 [hbm4b:s3+s1], $0x80, s0, s1, $0xb8;
	[tilespmem:$0x19080] =	vst v63  }
0x28d: {  	_ =	swait.ge [sflag:s25], $0x4000  }
0x28e: {  	[sflag:s25] =	ssyncset.done $0x0  }
0x28f: {  	s9 =	rddreg [dreg:$0x18];
	[sflag:s25] =	ssyncadd.s32 $0xFFFFC000  }
0x290: {  	v6 =	vld [tilespmem:s9+$0x0];
	_ =	sdelay $0x4  }
0x291: {  	(v2sf) =	vpush v6, $0x0;
	_ =	sdelay $0x1  }
0x292: {  	(v2sf) =	vpush v6, $0x1;
	_ =	sdelay $0x1  }
0x293: {  	(v2sf) =	vpush v6, $0x2;
	_ =	sdelay $0x1  }
0x294: {  	(v2sf) =	vpush v6, $0x3;
	_ =	sdelay $0x8  }
0x295: {  	s26 =	spop (v2sf)  }
0x296: {  	s28 =	sand.u32 $0x40, s26  }
0x297: {  	s5 =	spop (v2sf);
	s0 =	sadd.s32 $0x0, s28  }
0x298: {  	s29 =	sand.u32 $0x40, s5;
	v7 =	vld [tilespmem:s0+$0x5080]  }
0x299: {  	s6 =	spop (v2sf);
	s1 =	sadd.s32 $0x0, s29  }
0x29a: {  	s30 =	sand.u32 $0x40, s6;
	v8 =	vld [tilespmem:s1+$0x5100]  }
0x29b: {  	s7 =	spop (v2sf);
	s2 =	sadd.s32 $0x0, s30  }
0x29c: {  	s4 =	sand.u32 $0x10001, s26;
	s8 =	sand.u32 $0x40, s7;
	v9 =	vld [tilespmem:s2+$0x5180]  }
0x29d: {  	s31 =	sadd.s32 $0x0, s8;
	v7 =	vmul.u32 s4, v7  }
0x29e: {  	s5 =	sand.u32 $0x10001, s5;
	v10 =	vld [tilespmem:s31+$0x5200]  }
0x29f: {  	v8 =	vmul.u32 s5, v8;
	v7 =	vand.u32 $0xFFFF0000, v7  }
0x2a0: {  	s6 =	sand.u32 $0x10001, s6;
	v7 =	vadd.f32 v7, v2  }
0x2a1: {  	v9 =	vmul.u32 s6, v9;
	v8 =	vand.u32 $0xFFFF0000, v8  }
0x2a2: {  	s7 =	sand.u32 $0x10001, s7;
	v7 =	vadd.f32 v8, v7  }
0x2a3: {  	v30 =	vmul.u32 s7, v10;
	v8 =	vand.u32 $0xFFFF0000, v9  }
0x2a4: {  	v7 =	vadd.f32 v8, v7  }
0x2a5: {  	v8 =	vand.u32 $0xFFFF0000, v30  }
0x2a6: {  	v7 =	vadd.f32 v8, v7;
	_ =	sdelay $0x1  }
0x2a7: {  	s22 =	rddreg [dreg:$0x19];
	v7 =	vmax.f32 v7, $0.0e+00  }
0x2a8: {  	[tilespmem:s22+$0xFFFFFE50] =	vst v7  }
0x2a9: {  	v7 =	vld [tilespmem:s0+$0x5090];
	_ =	sdelay $0x1  }
0x2aa: {  	v8 =	vld [tilespmem:s1+$0x5110];
	_ =	sdelay $0x1  }
0x2ab: {  	v31 =	vld [tilespmem:s2+$0x5190]  }
0x2ac: {  	v7 =	vmul.u32 s4, v7  }
0x2ad: {  	v32 =	vld [tilespmem:s31+$0x5210]  }
0x2ae: {  	v8 =	vmul.u32 s5, v8;
	v7 =	vand.u32 $0xFFFF0000, v7  }
0x2af: {  	v7 =	vadd.f32 v7, v3  }
0x2b0: {  	v9 =	vmul.u32 s6, v31;
	v8 =	vand.u32 $0xFFFF0000, v8  }
0x2b1: {  	v7 =	vadd.f32 v8, v7  }
0x2b2: {  	v33 =	vmul.u32 s7, v32;
	v8 =	vand.u32 $0xFFFF0000, v9  }
0x2b3: {  	v7 =	vadd.f32 v8, v7  }
0x2b4: {  	v8 =	vand.u32 $0xFFFF0000, v33  }
0x2b5: {  	v7 =	vadd.f32 v8, v7;
	_ =	sdelay $0x1  }
0x2b6: {  	v7 =	vmax.f32 v7, $0.0e+00  }
0x2b7: {  	[tilespmem:s22+$0xFFFFFE60] =	vst v7  }
0x2b8: {  	v7 =	vld [tilespmem:s0+$0x50A0];
	_ =	sdelay $0x1  }
0x2b9: {  	v8 =	vld [tilespmem:s1+$0x5120];
	_ =	sdelay $0x1  }
0x2ba: {  	v34 =	vld [tilespmem:s2+$0x51A0]  }
0x2bb: {  	v7 =	vmul.u32 s4, v7  }
0x2bc: {  	v35 =	vld [tilespmem:s31+$0x5220]  }
0x2bd: {  	v8 =	vmul.u32 s5, v8;
	v7 =	vand.u32 $0xFFFF0000, v7  }
0x2be: {  	v7 =	vadd.f32 v7, v4  }
0x2bf: {  	v9 =	vmul.u32 s6, v34;
	v8 =	vand.u32 $0xFFFF0000, v8  }
0x2c0: {  	v7 =	vadd.f32 v8, v7  }
0x2c1: {  	v36 =	vmul.u32 s7, v35;
	v8 =	vand.u32 $0xFFFF0000, v9  }
0x2c2: {  	v7 =	vadd.f32 v8, v7  }
0x2c3: {  	v8 =	vand.u32 $0xFFFF0000, v36  }
0x2c4: {  	v7 =	vadd.f32 v8, v7;
	_ =	sdelay $0x1  }
0x2c5: {  	v7 =	vmax.f32 v7, $0.0e+00  }
0x2c6: {  	[tilespmem:s22+$0xFFFFFE70] =	vst v7  }
0x2c7: {  	(v2sf) =	vpush v6, $0x4;
	v7 =	vld [tilespmem:s0+$0x50B0];
	_ =	sdelay $0x1  }
0x2c8: {  	(v2sf) =	vpush v6, $0x5;
	v8 =	vld [tilespmem:s1+$0x5130];
	_ =	sdelay $0x1  }
0x2c9: {  	(v2sf) =	vpush v6, $0x6;
	v37 =	vld [tilespmem:s2+$0x51B0]  }
0x2ca: {  	v7 =	vmul.u32 s4, v7  }
0x2cb: {  	(v2sf) =	vpush v6, $0x7;
	v38 =	vld [tilespmem:s31+$0x5230]  }
0x2cc: {  	v8 =	vmul.u32 s5, v8;
	v7 =	vand.u32 $0xFFFF0000, v7  }
0x2cd: {  	v7 =	vadd.f32 v7, v5  }
0x2ce: {  	v9 =	vmul.u32 s6, v37;
	v8 =	vand.u32 $0xFFFF0000, v8  }
0x2cf: {  	v7 =	vadd.f32 v8, v7  }
0x2d0: {  	v39 =	vmul.u32 s7, v38;
	v8 =	vand.u32 $0xFFFF0000, v9  }
0x2d1: {  	v7 =	vadd.f32 v8, v7  }
0x2d2: {  	v8 =	vand.u32 $0xFFFF0000, v39  }
0x2d3: {  	v7 =	vadd.f32 v8, v7  }
0x2d4: {  	s4 =	spop (v2sf)  }
0x2d5: {  	s5 =	sand.u32 $0x40, s4;
	v7 =	vmax.f32 v7, $0.0e+00  }
0x2d6: {  	s6 =	spop (v2sf);
	s0 =	sadd.s32 $0x0, s5;
	[tilespmem:s22+$0xFFFFFE80] =	vst v7  }
0x2d7: {  	s8 =	sand.u32 $0x40, s6;
	v7 =	vld [tilespmem:s0+$0x5280]  }
0x2d8: {  	s10 =	spop (v2sf);
	s1 =	sadd.s32 $0x0, s8  }
0x2d9: {  	s11 =	sand.u32 $0x40, s10;
	v8 =	vld [tilespmem:s1+$0x5300]  }
0x2da: {  	s12 =	spop (v2sf);
	s2 =	sadd.s32 $0x0, s11  }
0x2db: {  	s3 =	sand.u32 $0x10001, s4;
	s13 =	sand.u32 $0x40, s12;
	v40 =	vld [tilespmem:s2+$0x5380]  }
0x2dc: {  	s7 =	sadd.s32 $0x0, s13;
	v7 =	vmul.u32 s3, v7  }
0x2dd: {  	s4 =	sand.u32 $0x10001, s6;
	v41 =	vld [tilespmem:s7+$0x5400]  }
0x2de: {  	v8 =	vmul.u32 s4, v8;
	v7 =	vand.u32 $0xFFFF0000, v7  }
0x2df: {  	s5 =	sand.u32 $0x10001, s10;
	v7 =	vadd.f32 v7, v2  }
0x2e0: {  	v9 =	vmul.u32 s5, v40;
	v8 =	vand.u32 $0xFFFF0000, v8  }
0x2e1: {  	s6 =	sand.u32 $0x10001, s12;
	v7 =	vadd.f32 v8, v7  }
0x2e2: {  	v42 =	vmul.u32 s6, v41;
	v8 =	vand.u32 $0xFFFF0000, v9  }
0x2e3: {  	v7 =	vadd.f32 v8, v7  }
0x2e4: {  	v8 =	vand.u32 $0xFFFF0000, v42  }
0x2e5: {  	v7 =	vadd.f32 v8, v7;
	_ =	sdelay $0x1  }
0x2e6: {  	v7 =	vmax.f32 v7, $0.0e+00  }
0x2e7: {  	[tilespmem:s22+$0xFFFFFED0] =	vst v7  }
0x2e8: {  	v7 =	vld [tilespmem:s0+$0x5290];
	_ =	sdelay $0x1  }
0x2e9: {  	v8 =	vld [tilespmem:s1+$0x5310];
	_ =	sdelay $0x1  }
0x2ea: {  	v43 =	vld [tilespmem:s2+$0x5390]  }
0x2eb: {  	v7 =	vmul.u32 s3, v7  }
0x2ec: {  	v44 =	vld [tilespmem:s7+$0x5410]  }
0x2ed: {  	v8 =	vmul.u32 s4, v8;
	v7 =	vand.u32 $0xFFFF0000, v7  }
0x2ee: {  	v7 =	vadd.f32 v7, v3  }
0x2ef: {  	v9 =	vmul.u32 s5, v43;
	v8 =	vand.u32 $0xFFFF0000, v8  }
0x2f0: {  	v7 =	vadd.f32 v8, v7  }
0x2f1: {  	v45 =	vmul.u32 s6, v44;
	v8 =	vand.u32 $0xFFFF0000, v9  }
0x2f2: {  	v7 =	vadd.f32 v8, v7  }
0x2f3: {  	v8 =	vand.u32 $0xFFFF0000, v45  }
0x2f4: {  	v7 =	vadd.f32 v8, v7;
	_ =	sdelay $0x1  }
0x2f5: {  	v7 =	vmax.f32 v7, $0.0e+00  }
0x2f6: {  	[tilespmem:s22+$0xFFFFFEE0] =	vst v7  }
0x2f7: {  	v7 =	vld [tilespmem:s0+$0x52A0];
	_ =	sdelay $0x1  }
0x2f8: {  	v8 =	vld [tilespmem:s1+$0x5320];
	_ =	sdelay $0x1  }
0x2f9: {  	v46 =	vld [tilespmem:s2+$0x53A0]  }
0x2fa: {  	v7 =	vmul.u32 s3, v7  }
0x2fb: {  	v47 =	vld [tilespmem:s7+$0x5420]  }
0x2fc: {  	v8 =	vmul.u32 s4, v8;
	v7 =	vand.u32 $0xFFFF0000, v7  }
0x2fd: {  	v7 =	vadd.f32 v7, v4  }
0x2fe: {  	v9 =	vmul.u32 s5, v46;
	v8 =	vand.u32 $0xFFFF0000, v8  }
0x2ff: {  	v7 =	vadd.f32 v8, v7  }
0x300: {  	v48 =	vmul.u32 s6, v47;
	v8 =	vand.u32 $0xFFFF0000, v9  }
0x301: {  	v7 =	vadd.f32 v8, v7  }
0x302: {  	v8 =	vand.u32 $0xFFFF0000, v48  }
0x303: {  	v7 =	vadd.f32 v8, v7;
	_ =	sdelay $0x1  }
0x304: {  	v7 =	vmax.f32 v7, $0.0e+00  }
0x305: {  	[tilespmem:s22+$0xFFFFFEF0] =	vst v7  }
0x306: {  	(v2sf) =	vpush v6, $0x8;
	v7 =	vld [tilespmem:s0+$0x52B0];
	_ =	sdelay $0x1  }
0x307: {  	(v2sf) =	vpush v6, $0x9;
	v8 =	vld [tilespmem:s1+$0x5330];
	_ =	sdelay $0x1  }
0x308: {  	(v2sf) =	vpush v6, $0xA;
	v49 =	vld [tilespmem:s2+$0x53B0]  }
0x309: {  	v7 =	vmul.u32 s3, v7  }
0x30a: {  	(v2sf) =	vpush v6, $0xB;
	v50 =	vld [tilespmem:s7+$0x5430]  }
0x30b: {  	v8 =	vmul.u32 s4, v8;
	v7 =	vand.u32 $0xFFFF0000, v7  }
0x30c: {  	v7 =	vadd.f32 v7, v5  }
0x30d: {  	v9 =	vmul.u32 s5, v49;
	v8 =	vand.u32 $0xFFFF0000, v8  }
0x30e: {  	v7 =	vadd.f32 v8, v7  }
0x30f: {  	v51 =	vmul.u32 s6, v50;
	v8 =	vand.u32 $0xFFFF0000, v9  }
0x310: {  	v7 =	vadd.f32 v8, v7  }
0x311: {  	v8 =	vand.u32 $0xFFFF0000, v51  }
0x312: {  	v7 =	vadd.f32 v8, v7  }
0x313: {  	s14 =	spop (v2sf)  }
0x314: {  	s15 =	sand.u32 $0x40, s14;
	v7 =	vmax.f32 v7, $0.0e+00  }
0x315: {  	s16 =	spop (v2sf);
	s0 =	sadd.s32 $0x0, s15;
	[tilespmem:s22+$0xFFFFFF00] =	vst v7  }
0x316: {  	s17 =	sand.u32 $0x40, s16;
	v7 =	vld [tilespmem:s0+$0x5480]  }
0x317: {  	s18 =	spop (v2sf);
	s1 =	sadd.s32 $0x0, s17  }
0x318: {  	s19 =	sand.u32 $0x40, s18;
	v8 =	vld [tilespmem:s1+$0x5500]  }
0x319: {  	s20 =	spop (v2sf);
	s2 =	sadd.s32 $0x0, s19  }
0x31a: {  	s21 =	sand.u32 $0x40, s20;
	s3 =	sand.u32 $0x10001, s14;
	v52 =	vld [tilespmem:s2+$0x5580]  }
0x31b: {  	s7 =	sadd.s32 $0x0, s21;
	v7 =	vmul.u32 s3, v7  }
0x31c: {  	s4 =	sand.u32 $0x10001, s16;
	v53 =	vld [tilespmem:s7+$0x5600]  }
0x31d: {  	v8 =	vmul.u32 s4, v8;
	v7 =	vand.u32 $0xFFFF0000, v7  }
0x31e: {  	s5 =	sand.u32 $0x10001, s18;
	v7 =	vadd.f32 v7, v2  }
0x31f: {  	v9 =	vmul.u32 s5, v52;
	v8 =	vand.u32 $0xFFFF0000, v8  }
0x320: {  	s6 =	sand.u32 $0x10001, s20;
	v7 =	vadd.f32 v8, v7  }
0x321: {  	v54 =	vmul.u32 s6, v53;
	v8 =	vand.u32 $0xFFFF0000, v9  }
0x322: {  	v7 =	vadd.f32 v8, v7  }
0x323: {  	v8 =	vand.u32 $0xFFFF0000, v54  }
0x324: {  	v7 =	vadd.f32 v8, v7;
	_ =	sdelay $0x1  }
0x325: {  	v7 =	vmax.f32 v7, $0.0e+00  }
0x326: {  	[tilespmem:s22+$0xFFFFFF50] =	vst v7  }
0x327: {  	v7 =	vld [tilespmem:s0+$0x5490];
	_ =	sdelay $0x1  }
0x328: {  	v8 =	vld [tilespmem:s1+$0x5510];
	_ =	sdelay $0x1  }
0x329: {  	v55 =	vld [tilespmem:s2+$0x5590]  }
0x32a: {  	v7 =	vmul.u32 s3, v7  }
0x32b: {  	v56 =	vld [tilespmem:s7+$0x5610]  }
0x32c: {  	v8 =	vmul.u32 s4, v8;
	v7 =	vand.u32 $0xFFFF0000, v7  }
0x32d: {  	v7 =	vadd.f32 v7, v3  }
0x32e: {  	v9 =	vmul.u32 s5, v55;
	v8 =	vand.u32 $0xFFFF0000, v8  }
0x32f: {  	v7 =	vadd.f32 v8, v7  }
0x330: {  	v9 =	vand.u32 $0xFFFF0000, v9;
	v8 =	vmul.u32 s6, v56  }
0x331: {  	v7 =	vadd.f32 v9, v7  }
0x332: {  	v8 =	vand.u32 $0xFFFF0000, v8  }
0x333: {  	v7 =	vadd.f32 v8, v7;
	_ =	sdelay $0x1  }
0x334: {  	v7 =	vmax.f32 v7, $0.0e+00  }
0x335: {  	[tilespmem:s22+$0xFFFFFF60] =	vst v7  }
0x336: {  	v7 =	vld [tilespmem:s0+$0x54A0];
	_ =	sdelay $0x1  }
0x337: {  	v8 =	vld [tilespmem:s1+$0x5520];
	_ =	sdelay $0x1  }
0x338: {  	v57 =	vld [tilespmem:s2+$0x55A0]  }
0x339: {  	v7 =	vmul.u32 s3, v7  }
0x33a: {  	v58 =	vld [tilespmem:s7+$0x5620]  }
0x33b: {  	v8 =	vmul.u32 s4, v8;
	v7 =	vand.u32 $0xFFFF0000, v7  }
0x33c: {  	v7 =	vadd.f32 v7, v4  }
0x33d: {  	v9 =	vmul.u32 s5, v57;
	v8 =	vand.u32 $0xFFFF0000, v8  }
0x33e: {  	v7 =	vadd.f32 v8, v7  }
0x33f: {  	v9 =	vand.u32 $0xFFFF0000, v9;
	v8 =	vmul.u32 s6, v58  }
0x340: {  	v7 =	vadd.f32 v9, v7  }
0x341: {  	v8 =	vand.u32 $0xFFFF0000, v8  }
0x342: {  	v7 =	vadd.f32 v8, v7;
	_ =	sdelay $0x1  }
0x343: {  	v7 =	vmax.f32 v7, $0.0e+00  }
0x344: {  	[tilespmem:s22+$0xFFFFFF70] =	vst v7  }
0x345: {  	(v2sf) =	vpush v6, $0xC;
	v7 =	vld [tilespmem:s0+$0x54B0];
	_ =	sdelay $0x1  }
0x346: {  	(v2sf) =	vpush v6, $0xD;
	v8 =	vld [tilespmem:s1+$0x5530];
	_ =	sdelay $0x1  }
0x347: {  	(v2sf) =	vpush v6, $0xE;
	v59 =	vld [tilespmem:s2+$0x55B0]  }
0x348: {  	v7 =	vmul.u32 s3, v7  }
0x349: {  	(v2sf) =	vpush v6, $0xF;
	v6 =	vld [tilespmem:s7+$0x5630]  }
0x34a: {  	v8 =	vmul.u32 s4, v8;
	v7 =	vand.u32 $0xFFFF0000, v7  }
0x34b: {  	v7 =	vadd.f32 v7, v5  }
0x34c: {  	v9 =	vmul.u32 s5, v59;
	v8 =	vand.u32 $0xFFFF0000, v8  }
0x34d: {  	v7 =	vadd.f32 v8, v7  }
0x34e: {  	v6 =	vmul.u32 s6, v6;
	v8 =	vand.u32 $0xFFFF0000, v9  }
0x34f: {  	v7 =	vadd.f32 v8, v7  }
0x350: {  	v6 =	vand.u32 $0xFFFF0000, v6  }
0x351: {  	v6 =	vadd.f32 v6, v7  }
0x352: {  	s23 =	spop (v2sf)  }
0x353: {  	s24 =	sand.u32 $0x40, s23;
	v6 =	vmax.f32 v6, $0.0e+00  }
0x354: {  	s25 =	spop (v2sf);
	s0 =	sadd.s32 $0x0, s24;
	[tilespmem:s22+$0xFFFFFF80] =	vst v6  }
0x355: {  	s26 =	sand.u32 $0x40, s25;
	v6 =	vld [tilespmem:s0+$0x5680]  }
0x356: {  	s28 =	spop (v2sf);
	s1 =	sadd.s32 $0x0, s26  }
0x357: {  	s29 =	sand.u32 $0x40, s28;
	v7 =	vld [tilespmem:s1+$0x5700]  }
0x358: {  	s30 =	spop (v2sf);
	s5 =	sadd.s32 $0x0, s29  }
0x359: {  	s31 =	sand.u32 $0x40, s30;
	s2 =	sand.u32 $0x10001, s23;
	v8 =	vld [tilespmem:s5+$0x5780]  }
0x35a: {  	s7 =	sadd.s32 $0x0, s31;
	v6 =	vmul.u32 s2, v6  }
0x35b: {  	s3 =	sand.u32 $0x10001, s25;
	v60 =	vld [tilespmem:s7+$0x5800]  }
0x35c: {  	v7 =	vmul.u32 s3, v7;
	v6 =	vand.u32 $0xFFFF0000, v6  }
0x35d: {  	s4 =	sand.u32 $0x10001, s28;
	v6 =	vadd.f32 v6, v2  }
0x35e: {  	v8 =	vmul.u32 s4, v8;
	v7 =	vand.u32 $0xFFFF0000, v7  }
0x35f: {  	s6 =	sand.u32 $0x10001, s30;
	v6 =	vadd.f32 v7, v6  }
0x360: {  	v8 =	vand.u32 $0xFFFF0000, v8;
	v7 =	vmul.u32 s6, v60  }
0x361: {  	v6 =	vadd.f32 v8, v6  }
0x362: {  	v7 =	vand.u32 $0xFFFF0000, v7  }
0x363: {  	v6 =	vadd.f32 v7, v6;
	_ =	sdelay $0x1  }
0x364: {  	v6 =	vmax.f32 v6, $0.0e+00  }
0x365: {  	[tilespmem:s22+$0xFFFFFFD0] =	vst v6  }
0x366: {  	v6 =	vld [tilespmem:s0+$0x5690];
	_ =	sdelay $0x1  }
0x367: {  	v7 =	vld [tilespmem:s1+$0x5710];
	_ =	sdelay $0x1  }
0x368: {  	v8 =	vld [tilespmem:s5+$0x5790]  }
0x369: {  	v6 =	vmul.u32 s2, v6  }
0x36a: {  	v61 =	vld [tilespmem:s7+$0x5810]  }
0x36b: {  	v7 =	vmul.u32 s3, v7;
	v6 =	vand.u32 $0xFFFF0000, v6  }
0x36c: {  	v6 =	vadd.f32 v6, v3  }
0x36d: {  	v8 =	vmul.u32 s4, v8;
	v7 =	vand.u32 $0xFFFF0000, v7  }
0x36e: {  	v6 =	vadd.f32 v7, v6  }
0x36f: {  	v8 =	vand.u32 $0xFFFF0000, v8;
	v7 =	vmul.u32 s6, v61  }
0x370: {  	v6 =	vadd.f32 v8, v6  }
0x371: {  	v7 =	vand.u32 $0xFFFF0000, v7  }
0x372: {  	v6 =	vadd.f32 v7, v6;
	_ =	sdelay $0x1  }
0x373: {  	v6 =	vmax.f32 v6, $0.0e+00  }
0x374: {  	[tilespmem:s22+$0xFFFFFFE0] =	vst v6  }
0x375: {  	v6 =	vld [tilespmem:s0+$0x56A0];
	_ =	sdelay $0x1  }
0x376: {  	v7 =	vld [tilespmem:s1+$0x5720];
	_ =	sdelay $0x1  }
0x377: {  	v8 =	vld [tilespmem:s5+$0x57A0]  }
0x378: {  	v6 =	vmul.u32 s2, v6  }
0x379: {  	v62 =	vld [tilespmem:s7+$0x5820]  }
0x37a: {  	v7 =	vmul.u32 s3, v7;
	v6 =	vand.u32 $0xFFFF0000, v6  }
0x37b: {  	v6 =	vadd.f32 v6, v4  }
0x37c: {  	v8 =	vmul.u32 s4, v8;
	v7 =	vand.u32 $0xFFFF0000, v7  }
0x37d: {  	v6 =	vadd.f32 v7, v6  }
0x37e: {  	v8 =	vand.u32 $0xFFFF0000, v8;
	v7 =	vmul.u32 s6, v62  }
0x37f: {  	v6 =	vadd.f32 v8, v6  }
0x380: {  	v7 =	vand.u32 $0xFFFF0000, v7  }
0x381: {  	v6 =	vadd.f32 v7, v6;
	_ =	sdelay $0x1  }
0x382: {  	v6 =	vmax.f32 v6, $0.0e+00  }
0x383: {  	[tilespmem:s22+$0xFFFFFFF0] =	vst v6  }
0x384: {  	v6 =	vld [tilespmem:s0+$0x56B0];
	_ =	sdelay $0x1  }
0x385: {  	v7 =	vld [tilespmem:s1+$0x5730];
	_ =	sdelay $0x1  }
0x386: {  	v8 =	vld [tilespmem:s5+$0x57B0]  }
0x387: {  	v6 =	vmul.u32 s2, v6  }
0x388: {  	v63 =	vld [tilespmem:s7+$0x5830]  }
0x389: {  	v7 =	vmul.u32 s3, v7;
	v6 =	vand.u32 $0xFFFF0000, v6  }
0x38a: {  	v6 =	vadd.f32 v6, v5  }
0x38b: {  	v8 =	vmul.u32 s4, v8;
	v7 =	vand.u32 $0xFFFF0000, v7  }
0x38c: {  	v6 =	vadd.f32 v7, v6  }
0x38d: {  	v8 =	vand.u32 $0xFFFF0000, v8;
	v7 =	vmul.u32 s6, v63  }
0x38e: {  	v6 =	vadd.f32 v8, v6  }
0x38f: {  	v7 =	vand.u32 $0xFFFF0000, v7  }
0x390: {  	v6 =	vadd.f32 v7, v6;
	_ =	sdelay $0x1  }
0x391: {  	s23 =	simm.s32 $0x2000;
	s7 =	smov.u32 s9;
	v6 =	vmax.f32 v6, $0.0e+00  }
.LBB2_7:
0x392: {  	[tilespmem:s22+$0x0] =	vst v6;
	s7 =	sadd.s32 $0x10, s7  }
0x393: {  	v6 =	vld [tilespmem:s7+$0x0];
	_ =	sdelay $0x4  }
0x394: {  	(v2sf) =	vpush v6, $0x0;
	_ =	sdelay $0x1  }
0x395: {  	(v2sf) =	vpush v6, $0x1;
	_ =	sdelay $0x1  }
0x396: {  	(v2sf) =	vpush v6, $0x2;
	_ =	sdelay $0x1  }
0x397: {  	(v2sf) =	vpush v6, $0x3  }
0x398: {  	(v2sf) =	vpush v6, $0x4  }
0x399: {  	(v2sf) =	vpush v6, $0x5  }
0x39a: {  	(v2sf) =	vpush v6, $0x6  }
0x39b: {  	(v2sf) =	vpush v6, $0x7  }
0x39c: {  	(v2sf) =	vpush v6, $0x8  }
0x39d: {  	(v2sf) =	vpush v6, $0x9  }
0x39e: {  	(v2sf) =	vpush v6, $0xA  }
0x39f: {  	(v2sf) =	vpush v6, $0xB  }
0x3a0: {  	s0 =	smov.u32 s23;
	(v2sf) =	vpush v6, $0xC;
	s1 =	spop (v2sf)  }
0x3a1: {  	s25 =	sshra.s32 s0, $0x2;
	(v2sf) =	vpush v6, $0xD;
	s2 =	sand.u32 $0x40, s1  }
0x3a2: {  	(v2sf) =	vpush v6, $0xE;
	s3 =	spop (v2sf);
	s17 =	sadd.s32 s25, s2  }
0x3a3: {  	(v2sf) =	vpush v6, $0xF;
	s10 =	sand.u32 $0x40, s3;
	v6 =	vld [tilespmem:s17+$0x5080]  }
0x3a4: {  	s11 =	spop (v2sf);
	s19 =	sadd.s32 s25, s10  }
0x3a5: {  	s12 =	sand.u32 $0x40, s11;
	v7 =	vld [tilespmem:s19+$0x5100]  }
0x3a6: {  	s9 =	spop (v2sf);
	s21 =	sadd.s32 s25, s12  }
0x3a7: {  	s24 =	sand.u32 $0x10001, s1;
	s13 =	sand.u32 $0x40, s9;
	v8 =	vld [tilespmem:s21+$0x5180]  }
0x3a8: {  	s0 =	sadd.s32 s25, s13;
	v6 =	vmul.u32 s24, v6  }
0x3a9: {  	s1 =	sand.u32 $0x10001, s3;
	v9 =	vld [tilespmem:s0+$0x5200]  }
0x3aa: {  	v7 =	vmul.u32 s1, v7;
	v6 =	vand.u32 $0xFFFF0000, v6  }
0x3ab: {  	s2 =	sand.u32 $0x10001, s11;
	v6 =	vadd.f32 v6, v2  }
0x3ac: {  	v8 =	vmul.u32 s2, v8;
	v7 =	vand.u32 $0xFFFF0000, v7  }
0x3ad: {  	s9 =	sand.u32 $0x10001, s9;
	v6 =	vadd.f32 v7, v6  }
0x3ae: {  	v7 =	vand.u32 $0xFFFF0000, v8;
	v8 =	vmul.u32 s9, v9  }
0x3af: {  	v6 =	vadd.f32 v7, v6  }
0x3b0: {  	v7 =	vand.u32 $0xFFFF0000, v8  }
0x3b1: {  	v6 =	vadd.f32 v7, v6;
	_ =	sdelay $0x1  }
0x3b2: {  	s22 =	sadd.s32 $0x200, s22;
	v6 =	vmax.f32 v6, $0.0e+00  }
0x3b3: {  	[tilespmem:s22+$0xFFFFFE50] =	vst v6  }
0x3b4: {  	v6 =	vld [tilespmem:s17+$0x5090];
	_ =	sdelay $0x1  }
0x3b5: {  	v7 =	vld [tilespmem:s19+$0x5110];
	_ =	sdelay $0x1  }
0x3b6: {  	v8 =	vld [tilespmem:s21+$0x5190]  }
0x3b7: {  	v6 =	vmul.u32 s24, v6  }
0x3b8: {  	v49 =	vld [tilespmem:s0+$0x5210]  }
0x3b9: {  	v7 =	vmul.u32 s1, v7;
	v6 =	vand.u32 $0xFFFF0000, v6  }
0x3ba: {  	v6 =	vadd.f32 v6, v3  }
0x3bb: {  	v8 =	vmul.u32 s2, v8;
	v7 =	vand.u32 $0xFFFF0000, v7  }
0x3bc: {  	v6 =	vadd.f32 v7, v6  }
0x3bd: {  	v7 =	vand.u32 $0xFFFF0000, v8;
	v8 =	vmul.u32 s9, v49  }
0x3be: {  	v6 =	vadd.f32 v7, v6  }
0x3bf: {  	v7 =	vand.u32 $0xFFFF0000, v8  }
0x3c0: {  	v6 =	vadd.f32 v7, v6;
	_ =	sdelay $0x1  }
0x3c1: {  	v6 =	vmax.f32 v6, $0.0e+00  }
0x3c2: {  	[tilespmem:s22+$0xFFFFFE60] =	vst v6  }
0x3c3: {  	v6 =	vld [tilespmem:s17+$0x50A0];
	_ =	sdelay $0x1  }
0x3c4: {  	v7 =	vld [tilespmem:s19+$0x5120];
	_ =	sdelay $0x1  }
0x3c5: {  	v8 =	vld [tilespmem:s21+$0x51A0]  }
0x3c6: {  	v6 =	vmul.u32 s24, v6  }
0x3c7: {  	v50 =	vld [tilespmem:s0+$0x5220]  }
0x3c8: {  	v7 =	vmul.u32 s1, v7;
	v6 =	vand.u32 $0xFFFF0000, v6  }
0x3c9: {  	v6 =	vadd.f32 v6, v4  }
0x3ca: {  	v8 =	vmul.u32 s2, v8;
	v7 =	vand.u32 $0xFFFF0000, v7  }
0x3cb: {  	v6 =	vadd.f32 v7, v6  }
0x3cc: {  	v7 =	vand.u32 $0xFFFF0000, v8;
	v8 =	vmul.u32 s9, v50  }
0x3cd: {  	v6 =	vadd.f32 v7, v6  }
0x3ce: {  	v7 =	vand.u32 $0xFFFF0000, v8  }
0x3cf: {  	v6 =	vadd.f32 v7, v6;
	_ =	sdelay $0x1  }
0x3d0: {  	v6 =	vmax.f32 v6, $0.0e+00  }
0x3d1: {  	[tilespmem:s22+$0xFFFFFE70] =	vst v6  }
0x3d2: {  	v6 =	vld [tilespmem:s17+$0x50B0];
	_ =	sdelay $0x1  }
0x3d3: {  	v7 =	vld [tilespmem:s19+$0x5130];
	_ =	sdelay $0x1  }
0x3d4: {  	v8 =	vld [tilespmem:s21+$0x51B0]  }
0x3d5: {  	v6 =	vmul.u32 s24, v6  }
0x3d6: {  	v51 =	vld [tilespmem:s0+$0x5230]  }
0x3d7: {  	v7 =	vmul.u32 s1, v7;
	v6 =	vand.u32 $0xFFFF0000, v6  }
0x3d8: {  	s14 =	spop (v2sf);
	v6 =	vadd.f32 v6, v5  }
0x3d9: {  	s13 =	spop (v2sf);
	v8 =	vmul.u32 s2, v8;
	v7 =	vand.u32 $0xFFFF0000, v7  }
0x3da: {  	s10 =	spop (v2sf);
	v6 =	vadd.f32 v7, v6  }
0x3db: {  	s12 =	spop (v2sf);
	v7 =	vand.u32 $0xFFFF0000, v8;
	v8 =	vmul.u32 s9, v51  }
0x3dc: {  	s6 =	spop (v2sf);
	v6 =	vadd.f32 v7, v6  }
0x3dd: {  	s15 =	sand.u32 $0x40, s6;
	s5 =	spop (v2sf);
	v7 =	vand.u32 $0xFFFF0000, v8  }
0x3de: {  	[dreg:$0xd] =	wrdreg s15;
	s15 =	spop (v2sf);
	v6 =	vadd.f32 v7, v6  }
0x3df: {  	s11 =	spop (v2sf)  }
0x3e0: {  	s18 =	sand.u32 $0x40, s14;
	s26 =	spop (v2sf);
	v6 =	vmax.f32 v6, $0.0e+00  }
0x3e1: {  	s18 =	sadd.s32 s25, s18;
	s28 =	sand.u32 $0x40, s26;
	[tilespmem:s22+$0xFFFFFE80] =	vst v6  }
0x3e2: {  	s31 =	sand.u32 $0x40, s13;
	[dreg:$0x5] =	wrdreg s28;
	s28 =	spop (v2sf);
	v6 =	vld [tilespmem:s18+$0x5280]  }
0x3e3: {  	s29 =	sand.u32 $0x40, s28;
	s19 =	sadd.s32 s25, s31  }
0x3e4: {  	s20 =	sand.u32 $0x40, s10;
	[dreg:$0x7] =	wrdreg s29;
	s29 =	spop (v2sf);
	v7 =	vld [tilespmem:s19+$0x5300]  }
0x3e5: {  	s4 =	sand.u32 $0x40, s12;
	s30 =	sand.u32 $0x40, s29;
	s21 =	sadd.s32 s25, s20  }
0x3e6: {  	[dreg:$0x9] =	wrdreg s30;
	s30 =	spop (v2sf);
	s24 =	sand.u32 $0x10001, s14;
	v8 =	vld [tilespmem:s21+$0x5380]  }
0x3e7: {  	s3 =	sand.u32 $0x40, s30;
	s31 =	sadd.s32 s25, s4;
	v6 =	vmul.u32 s24, v6  }
0x3e8: {  	[dreg:$0xb] =	wrdreg s3;
	s3 =	sand.u32 $0x10001, s13;
	v52 =	vld [tilespmem:s31+$0x5400]  }
0x3e9: {  	v7 =	vmul.u32 s3, v7;
	v6 =	vand.u32 $0xFFFF0000, v6  }
0x3ea: {  	s10 =	sand.u32 $0x10001, s10;
	v6 =	vadd.f32 v6, v2  }
0x3eb: {  	v8 =	vmul.u32 s10, v8;
	v7 =	vand.u32 $0xFFFF0000, v7  }
0x3ec: {  	s12 =	sand.u32 $0x10001, s12;
	v6 =	vadd.f32 v7, v6  }
0x3ed: {  	v7 =	vand.u32 $0xFFFF0000, v8;
	v8 =	vmul.u32 s12, v52  }
0x3ee: {  	v6 =	vadd.f32 v7, v6  }
0x3ef: {  	v7 =	vand.u32 $0xFFFF0000, v8  }
0x3f0: {  	v6 =	vadd.f32 v7, v6;
	_ =	sdelay $0x1  }
0x3f1: {  	v6 =	vmax.f32 v6, $0.0e+00  }
0x3f2: {  	[tilespmem:s22+$0xFFFFFED0] =	vst v6  }
0x3f3: {  	v6 =	vld [tilespmem:s18+$0x5290];
	_ =	sdelay $0x1  }
0x3f4: {  	v7 =	vld [tilespmem:s19+$0x5310];
	_ =	sdelay $0x1  }
0x3f5: {  	v8 =	vld [tilespmem:s21+$0x5390]  }
0x3f6: {  	v6 =	vmul.u32 s24, v6  }
0x3f7: {  	v53 =	vld [tilespmem:s31+$0x5410]  }
0x3f8: {  	v7 =	vmul.u32 s3, v7;
	v6 =	vand.u32 $0xFFFF0000, v6  }
0x3f9: {  	v6 =	vadd.f32 v6, v3  }
0x3fa: {  	v8 =	vmul.u32 s10, v8;
	v7 =	vand.u32 $0xFFFF0000, v7  }
0x3fb: {  	v6 =	vadd.f32 v7, v6  }
0x3fc: {  	v7 =	vand.u32 $0xFFFF0000, v8;
	v8 =	vmul.u32 s12, v53  }
0x3fd: {  	v6 =	vadd.f32 v7, v6  }
0x3fe: {  	v7 =	vand.u32 $0xFFFF0000, v8  }
0x3ff: {  	v6 =	vadd.f32 v7, v6;
	_ =	sdelay $0x1  }
0x400: {  	v6 =	vmax.f32 v6, $0.0e+00  }
0x401: {  	[tilespmem:s22+$0xFFFFFEE0] =	vst v6  }
0x402: {  	v6 =	vld [tilespmem:s18+$0x52A0];
	_ =	sdelay $0x1  }
0x403: {  	v7 =	vld [tilespmem:s19+$0x5320];
	_ =	sdelay $0x1  }
0x404: {  	v8 =	vld [tilespmem:s21+$0x53A0]  }
0x405: {  	v6 =	vmul.u32 s24, v6  }
0x406: {  	v54 =	vld [tilespmem:s31+$0x5420]  }
0x407: {  	v7 =	vmul.u32 s3, v7;
	v6 =	vand.u32 $0xFFFF0000, v6  }
0x408: {  	v6 =	vadd.f32 v6, v4  }
0x409: {  	v8 =	vmul.u32 s10, v8;
	v7 =	vand.u32 $0xFFFF0000, v7  }
0x40a: {  	v6 =	vadd.f32 v7, v6  }
0x40b: {  	v7 =	vand.u32 $0xFFFF0000, v8;
	v8 =	vmul.u32 s12, v54  }
0x40c: {  	v6 =	vadd.f32 v7, v6  }
0x40d: {  	v7 =	vand.u32 $0xFFFF0000, v8  }
0x40e: {  	v6 =	vadd.f32 v7, v6;
	_ =	sdelay $0x1  }
0x40f: {  	v6 =	vmax.f32 v6, $0.0e+00  }
0x410: {  	[tilespmem:s22+$0xFFFFFEF0] =	vst v6  }
0x411: {  	v6 =	vld [tilespmem:s18+$0x52B0];
	_ =	sdelay $0x1  }
0x412: {  	v7 =	vld [tilespmem:s19+$0x5330];
	_ =	sdelay $0x1  }
0x413: {  	v8 =	vld [tilespmem:s21+$0x53B0]  }
0x414: {  	v6 =	vmul.u32 s24, v6  }
0x415: {  	v55 =	vld [tilespmem:s31+$0x5430]  }
0x416: {  	v7 =	vmul.u32 s3, v7;
	v6 =	vand.u32 $0xFFFF0000, v6  }
0x417: {  	v6 =	vadd.f32 v6, v5  }
0x418: {  	v8 =	vmul.u32 s10, v8;
	v7 =	vand.u32 $0xFFFF0000, v7  }
0x419: {  	v6 =	vadd.f32 v7, v6  }
0x41a: {  	v7 =	vand.u32 $0xFFFF0000, v8;
	v8 =	vmul.u32 s12, v55  }
0x41b: {  	v6 =	vadd.f32 v7, v6  }
0x41c: {  	v7 =	vand.u32 $0xFFFF0000, v8  }
0x41d: {  	v6 =	vadd.f32 v7, v6;
	_ =	sdelay $0x1  }
0x41e: {  	s16 =	sand.u32 $0x40, s5;
	s4 =	rddreg [dreg:$0xd];
	v6 =	vmax.f32 v6, $0.0e+00  }
0x41f: {  	[dreg:$0xf] =	wrdreg s16;
	s0 =	sadd.s32 s25, s4;
	[tilespmem:s22+$0xFFFFFF00] =	vst v6  }
0x420: {  	s9 =	rddreg [dreg:$0xf];
	v6 =	vld [tilespmem:s0+$0x5480]  }
0x421: {  	s10 =	sadd.s32 s25, s9  }
0x422: {  	s16 =	sand.u32 $0x40, s15;
	v7 =	vld [tilespmem:s10+$0x5500]  }
0x423: {  	s12 =	sadd.s32 s25, s16  }
0x424: {  	s8 =	sand.u32 $0x40, s11;
	s13 =	sand.u32 $0x10001, s6;
	v8 =	vld [tilespmem:s12+$0x5580]  }
0x425: {  	s14 =	sadd.s32 s25, s8;
	v6 =	vmul.u32 s13, v6  }
0x426: {  	s16 =	sand.u32 $0x10001, s5;
	v56 =	vld [tilespmem:s14+$0x5600]  }
0x427: {  	v7 =	vmul.u32 s16, v7;
	v6 =	vand.u32 $0xFFFF0000, v6  }
0x428: {  	s17 =	sand.u32 $0x10001, s15;
	v6 =	vadd.f32 v6, v2  }
0x429: {  	v8 =	vmul.u32 s17, v8;
	v7 =	vand.u32 $0xFFFF0000, v7  }
0x42a: {  	s18 =	sand.u32 $0x10001, s11;
	v6 =	vadd.f32 v7, v6  }
0x42b: {  	v7 =	vand.u32 $0xFFFF0000, v8;
	v8 =	vmul.u32 s18, v56  }
0x42c: {  	v6 =	vadd.f32 v7, v6  }
0x42d: {  	v7 =	vand.u32 $0xFFFF0000, v8  }
0x42e: {  	v6 =	vadd.f32 v7, v6;
	_ =	sdelay $0x1  }
0x42f: {  	v6 =	vmax.f32 v6, $0.0e+00  }
0x430: {  	[tilespmem:s22+$0xFFFFFF50] =	vst v6  }
0x431: {  	v6 =	vld [tilespmem:s0+$0x5490];
	_ =	sdelay $0x1  }
0x432: {  	v7 =	vld [tilespmem:s10+$0x5510];
	_ =	sdelay $0x1  }
0x433: {  	v8 =	vld [tilespmem:s12+$0x5590]  }
0x434: {  	v6 =	vmul.u32 s13, v6  }
0x435: {  	v57 =	vld [tilespmem:s14+$0x5610]  }
0x436: {  	v7 =	vmul.u32 s16, v7;
	v6 =	vand.u32 $0xFFFF0000, v6  }
0x437: {  	v6 =	vadd.f32 v6, v3  }
0x438: {  	v8 =	vmul.u32 s17, v8;
	v7 =	vand.u32 $0xFFFF0000, v7  }
0x439: {  	v6 =	vadd.f32 v7, v6  }
0x43a: {  	v9 =	vmul.u32 s18, v57;
	v7 =	vand.u32 $0xFFFF0000, v8  }
0x43b: {  	v6 =	vadd.f32 v7, v6  }
0x43c: {  	v7 =	vand.u32 $0xFFFF0000, v9  }
0x43d: {  	v6 =	vadd.f32 v7, v6;
	_ =	sdelay $0x1  }
0x43e: {  	v6 =	vmax.f32 v6, $0.0e+00  }
0x43f: {  	[tilespmem:s22+$0xFFFFFF60] =	vst v6  }
0x440: {  	v6 =	vld [tilespmem:s0+$0x54A0];
	_ =	sdelay $0x1  }
0x441: {  	v7 =	vld [tilespmem:s10+$0x5520];
	_ =	sdelay $0x1  }
0x442: {  	v8 =	vld [tilespmem:s12+$0x55A0]  }
0x443: {  	v6 =	vmul.u32 s13, v6  }
0x444: {  	v58 =	vld [tilespmem:s14+$0x5620]  }
0x445: {  	v7 =	vmul.u32 s16, v7;
	v6 =	vand.u32 $0xFFFF0000, v6  }
0x446: {  	v6 =	vadd.f32 v6, v4  }
0x447: {  	v8 =	vmul.u32 s17, v8;
	v7 =	vand.u32 $0xFFFF0000, v7  }
0x448: {  	v6 =	vadd.f32 v7, v6  }
0x449: {  	v9 =	vmul.u32 s18, v58;
	v7 =	vand.u32 $0xFFFF0000, v8  }
0x44a: {  	v6 =	vadd.f32 v7, v6  }
0x44b: {  	v7 =	vand.u32 $0xFFFF0000, v9  }
0x44c: {  	v6 =	vadd.f32 v7, v6;
	_ =	sdelay $0x1  }
0x44d: {  	v6 =	vmax.f32 v6, $0.0e+00  }
0x44e: {  	[tilespmem:s22+$0xFFFFFF70] =	vst v6  }
0x44f: {  	v6 =	vld [tilespmem:s0+$0x54B0];
	_ =	sdelay $0x1  }
0x450: {  	v7 =	vld [tilespmem:s10+$0x5530];
	_ =	sdelay $0x1  }
0x451: {  	v8 =	vld [tilespmem:s12+$0x55B0]  }
0x452: {  	v6 =	vmul.u32 s13, v6  }
0x453: {  	v59 =	vld [tilespmem:s14+$0x5630]  }
0x454: {  	v7 =	vmul.u32 s16, v7;
	v6 =	vand.u32 $0xFFFF0000, v6  }
0x455: {  	v6 =	vadd.f32 v6, v5  }
0x456: {  	v8 =	vmul.u32 s17, v8;
	v7 =	vand.u32 $0xFFFF0000, v7  }
0x457: {  	v6 =	vadd.f32 v7, v6  }
0x458: {  	v9 =	vmul.u32 s18, v59;
	v7 =	vand.u32 $0xFFFF0000, v8  }
0x459: {  	v6 =	vadd.f32 v7, v6  }
0x45a: {  	v7 =	vand.u32 $0xFFFF0000, v9  }
0x45b: {  	v6 =	vadd.f32 v7, v6;
	_ =	sdelay $0x1  }
0x45c: {  	s19 =	rddreg [dreg:$0x5];
	v6 =	vmax.f32 v6, $0.0e+00  }
0x45d: {  	s0 =	sadd.s32 s25, s19;
	[tilespmem:s22+$0xFFFFFF80] =	vst v6  }
0x45e: {  	s20 =	rddreg [dreg:$0x7];
	v6 =	vld [tilespmem:s0+$0x5680]  }
0x45f: {  	s1 =	sadd.s32 s25, s20  }
0x460: {  	s21 =	rddreg [dreg:$0x9];
	v7 =	vld [tilespmem:s1+$0x5700]  }
0x461: {  	s2 =	sadd.s32 s25, s21  }
0x462: {  	s26 =	sand.u32 $0x10001, s26;
	s24 =	rddreg [dreg:$0xb];
	v8 =	vld [tilespmem:s2+$0x5780]  }
0x463: {  	s3 =	sadd.s32 s25, s24;
	v6 =	vmul.u32 s26, v6  }
0x464: {  	s28 =	sand.u32 $0x10001, s28;
	v60 =	vld [tilespmem:s3+$0x5800]  }
0x465: {  	v7 =	vmul.u32 s28, v7;
	v6 =	vand.u32 $0xFFFF0000, v6  }
0x466: {  	s29 =	sand.u32 $0x10001, s29;
	v6 =	vadd.f32 v6, v2  }
0x467: {  	v8 =	vmul.u32 s29, v8;
	v7 =	vand.u32 $0xFFFF0000, v7  }
0x468: {  	s31 =	sand.u32 $0x10001, s30;
	v6 =	vadd.f32 v7, v6  }
0x469: {  	v9 =	vmul.u32 s31, v60;
	v7 =	vand.u32 $0xFFFF0000, v8  }
0x46a: {  	v6 =	vadd.f32 v7, v6  }
0x46b: {  	v7 =	vand.u32 $0xFFFF0000, v9  }
0x46c: {  	v6 =	vadd.f32 v7, v6;
	_ =	sdelay $0x1  }
0x46d: {  	v6 =	vmax.f32 v6, $0.0e+00  }
0x46e: {  	[tilespmem:s22+$0xFFFFFFD0] =	vst v6  }
0x46f: {  	v6 =	vld [tilespmem:s0+$0x5690];
	_ =	sdelay $0x1  }
0x470: {  	v7 =	vld [tilespmem:s1+$0x5710];
	_ =	sdelay $0x1  }
0x471: {  	v8 =	vld [tilespmem:s2+$0x5790]  }
0x472: {  	v6 =	vmul.u32 s26, v6  }
0x473: {  	v61 =	vld [tilespmem:s3+$0x5810]  }
0x474: {  	v7 =	vmul.u32 s28, v7;
	v6 =	vand.u32 $0xFFFF0000, v6  }
0x475: {  	v6 =	vadd.f32 v6, v3  }
0x476: {  	v8 =	vmul.u32 s29, v8;
	v7 =	vand.u32 $0xFFFF0000, v7  }
0x477: {  	v6 =	vadd.f32 v7, v6  }
0x478: {  	v9 =	vmul.u32 s31, v61;
	v7 =	vand.u32 $0xFFFF0000, v8  }
0x479: {  	v6 =	vadd.f32 v7, v6  }
0x47a: {  	v7 =	vand.u32 $0xFFFF0000, v9  }
0x47b: {  	v6 =	vadd.f32 v7, v6;
	_ =	sdelay $0x1  }
0x47c: {  	v6 =	vmax.f32 v6, $0.0e+00  }
0x47d: {  	[tilespmem:s22+$0xFFFFFFE0] =	vst v6  }
0x47e: {  	v6 =	vld [tilespmem:s0+$0x56A0];
	_ =	sdelay $0x1  }
0x47f: {  	v7 =	vld [tilespmem:s1+$0x5720];
	_ =	sdelay $0x1  }
0x480: {  	v8 =	vld [tilespmem:s2+$0x57A0]  }
0x481: {  	v6 =	vmul.u32 s26, v6  }
0x482: {  	v62 =	vld [tilespmem:s3+$0x5820]  }
0x483: {  	v7 =	vmul.u32 s28, v7;
	v6 =	vand.u32 $0xFFFF0000, v6  }
0x484: {  	v6 =	vadd.f32 v6, v4  }
0x485: {  	v8 =	vmul.u32 s29, v8;
	v7 =	vand.u32 $0xFFFF0000, v7  }
0x486: {  	v6 =	vadd.f32 v7, v6  }
0x487: {  	v9 =	vmul.u32 s31, v62;
	v7 =	vand.u32 $0xFFFF0000, v8  }
0x488: {  	v6 =	vadd.f32 v7, v6  }
0x489: {  	v7 =	vand.u32 $0xFFFF0000, v9  }
0x48a: {  	v6 =	vadd.f32 v7, v6;
	_ =	sdelay $0x1  }
0x48b: {  	v6 =	vmax.f32 v6, $0.0e+00  }
0x48c: {  	[tilespmem:s22+$0xFFFFFFF0] =	vst v6  }
0x48d: {  	v6 =	vld [tilespmem:s0+$0x56B0];
	_ =	sdelay $0x1  }
0x48e: {  	v7 =	vld [tilespmem:s1+$0x5730];
	_ =	sdelay $0x1  }
0x48f: {  	v8 =	vld [tilespmem:s2+$0x57B0]  }
0x490: {  	v6 =	vmul.u32 s26, v6  }
0x491: {  	v63 =	vld [tilespmem:s3+$0x5830]  }
0x492: {  	v7 =	vmul.u32 s28, v7;
	v6 =	vand.u32 $0xFFFF0000, v6  }
0x493: {  	v6 =	vadd.f32 v6, v5  }
0x494: {  	v8 =	vmul.u32 s29, v8;
	v7 =	vand.u32 $0xFFFF0000, v7  }
0x495: {  	v6 =	vadd.f32 v7, v6  }
0x496: {  	p0 =	sne.s32 s23, $0xE000;
	v9 =	vmul.u32 s31, v63;
	v7 =	vand.u32 $0xFFFF0000, v8  }
.Ltmp2:
0x497: {  	v6 =	vadd.f32 v7, v6;
	(pc) =	sbr.rel @p0 .LBB2_7-.Ltmp2, $3  }
0x498: {  	v7 =	vand.u32 $0xFFFF0000, v9  }
0x499: {  	v6 =	vadd.f32 v7, v6;
	_ =	sdelay $0x1  }
0x49a: {  	s23 =	sadd.s32 $0x2000, s23;
	v6 =	vmax.f32 v6, $0.0e+00  }
0x49b: {  	s9 =	rddreg [dreg:$0x15]  }
0x49c: {  	s9 =	sadd.s32 $0x1, s9  }
0x49d: {  	s10 =	rddreg [dreg:$0x16];
	p0 =	sne.s32 s9, $0x8  }
.Ltmp3:
0x49e: {  	s23 =	rddreg [dreg:$0x17];
	(pc) =	sbr.rel @p0 .LBB2_4-.Ltmp3, $4  }
0x49f: {  	s0 =	rddreg [dreg:$0x18]  }
0x4a0: {  	s31 =	rddreg [dreg:$0x19];
	s0 =	sadd.s32 $0x100, s0  }
0x4a1: {  	[dreg:$0x18] =	wrdreg s0;
	s0 =	sadd.s32 $0x2000, s31  }
0x4a2: {  	[tilespmem:s22+$0x0] =	vst v6;
	s10 =	sadd.s32 $0x100, s10;
	s23 =	sadd.s32 $0x2000, s23;
	[dreg:$0x19] =	wrdreg s0  }
0x4a3: {  	s6 =	simm.s32 $0x0;
	s0 =	rddreg [dreg:$0x12];
	s1 =	simm.s32 $0x9080  }
0x4a4: {  	[hbm4b:s0+s6] =	stream.linear.scatter [tilespmem:s1], [sflag:$0x3], $0x10000, $0x38;
	[tilespmem:$0x19080] =	vst v63  }
0x4a5: {  	s1 =	simm.s32 $0x3  }
0x4a6: {  	_ =	swait.ge [sflag:s1], $0x10000  }
0x4a7: {  	s2 =	rddreg [dreg:$0x14]  }
0x4a8: {  	s31 =	rddreg [dreg:$0x13];
	s2 =	sadd.s32 $0x1, s2  }
0x4a9: {  	p0 =	sne.s32 s2, s31  }
.Ltmp4:
0x4aa: {  	_ = 	snop;
	(pc) =	sbr.rel @p0 .LBB2_1-.Ltmp4, $3  }
0x4ab: {  	_ =	sdelay $0x1  }
0x4ac: {  	[sflag:s1] =	ssyncset.done $0x0  }
0x4ad: {  	[sflag:s1] =	ssyncadd.s32 $0xFFFF0000  }
0x4ae: {  	_ =	sfence.sel $0x180000  }
0x4af: {  	[bflag:$0x0] =	sbarrier.arrive $0xFFFF  }
0x4b0: {  	_ =	strace $0x90000047  }
0x4b1: {  	s0 =	stileid.u32;
	[bflag:$0x2] =	sbarrier.arrive $0xFFFF  }
0x4b2: {  	p0 =	sne.s32 s0, $0x0;
	s0 =	rddreg [dreg:$0x3]  }
0x4b3: {  	s0 =	sadd.s32 @!p0 $0x100000, s0  }
0x4b4: {  	[sflag:s0] =	ssyncadd.tile.s32 @!p0 $0x1;
	_ =	shalt  }
.Lfunc_end2:
_tile_overlayer_lowered:
.L_overlay_start_2:
0x4b5: {  	(tag) =	ssettag $0x2  }
0x4b6: {  	s0 =	rddreg [dreg:$0x0];
	s2 =	stileid.u32  }
0x4b7: {  	s1 =	rddreg [dreg:$0x1];
	p0 =	sne.s32 s2, $0x0  }
0x4b8: {  	s3 =	rddreg [dreg:$0x2];
	[bflag:$0x3] =	sbarrier.arrive $0xFFFF;
	s2 =	simm.s32 @!p0 $0x1C03  }
0x4b9: {  	[timem:s3], [sflag:s2] =	dma.local @!p0 [hbm:s0], s1  }
0x4ba: {  	s0 =	simm.s32 @!p0 $0x3  }
0x4bb: {  	_ =	swait.ge @!p0 [sflag:s0], s1  }
0x4bc: {  	s1 =	ssub.s32 @!p0 $0x0, s1;
	[sflag:s0] =	ssyncset.done @!p0 $0x0  }
0x4bd: {  	[sflag:s0] =	ssyncadd.s32 @!p0 s1  }
0x4be: {  	[bflag:$0x3] =	sbarrier.arrive $0xFFFF  }
0x4bf: {  	_ =	shalt  }

</sc_bundles>
